<compile_context>
chip_gen: v7x
topology: tpu7x:2x2x1
jax: 0.10.2.dev20260603
libtpu: 0.0.44.dev20260713+nightly
codegen_flags: <defaults>
</compile_context>

<pallas_src>
import functools

import jax
import jax.numpy as jnp
from jax import lax
from jax.experimental import pallas as pl
from jax.experimental.pallas import tpu as pltpu
from jax.experimental.pallas import tpu_sc as plsc

Q = 900
C = 91
K = 300
KPAD = 384
QPAD = 1024
B = 16
BIGF = 1e9
NEG = -2.0


def _prep_body(logits_ref, pmt_ref, s_out, rmax_out, ridx_out):
    x = logits_ref[0]
    sig = jax.nn.sigmoid(x)
    prob = jnp.dot(sig, pmt_ref[...], preferred_element_type=jnp.float32)
    col = jax.lax.broadcasted_iota(jnp.int32, (Q, 128), 1)
    vals = jnp.where(col < C, prob, jnp.float32(-1.0))
    s_out[0] = jnp.full((QPAD, 128), -1.0, jnp.float32)
    s_out[0, 0:Q, :] = vals

    d3 = s_out[0].reshape(8, 128, 128)
    s3 = jax.lax.broadcasted_iota(jnp.int32, (8, 128, 128), 0)
    m3 = jax.lax.broadcasted_iota(jnp.int32, (8, 128, 128), 1)
    l3 = jax.lax.broadcasted_iota(jnp.int32, (8, 128, 128), 2)
    fidx3 = ((s3 * 128 + m3) * C + l3).astype(jnp.float32)
    rmax = jnp.max(d3, axis=2)
    cand = jnp.where(d3 == rmax[:, :, None], fidx3, jnp.float32(BIGF))
    ridx = jnp.min(cand, axis=2)
    rmax_out[0] = rmax
    ridx_out[0] = ridx


def _prep_call(pred_logits, pmt):
    out_shapes = (
        jax.ShapeDtypeStruct((B, QPAD, 128), jnp.float32),
        jax.ShapeDtypeStruct((B, 8, 128), jnp.float32),
        jax.ShapeDtypeStruct((B, 8, 128), jnp.float32),
    )
    return pl.pallas_call(
        _prep_body,
        grid=(B,),
        in_specs=[
            pl.BlockSpec((1, Q, 256), lambda b: (b, 0, 0)),
            pl.BlockSpec((256, 128), lambda b: (0, 0)),
        ],
        out_specs=(
            pl.BlockSpec((1, QPAD, 128), lambda b: (b, 0, 0)),
            pl.BlockSpec((1, 8, 128), lambda b: (b, 0, 0)),
            pl.BlockSpec((1, 8, 128), lambda b: (b, 0, 0)),
        ),
        out_shape=out_shapes,
        compiler_params=pltpu.CompilerParams(
            dimension_semantics=("arbitrary",),
        ),
    )(pred_logits, pmt)


def _topk_body(s_ref, rmax_in, ridx_in, scores_ref, labels_ref, bidx_ref,
               smax_ref, sidx_ref):
    lane1 = jax.lax.broadcasted_iota(jnp.int32, (1, 128), 1)
    col128 = jax.lax.broadcasted_iota(jnp.int32, (B, 128), 1)

    smax_ref[...] = rmax_in[...]
    sidx_ref[...] = ridx_in[...]

    def make_step(chunk):
        lo = chunk * 128

        def step(j, _):
            S = smax_ref[...]
            I = sidx_ref[...]
            m16 = jnp.max(S, axis=(1, 2), keepdims=True)
            cand = jnp.where(S == m16, I, jnp.float32(BIGF))
            i16 = jnp.min(cand, axis=(1, 2), keepdims=True)
            sel = col128 == (j - lo)
            scores_ref[:, lo:lo + 128] = jnp.where(
                sel, m16.reshape(B, 1), scores_ref[:, lo:lo + 128])
            labels_ref[:, lo:lo + 128] = jnp.where(
                sel, i16.reshape(B, 1), labels_ref[:, lo:lo + 128])
            new_s = []
            new_i = []
            for b in range(B):
                ib = i16[b]
                mb = m16[b]
                r = ib[0, 0].astype(jnp.int32) // C
                row = s_ref[b, pl.ds(r, 1), :]
                lidx = (r * C + lane1).astype(jnp.float32)
                rem = (row < mb) | ((row == mb) & (lidx > ib))
                masked = jnp.where(rem, row, jnp.float32(NEG))
                nm = jnp.max(masked, keepdims=True)
                ncand = jnp.where(masked == nm, lidx, jnp.float32(BIGF))
                ni = jnp.min(ncand, keepdims=True)
                win = (S[b] == mb) & (I[b] == ib)
                new_s.append(jnp.where(win, nm, S[b])[None])
                new_i.append(jnp.where(win, ni, I[b])[None])
            smax_ref[...] = jnp.concatenate(new_s, axis=0)
            sidx_ref[...] = jnp.concatenate(new_i, axis=0)
            return 0

        return step

    scores_ref[...] = jnp.zeros((B, KPAD), jnp.float32)
    labels_ref[...] = jnp.zeros((B, KPAD), jnp.float32)
    jax.lax.fori_loop(0, 128, make_step(0), 0)
    jax.lax.fori_loop(128, 256, make_step(1), 0)
    jax.lax.fori_loop(256, K, make_step(2), 0)

    idx = labels_ref[...].astype(jnp.int32)
    labels_ref[...] = (idx % C).astype(jnp.float32)
    bidx_ref[...] = idx // C


def _topk_call(s_all, rmax_all, ridx_all):
    out_shapes = (
        jax.ShapeDtypeStruct((B, KPAD), jnp.float32),
        jax.ShapeDtypeStruct((B, KPAD), jnp.float32),
        jax.ShapeDtypeStruct((B, KPAD), jnp.int32),
    )
    return pl.pallas_call(
        _topk_body,
        out_shape=out_shapes,
        scratch_shapes=[
            pltpu.VMEM((B, 8, 128), jnp.float32),
            pltpu.VMEM((B, 8, 128), jnp.float32),
        ],
    )(s_all, rmax_all, ridx_all)


HALF = KPAD // 2


def _box_body(boxes_hbm, bidx_hbm, ts_hbm, out_hbm, boxes_v, idx_v, ts_v, out_v):
    b = lax.axis_index("s")
    half = lax.axis_index("c")
    pltpu.sync_copy(boxes_hbm.at[pl.ds(b * Q * 4, Q * 4)], boxes_v)
    pltpu.sync_copy(bidx_hbm.at[pl.ds(b * KPAD + half * HALF, HALF)], idx_v)
    pltpu.sync_copy(ts_hbm, ts_v)
    hsz = plsc.load_gather(ts_v, [jnp.full((16,), 2 * b, jnp.int32)]
                           ).astype(jnp.float32)
    wsz = plsc.load_gather(ts_v, [jnp.full((16,), 2 * b + 1, jnp.int32)]
                           ).astype(jnp.float32)
    lane = lax.broadcasted_iota(jnp.int32, (16,), 0)
    for j in range(HALF // 16):
        qi = idx_v[pl.ds(j * 16, 16)] * 4
        cx = plsc.load_gather(boxes_v, [qi])
        cy = plsc.load_gather(boxes_v, [qi + 1])
        w = plsc.load_gather(boxes_v, [qi + 2])
        h = plsc.load_gather(boxes_v, [qi + 3])
        rows = (lane + j * 16) * 4
        plsc.store_scatter(out_v, [rows], (cx - 0.5 * w) * wsz)
        plsc.store_scatter(out_v, [rows + 1], (cy - 0.5 * h) * hsz)
        plsc.store_scatter(out_v, [rows + 2], (cx + 0.5 * w) * wsz)
        plsc.store_scatter(out_v, [rows + 3], (cy + 0.5 * h) * hsz)
    pltpu.sync_copy(out_v,
                    out_hbm.at[pl.ds((b * KPAD + half * HALF) * 4, HALF * 4)])


def _box_call(pred_boxes, bidx_pad, target_sizes):
    mesh = plsc.VectorSubcoreMesh(core_axis_name="c", subcore_axis_name="s")
    out = pl.kernel(
        _box_body,
        mesh=mesh,
        out_type=jax.ShapeDtypeStruct((B * KPAD * 4,), jnp.float32),
        scratch_types=[
            pltpu.VMEM((Q * 4,), jnp.float32),
            pltpu.VMEM((HALF,), jnp.int32),
            pltpu.VMEM((32,), jnp.int32),
            pltpu.VMEM((HALF * 4,), jnp.float32),
        ],
        compiler_params=pltpu.CompilerParams(needs_layout_passes=False),
    )(pred_boxes.reshape(-1), bidx_pad.reshape(-1), target_sizes.reshape(-1))
    return out.reshape(B, KPAD, 4)


def kernel(pred_logits, pred_boxes, target_sizes, positive_map):
    pmt = jnp.zeros((256, 128), jnp.float32).at[:, :C].set(positive_map.T)
    s_all, rmax_all, ridx_all = _prep_call(pred_logits, pmt)
    scores, labels, bidx = _topk_call(s_all, rmax_all, ridx_all)
    boxes_pad = _box_call(pred_boxes, bidx, target_sizes)
    return (scores[:, :K], labels[:, :K].astype(jnp.int32),
            boxes_pad[:, :K, :])

# --- scband reference (transcript-rebuilt; emitter-appended) ---
"""Pipeline reference for scband-post-process-coco-grounding-27994596836147 (READ-ONLY COPY).

The authoritative reference and input builder live on the scoring server;
editing this copy changes nothing except your own understanding.
"""

import jax, jax.numpy as jnp
import numpy as np

NUM_SELECT = 300


def setup_inputs(seed: int = 0) -> dict:
    key = jax.random.key(seed)
    k1, k2, k3, k4 = jax.random.split(key, 4)
    pred_logits = jax.random.normal(k1, (16, 900, 256), dtype=jnp.float32)
    pred_boxes = jax.random.uniform(k2, (16, 900, 4), dtype=jnp.float32)
    target_sizes = jax.random.randint(k3, (16, 2), 1, 1333, dtype=jnp.int32)
    # positive_map buffer built in __init__ from tokenizer spans; sparse 0/1 map [91, 256]
    positive_map = (jax.random.uniform(k4, (91, 256)) < 0.02).astype(jnp.float32)
    return {
        "pred_logits": pred_logits,
        "pred_boxes": pred_boxes,
        "target_sizes": target_sizes,
        "positive_map": positive_map,
    }


def box_cxcywh_to_xyxy(b):
    cx, cy, w, h = b[..., 0], b[..., 1], b[..., 2], b[..., 3]
    return jnp.stack([cx - 0.5 * w, cy - 0.5 * h, cx + 0.5 * w, cy + 0.5 * h], axis=-1)


def reference(pred_logits, pred_boxes, target_sizes, positive_map):
    prob_to_token = jax.nn.sigmoid(pred_logits)
    prob = prob_to_token @ positive_map.T  # [B, Q, 91]
    B, Q, C = prob.shape
    topk_values, topk_indexes = jax.lax.top_k(prob.reshape(B, Q * C), NUM_SELECT)
    scores = topk_values
    topk_boxes = topk_indexes // C
    labels = topk_indexes % C
    boxes = box_cxcywh_to_xyxy(pred_boxes)
    idx = jnp.repeat(topk_boxes[:, :, None], 4, axis=-1)
    boxes = jnp.take_along_axis(boxes, idx, axis=1)
    img_h = target_sizes[:, 0].astype(boxes.dtype)
    img_w = target_sizes[:, 1].astype(boxes.dtype)
    scale_fct = jnp.stack([img_w, img_h, img_w, img_h], axis=1)
    boxes = boxes * scale_fct[:, None, :]
    return scores, labels, boxes

if __name__ == "__main__":
    import jax
    _d = setup_inputs()
    print(jax.jit(kernel)(*tuple(_d.values())))

</pallas_src>

<mosaic_0001>
#map = affine_map<(d0, d1) -> (0)>
module attributes {stable_mosaic.version = 14 : i64} {
  func.func @_box_body(%arg0: i32, %arg1: i32, %arg2: memref<57600xf32, #tpu.memory_space<hbm>>, %arg3: memref<6144xi32, #tpu.memory_space<hbm>>, %arg4: memref<32xi32, #tpu.memory_space<hbm>>, %arg5: memref<24576xf32, #tpu.memory_space<hbm>>, %arg6: memref<3600xf32, #tpu.memory_space<vmem>>, %arg7: memref<192xi32, #tpu.memory_space<vmem>>, %arg8: memref<32xi32, #tpu.memory_space<vmem>>, %arg9: memref<768xf32, #tpu.memory_space<vmem>>) attributes {dimension_semantics = [#tpu.dimension_semantics<core_parallel>, #tpu.dimension_semantics<subcore_parallel>], iteration_bounds = array<i64: 2, 16>, scalar_prefetch = 0 : i64, scratch_operands = 4 : i64, tpu.core_type = #tpu.core_type<sc_vector_subcore>, window_params = [{transform_indices = #map}, {transform_indices = #map}, {transform_indices = #map}, {transform_indices = #map}]} {
    %mul3A = arith.constant 900 : i32
    %mul3A_0 = arith.muli %arg1, %mul3A : i32
    %mul3A_1 = arith.constant 4 : i32
    %mul3A_2 = arith.muli %mul3A_0, %mul3A_1 : i32
    "tpu.region"() ({
      %run_scoped3A = tpu.sem_alloc : memref<!tpu.dma_semaphore, #tpu.memory_space<semaphore_mem>>
      %dma_start3A = tpu.memref_slice %arg2[%mul3A_2] : memref<57600xf32, #tpu.memory_space<hbm>> -> memref<3600xf32, #tpu.memory_space<hbm>>
      %dma_start3A_657 = tpu.memref_slice %arg2[%mul3A_2] : memref<57600xf32, #tpu.memory_space<hbm>> -> memref<3600xf32, #tpu.memory_space<hbm>>
      tpu.enqueue_dma source(%dma_start3A_657 : memref<3600xf32, #tpu.memory_space<hbm>>) target(%arg6 : memref<3600xf32, #tpu.memory_space<vmem>>) target_semaphore(%run_scoped3A : memref<!tpu.dma_semaphore, #tpu.memory_space<semaphore_mem>>)
      %dma_wait3A = tpu.memref_slice %arg2[%mul3A_2] : memref<57600xf32, #tpu.memory_space<hbm>> -> memref<3600xf32, #tpu.memory_space<hbm>>
      %dma_wait3A_658 = tpu.memref_slice %arg2[%mul3A_2] : memref<57600xf32, #tpu.memory_space<hbm>> -> memref<3600xf32, #tpu.memory_space<hbm>>
      tpu.wait_dma2 semaphore(%run_scoped3A : memref<!tpu.dma_semaphore, #tpu.memory_space<semaphore_mem>>) src(%dma_wait3A_658 : memref<3600xf32, #tpu.memory_space<hbm>>) dst(%arg6 : memref<3600xf32, #tpu.memory_space<vmem>>)
      tpu.yield
    }) : () -> ()
    %mul3A_3 = arith.constant 384 : i32
    %mul3A_4 = arith.muli %arg1, %mul3A_3 : i32
    %mul3A_5 = arith.constant 192 : i32
    %mul3A_6 = arith.muli %arg0, %mul3A_5 : i32
    %add3A = arith.addi %mul3A_4, %mul3A_6 : i32
    "tpu.region"() ({
      %run_scoped3A = tpu.sem_alloc : memref<!tpu.dma_semaphore, #tpu.memory_space<semaphore_mem>>
      %dma_start3A = tpu.memref_slice %arg3[%add3A] : memref<6144xi32, #tpu.memory_space<hbm>> -> memref<192xi32, #tpu.memory_space<hbm>>
      %dma_start3A_657 = tpu.memref_slice %arg3[%add3A] : memref<6144xi32, #tpu.memory_space<hbm>> -> memref<192xi32, #tpu.memory_space<hbm>>
      tpu.enqueue_dma source(%dma_start3A_657 : memref<192xi32, #tpu.memory_space<hbm>>) target(%arg7 : memref<192xi32, #tpu.memory_space<vmem>>) target_semaphore(%run_scoped3A : memref<!tpu.dma_semaphore, #tpu.memory_space<semaphore_mem>>)
      %dma_wait3A = tpu.memref_slice %arg3[%add3A] : memref<6144xi32, #tpu.memory_space<hbm>> -> memref<192xi32, #tpu.memory_space<hbm>>
      %dma_wait3A_658 = tpu.memref_slice %arg3[%add3A] : memref<6144xi32, #tpu.memory_space<hbm>> -> memref<192xi32, #tpu.memory_space<hbm>>
      tpu.wait_dma2 semaphore(%run_scoped3A : memref<!tpu.dma_semaphore, #tpu.memory_space<semaphore_mem>>) src(%dma_wait3A_658 : memref<192xi32, #tpu.memory_space<hbm>>) dst(%arg7 : memref<192xi32, #tpu.memory_space<vmem>>)
      tpu.yield
    }) : () -> ()
    "tpu.region"() ({
      %run_scoped3A = tpu.sem_alloc : memref<!tpu.dma_semaphore, #tpu.memory_space<semaphore_mem>>
      tpu.enqueue_dma source(%arg4 : memref<32xi32, #tpu.memory_space<hbm>>) target(%arg8 : memref<32xi32, #tpu.memory_space<vmem>>) target_semaphore(%run_scoped3A : memref<!tpu.dma_semaphore, #tpu.memory_space<semaphore_mem>>)
      tpu.wait_dma2 semaphore(%run_scoped3A : memref<!tpu.dma_semaphore, #tpu.memory_space<semaphore_mem>>) src(%arg4 : memref<32xi32, #tpu.memory_space<hbm>>) dst(%arg8 : memref<32xi32, #tpu.memory_space<vmem>>)
      tpu.yield
    }) : () -> ()
    %mul3A_7 = arith.constant 2 : i32
    %mul3A_8 = arith.muli %mul3A_7, %arg1 : i32
    %broadcast_in_dim3A = vector.broadcast %mul3A_8 : i32 to vector<16xi32>
    %gather3A = tpu.vector_load_idx %arg8[%broadcast_in_dim3A] : memref<32xi32, #tpu.memory_space<vmem>>[vector<16xi32>], vector<16xi32>,
    %convert_element_type3A = arith.sitofp %gather3A : vector<16xi32> to vector<16xf32>
    %mul3A_9 = arith.constant 2 : i32
    %mul3A_10 = arith.muli %mul3A_9, %arg1 : i32
    %add3A_11 = arith.constant 1 : i32
    %add3A_12 = arith.addi %mul3A_10, %add3A_11 : i32
    %broadcast_in_dim3A_13 = vector.broadcast %add3A_12 : i32 to vector<16xi32>
    %gather3A_14 = tpu.vector_load_idx %arg8[%broadcast_in_dim3A_13] : memref<32xi32, #tpu.memory_space<vmem>>[vector<16xi32>], vector<16xi32>,
    %convert_element_type3A_15 = arith.sitofp %gather3A_14 : vector<16xi32> to vector<16xf32>
    %iota3A = tpu.iota {dimensions = array<i32: 0>} : vector<16xi32>
    %get3A = arith.constant 0 : index
    %get3A_16 = tpu.vector_load %arg7[%get3A] {strides = array<i32>} : memref<192xi32, #tpu.memory_space<vmem>>, vector<16xi32>,
    %mul3A_17 = arith.constant 4 : i32
    %mul3A_18 = vector.broadcast %mul3A_17 : i32 to vector<16xi32>
    %mul3A_19 = arith.muli %get3A_16, %mul3A_18 : vector<16xi32>
    %gather3A_20 = tpu.vector_load_idx %arg6[%mul3A_19] : memref<3600xf32, #tpu.memory_space<vmem>>[vector<16xi32>], vector<16xf32>,
    %add3A_21 = arith.constant 1 : i32
    %add3A_22 = vector.broadcast %add3A_21 : i32 to vector<16xi32>
    %add3A_23 = arith.addi %mul3A_19, %add3A_22 : vector<16xi32>
    %gather3A_24 = tpu.vector_load_idx %arg6[%add3A_23] : memref<3600xf32, #tpu.memory_space<vmem>>[vector<16xi32>], vector<16xf32>,
    %add3A_25 = arith.constant 2 : i32
    %add3A_26 = vector.broadcast %add3A_25 : i32 to vector<16xi32>
    %add3A_27 = arith.addi %mul3A_19, %add3A_26 : vector<16xi32>
    %gather3A_28 = tpu.vector_load_idx %arg6[%add3A_27] : memref<3600xf32, #tpu.memory_space<vmem>>[vector<16xi32>], vector<16xf32>,
    %add3A_29 = arith.constant 3 : i32
    %add3A_30 = vector.broadcast %add3A_29 : i32 to vector<16xi32>
    %add3A_31 = arith.addi %mul3A_19, %add3A_30 : vector<16xi32>
    %gather3A_32 = tpu.vector_load_idx %arg6[%add3A_31] : memref<3600xf32, #tpu.memory_space<vmem>>[vector<16xi32>], vector<16xf32>,
    %add3A_33 = arith.constant 0 : i32
    %add3A_34 = vector.broadcast %add3A_33 : i32 to vector<16xi32>
    %add3A_35 = arith.addi %iota3A, %add3A_34 : vector<16xi32>
    %mul3A_36 = arith.constant 4 : i32
    %mul3A_37 = vector.broadcast %mul3A_36 : i32 to vector<16xi32>
    %mul3A_38 = arith.muli %add3A_35, %mul3A_37 : vector<16xi32>
    %mul3A_39 = arith.constant 5.000000e-01 : f32
    %mul3A_40 = vector.broadcast %mul3A_39 : f32 to vector<16xf32>
    %mul3A_41 = arith.mulf %mul3A_40, %gather3A_28 : vector<16xf32>
    %sub3A = arith.subf %gather3A_20, %mul3A_41 : vector<16xf32>
    %mul3A_42 = arith.mulf %sub3A, %convert_element_type3A_15 : vector<16xf32>
    tpu.vector_store_idx %arg9[%mul3A_38], %mul3A_42 : memref<768xf32, #tpu.memory_space<vmem>>[vector<16xi32>], vector<16xf32>,
    %add3A_43 = arith.constant 1 : i32
    %add3A_44 = vector.broadcast %add3A_43 : i32 to vector<16xi32>
    %add3A_45 = arith.addi %mul3A_38, %add3A_44 : vector<16xi32>
    %mul3A_46 = arith.constant 5.000000e-01 : f32
    %mul3A_47 = vector.broadcast %mul3A_46 : f32 to vector<16xf32>
    %mul3A_48 = arith.mulf %mul3A_47, %gather3A_32 : vector<16xf32>
    %sub3A_49 = arith.subf %gather3A_24, %mul3A_48 : vector<16xf32>
    %mul3A_50 = arith.mulf %sub3A_49, %convert_element_type3A : vector<16xf32>
    tpu.vector_store_idx %arg9[%add3A_45], %mul3A_50 : memref<768xf32, #tpu.memory_space<vmem>>[vector<16xi32>], vector<16xf32>,
    %add3A_51 = arith.constant 2 : i32
    %add3A_52 = vector.broadcast %add3A_51 : i32 to vector<16xi32>
    %add3A_53 = arith.addi %mul3A_38, %add3A_52 : vector<16xi32>
    %mul3A_54 = arith.constant 5.000000e-01 : f32
    %mul3A_55 = vector.broadcast %mul3A_54 : f32 to vector<16xf32>
    %mul3A_56 = arith.mulf %mul3A_55, %gather3A_28 : vector<16xf32>
    %add3A_57 = arith.addf %gather3A_20, %mul3A_56 : vector<16xf32>
    %mul3A_58 = arith.mulf %add3A_57, %convert_element_type3A_15 : vector<16xf32>
    tpu.vector_store_idx %arg9[%add3A_53], %mul3A_58 : memref<768xf32, #tpu.memory_space<vmem>>[vector<16xi32>], vector<16xf32>,
    %add3A_59 = arith.constant 3 : i32
    %add3A_60 = vector.broadcast %add3A_59 : i32 to vector<16xi32>
    %add3A_61 = arith.addi %mul3A_38, %add3A_60 : vector<16xi32>
    %mul3A_62 = arith.constant 5.000000e-01 : f32
    %mul3A_63 = vector.broadcast %mul3A_62 : f32 to vector<16xf32>
    %mul3A_64 = arith.mulf %mul3A_63, %gather3A_32 : vector<16xf32>
    %add3A_65 = arith.addf %gather3A_24, %mul3A_64 : vector<16xf32>
    %mul3A_66 = arith.mulf %add3A_65, %convert_element_type3A : vector<16xf32>
    tpu.vector_store_idx %arg9[%add3A_61], %mul3A_66 : memref<768xf32, #tpu.memory_space<vmem>>[vector<16xi32>], vector<16xf32>,
    %get3A_67 = arith.constant 16 : index
    %get3A_68 = tpu.vector_load %arg7[%get3A_67] {strides = array<i32>} : memref<192xi32, #tpu.memory_space<vmem>>, vector<16xi32>,
    %mul3A_69 = arith.constant 4 : i32
    %mul3A_70 = vector.broadcast %mul3A_69 : i32 to vector<16xi32>
    %mul3A_71 = arith.muli %get3A_68, %mul3A_70 : vector<16xi32>
    %gather3A_72 = tpu.vector_load_idx %arg6[%mul3A_71] : memref<3600xf32, #tpu.memory_space<vmem>>[vector<16xi32>], vector<16xf32>,
    %add3A_73 = arith.constant 1 : i32
    %add3A_74 = vector.broadcast %add3A_73 : i32 to vector<16xi32>
    %add3A_75 = arith.addi %mul3A_71, %add3A_74 : vector<16xi32>
    %gather3A_76 = tpu.vector_load_idx %arg6[%add3A_75] : memref<3600xf32, #tpu.memory_space<vmem>>[vector<16xi32>], vector<16xf32>,
    %add3A_77 = arith.constant 2 : i32
    %add3A_78 = vector.broadcast %add3A_77 : i32 to vector<16xi32>
    %add3A_79 = arith.addi %mul3A_71, %add3A_78 : vector<16xi32>
    %gather3A_80 = tpu.vector_load_idx %arg6[%add3A_79] : memref<3600xf32, #tpu.memory_space<vmem>>[vector<16xi32>], vector<16xf32>,
    %add3A_81 = arith.constant 3 : i32
    %add3A_82 = vector.broadcast %add3A_81 : i32 to vector<16xi32>
    %add3A_83 = arith.addi %mul3A_71, %add3A_82 : vector<16xi32>
    %gather3A_84 = tpu.vector_load_idx %arg6[%add3A_83] : memref<3600xf32, #tpu.memory_space<vmem>>[vector<16xi32>], vector<16xf32>,
    %add3A_85 = arith.constant 16 : i32
    %add3A_86 = vector.broadcast %add3A_85 : i32 to vector<16xi32>
    %add3A_87 = arith.addi %iota3A, %add3A_86 : vector<16xi32>
    %mul3A_88 = arith.constant 4 : i32
    %mul3A_89 = vector.broadcast %mul3A_88 : i32 to vector<16xi32>
    %mul3A_90 = arith.muli %add3A_87, %mul3A_89 : vector<16xi32>
    %mul3A_91 = arith.constant 5.000000e-01 : f32
    %mul3A_92 = vector.broadcast %mul3A_91 : f32 to vector<16xf32>
    %mul3A_93 = arith.mulf %mul3A_92, %gather3A_80 : vector<16xf32>
    %sub3A_94 = arith.subf %gather3A_72, %mul3A_93 : vector<16xf32>
    %mul3A_95 = arith.mulf %sub3A_94, %convert_element_type3A_15 : vector<16xf32>
    tpu.vector_store_idx %arg9[%mul3A_90], %mul3A_95 : memref<768xf32, #tpu.memory_space<vmem>>[vector<16xi32>], vector<16xf32>,
    %add3A_96 = arith.constant 1 : i32
    %add3A_97 = vector.broadcast %add3A_96 : i32 to vector<16xi32>
    %add3A_98 = arith.addi %mul3A_90, %add3A_97 : vector<16xi32>
    %mul3A_99 = arith.constant 5.000000e-01 : f32
    %mul3A_100 = vector.broadcast %mul3A_99 : f32 to vector<16xf32>
    %mul3A_101 = arith.mulf %mul3A_100, %gather3A_84 : vector<16xf32>
    %sub3A_102 = arith.subf %gather3A_76, %mul3A_101 : vector<16xf32>
    %mul3A_103 = arith.mulf %sub3A_102, %convert_element_type3A : vector<16xf32>
    tpu.vector_store_idx %arg9[%add3A_98], %mul3A_103 : memref<768xf32, #tpu.memory_space<vmem>>[vector<16xi32>], vector<16xf32>,
    %add3A_104 = arith.constant 2 : i32
    %add3A_105 = vector.broadcast %add3A_104 : i32 to vector<16xi32>
    %add3A_106 = arith.addi %mul3A_90, %add3A_105 : vector<16xi32>
    %mul3A_107 = arith.constant 5.000000e-01 : f32
    %mul3A_108 = vector.broadcast %mul3A_107 : f32 to vector<16xf32>
    %mul3A_109 = arith.mulf %mul3A_108, %gather3A_80 : vector<16xf32>
    %add3A_110 = arith.addf %gather3A_72, %mul3A_109 : vector<16xf32>
    %mul3A_111 = arith.mulf %add3A_110, %convert_element_type3A_15 : vector<16xf32>
    tpu.vector_store_idx %arg9[%add3A_106], %mul3A_111 : memref<768xf32, #tpu.memory_space<vmem>>[vector<16xi32>], vector<16xf32>,
    %add3A_112 = arith.constant 3 : i32
    %add3A_113 = vector.broadcast %add3A_112 : i32 to vector<16xi32>
    %add3A_114 = arith.addi %mul3A_90, %add3A_113 : vector<16xi32>
    %mul3A_115 = arith.constant 5.000000e-01 : f32
    %mul3A_116 = vector.broadcast %mul3A_115 : f32 to vector<16xf32>
    %mul3A_117 = arith.mulf %mul3A_116, %gather3A_84 : vector<16xf32>
    %add3A_118 = arith.addf %gather3A_76, %mul3A_117 : vector<16xf32>
    %mul3A_119 = arith.mulf %add3A_118, %convert_element_type3A : vector<16xf32>
    tpu.vector_store_idx %arg9[%add3A_114], %mul3A_119 : memref<768xf32, #tpu.memory_space<vmem>>[vector<16xi32>], vector<16xf32>,
    %get3A_120 = arith.constant 32 : index
    %get3A_121 = tpu.vector_load %arg7[%get3A_120] {strides = array<i32>} : memref<192xi32, #tpu.memory_space<vmem>>, vector<16xi32>,
    %mul3A_122 = arith.constant 4 : i32
    %mul3A_123 = vector.broadcast %mul3A_122 : i32 to vector<16xi32>
    %mul3A_124 = arith.muli %get3A_121, %mul3A_123 : vector<16xi32>
    %gather3A_125 = tpu.vector_load_idx %arg6[%mul3A_124] : memref<3600xf32, #tpu.memory_space<vmem>>[vector<16xi32>], vector<16xf32>,
    %add3A_126 = arith.constant 1 : i32
    %add3A_127 = vector.broadcast %add3A_126 : i32 to vector<16xi32>
    %add3A_128 = arith.addi %mul3A_124, %add3A_127 : vector<16xi32>
    %gather3A_129 = tpu.vector_load_idx %arg6[%add3A_128] : memref<3600xf32, #tpu.memory_space<vmem>>[vector<16xi32>], vector<16xf32>,
    %add3A_130 = arith.constant 2 : i32
    %add3A_131 = vector.broadcast %add3A_130 : i32 to vector<16xi32>
    %add3A_132 = arith.addi %mul3A_124, %add3A_131 : vector<16xi32>
    %gather3A_133 = tpu.vector_load_idx %arg6[%add3A_132] : memref<3600xf32, #tpu.memory_space<vmem>>[vector<16xi32>], vector<16xf32>,
    %add3A_134 = arith.constant 3 : i32
    %add3A_135 = vector.broadcast %add3A_134 : i32 to vector<16xi32>
    %add3A_136 = arith.addi %mul3A_124, %add3A_135 : vector<16xi32>
    %gather3A_137 = tpu.vector_load_idx %arg6[%add3A_136] : memref<3600xf32, #tpu.memory_space<vmem>>[vector<16xi32>], vector<16xf32>,
    %add3A_138 = arith.constant 32 : i32
    %add3A_139 = vector.broadcast %add3A_138 : i32 to vector<16xi32>
    %add3A_140 = arith.addi %iota3A, %add3A_139 : vector<16xi32>
    %mul3A_141 = arith.constant 4 : i32
    %mul3A_142 = vector.broadcast %mul3A_141 : i32 to vector<16xi32>
    %mul3A_143 = arith.muli %add3A_140, %mul3A_142 : vector<16xi32>
    %mul3A_144 = arith.constant 5.000000e-01 : f32
    %mul3A_145 = vector.broadcast %mul3A_144 : f32 to vector<16xf32>
    %mul3A_146 = arith.mulf %mul3A_145, %gather3A_133 : vector<16xf32>
    %sub3A_147 = arith.subf %gather3A_125, %mul3A_146 : vector<16xf32>
    %mul3A_148 = arith.mulf %sub3A_147, %convert_element_type3A_15 : vector<16xf32>
    tpu.vector_store_idx %arg9[%mul3A_143], %mul3A_148 : memref<768xf32, #tpu.memory_space<vmem>>[vector<16xi32>], vector<16xf32>,
    %add3A_149 = arith.constant 1 : i32
    %add3A_150 = vector.broadcast %add3A_149 : i32 to vector<16xi32>
    %add3A_151 = arith.addi %mul3A_143, %add3A_150 : vector<16xi32>
    %mul3A_152 = arith.constant 5.000000e-01 : f32
    %mul3A_153 = vector.broadcast %mul3A_152 : f32 to vector<16xf32>
    %mul3A_154 = arith.mulf %mul3A_153, %gather3A_137 : vector<16xf32>
    %sub3A_155 = arith.subf %gather3A_129, %mul3A_154 : vector<16xf32>
    %mul3A_156 = arith.mulf %sub3A_155, %convert_element_type3A : vector<16xf32>
    tpu.vector_store_idx %arg9[%add3A_151], %mul3A_156 : memref<768xf32, #tpu.memory_space<vmem>>[vector<16xi32>], vector<16xf32>,
    %add3A_157 = arith.constant 2 : i32
    %add3A_158 = vector.broadcast %add3A_157 : i32 to vector<16xi32>
    %add3A_159 = arith.addi %mul3A_143, %add3A_158 : vector<16xi32>
    %mul3A_160 = arith.constant 5.000000e-01 : f32
    %mul3A_161 = vector.broadcast %mul3A_160 : f32 to vector<16xf32>
    %mul3A_162 = arith.mulf %mul3A_161, %gather3A_133 : vector<16xf32>
    %add3A_163 = arith.addf %gather3A_125, %mul3A_162 : vector<16xf32>
    %mul3A_164 = arith.mulf %add3A_163, %convert_element_type3A_15 : vector<16xf32>
    tpu.vector_store_idx %arg9[%add3A_159], %mul3A_164 : memref<768xf32, #tpu.memory_space<vmem>>[vector<16xi32>], vector<16xf32>,
    %add3A_165 = arith.constant 3 : i32
    %add3A_166 = vector.broadcast %add3A_165 : i32 to vector<16xi32>
    %add3A_167 = arith.addi %mul3A_143, %add3A_166 : vector<16xi32>
    %mul3A_168 = arith.constant 5.000000e-01 : f32
    %mul3A_169 = vector.broadcast %mul3A_168 : f32 to vector<16xf32>
    %mul3A_170 = arith.mulf %mul3A_169, %gather3A_137 : vector<16xf32>
    %add3A_171 = arith.addf %gather3A_129, %mul3A_170 : vector<16xf32>
    %mul3A_172 = arith.mulf %add3A_171, %convert_element_type3A : vector<16xf32>
    tpu.vector_store_idx %arg9[%add3A_167], %mul3A_172 : memref<768xf32, #tpu.memory_space<vmem>>[vector<16xi32>], vector<16xf32>,
    %get3A_173 = arith.constant 48 : index
    %get3A_174 = tpu.vector_load %arg7[%get3A_173] {strides = array<i32>} : memref<192xi32, #tpu.memory_space<vmem>>, vector<16xi32>,
    %mul3A_175 = arith.constant 4 : i32
    %mul3A_176 = vector.broadcast %mul3A_175 : i32 to vector<16xi32>
    %mul3A_177 = arith.muli %get3A_174, %mul3A_176 : vector<16xi32>
    %gather3A_178 = tpu.vector_load_idx %arg6[%mul3A_177] : memref<3600xf32, #tpu.memory_space<vmem>>[vector<16xi32>], vector<16xf32>,
    %add3A_179 = arith.constant 1 : i32
    %add3A_180 = vector.broadcast %add3A_179 : i32 to vector<16xi32>
    %add3A_181 = arith.addi %mul3A_177, %add3A_180 : vector<16xi32>
    %gather3A_182 = tpu.vector_load_idx %arg6[%add3A_181] : memref<3600xf32, #tpu.memory_space<vmem>>[vector<16xi32>], vector<16xf32>,
    %add3A_183 = arith.constant 2 : i32
    %add3A_184 = vector.broadcast %add3A_183 : i32 to vector<16xi32>
    %add3A_185 = arith.addi %mul3A_177, %add3A_184 : vector<16xi32>
    %gather3A_186 = tpu.vector_load_idx %arg6[%add3A_185] : memref<3600xf32, #tpu.memory_space<vmem>>[vector<16xi32>], vector<16xf32>,
    %add3A_187 = arith.constant 3 : i32
    %add3A_188 = vector.broadcast %add3A_187 : i32 to vector<16xi32>
    %add3A_189 = arith.addi %mul3A_177, %add3A_188 : vector<16xi32>
    %gather3A_190 = tpu.vector_load_idx %arg6[%add3A_189] : memref<3600xf32, #tpu.memory_space<vmem>>[vector<16xi32>], vector<16xf32>,
    %add3A_191 = arith.constant 48 : i32
    %add3A_192 = vector.broadcast %add3A_191 : i32 to vector<16xi32>
    %add3A_193 = arith.addi %iota3A, %add3A_192 : vector<16xi32>
    %mul3A_194 = arith.constant 4 : i32
    %mul3A_195 = vector.broadcast %mul3A_194 : i32 to vector<16xi32>
    %mul3A_196 = arith.muli %add3A_193, %mul3A_195 : vector<16xi32>
    %mul3A_197 = arith.constant 5.000000e-01 : f32
    %mul3A_198 = vector.broadcast %mul3A_197 : f32 to vector<16xf32>
    %mul3A_199 = arith.mulf %mul3A_198, %gather3A_186 : vector<16xf32>
    %sub3A_200 = arith.subf %gather3A_178, %mul3A_199 : vector<16xf32>
    %mul3A_201 = arith.mulf %sub3A_200, %convert_element_type3A_15 : vector<16xf32>
    tpu.vector_store_idx %arg9[%mul3A_196], %mul3A_201 : memref<768xf32, #tpu.memory_space<vmem>>[vector<16xi32>], vector<16xf32>,
    %add3A_202 = arith.constant 1 : i32
    %add3A_203 = vector.broadcast %add3A_202 : i32 to vector<16xi32>
    %add3A_204 = arith.addi %mul3A_196, %add3A_203 : vector<16xi32>
    %mul3A_205 = arith.constant 5.000000e-01 : f32
    %mul3A_206 = vector.broadcast %mul3A_205 : f32 to vector<16xf32>
    %mul3A_207 = arith.mulf %mul3A_206, %gather3A_190 : vector<16xf32>
    %sub3A_208 = arith.subf %gather3A_182, %mul3A_207 : vector<16xf32>
    %mul3A_209 = arith.mulf %sub3A_208, %convert_element_type3A : vector<16xf32>
    tpu.vector_store_idx %arg9[%add3A_204], %mul3A_209 : memref<768xf32, #tpu.memory_space<vmem>>[vector<16xi32>], vector<16xf32>,
    %add3A_210 = arith.constant 2 : i32
    %add3A_211 = vector.broadcast %add3A_210 : i32 to vector<16xi32>
    %add3A_212 = arith.addi %mul3A_196, %add3A_211 : vector<16xi32>
    %mul3A_213 = arith.constant 5.000000e-01 : f32
    %mul3A_214 = vector.broadcast %mul3A_213 : f32 to vector<16xf32>
    %mul3A_215 = arith.mulf %mul3A_214, %gather3A_186 : vector<16xf32>
    %add3A_216 = arith.addf %gather3A_178, %mul3A_215 : vector<16xf32>
    %mul3A_217 = arith.mulf %add3A_216, %convert_element_type3A_15 : vector<16xf32>
    tpu.vector_store_idx %arg9[%add3A_212], %mul3A_217 : memref<768xf32, #tpu.memory_space<vmem>>[vector<16xi32>], vector<16xf32>,
    %add3A_218 = arith.constant 3 : i32
    %add3A_219 = vector.broadcast %add3A_218 : i32 to vector<16xi32>
    %add3A_220 = arith.addi %mul3A_196, %add3A_219 : vector<16xi32>
    %mul3A_221 = arith.constant 5.000000e-01 : f32
    %mul3A_222 = vector.broadcast %mul3A_221 : f32 to vector<16xf32>
    %mul3A_223 = arith.mulf %mul3A_222, %gather3A_190 : vector<16xf32>
    %add3A_224 = arith.addf %gather3A_182, %mul3A_223 : vector<16xf32>
    %mul3A_225 = arith.mulf %add3A_224, %convert_element_type3A : vector<16xf32>
    tpu.vector_store_idx %arg9[%add3A_220], %mul3A_225 : memref<768xf32, #tpu.memory_space<vmem>>[vector<16xi32>], vector<16xf32>,
    %get3A_226 = arith.constant 64 : index
    %get3A_227 = tpu.vector_load %arg7[%get3A_226] {strides = array<i32>} : memref<192xi32, #tpu.memory_space<vmem>>, vector<16xi32>,
    %mul3A_228 = arith.constant 4 : i32
    %mul3A_229 = vector.broadcast %mul3A_228 : i32 to vector<16xi32>
    %mul3A_230 = arith.muli %get3A_227, %mul3A_229 : vector<16xi32>
    %gather3A_231 = tpu.vector_load_idx %arg6[%mul3A_230] : memref<3600xf32, #tpu.memory_space<vmem>>[vector<16xi32>], vector<16xf32>,
    %add3A_232 = arith.constant 1 : i32
    %add3A_233 = vector.broadcast %add3A_232 : i32 to vector<16xi32>
    %add3A_234 = arith.addi %mul3A_230, %add3A_233 : vector<16xi32>
    %gather3A_235 = tpu.vector_load_idx %arg6[%add3A_234] : memref<3600xf32, #tpu.memory_space<vmem>>[vector<16xi32>], vector<16xf32>,
    %add3A_236 = arith.constant 2 : i32
    %add3A_237 = vector.broadcast %add3A_236 : i32 to vector<16xi32>
    %add3A_238 = arith.addi %mul3A_230, %add3A_237 : vector<16xi32>
    %gather3A_239 = tpu.vector_load_idx %arg6[%add3A_238] : memref<3600xf32, #tpu.memory_space<vmem>>[vector<16xi32>], vector<16xf32>,
    %add3A_240 = arith.constant 3 : i32
    %add3A_241 = vector.broadcast %add3A_240 : i32 to vector<16xi32>
    %add3A_242 = arith.addi %mul3A_230, %add3A_241 : vector<16xi32>
    %gather3A_243 = tpu.vector_load_idx %arg6[%add3A_242] : memref<3600xf32, #tpu.memory_space<vmem>>[vector<16xi32>], vector<16xf32>,
    %add3A_244 = arith.constant 64 : i32
    %add3A_245 = vector.broadcast %add3A_244 : i32 to vector<16xi32>
    %add3A_246 = arith.addi %iota3A, %add3A_245 : vector<16xi32>
    %mul3A_247 = arith.constant 4 : i32
    %mul3A_248 = vector.broadcast %mul3A_247 : i32 to vector<16xi32>
    %mul3A_249 = arith.muli %add3A_246, %mul3A_248 : vector<16xi32>
    %mul3A_250 = arith.constant 5.000000e-01 : f32
    %mul3A_251 = vector.broadcast %mul3A_250 : f32 to vector<16xf32>
    %mul3A_252 = arith.mulf %mul3A_251, %gather3A_239 : vector<16xf32>
    %sub3A_253 = arith.subf %gather3A_231, %mul3A_252 : vector<16xf32>
    %mul3A_254 = arith.mulf %sub3A_253, %convert_element_type3A_15 : vector<16xf32>
    tpu.vector_store_idx %arg9[%mul3A_249], %mul3A_254 : memref<768xf32, #tpu.memory_space<vmem>>[vector<16xi32>], vector<16xf32>,
    %add3A_255 = arith.constant 1 : i32
    %add3A_256 = vector.broadcast %add3A_255 : i32 to vector<16xi32>
    %add3A_257 = arith.addi %mul3A_249, %add3A_256 : vector<16xi32>
    %mul3A_258 = arith.constant 5.000000e-01 : f32
    %mul3A_259 = vector.broadcast %mul3A_258 : f32 to vector<16xf32>
    %mul3A_260 = arith.mulf %mul3A_259, %gather3A_243 : vector<16xf32>
    %sub3A_261 = arith.subf %gather3A_235, %mul3A_260 : vector<16xf32>
    %mul3A_262 = arith.mulf %sub3A_261, %convert_element_type3A : vector<16xf32>
    tpu.vector_store_idx %arg9[%add3A_257], %mul3A_262 : memref<768xf32, #tpu.memory_space<vmem>>[vector<16xi32>], vector<16xf32>,
    %add3A_263 = arith.constant 2 : i32
    %add3A_264 = vector.broadcast %add3A_263 : i32 to vector<16xi32>
    %add3A_265 = arith.addi %mul3A_249, %add3A_264 : vector<16xi32>
    %mul3A_266 = arith.constant 5.000000e-01 : f32
    %mul3A_267 = vector.broadcast %mul3A_266 : f32 to vector<16xf32>
    %mul3A_268 = arith.mulf %mul3A_267, %gather3A_239 : vector<16xf32>
    %add3A_269 = arith.addf %gather3A_231, %mul3A_268 : vector<16xf32>
    %mul3A_270 = arith.mulf %add3A_269, %convert_element_type3A_15 : vector<16xf32>
    tpu.vector_store_idx %arg9[%add3A_265], %mul3A_270 : memref<768xf32, #tpu.memory_space<vmem>>[vector<16xi32>], vector<16xf32>,
    %add3A_271 = arith.constant 3 : i32
    %add3A_272 = vector.broadcast %add3A_271 : i32 to vector<16xi32>
    %add3A_273 = arith.addi %mul3A_249, %add3A_272 : vector<16xi32>
    %mul3A_274 = arith.constant 5.000000e-01 : f32
    %mul3A_275 = vector.broadcast %mul3A_274 : f32 to vector<16xf32>
    %mul3A_276 = arith.mulf %mul3A_275, %gather3A_243 : vector<16xf32>
    %add3A_277 = arith.addf %gather3A_235, %mul3A_276 : vector<16xf32>
    %mul3A_278 = arith.mulf %add3A_277, %convert_element_type3A : vector<16xf32>
    tpu.vector_store_idx %arg9[%add3A_273], %mul3A_278 : memref<768xf32, #tpu.memory_space<vmem>>[vector<16xi32>], vector<16xf32>,
    %get3A_279 = arith.constant 80 : index
    %get3A_280 = tpu.vector_load %arg7[%get3A_279] {strides = array<i32>} : memref<192xi32, #tpu.memory_space<vmem>>, vector<16xi32>,
    %mul3A_281 = arith.constant 4 : i32
    %mul3A_282 = vector.broadcast %mul3A_281 : i32 to vector<16xi32>
    %mul3A_283 = arith.muli %get3A_280, %mul3A_282 : vector<16xi32>
    %gather3A_284 = tpu.vector_load_idx %arg6[%mul3A_283] : memref<3600xf32, #tpu.memory_space<vmem>>[vector<16xi32>], vector<16xf32>,
    %add3A_285 = arith.constant 1 : i32
    %add3A_286 = vector.broadcast %add3A_285 : i32 to vector<16xi32>
    %add3A_287 = arith.addi %mul3A_283, %add3A_286 : vector<16xi32>
    %gather3A_288 = tpu.vector_load_idx %arg6[%add3A_287] : memref<3600xf32, #tpu.memory_space<vmem>>[vector<16xi32>], vector<16xf32>,
    %add3A_289 = arith.constant 2 : i32
    %add3A_290 = vector.broadcast %add3A_289 : i32 to vector<16xi32>
    %add3A_291 = arith.addi %mul3A_283, %add3A_290 : vector<16xi32>
    %gather3A_292 = tpu.vector_load_idx %arg6[%add3A_291] : memref<3600xf32, #tpu.memory_space<vmem>>[vector<16xi32>], vector<16xf32>,
    %add3A_293 = arith.constant 3 : i32
    %add3A_294 = vector.broadcast %add3A_293 : i32 to vector<16xi32>
    %add3A_295 = arith.addi %mul3A_283, %add3A_294 : vector<16xi32>
    %gather3A_296 = tpu.vector_load_idx %arg6[%add3A_295] : memref<3600xf32, #tpu.memory_space<vmem>>[vector<16xi32>], vector<16xf32>,
    %add3A_297 = arith.constant 80 : i32
    %add3A_298 = vector.broadcast %add3A_297 : i32 to vector<16xi32>
    %add3A_299 = arith.addi %iota3A, %add3A_298 : vector<16xi32>
    %mul3A_300 = arith.constant 4 : i32
    %mul3A_301 = vector.broadcast %mul3A_300 : i32 to vector<16xi32>
    %mul3A_302 = arith.muli %add3A_299, %mul3A_301 : vector<16xi32>
    %mul3A_303 = arith.constant 5.000000e-01 : f32
    %mul3A_304 = vector.broadcast %mul3A_303 : f32 to vector<16xf32>
    %mul3A_305 = arith.mulf %mul3A_304, %gather3A_292 : vector<16xf32>
    %sub3A_306 = arith.subf %gather3A_284, %mul3A_305 : vector<16xf32>
    %mul3A_307 = arith.mulf %sub3A_306, %convert_element_type3A_15 : vector<16xf32>
    tpu.vector_store_idx %arg9[%mul3A_302], %mul3A_307 : memref<768xf32, #tpu.memory_space<vmem>>[vector<16xi32>], vector<16xf32>,
    %add3A_308 = arith.constant 1 : i32
    %add3A_309 = vector.broadcast %add3A_308 : i32 to vector<16xi32>
    %add3A_310 = arith.addi %mul3A_302, %add3A_309 : vector<16xi32>
    %mul3A_311 = arith.constant 5.000000e-01 : f32
    %mul3A_312 = vector.broadcast %mul3A_311 : f32 to vector<16xf32>
    %mul3A_313 = arith.mulf %mul3A_312, %gather3A_296 : vector<16xf32>
    %sub3A_314 = arith.subf %gather3A_288, %mul3A_313 : vector<16xf32>
    %mul3A_315 = arith.mulf %sub3A_314, %convert_element_type3A : vector<16xf32>
    tpu.vector_store_idx %arg9[%add3A_310], %mul3A_315 : memref<768xf32, #tpu.memory_space<vmem>>[vector<16xi32>], vector<16xf32>,
    %add3A_316 = arith.constant 2 : i32
    %add3A_317 = vector.broadcast %add3A_316 : i32 to vector<16xi32>
    %add3A_318 = arith.addi %mul3A_302, %add3A_317 : vector<16xi32>
    %mul3A_319 = arith.constant 5.000000e-01 : f32
    %mul3A_320 = vector.broadcast %mul3A_319 : f32 to vector<16xf32>
    %mul3A_321 = arith.mulf %mul3A_320, %gather3A_292 : vector<16xf32>
    %add3A_322 = arith.addf %gather3A_284, %mul3A_321 : vector<16xf32>
    %mul3A_323 = arith.mulf %add3A_322, %convert_element_type3A_15 : vector<16xf32>
    tpu.vector_store_idx %arg9[%add3A_318], %mul3A_323 : memref<768xf32, #tpu.memory_space<vmem>>[vector<16xi32>], vector<16xf32>,
    %add3A_324 = arith.constant 3 : i32
    %add3A_325 = vector.broadcast %add3A_324 : i32 to vector<16xi32>
    %add3A_326 = arith.addi %mul3A_302, %add3A_325 : vector<16xi32>
    %mul3A_327 = arith.constant 5.000000e-01 : f32
    %mul3A_328 = vector.broadcast %mul3A_327 : f32 to vector<16xf32>
    %mul3A_329 = arith.mulf %mul3A_328, %gather3A_296 : vector<16xf32>
    %add3A_330 = arith.addf %gather3A_288, %mul3A_329 : vector<16xf32>
    %mul3A_331 = arith.mulf %add3A_330, %convert_element_type3A : vector<16xf32>
    tpu.vector_store_idx %arg9[%add3A_326], %mul3A_331 : memref<768xf32, #tpu.memory_space<vmem>>[vector<16xi32>], vector<16xf32>,
    %get3A_332 = arith.constant 96 : index
    %get3A_333 = tpu.vector_load %arg7[%get3A_332] {strides = array<i32>} : memref<192xi32, #tpu.memory_space<vmem>>, vector<16xi32>,
    %mul3A_334 = arith.constant 4 : i32
    %mul3A_335 = vector.broadcast %mul3A_334 : i32 to vector<16xi32>
    %mul3A_336 = arith.muli %get3A_333, %mul3A_335 : vector<16xi32>
    %gather3A_337 = tpu.vector_load_idx %arg6[%mul3A_336] : memref<3600xf32, #tpu.memory_space<vmem>>[vector<16xi32>], vector<16xf32>,
    %add3A_338 = arith.constant 1 : i32
    %add3A_339 = vector.broadcast %add3A_338 : i32 to vector<16xi32>
    %add3A_340 = arith.addi %mul3A_336, %add3A_339 : vector<16xi32>
    %gather3A_341 = tpu.vector_load_idx %arg6[%add3A_340] : memref<3600xf32, #tpu.memory_space<vmem>>[vector<16xi32>], vector<16xf32>,
    %add3A_342 = arith.constant 2 : i32
    %add3A_343 = vector.broadcast %add3A_342 : i32 to vector<16xi32>
    %add3A_344 = arith.addi %mul3A_336, %add3A_343 : vector<16xi32>
    %gather3A_345 = tpu.vector_load_idx %arg6[%add3A_344] : memref<3600xf32, #tpu.memory_space<vmem>>[vector<16xi32>], vector<16xf32>,
    %add3A_346 = arith.constant 3 : i32
    %add3A_347 = vector.broadcast %add3A_346 : i32 to vector<16xi32>
    %add3A_348 = arith.addi %mul3A_336, %add3A_347 : vector<16xi32>
    %gather3A_349 = tpu.vector_load_idx %arg6[%add3A_348] : memref<3600xf32, #tpu.memory_space<vmem>>[vector<16xi32>], vector<16xf32>,
    %add3A_350 = arith.constant 96 : i32
    %add3A_351 = vector.broadcast %add3A_350 : i32 to vector<16xi32>
    %add3A_352 = arith.addi %iota3A, %add3A_351 : vector<16xi32>
    %mul3A_353 = arith.constant 4 : i32
    %mul3A_354 = vector.broadcast %mul3A_353 : i32 to vector<16xi32>
    %mul3A_355 = arith.muli %add3A_352, %mul3A_354 : vector<16xi32>
    %mul3A_356 = arith.constant 5.000000e-01 : f32
    %mul3A_357 = vector.broadcast %mul3A_356 : f32 to vector<16xf32>
    %mul3A_358 = arith.mulf %mul3A_357, %gather3A_345 : vector<16xf32>
    %sub3A_359 = arith.subf %gather3A_337, %mul3A_358 : vector<16xf32>
    %mul3A_360 = arith.mulf %sub3A_359, %convert_element_type3A_15 : vector<16xf32>
    tpu.vector_store_idx %arg9[%mul3A_355], %mul3A_360 : memref<768xf32, #tpu.memory_space<vmem>>[vector<16xi32>], vector<16xf32>,
    %add3A_361 = arith.constant 1 : i32
    %add3A_362 = vector.broadcast %add3A_361 : i32 to vector<16xi32>
    %add3A_363 = arith.addi %mul3A_355, %add3A_362 : vector<16xi32>
    %mul3A_364 = arith.constant 5.000000e-01 : f32
    %mul3A_365 = vector.broadcast %mul3A_364 : f32 to vector<16xf32>
    %mul3A_366 = arith.mulf %mul3A_365, %gather3A_349 : vector<16xf32>
    %sub3A_367 = arith.subf %gather3A_341, %mul3A_366 : vector<16xf32>
    %mul3A_368 = arith.mulf %sub3A_367, %convert_element_type3A : vector<16xf32>
    tpu.vector_store_idx %arg9[%add3A_363], %mul3A_368 : memref<768xf32, #tpu.memory_space<vmem>>[vector<16xi32>], vector<16xf32>,
    %add3A_369 = arith.constant 2 : i32
    %add3A_370 = vector.broadcast %add3A_369 : i32 to vector<16xi32>
    %add3A_371 = arith.addi %mul3A_355, %add3A_370 : vector<16xi32>
    %mul3A_372 = arith.constant 5.000000e-01 : f32
    %mul3A_373 = vector.broadcast %mul3A_372 : f32 to vector<16xf32>
    %mul3A_374 = arith.mulf %mul3A_373, %gather3A_345 : vector<16xf32>
    %add3A_375 = arith.addf %gather3A_337, %mul3A_374 : vector<16xf32>
    %mul3A_376 = arith.mulf %add3A_375, %convert_element_type3A_15 : vector<16xf32>
    tpu.vector_store_idx %arg9[%add3A_371], %mul3A_376 : memref<768xf32, #tpu.memory_space<vmem>>[vector<16xi32>], vector<16xf32>,
    %add3A_377 = arith.constant 3 : i32
    %add3A_378 = vector.broadcast %add3A_377 : i32 to vector<16xi32>
    %add3A_379 = arith.addi %mul3A_355, %add3A_378 : vector<16xi32>
    %mul3A_380 = arith.constant 5.000000e-01 : f32
    %mul3A_381 = vector.broadcast %mul3A_380 : f32 to vector<16xf32>
    %mul3A_382 = arith.mulf %mul3A_381, %gather3A_349 : vector<16xf32>
    %add3A_383 = arith.addf %gather3A_341, %mul3A_382 : vector<16xf32>
    %mul3A_384 = arith.mulf %add3A_383, %convert_element_type3A : vector<16xf32>
    tpu.vector_store_idx %arg9[%add3A_379], %mul3A_384 : memref<768xf32, #tpu.memory_space<vmem>>[vector<16xi32>], vector<16xf32>,
    %get3A_385 = arith.constant 112 : index
    %get3A_386 = tpu.vector_load %arg7[%get3A_385] {strides = array<i32>} : memref<192xi32, #tpu.memory_space<vmem>>, vector<16xi32>,
    %mul3A_387 = arith.constant 4 : i32
    %mul3A_388 = vector.broadcast %mul3A_387 : i32 to vector<16xi32>
    %mul3A_389 = arith.muli %get3A_386, %mul3A_388 : vector<16xi32>
    %gather3A_390 = tpu.vector_load_idx %arg6[%mul3A_389] : memref<3600xf32, #tpu.memory_space<vmem>>[vector<16xi32>], vector<16xf32>,
    %add3A_391 = arith.constant 1 : i32
    %add3A_392 = vector.broadcast %add3A_391 : i32 to vector<16xi32>
    %add3A_393 = arith.addi %mul3A_389, %add3A_392 : vector<16xi32>
    %gather3A_394 = tpu.vector_load_idx %arg6[%add3A_393] : memref<3600xf32, #tpu.memory_space<vmem>>[vector<16xi32>], vector<16xf32>,
    %add3A_395 = arith.constant 2 : i32
    %add3A_396 = vector.broadcast %add3A_395 : i32 to vector<16xi32>
    %add3A_397 = arith.addi %mul3A_389, %add3A_396 : vector<16xi32>
    %gather3A_398 = tpu.vector_load_idx %arg6[%add3A_397] : memref<3600xf32, #tpu.memory_space<vmem>>[vector<16xi32>], vector<16xf32>,
    %add3A_399 = arith.constant 3 : i32
    %add3A_400 = vector.broadcast %add3A_399 : i32 to vector<16xi32>
    %add3A_401 = arith.addi %mul3A_389, %add3A_400 : vector<16xi32>
    %gather3A_402 = tpu.vector_load_idx %arg6[%add3A_401] : memref<3600xf32, #tpu.memory_space<vmem>>[vector<16xi32>], vector<16xf32>,
    %add3A_403 = arith.constant 112 : i32
    %add3A_404 = vector.broadcast %add3A_403 : i32 to vector<16xi32>
    %add3A_405 = arith.addi %iota3A, %add3A_404 : vector<16xi32>
    %mul3A_406 = arith.constant 4 : i32
    %mul3A_407 = vector.broadcast %mul3A_406 : i32 to vector<16xi32>
    %mul3A_408 = arith.muli %add3A_405, %mul3A_407 : vector<16xi32>
    %mul3A_409 = arith.constant 5.000000e-01 : f32
    %mul3A_410 = vector.broadcast %mul3A_409 : f32 to vector<16xf32>
    %mul3A_411 = arith.mulf %mul3A_410, %gather3A_398 : vector<16xf32>
    %sub3A_412 = arith.subf %gather3A_390, %mul3A_411 : vector<16xf32>
    %mul3A_413 = arith.mulf %sub3A_412, %convert_element_type3A_15 : vector<16xf32>
    tpu.vector_store_idx %arg9[%mul3A_408], %mul3A_413 : memref<768xf32, #tpu.memory_space<vmem>>[vector<16xi32>], vector<16xf32>,
    %add3A_414 = arith.constant 1 : i32
    %add3A_415 = vector.broadcast %add3A_414 : i32 to vector<16xi32>
    %add3A_416 = arith.addi %mul3A_408, %add3A_415 : vector<16xi32>
    %mul3A_417 = arith.constant 5.000000e-01 : f32
    %mul3A_418 = vector.broadcast %mul3A_417 : f32 to vector<16xf32>
    %mul3A_419 = arith.mulf %mul3A_418, %gather3A_402 : vector<16xf32>
    %sub3A_420 = arith.subf %gather3A_394, %mul3A_419 : vector<16xf32>
    %mul3A_421 = arith.mulf %sub3A_420, %convert_element_type3A : vector<16xf32>
    tpu.vector_store_idx %arg9[%add3A_416], %mul3A_421 : memref<768xf32, #tpu.memory_space<vmem>>[vector<16xi32>], vector<16xf32>,
    %add3A_422 = arith.constant 2 : i32
    %add3A_423 = vector.broadcast %add3A_422 : i32 to vector<16xi32>
    %add3A_424 = arith.addi %mul3A_408, %add3A_423 : vector<16xi32>
    %mul3A_425 = arith.constant 5.000000e-01 : f32
    %mul3A_426 = vector.broadcast %mul3A_425 : f32 to vector<16xf32>
    %mul3A_427 = arith.mulf %mul3A_426, %gather3A_398 : vector<16xf32>
    %add3A_428 = arith.addf %gather3A_390, %mul3A_427 : vector<16xf32>
    %mul3A_429 = arith.mulf %add3A_428, %convert_element_type3A_15 : vector<16xf32>
    tpu.vector_store_idx %arg9[%add3A_424], %mul3A_429 : memref<768xf32, #tpu.memory_space<vmem>>[vector<16xi32>], vector<16xf32>,
    %add3A_430 = arith.constant 3 : i32
    %add3A_431 = vector.broadcast %add3A_430 : i32 to vector<16xi32>
    %add3A_432 = arith.addi %mul3A_408, %add3A_431 : vector<16xi32>
    %mul3A_433 = arith.constant 5.000000e-01 : f32
    %mul3A_434 = vector.broadcast %mul3A_433 : f32 to vector<16xf32>
    %mul3A_435 = arith.mulf %mul3A_434, %gather3A_402 : vector<16xf32>
    %add3A_436 = arith.addf %gather3A_394, %mul3A_435 : vector<16xf32>
    %mul3A_437 = arith.mulf %add3A_436, %convert_element_type3A : vector<16xf32>
    tpu.vector_store_idx %arg9[%add3A_432], %mul3A_437 : memref<768xf32, #tpu.memory_space<vmem>>[vector<16xi32>], vector<16xf32>,
    %get3A_438 = arith.constant 128 : index
    %get3A_439 = tpu.vector_load %arg7[%get3A_438] {strides = array<i32>} : memref<192xi32, #tpu.memory_space<vmem>>, vector<16xi32>,
    %mul3A_440 = arith.constant 4 : i32
    %mul3A_441 = vector.broadcast %mul3A_440 : i32 to vector<16xi32>
    %mul3A_442 = arith.muli %get3A_439, %mul3A_441 : vector<16xi32>
    %gather3A_443 = tpu.vector_load_idx %arg6[%mul3A_442] : memref<3600xf32, #tpu.memory_space<vmem>>[vector<16xi32>], vector<16xf32>,
    %add3A_444 = arith.constant 1 : i32
    %add3A_445 = vector.broadcast %add3A_444 : i32 to vector<16xi32>
    %add3A_446 = arith.addi %mul3A_442, %add3A_445 : vector<16xi32>
    %gather3A_447 = tpu.vector_load_idx %arg6[%add3A_446] : memref<3600xf32, #tpu.memory_space<vmem>>[vector<16xi32>], vector<16xf32>,
    %add3A_448 = arith.constant 2 : i32
    %add3A_449 = vector.broadcast %add3A_448 : i32 to vector<16xi32>
    %add3A_450 = arith.addi %mul3A_442, %add3A_449 : vector<16xi32>
    %gather3A_451 = tpu.vector_load_idx %arg6[%add3A_450] : memref<3600xf32, #tpu.memory_space<vmem>>[vector<16xi32>], vector<16xf32>,
    %add3A_452 = arith.constant 3 : i32
    %add3A_453 = vector.broadcast %add3A_452 : i32 to vector<16xi32>
    %add3A_454 = arith.addi %mul3A_442, %add3A_453 : vector<16xi32>
    %gather3A_455 = tpu.vector_load_idx %arg6[%add3A_454] : memref<3600xf32, #tpu.memory_space<vmem>>[vector<16xi32>], vector<16xf32>,
    %add3A_456 = arith.constant 128 : i32
    %add3A_457 = vector.broadcast %add3A_456 : i32 to vector<16xi32>
    %add3A_458 = arith.addi %iota3A, %add3A_457 : vector<16xi32>
    %mul3A_459 = arith.constant 4 : i32
    %mul3A_460 = vector.broadcast %mul3A_459 : i32 to vector<16xi32>
    %mul3A_461 = arith.muli %add3A_458, %mul3A_460 : vector<16xi32>
    %mul3A_462 = arith.constant 5.000000e-01 : f32
    %mul3A_463 = vector.broadcast %mul3A_462 : f32 to vector<16xf32>
    %mul3A_464 = arith.mulf %mul3A_463, %gather3A_451 : vector<16xf32>
    %sub3A_465 = arith.subf %gather3A_443, %mul3A_464 : vector<16xf32>
    %mul3A_466 = arith.mulf %sub3A_465, %convert_element_type3A_15 : vector<16xf32>
    tpu.vector_store_idx %arg9[%mul3A_461], %mul3A_466 : memref<768xf32, #tpu.memory_space<vmem>>[vector<16xi32>], vector<16xf32>,
    %add3A_467 = arith.constant 1 : i32
    %add3A_468 = vector.broadcast %add3A_467 : i32 to vector<16xi32>
    %add3A_469 = arith.addi %mul3A_461, %add3A_468 : vector<16xi32>
    %mul3A_470 = arith.constant 5.000000e-01 : f32
    %mul3A_471 = vector.broadcast %mul3A_470 : f32 to vector<16xf32>
    %mul3A_472 = arith.mulf %mul3A_471, %gather3A_455 : vector<16xf32>
    %sub3A_473 = arith.subf %gather3A_447, %mul3A_472 : vector<16xf32>
    %mul3A_474 = arith.mulf %sub3A_473, %convert_element_type3A : vector<16xf32>
    tpu.vector_store_idx %arg9[%add3A_469], %mul3A_474 : memref<768xf32, #tpu.memory_space<vmem>>[vector<16xi32>], vector<16xf32>,
    %add3A_475 = arith.constant 2 : i32
    %add3A_476 = vector.broadcast %add3A_475 : i32 to vector<16xi32>
    %add3A_477 = arith.addi %mul3A_461, %add3A_476 : vector<16xi32>
    %mul3A_478 = arith.constant 5.000000e-01 : f32
    %mul3A_479 = vector.broadcast %mul3A_478 : f32 to vector<16xf32>
    %mul3A_480 = arith.mulf %mul3A_479, %gather3A_451 : vector<16xf32>
    %add3A_481 = arith.addf %gather3A_443, %mul3A_480 : vector<16xf32>
    %mul3A_482 = arith.mulf %add3A_481, %convert_element_type3A_15 : vector<16xf32>
    tpu.vector_store_idx %arg9[%add3A_477], %mul3A_482 : memref<768xf32, #tpu.memory_space<vmem>>[vector<16xi32>], vector<16xf32>,
    %add3A_483 = arith.constant 3 : i32
    %add3A_484 = vector.broadcast %add3A_483 : i32 to vector<16xi32>
    %add3A_485 = arith.addi %mul3A_461, %add3A_484 : vector<16xi32>
    %mul3A_486 = arith.constant 5.000000e-01 : f32
    %mul3A_487 = vector.broadcast %mul3A_486 : f32 to vector<16xf32>
    %mul3A_488 = arith.mulf %mul3A_487, %gather3A_455 : vector<16xf32>
    %add3A_489 = arith.addf %gather3A_447, %mul3A_488 : vector<16xf32>
    %mul3A_490 = arith.mulf %add3A_489, %convert_element_type3A : vector<16xf32>
    tpu.vector_store_idx %arg9[%add3A_485], %mul3A_490 : memref<768xf32, #tpu.memory_space<vmem>>[vector<16xi32>], vector<16xf32>,
    %get3A_491 = arith.constant 144 : index
    %get3A_492 = tpu.vector_load %arg7[%get3A_491] {strides = array<i32>} : memref<192xi32, #tpu.memory_space<vmem>>, vector<16xi32>,
    %mul3A_493 = arith.constant 4 : i32
    %mul3A_494 = vector.broadcast %mul3A_493 : i32 to vector<16xi32>
    %mul3A_495 = arith.muli %get3A_492, %mul3A_494 : vector<16xi32>
    %gather3A_496 = tpu.vector_load_idx %arg6[%mul3A_495] : memref<3600xf32, #tpu.memory_space<vmem>>[vector<16xi32>], vector<16xf32>,
    %add3A_497 = arith.constant 1 : i32
    %add3A_498 = vector.broadcast %add3A_497 : i32 to vector<16xi32>
    %add3A_499 = arith.addi %mul3A_495, %add3A_498 : vector<16xi32>
    %gather3A_500 = tpu.vector_load_idx %arg6[%add3A_499] : memref<3600xf32, #tpu.memory_space<vmem>>[vector<16xi32>], vector<16xf32>,
    %add3A_501 = arith.constant 2 : i32
    %add3A_502 = vector.broadcast %add3A_501 : i32 to vector<16xi32>
    %add3A_503 = arith.addi %mul3A_495, %add3A_502 : vector<16xi32>
    %gather3A_504 = tpu.vector_load_idx %arg6[%add3A_503] : memref<3600xf32, #tpu.memory_space<vmem>>[vector<16xi32>], vector<16xf32>,
    %add3A_505 = arith.constant 3 : i32
    %add3A_506 = vector.broadcast %add3A_505 : i32 to vector<16xi32>
    %add3A_507 = arith.addi %mul3A_495, %add3A_506 : vector<16xi32>
    %gather3A_508 = tpu.vector_load_idx %arg6[%add3A_507] : memref<3600xf32, #tpu.memory_space<vmem>>[vector<16xi32>], vector<16xf32>,
    %add3A_509 = arith.constant 144 : i32
    %add3A_510 = vector.broadcast %add3A_509 : i32 to vector<16xi32>
    %add3A_511 = arith.addi %iota3A, %add3A_510 : vector<16xi32>
    %mul3A_512 = arith.constant 4 : i32
    %mul3A_513 = vector.broadcast %mul3A_512 : i32 to vector<16xi32>
    %mul3A_514 = arith.muli %add3A_511, %mul3A_513 : vector<16xi32>
    %mul3A_515 = arith.constant 5.000000e-01 : f32
    %mul3A_516 = vector.broadcast %mul3A_515 : f32 to vector<16xf32>
    %mul3A_517 = arith.mulf %mul3A_516, %gather3A_504 : vector<16xf32>
    %sub3A_518 = arith.subf %gather3A_496, %mul3A_517 : vector<16xf32>
    %mul3A_519 = arith.mulf %sub3A_518, %convert_element_type3A_15 : vector<16xf32>
    tpu.vector_store_idx %arg9[%mul3A_514], %mul3A_519 : memref<768xf32, #tpu.memory_space<vmem>>[vector<16xi32>], vector<16xf32>,
    %add3A_520 = arith.constant 1 : i32
    %add3A_521 = vector.broadcast %add3A_520 : i32 to vector<16xi32>
    %add3A_522 = arith.addi %mul3A_514, %add3A_521 : vector<16xi32>
    %mul3A_523 = arith.constant 5.000000e-01 : f32
    %mul3A_524 = vector.broadcast %mul3A_523 : f32 to vector<16xf32>
    %mul3A_525 = arith.mulf %mul3A_524, %gather3A_508 : vector<16xf32>
    %sub3A_526 = arith.subf %gather3A_500, %mul3A_525 : vector<16xf32>
    %mul3A_527 = arith.mulf %sub3A_526, %convert_element_type3A : vector<16xf32>
    tpu.vector_store_idx %arg9[%add3A_522], %mul3A_527 : memref<768xf32, #tpu.memory_space<vmem>>[vector<16xi32>], vector<16xf32>,
    %add3A_528 = arith.constant 2 : i32
    %add3A_529 = vector.broadcast %add3A_528 : i32 to vector<16xi32>
    %add3A_530 = arith.addi %mul3A_514, %add3A_529 : vector<16xi32>
    %mul3A_531 = arith.constant 5.000000e-01 : f32
    %mul3A_532 = vector.broadcast %mul3A_531 : f32 to vector<16xf32>
    %mul3A_533 = arith.mulf %mul3A_532, %gather3A_504 : vector<16xf32>
    %add3A_534 = arith.addf %gather3A_496, %mul3A_533 : vector<16xf32>
    %mul3A_535 = arith.mulf %add3A_534, %convert_element_type3A_15 : vector<16xf32>
    tpu.vector_store_idx %arg9[%add3A_530], %mul3A_535 : memref<768xf32, #tpu.memory_space<vmem>>[vector<16xi32>], vector<16xf32>,
    %add3A_536 = arith.constant 3 : i32
    %add3A_537 = vector.broadcast %add3A_536 : i32 to vector<16xi32>
    %add3A_538 = arith.addi %mul3A_514, %add3A_537 : vector<16xi32>
    %mul3A_539 = arith.constant 5.000000e-01 : f32
    %mul3A_540 = vector.broadcast %mul3A_539 : f32 to vector<16xf32>
    %mul3A_541 = arith.mulf %mul3A_540, %gather3A_508 : vector<16xf32>
    %add3A_542 = arith.addf %gather3A_500, %mul3A_541 : vector<16xf32>
    %mul3A_543 = arith.mulf %add3A_542, %convert_element_type3A : vector<16xf32>
    tpu.vector_store_idx %arg9[%add3A_538], %mul3A_543 : memref<768xf32, #tpu.memory_space<vmem>>[vector<16xi32>], vector<16xf32>,
    %get3A_544 = arith.constant 160 : index
    %get3A_545 = tpu.vector_load %arg7[%get3A_544] {strides = array<i32>} : memref<192xi32, #tpu.memory_space<vmem>>, vector<16xi32>,
    %mul3A_546 = arith.constant 4 : i32
    %mul3A_547 = vector.broadcast %mul3A_546 : i32 to vector<16xi32>
    %mul3A_548 = arith.muli %get3A_545, %mul3A_547 : vector<16xi32>
    %gather3A_549 = tpu.vector_load_idx %arg6[%mul3A_548] : memref<3600xf32, #tpu.memory_space<vmem>>[vector<16xi32>], vector<16xf32>,
    %add3A_550 = arith.constant 1 : i32
    %add3A_551 = vector.broadcast %add3A_550 : i32 to vector<16xi32>
    %add3A_552 = arith.addi %mul3A_548, %add3A_551 : vector<16xi32>
    %gather3A_553 = tpu.vector_load_idx %arg6[%add3A_552] : memref<3600xf32, #tpu.memory_space<vmem>>[vector<16xi32>], vector<16xf32>,
    %add3A_554 = arith.constant 2 : i32
    %add3A_555 = vector.broadcast %add3A_554 : i32 to vector<16xi32>
    %add3A_556 = arith.addi %mul3A_548, %add3A_555 : vector<16xi32>
    %gather3A_557 = tpu.vector_load_idx %arg6[%add3A_556] : memref<3600xf32, #tpu.memory_space<vmem>>[vector<16xi32>], vector<16xf32>,
    %add3A_558 = arith.constant 3 : i32
    %add3A_559 = vector.broadcast %add3A_558 : i32 to vector<16xi32>
    %add3A_560 = arith.addi %mul3A_548, %add3A_559 : vector<16xi32>
    %gather3A_561 = tpu.vector_load_idx %arg6[%add3A_560] : memref<3600xf32, #tpu.memory_space<vmem>>[vector<16xi32>], vector<16xf32>,
    %add3A_562 = arith.constant 160 : i32
    %add3A_563 = vector.broadcast %add3A_562 : i32 to vector<16xi32>
    %add3A_564 = arith.addi %iota3A, %add3A_563 : vector<16xi32>
    %mul3A_565 = arith.constant 4 : i32
    %mul3A_566 = vector.broadcast %mul3A_565 : i32 to vector<16xi32>
    %mul3A_567 = arith.muli %add3A_564, %mul3A_566 : vector<16xi32>
    %mul3A_568 = arith.constant 5.000000e-01 : f32
    %mul3A_569 = vector.broadcast %mul3A_568 : f32 to vector<16xf32>
    %mul3A_570 = arith.mulf %mul3A_569, %gather3A_557 : vector<16xf32>
    %sub3A_571 = arith.subf %gather3A_549, %mul3A_570 : vector<16xf32>
    %mul3A_572 = arith.mulf %sub3A_571, %convert_element_type3A_15 : vector<16xf32>
    tpu.vector_store_idx %arg9[%mul3A_567], %mul3A_572 : memref<768xf32, #tpu.memory_space<vmem>>[vector<16xi32>], vector<16xf32>,
    %add3A_573 = arith.constant 1 : i32
    %add3A_574 = vector.broadcast %add3A_573 : i32 to vector<16xi32>
    %add3A_575 = arith.addi %mul3A_567, %add3A_574 : vector<16xi32>
    %mul3A_576 = arith.constant 5.000000e-01 : f32
    %mul3A_577 = vector.broadcast %mul3A_576 : f32 to vector<16xf32>
    %mul3A_578 = arith.mulf %mul3A_577, %gather3A_561 : vector<16xf32>
    %sub3A_579 = arith.subf %gather3A_553, %mul3A_578 : vector<16xf32>
    %mul3A_580 = arith.mulf %sub3A_579, %convert_element_type3A : vector<16xf32>
    tpu.vector_store_idx %arg9[%add3A_575], %mul3A_580 : memref<768xf32, #tpu.memory_space<vmem>>[vector<16xi32>], vector<16xf32>,
    %add3A_581 = arith.constant 2 : i32
    %add3A_582 = vector.broadcast %add3A_581 : i32 to vector<16xi32>
    %add3A_583 = arith.addi %mul3A_567, %add3A_582 : vector<16xi32>
    %mul3A_584 = arith.constant 5.000000e-01 : f32
    %mul3A_585 = vector.broadcast %mul3A_584 : f32 to vector<16xf32>
    %mul3A_586 = arith.mulf %mul3A_585, %gather3A_557 : vector<16xf32>
    %add3A_587 = arith.addf %gather3A_549, %mul3A_586 : vector<16xf32>
    %mul3A_588 = arith.mulf %add3A_587, %convert_element_type3A_15 : vector<16xf32>
    tpu.vector_store_idx %arg9[%add3A_583], %mul3A_588 : memref<768xf32, #tpu.memory_space<vmem>>[vector<16xi32>], vector<16xf32>,
    %add3A_589 = arith.constant 3 : i32
    %add3A_590 = vector.broadcast %add3A_589 : i32 to vector<16xi32>
    %add3A_591 = arith.addi %mul3A_567, %add3A_590 : vector<16xi32>
    %mul3A_592 = arith.constant 5.000000e-01 : f32
    %mul3A_593 = vector.broadcast %mul3A_592 : f32 to vector<16xf32>
    %mul3A_594 = arith.mulf %mul3A_593, %gather3A_561 : vector<16xf32>
    %add3A_595 = arith.addf %gather3A_553, %mul3A_594 : vector<16xf32>
    %mul3A_596 = arith.mulf %add3A_595, %convert_element_type3A : vector<16xf32>
    tpu.vector_store_idx %arg9[%add3A_591], %mul3A_596 : memref<768xf32, #tpu.memory_space<vmem>>[vector<16xi32>], vector<16xf32>,
    %get3A_597 = arith.constant 176 : index
    %get3A_598 = tpu.vector_load %arg7[%get3A_597] {strides = array<i32>} : memref<192xi32, #tpu.memory_space<vmem>>, vector<16xi32>,
    %mul3A_599 = arith.constant 4 : i32
    %mul3A_600 = vector.broadcast %mul3A_599 : i32 to vector<16xi32>
    %mul3A_601 = arith.muli %get3A_598, %mul3A_600 : vector<16xi32>
    %gather3A_602 = tpu.vector_load_idx %arg6[%mul3A_601] : memref<3600xf32, #tpu.memory_space<vmem>>[vector<16xi32>], vector<16xf32>,
    %add3A_603 = arith.constant 1 : i32
    %add3A_604 = vector.broadcast %add3A_603 : i32 to vector<16xi32>
    %add3A_605 = arith.addi %mul3A_601, %add3A_604 : vector<16xi32>
    %gather3A_606 = tpu.vector_load_idx %arg6[%add3A_605] : memref<3600xf32, #tpu.memory_space<vmem>>[vector<16xi32>], vector<16xf32>,
    %add3A_607 = arith.constant 2 : i32
    %add3A_608 = vector.broadcast %add3A_607 : i32 to vector<16xi32>
    %add3A_609 = arith.addi %mul3A_601, %add3A_608 : vector<16xi32>
    %gather3A_610 = tpu.vector_load_idx %arg6[%add3A_609] : memref<3600xf32, #tpu.memory_space<vmem>>[vector<16xi32>], vector<16xf32>,
    %add3A_611 = arith.constant 3 : i32
    %add3A_612 = vector.broadcast %add3A_611 : i32 to vector<16xi32>
    %add3A_613 = arith.addi %mul3A_601, %add3A_612 : vector<16xi32>
    %gather3A_614 = tpu.vector_load_idx %arg6[%add3A_613] : memref<3600xf32, #tpu.memory_space<vmem>>[vector<16xi32>], vector<16xf32>,
    %add3A_615 = arith.constant 176 : i32
    %add3A_616 = vector.broadcast %add3A_615 : i32 to vector<16xi32>
    %add3A_617 = arith.addi %iota3A, %add3A_616 : vector<16xi32>
    %mul3A_618 = arith.constant 4 : i32
    %mul3A_619 = vector.broadcast %mul3A_618 : i32 to vector<16xi32>
    %mul3A_620 = arith.muli %add3A_617, %mul3A_619 : vector<16xi32>
    %mul3A_621 = arith.constant 5.000000e-01 : f32
    %mul3A_622 = vector.broadcast %mul3A_621 : f32 to vector<16xf32>
    %mul3A_623 = arith.mulf %mul3A_622, %gather3A_610 : vector<16xf32>
    %sub3A_624 = arith.subf %gather3A_602, %mul3A_623 : vector<16xf32>
    %mul3A_625 = arith.mulf %sub3A_624, %convert_element_type3A_15 : vector<16xf32>
    tpu.vector_store_idx %arg9[%mul3A_620], %mul3A_625 : memref<768xf32, #tpu.memory_space<vmem>>[vector<16xi32>], vector<16xf32>,
    %add3A_626 = arith.constant 1 : i32
    %add3A_627 = vector.broadcast %add3A_626 : i32 to vector<16xi32>
    %add3A_628 = arith.addi %mul3A_620, %add3A_627 : vector<16xi32>
    %mul3A_629 = arith.constant 5.000000e-01 : f32
    %mul3A_630 = vector.broadcast %mul3A_629 : f32 to vector<16xf32>
    %mul3A_631 = arith.mulf %mul3A_630, %gather3A_614 : vector<16xf32>
    %sub3A_632 = arith.subf %gather3A_606, %mul3A_631 : vector<16xf32>
    %mul3A_633 = arith.mulf %sub3A_632, %convert_element_type3A : vector<16xf32>
    tpu.vector_store_idx %arg9[%add3A_628], %mul3A_633 : memref<768xf32, #tpu.memory_space<vmem>>[vector<16xi32>], vector<16xf32>,
    %add3A_634 = arith.constant 2 : i32
    %add3A_635 = vector.broadcast %add3A_634 : i32 to vector<16xi32>
    %add3A_636 = arith.addi %mul3A_620, %add3A_635 : vector<16xi32>
    %mul3A_637 = arith.constant 5.000000e-01 : f32
    %mul3A_638 = vector.broadcast %mul3A_637 : f32 to vector<16xf32>
    %mul3A_639 = arith.mulf %mul3A_638, %gather3A_610 : vector<16xf32>
    %add3A_640 = arith.addf %gather3A_602, %mul3A_639 : vector<16xf32>
    %mul3A_641 = arith.mulf %add3A_640, %convert_element_type3A_15 : vector<16xf32>
    tpu.vector_store_idx %arg9[%add3A_636], %mul3A_641 : memref<768xf32, #tpu.memory_space<vmem>>[vector<16xi32>], vector<16xf32>,
    %add3A_642 = arith.constant 3 : i32
    %add3A_643 = vector.broadcast %add3A_642 : i32 to vector<16xi32>
    %add3A_644 = arith.addi %mul3A_620, %add3A_643 : vector<16xi32>
    %mul3A_645 = arith.constant 5.000000e-01 : f32
    %mul3A_646 = vector.broadcast %mul3A_645 : f32 to vector<16xf32>
    %mul3A_647 = arith.mulf %mul3A_646, %gather3A_614 : vector<16xf32>
    %add3A_648 = arith.addf %gather3A_606, %mul3A_647 : vector<16xf32>
    %mul3A_649 = arith.mulf %add3A_648, %convert_element_type3A : vector<16xf32>
    tpu.vector_store_idx %arg9[%add3A_644], %mul3A_649 : memref<768xf32, #tpu.memory_space<vmem>>[vector<16xi32>], vector<16xf32>,
    %mul3A_650 = arith.constant 384 : i32
    %mul3A_651 = arith.muli %arg1, %mul3A_650 : i32
    %mul3A_652 = arith.constant 192 : i32
    %mul3A_653 = arith.muli %arg0, %mul3A_652 : i32
    %add3A_654 = arith.addi %mul3A_651, %mul3A_653 : i32
    %mul3A_655 = arith.constant 4 : i32
    %mul3A_656 = arith.muli %add3A_654, %mul3A_655 : i32
    "tpu.region"() ({
      %run_scoped3A = tpu.sem_alloc : memref<!tpu.dma_semaphore, #tpu.memory_space<semaphore_mem>>
      %dma_start3A = tpu.memref_slice %arg5[%mul3A_656] : memref<24576xf32, #tpu.memory_space<hbm>> -> memref<768xf32, #tpu.memory_space<hbm>>
      %dma_start3A_657 = tpu.memref_slice %arg5[%mul3A_656] : memref<24576xf32, #tpu.memory_space<hbm>> -> memref<768xf32, #tpu.memory_space<hbm>>
      tpu.enqueue_dma source(%arg9 : memref<768xf32, #tpu.memory_space<vmem>>) target(%dma_start3A_657 : memref<768xf32, #tpu.memory_space<hbm>>) target_semaphore(%run_scoped3A : memref<!tpu.dma_semaphore, #tpu.memory_space<semaphore_mem>>)
      %dma_wait3A = tpu.memref_slice %arg5[%mul3A_656] : memref<24576xf32, #tpu.memory_space<hbm>> -> memref<768xf32, #tpu.memory_space<hbm>>
      %dma_wait3A_658 = tpu.memref_slice %arg5[%mul3A_656] : memref<24576xf32, #tpu.memory_space<hbm>> -> memref<768xf32, #tpu.memory_space<hbm>>
      tpu.wait_dma2 semaphore(%run_scoped3A : memref<!tpu.dma_semaphore, #tpu.memory_space<semaphore_mem>>) src(%arg9 : memref<768xf32, #tpu.memory_space<vmem>>) dst(%dma_wait3A_658 : memref<768xf32, #tpu.memory_space<hbm>>)
      tpu.yield
    }) : () -> ()
    return
  }
}

module attributes {stable_mosaic.version = 14 : i64} {
  func.func @_prep_body(%arg0: i32, %arg1: memref<1x900x256xf32, #tpu.memory_space<vmem>>, %arg2: memref<256x128xf32, #tpu.memory_space<vmem>>, %arg3: memref<1x1024x128xf32, #tpu.memory_space<vmem>>, %arg4: memref<1x8x128xf32, #tpu.memory_space<vmem>>, %arg5: memref<1x8x128xf32, #tpu.memory_space<vmem>>) attributes {dimension_semantics = [#tpu.dimension_semantics<arbitrary>], iteration_bounds = array<i64: 16>, scalar_prefetch = 0 : i64, scratch_operands = 0 : i64, tpu.core_type = #tpu.core_type<tc>, window_params = [{transform_indices = @transform_0, window_bounds = array<i64: 1, 900, 256>}, {pipeline_mode = #tpu.pipeline_mode<synchronous>, transform_indices = @transform_1, window_bounds = array<i64: 256, 128>}, {transform_indices = @transform_2, window_bounds = array<i64: 1, 1024, 128>}, {transform_indices = @transform_3, window_bounds = array<i64: 1, 8, 128>}, {transform_indices = @transform_4, window_bounds = array<i64: 1, 8, 128>}]} {
    %get3A = arith.constant 0 : index
    %get3A_0 = arith.constant 0 : index
    %get3A_1 = arith.constant 0 : index
    %get3A_2 = vector.load %arg1[%get3A, %get3A_0, %get3A_1] : memref<1x900x256xf32, #tpu.memory_space<vmem>>, vector<1x900x256xf32>
    %get3A_3 = vector.shape_cast %get3A_2 : vector<1x900x256xf32> to vector<900x256xf32>
    %logistic3A = arith.negf %get3A_3 : vector<900x256xf32>
    %logistic3A_4 = math.exp %logistic3A : vector<900x256xf32>
    %logistic3A_5 = arith.constant 1.000000e+00 : f32
    %logistic3A_6 = vector.broadcast %logistic3A_5 : f32 to vector<900x256xf32>
    %logistic3A_7 = arith.addf %logistic3A_6, %logistic3A_4 : vector<900x256xf32>
    %logistic3A_8 = arith.divf %logistic3A_6, %logistic3A_7 : vector<900x256xf32>
    %get3A_9 = arith.constant 0 : index
    %get3A_10 = arith.constant 0 : index
    %get3A_11 = vector.load %arg2[%get3A_9, %get3A_10] : memref<256x128xf32, #tpu.memory_space<vmem>>, vector<256x128xf32>
    %dot_general3A = arith.constant dense<0.000000e+00> : vector<900x128xf32>
    %dot_general3A_12 = tpu.matmul %logistic3A_8, %get3A_11, %dot_general3A {dimension_numbers = #tpu.dot_dimension_numbers<[1], [0], [0], [1], [0, 0, 1, 1], [], []>, transpose_lhs_hint = false} : vector<900x256xf32>, vector<256x128xf32>, vector<900x128xf32> -> vector<900x128xf32>
    %iota3A = tpu.iota {dimensions = array<i32: 1>} : vector<900x128xi32>
    %lt3A = arith.constant 91 : i32
    %lt3A_13 = vector.broadcast %lt3A : i32 to vector<900x128xi32>
    %lt3A_14 = arith.cmpi slt, %iota3A, %lt3A_13 : vector<900x128xi32>
    %jit3A = arith.constant -1.000000e+00 : f32
    %broadcast_in_dim3A = vector.broadcast %jit3A : f32 to vector<900x128xf32>
    %select_n3A = arith.select %lt3A_14, %dot_general3A_12, %broadcast_in_dim3A : vector<900x128xi1>, vector<900x128xf32>
    %broadcast_in_dim3A_15 = arith.constant -1.000000e+00 : f32
    %broadcast_in_dim3A_16 = vector.broadcast %broadcast_in_dim3A_15 : f32 to vector<1024x128xf32>
    %swap3A = arith.constant 0 : index
    %swap3A_17 = arith.constant 0 : index
    %swap3A_18 = arith.constant 0 : index
    %swap3A_19 = vector.load %arg3[%swap3A, %swap3A_17, %swap3A_18] : memref<1x1024x128xf32, #tpu.memory_space<vmem>>, vector<1x1024x128xf32>
    %swap3A_20 = vector.shape_cast %swap3A_19 : vector<1x1024x128xf32> to vector<1024x128xf32>
    %swap3A_21 = vector.shape_cast %broadcast_in_dim3A_16 : vector<1024x128xf32> to vector<1x1024x128xf32>
    tpu.vector_store %arg3[%swap3A, %swap3A_17, %swap3A_18], %swap3A_21 {strides = array<i32>} : memref<1x1024x128xf32, #tpu.memory_space<vmem>>, vector<1x1024x128xf32>,
    %swap3A_22 = arith.constant 0 : index
    %swap3A_23 = arith.constant 0 : index
    %swap3A_24 = arith.constant 0 : index
    %swap3A_25 = vector.load %arg3[%swap3A_22, %swap3A_23, %swap3A_24] : memref<1x1024x128xf32, #tpu.memory_space<vmem>>, vector<1x900x128xf32>
    %swap3A_26 = vector.shape_cast %swap3A_25 : vector<1x900x128xf32> to vector<900x128xf32>
    %swap3A_27 = vector.shape_cast %select_n3A : vector<900x128xf32> to vector<1x900x128xf32>
    tpu.vector_store %arg3[%swap3A_22, %swap3A_23, %swap3A_24], %swap3A_27 {strides = array<i32>} : memref<1x1024x128xf32, #tpu.memory_space<vmem>>, vector<1x900x128xf32>,
    %get3A_28 = arith.constant 0 : index
    %get3A_29 = arith.constant 0 : index
    %get3A_30 = arith.constant 0 : index
    %get3A_31 = vector.load %arg3[%get3A_28, %get3A_29, %get3A_30] : memref<1x1024x128xf32, #tpu.memory_space<vmem>>, vector<1x1024x128xf32>
    %get3A_32 = vector.shape_cast %get3A_31 : vector<1x1024x128xf32> to vector<1024x128xf32>
    %reshape3A = vector.shape_cast %get3A_32 : vector<1024x128xf32> to vector<8x128x128xf32>
    %iota3A_33 = tpu.iota {dimensions = array<i32: 0>} : vector<8x128x128xi32>
    %iota3A_34 = tpu.iota {dimensions = array<i32: 1>} : vector<8x128x128xi32>
    %iota3A_35 = tpu.iota {dimensions = array<i32: 2>} : vector<8x128x128xi32>
    %mul3A = arith.constant 128 : i32
    %mul3A_36 = vector.broadcast %mul3A : i32 to vector<8x128x128xi32>
    %mul3A_37 = arith.muli %iota3A_33, %mul3A_36 : vector<8x128x128xi32>
    %add3A = arith.addi %mul3A_37, %iota3A_34 : vector<8x128x128xi32>
    %mul3A_38 = arith.constant 91 : i32
    %mul3A_39 = vector.broadcast %mul3A_38 : i32 to vector<8x128x128xi32>
    %mul3A_40 = arith.muli %add3A, %mul3A_39 : vector<8x128x128xi32>
    %add3A_41 = arith.addi %mul3A_40, %iota3A_35 : vector<8x128x128xi32>
    %convert_element_type3A = arith.sitofp %add3A_41 : vector<8x128x128xi32> to vector<8x128x128xf32>
    %reduce_max3A = arith.constant dense<0xFF800000> : vector<8x128xf32>
    %reduce_max3A_42 = vector.multi_reduction <maximumf>, %reshape3A, %reduce_max3A [2] : vector<8x128x128xf32> to vector<8x128xf32>
    %broadcast_in_dim3A_43 = vector.shape_cast %reduce_max3A_42 : vector<8x128xf32> to vector<8x128x1xf32>
    %eq3A = vector.broadcast %broadcast_in_dim3A_43 : vector<8x128x1xf32> to vector<8x128x128xf32>
    %eq3A_44 = arith.cmpf oeq, %reshape3A, %eq3A : vector<8x128x128xf32>
    %jit3A_45 = arith.constant 1.000000e+09 : f32
    %broadcast_in_dim3A_46 = vector.broadcast %jit3A_45 : f32 to vector<8x128x128xf32>
    %select_n3A_47 = arith.select %eq3A_44, %convert_element_type3A, %broadcast_in_dim3A_46 : vector<8x128x128xi1>, vector<8x128x128xf32>
    %reduce_min3A = arith.constant dense<0x7F800000> : vector<8x128xf32>
    %reduce_min3A_48 = vector.multi_reduction <minimumf>, %select_n3A_47, %reduce_min3A [2] : vector<8x128x128xf32> to vector<8x128xf32>
    %swap3A_49 = arith.constant 0 : index
    %swap3A_50 = arith.constant 0 : index
    %swap3A_51 = arith.constant 0 : index
    %swap3A_52 = vector.load %arg4[%swap3A_49, %swap3A_50, %swap3A_51] : memref<1x8x128xf32, #tpu.memory_space<vmem>>, vector<1x8x128xf32>
    %swap3A_53 = vector.shape_cast %swap3A_52 : vector<1x8x128xf32> to vector<8x128xf32>
    %swap3A_54 = vector.shape_cast %reduce_max3A_42 : vector<8x128xf32> to vector<1x8x128xf32>
    tpu.vector_store %arg4[%swap3A_49, %swap3A_50, %swap3A_51], %swap3A_54 {strides = array<i32>} : memref<1x8x128xf32, #tpu.memory_space<vmem>>, vector<1x8x128xf32>,
    %swap3A_55 = arith.constant 0 : index
    %swap3A_56 = arith.constant 0 : index
    %swap3A_57 = arith.constant 0 : index
    %swap3A_58 = vector.load %arg5[%swap3A_55, %swap3A_56, %swap3A_57] : memref<1x8x128xf32, #tpu.memory_space<vmem>>, vector<1x8x128xf32>
    %swap3A_59 = vector.shape_cast %swap3A_58 : vector<1x8x128xf32> to vector<8x128xf32>
    %swap3A_60 = vector.shape_cast %reduce_min3A_48 : vector<8x128xf32> to vector<1x8x128xf32>
    tpu.vector_store %arg5[%swap3A_55, %swap3A_56, %swap3A_57], %swap3A_60 {strides = array<i32>} : memref<1x8x128xf32, #tpu.memory_space<vmem>>, vector<1x8x128xf32>,
    return
  }
  func.func @transform_0(%arg0: i32) -> (i32, i32, i32) {
    %c0_i32 = arith.constant 0 : i32
    %c0_i32_0 = arith.constant 0 : i32
    %c0_i32_1 = arith.constant 0 : i32
    return %arg0, %c0_i32, %c0_i32_0 : i32, i32, i32
  }
  func.func @transform_1(%arg0: i32) -> (i32, i32) {
    %c0_i32 = arith.constant 0 : i32
    %c0_i32_0 = arith.constant 0 : i32
    %c0_i32_1 = arith.constant 0 : i32
    return %c0_i32, %c0_i32_0 : i32, i32
  }
  func.func @transform_2(%arg0: i32) -> (i32, i32, i32) {
    %c0_i32 = arith.constant 0 : i32
    %c0_i32_0 = arith.constant 0 : i32
    %c0_i32_1 = arith.constant 0 : i32
    return %arg0, %c0_i32, %c0_i32_0 : i32, i32, i32
  }
  func.func @transform_3(%arg0: i32) -> (i32, i32, i32) {
    %c0_i32 = arith.constant 0 : i32
    %c0_i32_0 = arith.constant 0 : i32
    %c0_i32_1 = arith.constant 0 : i32
    return %arg0, %c0_i32, %c0_i32_0 : i32, i32, i32
  }
  func.func @transform_4(%arg0: i32) -> (i32, i32, i32) {
    %c0_i32 = arith.constant 0 : i32
    %c0_i32_0 = arith.constant 0 : i32
    %c0_i32_1 = arith.constant 0 : i32
    return %arg0, %c0_i32, %c0_i32_0 : i32, i32, i32
  }
}

module attributes {stable_mosaic.version = 14 : i64} {
  func.func @_topk_body(%arg0: memref<16x1024x128xf32, #tpu.memory_space<vmem>>, %arg1: memref<16x8x128xf32, #tpu.memory_space<vmem>>, %arg2: memref<16x8x128xf32, #tpu.memory_space<vmem>>, %arg3: memref<16x384xf32, #tpu.memory_space<vmem>>, %arg4: memref<16x384xf32, #tpu.memory_space<vmem>>, %arg5: memref<16x384xi32, #tpu.memory_space<vmem>>, %arg6: memref<16x8x128xf32, #tpu.memory_space<vmem>>, %arg7: memref<16x8x128xf32, #tpu.memory_space<vmem>>) attributes {dimension_semantics = [], scalar_prefetch = 0 : i64, scratch_operands = 2 : i64, tpu.core_type = #tpu.core_type<tc>} {
    %iota3A = tpu.iota {dimensions = array<i32: 1>} : vector<1x128xi32>
    %iota3A_0 = tpu.iota {dimensions = array<i32: 1>} : vector<16x128xi32>
    %get3A = arith.constant 0 : index
    %get3A_1 = arith.constant 0 : index
    %get3A_2 = arith.constant 0 : index
    %get3A_3 = vector.load %arg1[%get3A, %get3A_1, %get3A_2] : memref<16x8x128xf32, #tpu.memory_space<vmem>>, vector<16x8x128xf32>
    %swap3A = arith.constant 0 : index
    %swap3A_4 = arith.constant 0 : index
    %swap3A_5 = arith.constant 0 : index
    %swap3A_6 = vector.load %arg6[%swap3A, %swap3A_4, %swap3A_5] : memref<16x8x128xf32, #tpu.memory_space<vmem>>, vector<16x8x128xf32>
    tpu.vector_store %arg6[%swap3A, %swap3A_4, %swap3A_5], %get3A_3 {strides = array<i32>} : memref<16x8x128xf32, #tpu.memory_space<vmem>>, vector<16x8x128xf32>,
    %get3A_7 = arith.constant 0 : index
    %get3A_8 = arith.constant 0 : index
    %get3A_9 = arith.constant 0 : index
    %get3A_10 = vector.load %arg2[%get3A_7, %get3A_8, %get3A_9] : memref<16x8x128xf32, #tpu.memory_space<vmem>>, vector<16x8x128xf32>
    %swap3A_11 = arith.constant 0 : index
    %swap3A_12 = arith.constant 0 : index
    %swap3A_13 = arith.constant 0 : index
    %swap3A_14 = vector.load %arg7[%swap3A_11, %swap3A_12, %swap3A_13] : memref<16x8x128xf32, #tpu.memory_space<vmem>>, vector<16x8x128xf32>
    tpu.vector_store %arg7[%swap3A_11, %swap3A_12, %swap3A_13], %get3A_10 {strides = array<i32>} : memref<16x8x128xf32, #tpu.memory_space<vmem>>, vector<16x8x128xf32>,
    %broadcast_in_dim3A = arith.constant 0.000000e+00 : f32
    %broadcast_in_dim3A_15 = vector.broadcast %broadcast_in_dim3A : f32 to vector<16x384xf32>
    %swap3A_16 = arith.constant 0 : index
    %swap3A_17 = arith.constant 0 : index
    %swap3A_18 = vector.load %arg3[%swap3A_16, %swap3A_17] : memref<16x384xf32, #tpu.memory_space<vmem>>, vector<16x384xf32>
    tpu.vector_store %arg3[%swap3A_16, %swap3A_17], %broadcast_in_dim3A_15 {strides = array<i32>} : memref<16x384xf32, #tpu.memory_space<vmem>>, vector<16x384xf32>,
    %broadcast_in_dim3A_19 = arith.constant 0.000000e+00 : f32
    %broadcast_in_dim3A_20 = vector.broadcast %broadcast_in_dim3A_19 : f32 to vector<16x384xf32>
    %swap3A_21 = arith.constant 0 : index
    %swap3A_22 = arith.constant 0 : index
    %swap3A_23 = vector.load %arg4[%swap3A_21, %swap3A_22] : memref<16x384xf32, #tpu.memory_space<vmem>>, vector<16x384xf32>
    tpu.vector_store %arg4[%swap3A_21, %swap3A_22], %broadcast_in_dim3A_20 {strides = array<i32>} : memref<16x384xf32, #tpu.memory_space<vmem>>, vector<16x384xf32>,
    %scan3A = arith.constant 0 : i32
    %scan3A_24 = arith.constant 128 : i32
    %scan3A_25 = arith.addi %scan3A, %scan3A_24 : i32
    %scan3A_26 = arith.constant 1 : i32
    scf.for %scan3A_90 = %scan3A to %scan3A_25 step %scan3A_26  : i32 {
      %get3A_91 = arith.constant 0 : index
      %get3A_92 = arith.constant 0 : index
      %get3A_93 = arith.constant 0 : index
      %get3A_94 = vector.load %arg6[%get3A_91, %get3A_92, %get3A_93] : memref<16x8x128xf32, #tpu.memory_space<vmem>>, vector<16x8x128xf32>
      %get3A_95 = arith.constant 0 : index
      %get3A_96 = arith.constant 0 : index
      %get3A_97 = arith.constant 0 : index
      %get3A_98 = vector.load %arg7[%get3A_95, %get3A_96, %get3A_97] : memref<16x8x128xf32, #tpu.memory_space<vmem>>, vector<16x8x128xf32>
      %reduce_max3A = arith.constant dense<0xFF800000> : vector<16xf32>
      %reduce_max3A_99 = vector.multi_reduction <maximumf>, %get3A_94, %reduce_max3A [1, 2] : vector<16x8x128xf32> to vector<16xf32>
      %broadcast_in_dim3A_100 = vector.shape_cast %reduce_max3A_99 : vector<16xf32> to vector<16x1x1xf32>
      %eq3A_101 = vector.broadcast %broadcast_in_dim3A_100 : vector<16x1x1xf32> to vector<16x8x128xf32>
      %eq3A_102 = arith.cmpf oeq, %get3A_94, %eq3A_101 : vector<16x8x128xf32>
      %jit3A_103 = arith.constant 1.000000e+09 : f32
      %broadcast_in_dim3A_104 = vector.broadcast %jit3A_103 : f32 to vector<16x8x128xf32>
      %select_n3A_105 = arith.select %eq3A_102, %get3A_98, %broadcast_in_dim3A_104 : vector<16x8x128xi1>, vector<16x8x128xf32>
      %reduce_min3A = arith.constant dense<0x7F800000> : vector<16xf32>
      %reduce_min3A_106 = vector.multi_reduction <minimumf>, %select_n3A_105, %reduce_min3A [1, 2] : vector<16x8x128xf32> to vector<16xf32>
      %broadcast_in_dim3A_107 = vector.shape_cast %reduce_min3A_106 : vector<16xf32> to vector<16x1x1xf32>
      %sub3A_108 = arith.constant 0 : i32
      %sub3A_109 = arith.subi %scan3A_90, %sub3A_108 : i32
      %eq3A_110 = vector.broadcast %sub3A_109 : i32 to vector<16x128xi32>
      %eq3A_111 = arith.cmpi eq, %iota3A_0, %eq3A_110 : vector<16x128xi32>
      %reshape3A = vector.shape_cast %broadcast_in_dim3A_100 : vector<16x1x1xf32> to vector<16x1xf32>
      %get3A_112 = arith.constant 0 : index
      %get3A_113 = arith.constant 0 : index
      %get3A_114 = vector.load %arg3[%get3A_112, %get3A_113] : memref<16x384xf32, #tpu.memory_space<vmem>>, vector<16x128xf32>
      %broadcast_in_dim3A_115 = vector.shape_cast %reshape3A : vector<16x1xf32> to vector<16x1xf32>
      %broadcast_in_dim3A_116 = vector.broadcast %broadcast_in_dim3A_115 : vector<16x1xf32> to vector<16x128xf32>
      %select_n3A_117 = arith.select %eq3A_111, %broadcast_in_dim3A_116, %get3A_114 : vector<16x128xi1>, vector<16x128xf32>
      %swap3A_118 = arith.constant 0 : index
      %swap3A_119 = arith.constant 0 : index
      %swap3A_120 = vector.load %arg3[%swap3A_118, %swap3A_119] : memref<16x384xf32, #tpu.memory_space<vmem>>, vector<16x128xf32>
      tpu.vector_store %arg3[%swap3A_118, %swap3A_119], %select_n3A_117 {strides = array<i32>} : memref<16x384xf32, #tpu.memory_space<vmem>>, vector<16x128xf32>,
      %reshape3A_121 = vector.shape_cast %broadcast_in_dim3A_107 : vector<16x1x1xf32> to vector<16x1xf32>
      %get3A_122 = arith.constant 0 : index
      %get3A_123 = arith.constant 0 : index
      %get3A_124 = vector.load %arg4[%get3A_122, %get3A_123] : memref<16x384xf32, #tpu.memory_space<vmem>>, vector<16x128xf32>
      %broadcast_in_dim3A_125 = vector.shape_cast %reshape3A_121 : vector<16x1xf32> to vector<16x1xf32>
      %broadcast_in_dim3A_126 = vector.broadcast %broadcast_in_dim3A_125 : vector<16x1xf32> to vector<16x128xf32>
      %select_n3A_127 = arith.select %eq3A_111, %broadcast_in_dim3A_126, %get3A_124 : vector<16x128xi1>, vector<16x128xf32>
      %swap3A_128 = arith.constant 0 : index
      %swap3A_129 = arith.constant 0 : index
      %swap3A_130 = vector.load %arg4[%swap3A_128, %swap3A_129] : memref<16x384xf32, #tpu.memory_space<vmem>>, vector<16x128xf32>
      tpu.vector_store %arg4[%swap3A_128, %swap3A_129], %select_n3A_127 {strides = array<i32>} : memref<16x384xf32, #tpu.memory_space<vmem>>, vector<16x128xf32>,
      %slice3A = vector.extract_strided_slice %broadcast_in_dim3A_107 {offsets = [0, 0, 0], sizes = [1, 1, 1], strides = [1, 1, 1]} : vector<16x1x1xf32> to vector<1x1x1xf32>
      %squeeze3A = vector.shape_cast %slice3A : vector<1x1x1xf32> to vector<1x1xf32>
      %slice3A_131 = vector.extract_strided_slice %broadcast_in_dim3A_100 {offsets = [0, 0, 0], sizes = [1, 1, 1], strides = [1, 1, 1]} : vector<16x1x1xf32> to vector<1x1x1xf32>
      %squeeze3A_132 = vector.shape_cast %slice3A_131 : vector<1x1x1xf32> to vector<1x1xf32>
      %squeeze3A_133 = vector.extract %squeeze3A[0, 0] : f32 from vector<1x1xf32>
      %convert_element_type3A_134 = arith.fptosi %squeeze3A_133 : f32 to i32
      %jit3A_135 = arith.constant 91 : i32
      %div3A_136 = arith.divsi %convert_element_type3A_134, %jit3A_135 : i32
      %sign3A_137 = arith.constant 0 : i32
      %sign3A_138 = arith.cmpi sgt, %convert_element_type3A_134, %sign3A_137 : i32
      %sign3A_139 = arith.extui %sign3A_138 : i1 to i32
      %sign3A_140 = arith.constant 0 : i32
      %sign3A_141 = arith.cmpi slt, %convert_element_type3A_134, %sign3A_140 : i32
      %sign3A_142 = arith.extui %sign3A_141 : i1 to i32
      %sign3A_143 = arith.subi %sign3A_139, %sign3A_142 : i32
      %sign3A_144 = arith.constant 0 : i32
      %sign3A_145 = arith.cmpi sgt, %jit3A_135, %sign3A_144 : i32
      %sign3A_146 = arith.extui %sign3A_145 : i1 to i32
      %sign3A_147 = arith.constant 0 : i32
      %sign3A_148 = arith.cmpi slt, %jit3A_135, %sign3A_147 : i32
      %sign3A_149 = arith.extui %sign3A_148 : i1 to i32
      %sign3A_150 = arith.subi %sign3A_146, %sign3A_149 : i32
      %ne3A_151 = arith.cmpi ne, %sign3A_143, %sign3A_150 : i32
      %rem3A_152 = arith.remsi %convert_element_type3A_134, %jit3A_135 : i32
      %ne3A_153 = arith.constant 0 : i32
      %ne3A_154 = arith.cmpi ne, %rem3A_152, %ne3A_153 : i32
      %and3A_155 = arith.andi %ne3A_151, %ne3A_154 : i1
      %sub3A_156 = arith.constant 1 : i32
      %sub3A_157 = arith.subi %div3A_136, %sub3A_156 : i32
      %select_n3A_158 = arith.select %and3A_155, %sub3A_157, %div3A_136 : i32
      %get3A_159 = arith.constant 0 : index
      %get3A_160 = arith.index_cast %select_n3A_158 : i32 to index
      %get3A_161 = arith.constant 0 : index
      %get3A_162 = vector.load %arg0[%get3A_159, %get3A_160, %get3A_161] : memref<16x1024x128xf32, #tpu.memory_space<vmem>>, vector<1x1x128xf32>
      %get3A_163 = vector.shape_cast %get3A_162 : vector<1x1x128xf32> to vector<1x128xf32>
      %mul3A = arith.constant 91 : i32
      %mul3A_164 = arith.muli %select_n3A_158, %mul3A : i32
      %add3A_165 = vector.broadcast %mul3A_164 : i32 to vector<1x128xi32>
      %add3A_166 = arith.addi %add3A_165, %iota3A : vector<1x128xi32>
      %convert_element_type3A_167 = arith.sitofp %add3A_166 : vector<1x128xi32> to vector<1x128xf32>
      %lt3A_168 = vector.broadcast %squeeze3A_132 : vector<1x1xf32> to vector<1x128xf32>
      %lt3A_169 = arith.cmpf olt, %get3A_163, %lt3A_168 : vector<1x128xf32>
      %eq3A_170 = vector.broadcast %squeeze3A_132 : vector<1x1xf32> to vector<1x128xf32>
      %eq3A_171 = arith.cmpf oeq, %get3A_163, %eq3A_170 : vector<1x128xf32>
      %gt3A = vector.broadcast %squeeze3A : vector<1x1xf32> to vector<1x128xf32>
      %gt3A_172 = arith.cmpf ogt, %convert_element_type3A_167, %gt3A : vector<1x128xf32>
      %and3A_173 = arith.andi %eq3A_171, %gt3A_172 : vector<1x128xi1>
      %or3A = arith.ori %lt3A_169, %and3A_173 : vector<1x128xi1>
      %jit3A_174 = arith.constant -2.000000e+00 : f32
      %broadcast_in_dim3A_175 = vector.broadcast %jit3A_174 : f32 to vector<1x128xf32>
      %select_n3A_176 = arith.select %or3A, %get3A_163, %broadcast_in_dim3A_175 : vector<1x128xi1>, vector<1x128xf32>
      %reduce_max3A_177 = vector.shape_cast %select_n3A_176 : vector<1x128xf32> to vector<1x1x128xf32>
      %reduce_max3A_178 = arith.constant dense<0xFF800000> : vector<1xf32>
      %reduce_max3A_179 = vector.multi_reduction <maximumf>, %reduce_max3A_177, %reduce_max3A_178 [1, 2] : vector<1x1x128xf32> to vector<1xf32>
      %reduce_max3A_180 = vector.shape_cast %reduce_max3A_179 : vector<1xf32> to vector<1x1x1xf32>
      %reduce_max3A_181 = vector.extract %reduce_max3A_180[0, 0, 0] : f32 from vector<1x1x1xf32>
      %broadcast_in_dim3A_182 = vector.broadcast %reduce_max3A_181 : f32 to vector<1x1xf32>
      %eq3A_183 = vector.broadcast %broadcast_in_dim3A_182 : vector<1x1xf32> to vector<1x128xf32>
      %eq3A_184 = arith.cmpf oeq, %select_n3A_176, %eq3A_183 : vector<1x128xf32>
      %jit3A_185 = arith.constant 1.000000e+09 : f32
      %broadcast_in_dim3A_186 = vector.broadcast %jit3A_185 : f32 to vector<1x128xf32>
      %select_n3A_187 = arith.select %eq3A_184, %convert_element_type3A_167, %broadcast_in_dim3A_186 : vector<1x128xi1>, vector<1x128xf32>
      %reduce_min3A_188 = vector.shape_cast %select_n3A_187 : vector<1x128xf32> to vector<1x1x128xf32>
      %reduce_min3A_189 = arith.constant dense<0x7F800000> : vector<1xf32>
      %reduce_min3A_190 = vector.multi_reduction <minimumf>, %reduce_min3A_188, %reduce_min3A_189 [1, 2] : vector<1x1x128xf32> to vector<1xf32>
      %reduce_min3A_191 = vector.shape_cast %reduce_min3A_190 : vector<1xf32> to vector<1x1x1xf32>
      %reduce_min3A_192 = vector.extract %reduce_min3A_191[0, 0, 0] : f32 from vector<1x1x1xf32>
      %broadcast_in_dim3A_193 = vector.broadcast %reduce_min3A_192 : f32 to vector<1x1xf32>
      %slice3A_194 = vector.extract_strided_slice %get3A_94 {offsets = [0, 0, 0], sizes = [1, 8, 128], strides = [1, 1, 1]} : vector<16x8x128xf32> to vector<1x8x128xf32>
      %squeeze3A_195 = vector.shape_cast %slice3A_194 : vector<1x8x128xf32> to vector<8x128xf32>
      %eq3A_196 = vector.broadcast %squeeze3A_132 : vector<1x1xf32> to vector<8x128xf32>
      %eq3A_197 = arith.cmpf oeq, %squeeze3A_195, %eq3A_196 : vector<8x128xf32>
      %slice3A_198 = vector.extract_strided_slice %get3A_98 {offsets = [0, 0, 0], sizes = [1, 8, 128], strides = [1, 1, 1]} : vector<16x8x128xf32> to vector<1x8x128xf32>
      %squeeze3A_199 = vector.shape_cast %slice3A_198 : vector<1x8x128xf32> to vector<8x128xf32>
      %eq3A_200 = vector.broadcast %squeeze3A : vector<1x1xf32> to vector<8x128xf32>
      %eq3A_201 = arith.cmpf oeq, %squeeze3A_199, %eq3A_200 : vector<8x128xf32>
      %and3A_202 = arith.andi %eq3A_197, %eq3A_201 : vector<8x128xi1>
      %slice3A_203 = vector.extract_strided_slice %get3A_94 {offsets = [0, 0, 0], sizes = [1, 8, 128], strides = [1, 1, 1]} : vector<16x8x128xf32> to vector<1x8x128xf32>
      %squeeze3A_204 = vector.shape_cast %slice3A_203 : vector<1x8x128xf32> to vector<8x128xf32>
      %broadcast_in_dim3A_205 = vector.shape_cast %broadcast_in_dim3A_182 : vector<1x1xf32> to vector<1x1xf32>
      %broadcast_in_dim3A_206 = vector.broadcast %broadcast_in_dim3A_205 : vector<1x1xf32> to vector<8x128xf32>
      %select_n3A_207 = arith.select %and3A_202, %broadcast_in_dim3A_206, %squeeze3A_204 : vector<8x128xi1>, vector<8x128xf32>
      %broadcast_in_dim3A_208 = vector.shape_cast %select_n3A_207 : vector<8x128xf32> to vector<1x8x128xf32>
      %slice3A_209 = vector.extract_strided_slice %get3A_98 {offsets = [0, 0, 0], sizes = [1, 8, 128], strides = [1, 1, 1]} : vector<16x8x128xf32> to vector<1x8x128xf32>
      %squeeze3A_210 = vector.shape_cast %slice3A_209 : vector<1x8x128xf32> to vector<8x128xf32>
      %broadcast_in_dim3A_211 = vector.shape_cast %broadcast_in_dim3A_193 : vector<1x1xf32> to vector<1x1xf32>
      %broadcast_in_dim3A_212 = vector.broadcast %broadcast_in_dim3A_211 : vector<1x1xf32> to vector<8x128xf32>
      %select_n3A_213 = arith.select %and3A_202, %broadcast_in_dim3A_212, %squeeze3A_210 : vector<8x128xi1>, vector<8x128xf32>
      %broadcast_in_dim3A_214 = vector.shape_cast %select_n3A_213 : vector<8x128xf32> to vector<1x8x128xf32>
      %slice3A_215 = vector.extract_strided_slice %broadcast_in_dim3A_107 {offsets = [1, 0, 0], sizes = [1, 1, 1], strides = [1, 1, 1]} : vector<16x1x1xf32> to vector<1x1x1xf32>
      %squeeze3A_216 = vector.shape_cast %slice3A_215 : vector<1x1x1xf32> to vector<1x1xf32>
      %slice3A_217 = vector.extract_strided_slice %broadcast_in_dim3A_100 {offsets = [1, 0, 0], sizes = [1, 1, 1], strides = [1, 1, 1]} : vector<16x1x1xf32> to vector<1x1x1xf32>
      %squeeze3A_218 = vector.shape_cast %slice3A_217 : vector<1x1x1xf32> to vector<1x1xf32>
      %squeeze3A_219 = vector.extract %squeeze3A_216[0, 0] : f32 from vector<1x1xf32>
      %convert_element_type3A_220 = arith.fptosi %squeeze3A_219 : f32 to i32
      %jit3A_221 = arith.constant 91 : i32
      %div3A_222 = arith.divsi %convert_element_type3A_220, %jit3A_221 : i32
      %sign3A_223 = arith.constant 0 : i32
      %sign3A_224 = arith.cmpi sgt, %convert_element_type3A_220, %sign3A_223 : i32
      %sign3A_225 = arith.extui %sign3A_224 : i1 to i32
      %sign3A_226 = arith.constant 0 : i32
      %sign3A_227 = arith.cmpi slt, %convert_element_type3A_220, %sign3A_226 : i32
      %sign3A_228 = arith.extui %sign3A_227 : i1 to i32
      %sign3A_229 = arith.subi %sign3A_225, %sign3A_228 : i32
      %sign3A_230 = arith.constant 0 : i32
      %sign3A_231 = arith.cmpi sgt, %jit3A_221, %sign3A_230 : i32
      %sign3A_232 = arith.extui %sign3A_231 : i1 to i32
      %sign3A_233 = arith.constant 0 : i32
      %sign3A_234 = arith.cmpi slt, %jit3A_221, %sign3A_233 : i32
      %sign3A_235 = arith.extui %sign3A_234 : i1 to i32
      %sign3A_236 = arith.subi %sign3A_232, %sign3A_235 : i32
      %ne3A_237 = arith.cmpi ne, %sign3A_229, %sign3A_236 : i32
      %rem3A_238 = arith.remsi %convert_element_type3A_220, %jit3A_221 : i32
      %ne3A_239 = arith.constant 0 : i32
      %ne3A_240 = arith.cmpi ne, %rem3A_238, %ne3A_239 : i32
      %and3A_241 = arith.andi %ne3A_237, %ne3A_240 : i1
      %sub3A_242 = arith.constant 1 : i32
      %sub3A_243 = arith.subi %div3A_222, %sub3A_242 : i32
      %select_n3A_244 = arith.select %and3A_241, %sub3A_243, %div3A_222 : i32
      %get3A_245 = arith.constant 1 : index
      %get3A_246 = arith.index_cast %select_n3A_244 : i32 to index
      %get3A_247 = arith.constant 0 : index
      %get3A_248 = vector.load %arg0[%get3A_245, %get3A_246, %get3A_247] : memref<16x1024x128xf32, #tpu.memory_space<vmem>>, vector<1x1x128xf32>
      %get3A_249 = vector.shape_cast %get3A_248 : vector<1x1x128xf32> to vector<1x128xf32>
      %mul3A_250 = arith.constant 91 : i32
      %mul3A_251 = arith.muli %select_n3A_244, %mul3A_250 : i32
      %add3A_252 = vector.broadcast %mul3A_251 : i32 to vector<1x128xi32>
      %add3A_253 = arith.addi %add3A_252, %iota3A : vector<1x128xi32>
      %convert_element_type3A_254 = arith.sitofp %add3A_253 : vector<1x128xi32> to vector<1x128xf32>
      %lt3A_255 = vector.broadcast %squeeze3A_218 : vector<1x1xf32> to vector<1x128xf32>
      %lt3A_256 = arith.cmpf olt, %get3A_249, %lt3A_255 : vector<1x128xf32>
      %eq3A_257 = vector.broadcast %squeeze3A_218 : vector<1x1xf32> to vector<1x128xf32>
      %eq3A_258 = arith.cmpf oeq, %get3A_249, %eq3A_257 : vector<1x128xf32>
      %gt3A_259 = vector.broadcast %squeeze3A_216 : vector<1x1xf32> to vector<1x128xf32>
      %gt3A_260 = arith.cmpf ogt, %convert_element_type3A_254, %gt3A_259 : vector<1x128xf32>
      %and3A_261 = arith.andi %eq3A_258, %gt3A_260 : vector<1x128xi1>
      %or3A_262 = arith.ori %lt3A_256, %and3A_261 : vector<1x128xi1>
      %jit3A_263 = arith.constant -2.000000e+00 : f32
      %broadcast_in_dim3A_264 = vector.broadcast %jit3A_263 : f32 to vector<1x128xf32>
      %select_n3A_265 = arith.select %or3A_262, %get3A_249, %broadcast_in_dim3A_264 : vector<1x128xi1>, vector<1x128xf32>
      %reduce_max3A_266 = vector.shape_cast %select_n3A_265 : vector<1x128xf32> to vector<1x1x128xf32>
      %reduce_max3A_267 = arith.constant dense<0xFF800000> : vector<1xf32>
      %reduce_max3A_268 = vector.multi_reduction <maximumf>, %reduce_max3A_266, %reduce_max3A_267 [1, 2] : vector<1x1x128xf32> to vector<1xf32>
      %reduce_max3A_269 = vector.shape_cast %reduce_max3A_268 : vector<1xf32> to vector<1x1x1xf32>
      %reduce_max3A_270 = vector.extract %reduce_max3A_269[0, 0, 0] : f32 from vector<1x1x1xf32>
      %broadcast_in_dim3A_271 = vector.broadcast %reduce_max3A_270 : f32 to vector<1x1xf32>
      %eq3A_272 = vector.broadcast %broadcast_in_dim3A_271 : vector<1x1xf32> to vector<1x128xf32>
      %eq3A_273 = arith.cmpf oeq, %select_n3A_265, %eq3A_272 : vector<1x128xf32>
      %jit3A_274 = arith.constant 1.000000e+09 : f32
      %broadcast_in_dim3A_275 = vector.broadcast %jit3A_274 : f32 to vector<1x128xf32>
      %select_n3A_276 = arith.select %eq3A_273, %convert_element_type3A_254, %broadcast_in_dim3A_275 : vector<1x128xi1>, vector<1x128xf32>
      %reduce_min3A_277 = vector.shape_cast %select_n3A_276 : vector<1x128xf32> to vector<1x1x128xf32>
      %reduce_min3A_278 = arith.constant dense<0x7F800000> : vector<1xf32>
      %reduce_min3A_279 = vector.multi_reduction <minimumf>, %reduce_min3A_277, %reduce_min3A_278 [1, 2] : vector<1x1x128xf32> to vector<1xf32>
      %reduce_min3A_280 = vector.shape_cast %reduce_min3A_279 : vector<1xf32> to vector<1x1x1xf32>
      %reduce_min3A_281 = vector.extract %reduce_min3A_280[0, 0, 0] : f32 from vector<1x1x1xf32>
      %broadcast_in_dim3A_282 = vector.broadcast %reduce_min3A_281 : f32 to vector<1x1xf32>
      %slice3A_283 = vector.extract_strided_slice %get3A_94 {offsets = [1, 0, 0], sizes = [1, 8, 128], strides = [1, 1, 1]} : vector<16x8x128xf32> to vector<1x8x128xf32>
      %squeeze3A_284 = vector.shape_cast %slice3A_283 : vector<1x8x128xf32> to vector<8x128xf32>
      %eq3A_285 = vector.broadcast %squeeze3A_218 : vector<1x1xf32> to vector<8x128xf32>
      %eq3A_286 = arith.cmpf oeq, %squeeze3A_284, %eq3A_285 : vector<8x128xf32>
      %slice3A_287 = vector.extract_strided_slice %get3A_98 {offsets = [1, 0, 0], sizes = [1, 8, 128], strides = [1, 1, 1]} : vector<16x8x128xf32> to vector<1x8x128xf32>
      %squeeze3A_288 = vector.shape_cast %slice3A_287 : vector<1x8x128xf32> to vector<8x128xf32>
      %eq3A_289 = vector.broadcast %squeeze3A_216 : vector<1x1xf32> to vector<8x128xf32>
      %eq3A_290 = arith.cmpf oeq, %squeeze3A_288, %eq3A_289 : vector<8x128xf32>
      %and3A_291 = arith.andi %eq3A_286, %eq3A_290 : vector<8x128xi1>
      %slice3A_292 = vector.extract_strided_slice %get3A_94 {offsets = [1, 0, 0], sizes = [1, 8, 128], strides = [1, 1, 1]} : vector<16x8x128xf32> to vector<1x8x128xf32>
      %squeeze3A_293 = vector.shape_cast %slice3A_292 : vector<1x8x128xf32> to vector<8x128xf32>
      %broadcast_in_dim3A_294 = vector.shape_cast %broadcast_in_dim3A_271 : vector<1x1xf32> to vector<1x1xf32>
      %broadcast_in_dim3A_295 = vector.broadcast %broadcast_in_dim3A_294 : vector<1x1xf32> to vector<8x128xf32>
      %select_n3A_296 = arith.select %and3A_291, %broadcast_in_dim3A_295, %squeeze3A_293 : vector<8x128xi1>, vector<8x128xf32>
      %broadcast_in_dim3A_297 = vector.shape_cast %select_n3A_296 : vector<8x128xf32> to vector<1x8x128xf32>
      %slice3A_298 = vector.extract_strided_slice %get3A_98 {offsets = [1, 0, 0], sizes = [1, 8, 128], strides = [1, 1, 1]} : vector<16x8x128xf32> to vector<1x8x128xf32>
      %squeeze3A_299 = vector.shape_cast %slice3A_298 : vector<1x8x128xf32> to vector<8x128xf32>
      %broadcast_in_dim3A_300 = vector.shape_cast %broadcast_in_dim3A_282 : vector<1x1xf32> to vector<1x1xf32>
      %broadcast_in_dim3A_301 = vector.broadcast %broadcast_in_dim3A_300 : vector<1x1xf32> to vector<8x128xf32>
      %select_n3A_302 = arith.select %and3A_291, %broadcast_in_dim3A_301, %squeeze3A_299 : vector<8x128xi1>, vector<8x128xf32>
      %broadcast_in_dim3A_303 = vector.shape_cast %select_n3A_302 : vector<8x128xf32> to vector<1x8x128xf32>
      %slice3A_304 = vector.extract_strided_slice %broadcast_in_dim3A_107 {offsets = [2, 0, 0], sizes = [1, 1, 1], strides = [1, 1, 1]} : vector<16x1x1xf32> to vector<1x1x1xf32>
      %squeeze3A_305 = vector.shape_cast %slice3A_304 : vector<1x1x1xf32> to vector<1x1xf32>
      %slice3A_306 = vector.extract_strided_slice %broadcast_in_dim3A_100 {offsets = [2, 0, 0], sizes = [1, 1, 1], strides = [1, 1, 1]} : vector<16x1x1xf32> to vector<1x1x1xf32>
      %squeeze3A_307 = vector.shape_cast %slice3A_306 : vector<1x1x1xf32> to vector<1x1xf32>
      %squeeze3A_308 = vector.extract %squeeze3A_305[0, 0] : f32 from vector<1x1xf32>
      %convert_element_type3A_309 = arith.fptosi %squeeze3A_308 : f32 to i32
      %jit3A_310 = arith.constant 91 : i32
      %div3A_311 = arith.divsi %convert_element_type3A_309, %jit3A_310 : i32
      %sign3A_312 = arith.constant 0 : i32
      %sign3A_313 = arith.cmpi sgt, %convert_element_type3A_309, %sign3A_312 : i32
      %sign3A_314 = arith.extui %sign3A_313 : i1 to i32
      %sign3A_315 = arith.constant 0 : i32
      %sign3A_316 = arith.cmpi slt, %convert_element_type3A_309, %sign3A_315 : i32
      %sign3A_317 = arith.extui %sign3A_316 : i1 to i32
      %sign3A_318 = arith.subi %sign3A_314, %sign3A_317 : i32
      %sign3A_319 = arith.constant 0 : i32
      %sign3A_320 = arith.cmpi sgt, %jit3A_310, %sign3A_319 : i32
      %sign3A_321 = arith.extui %sign3A_320 : i1 to i32
      %sign3A_322 = arith.constant 0 : i32
      %sign3A_323 = arith.cmpi slt, %jit3A_310, %sign3A_322 : i32
      %sign3A_324 = arith.extui %sign3A_323 : i1 to i32
      %sign3A_325 = arith.subi %sign3A_321, %sign3A_324 : i32
      %ne3A_326 = arith.cmpi ne, %sign3A_318, %sign3A_325 : i32
      %rem3A_327 = arith.remsi %convert_element_type3A_309, %jit3A_310 : i32
      %ne3A_328 = arith.constant 0 : i32
      %ne3A_329 = arith.cmpi ne, %rem3A_327, %ne3A_328 : i32
      %and3A_330 = arith.andi %ne3A_326, %ne3A_329 : i1
      %sub3A_331 = arith.constant 1 : i32
      %sub3A_332 = arith.subi %div3A_311, %sub3A_331 : i32
      %select_n3A_333 = arith.select %and3A_330, %sub3A_332, %div3A_311 : i32
      %get3A_334 = arith.constant 2 : index
      %get3A_335 = arith.index_cast %select_n3A_333 : i32 to index
      %get3A_336 = arith.constant 0 : index
      %get3A_337 = vector.load %arg0[%get3A_334, %get3A_335, %get3A_336] : memref<16x1024x128xf32, #tpu.memory_space<vmem>>, vector<1x1x128xf32>
      %get3A_338 = vector.shape_cast %get3A_337 : vector<1x1x128xf32> to vector<1x128xf32>
      %mul3A_339 = arith.constant 91 : i32
      %mul3A_340 = arith.muli %select_n3A_333, %mul3A_339 : i32
      %add3A_341 = vector.broadcast %mul3A_340 : i32 to vector<1x128xi32>
      %add3A_342 = arith.addi %add3A_341, %iota3A : vector<1x128xi32>
      %convert_element_type3A_343 = arith.sitofp %add3A_342 : vector<1x128xi32> to vector<1x128xf32>
      %lt3A_344 = vector.broadcast %squeeze3A_307 : vector<1x1xf32> to vector<1x128xf32>
      %lt3A_345 = arith.cmpf olt, %get3A_338, %lt3A_344 : vector<1x128xf32>
      %eq3A_346 = vector.broadcast %squeeze3A_307 : vector<1x1xf32> to vector<1x128xf32>
      %eq3A_347 = arith.cmpf oeq, %get3A_338, %eq3A_346 : vector<1x128xf32>
      %gt3A_348 = vector.broadcast %squeeze3A_305 : vector<1x1xf32> to vector<1x128xf32>
      %gt3A_349 = arith.cmpf ogt, %convert_element_type3A_343, %gt3A_348 : vector<1x128xf32>
      %and3A_350 = arith.andi %eq3A_347, %gt3A_349 : vector<1x128xi1>
      %or3A_351 = arith.ori %lt3A_345, %and3A_350 : vector<1x128xi1>
      %jit3A_352 = arith.constant -2.000000e+00 : f32
      %broadcast_in_dim3A_353 = vector.broadcast %jit3A_352 : f32 to vector<1x128xf32>
      %select_n3A_354 = arith.select %or3A_351, %get3A_338, %broadcast_in_dim3A_353 : vector<1x128xi1>, vector<1x128xf32>
      %reduce_max3A_355 = vector.shape_cast %select_n3A_354 : vector<1x128xf32> to vector<1x1x128xf32>
      %reduce_max3A_356 = arith.constant dense<0xFF800000> : vector<1xf32>
      %reduce_max3A_357 = vector.multi_reduction <maximumf>, %reduce_max3A_355, %reduce_max3A_356 [1, 2] : vector<1x1x128xf32> to vector<1xf32>
      %reduce_max3A_358 = vector.shape_cast %reduce_max3A_357 : vector<1xf32> to vector<1x1x1xf32>
      %reduce_max3A_359 = vector.extract %reduce_max3A_358[0, 0, 0] : f32 from vector<1x1x1xf32>
      %broadcast_in_dim3A_360 = vector.broadcast %reduce_max3A_359 : f32 to vector<1x1xf32>
      %eq3A_361 = vector.broadcast %broadcast_in_dim3A_360 : vector<1x1xf32> to vector<1x128xf32>
      %eq3A_362 = arith.cmpf oeq, %select_n3A_354, %eq3A_361 : vector<1x128xf32>
      %jit3A_363 = arith.constant 1.000000e+09 : f32
      %broadcast_in_dim3A_364 = vector.broadcast %jit3A_363 : f32 to vector<1x128xf32>
      %select_n3A_365 = arith.select %eq3A_362, %convert_element_type3A_343, %broadcast_in_dim3A_364 : vector<1x128xi1>, vector<1x128xf32>
      %reduce_min3A_366 = vector.shape_cast %select_n3A_365 : vector<1x128xf32> to vector<1x1x128xf32>
      %reduce_min3A_367 = arith.constant dense<0x7F800000> : vector<1xf32>
      %reduce_min3A_368 = vector.multi_reduction <minimumf>, %reduce_min3A_366, %reduce_min3A_367 [1, 2] : vector<1x1x128xf32> to vector<1xf32>
      %reduce_min3A_369 = vector.shape_cast %reduce_min3A_368 : vector<1xf32> to vector<1x1x1xf32>
      %reduce_min3A_370 = vector.extract %reduce_min3A_369[0, 0, 0] : f32 from vector<1x1x1xf32>
      %broadcast_in_dim3A_371 = vector.broadcast %reduce_min3A_370 : f32 to vector<1x1xf32>
      %slice3A_372 = vector.extract_strided_slice %get3A_94 {offsets = [2, 0, 0], sizes = [1, 8, 128], strides = [1, 1, 1]} : vector<16x8x128xf32> to vector<1x8x128xf32>
      %squeeze3A_373 = vector.shape_cast %slice3A_372 : vector<1x8x128xf32> to vector<8x128xf32>
      %eq3A_374 = vector.broadcast %squeeze3A_307 : vector<1x1xf32> to vector<8x128xf32>
      %eq3A_375 = arith.cmpf oeq, %squeeze3A_373, %eq3A_374 : vector<8x128xf32>
      %slice3A_376 = vector.extract_strided_slice %get3A_98 {offsets = [2, 0, 0], sizes = [1, 8, 128], strides = [1, 1, 1]} : vector<16x8x128xf32> to vector<1x8x128xf32>
      %squeeze3A_377 = vector.shape_cast %slice3A_376 : vector<1x8x128xf32> to vector<8x128xf32>
      %eq3A_378 = vector.broadcast %squeeze3A_305 : vector<1x1xf32> to vector<8x128xf32>
      %eq3A_379 = arith.cmpf oeq, %squeeze3A_377, %eq3A_378 : vector<8x128xf32>
      %and3A_380 = arith.andi %eq3A_375, %eq3A_379 : vector<8x128xi1>
      %slice3A_381 = vector.extract_strided_slice %get3A_94 {offsets = [2, 0, 0], sizes = [1, 8, 128], strides = [1, 1, 1]} : vector<16x8x128xf32> to vector<1x8x128xf32>
      %squeeze3A_382 = vector.shape_cast %slice3A_381 : vector<1x8x128xf32> to vector<8x128xf32>
      %broadcast_in_dim3A_383 = vector.shape_cast %broadcast_in_dim3A_360 : vector<1x1xf32> to vector<1x1xf32>
      %broadcast_in_dim3A_384 = vector.broadcast %broadcast_in_dim3A_383 : vector<1x1xf32> to vector<8x128xf32>
      %select_n3A_385 = arith.select %and3A_380, %broadcast_in_dim3A_384, %squeeze3A_382 : vector<8x128xi1>, vector<8x128xf32>
      %broadcast_in_dim3A_386 = vector.shape_cast %select_n3A_385 : vector<8x128xf32> to vector<1x8x128xf32>
      %slice3A_387 = vector.extract_strided_slice %get3A_98 {offsets = [2, 0, 0], sizes = [1, 8, 128], strides = [1, 1, 1]} : vector<16x8x128xf32> to vector<1x8x128xf32>
      %squeeze3A_388 = vector.shape_cast %slice3A_387 : vector<1x8x128xf32> to vector<8x128xf32>
      %broadcast_in_dim3A_389 = vector.shape_cast %broadcast_in_dim3A_371 : vector<1x1xf32> to vector<1x1xf32>
      %broadcast_in_dim3A_390 = vector.broadcast %broadcast_in_dim3A_389 : vector<1x1xf32> to vector<8x128xf32>
      %select_n3A_391 = arith.select %and3A_380, %broadcast_in_dim3A_390, %squeeze3A_388 : vector<8x128xi1>, vector<8x128xf32>
      %broadcast_in_dim3A_392 = vector.shape_cast %select_n3A_391 : vector<8x128xf32> to vector<1x8x128xf32>
      %slice3A_393 = vector.extract_strided_slice %broadcast_in_dim3A_107 {offsets = [3, 0, 0], sizes = [1, 1, 1], strides = [1, 1, 1]} : vector<16x1x1xf32> to vector<1x1x1xf32>
      %squeeze3A_394 = vector.shape_cast %slice3A_393 : vector<1x1x1xf32> to vector<1x1xf32>
      %slice3A_395 = vector.extract_strided_slice %broadcast_in_dim3A_100 {offsets = [3, 0, 0], sizes = [1, 1, 1], strides = [1, 1, 1]} : vector<16x1x1xf32> to vector<1x1x1xf32>
      %squeeze3A_396 = vector.shape_cast %slice3A_395 : vector<1x1x1xf32> to vector<1x1xf32>
      %squeeze3A_397 = vector.extract %squeeze3A_394[0, 0] : f32 from vector<1x1xf32>
      %convert_element_type3A_398 = arith.fptosi %squeeze3A_397 : f32 to i32
      %jit3A_399 = arith.constant 91 : i32
      %div3A_400 = arith.divsi %convert_element_type3A_398, %jit3A_399 : i32
      %sign3A_401 = arith.constant 0 : i32
      %sign3A_402 = arith.cmpi sgt, %convert_element_type3A_398, %sign3A_401 : i32
      %sign3A_403 = arith.extui %sign3A_402 : i1 to i32
      %sign3A_404 = arith.constant 0 : i32
      %sign3A_405 = arith.cmpi slt, %convert_element_type3A_398, %sign3A_404 : i32
      %sign3A_406 = arith.extui %sign3A_405 : i1 to i32
      %sign3A_407 = arith.subi %sign3A_403, %sign3A_406 : i32
      %sign3A_408 = arith.constant 0 : i32
      %sign3A_409 = arith.cmpi sgt, %jit3A_399, %sign3A_408 : i32
      %sign3A_410 = arith.extui %sign3A_409 : i1 to i32
      %sign3A_411 = arith.constant 0 : i32
      %sign3A_412 = arith.cmpi slt, %jit3A_399, %sign3A_411 : i32
      %sign3A_413 = arith.extui %sign3A_412 : i1 to i32
      %sign3A_414 = arith.subi %sign3A_410, %sign3A_413 : i32
      %ne3A_415 = arith.cmpi ne, %sign3A_407, %sign3A_414 : i32
      %rem3A_416 = arith.remsi %convert_element_type3A_398, %jit3A_399 : i32
      %ne3A_417 = arith.constant 0 : i32
      %ne3A_418 = arith.cmpi ne, %rem3A_416, %ne3A_417 : i32
      %and3A_419 = arith.andi %ne3A_415, %ne3A_418 : i1
      %sub3A_420 = arith.constant 1 : i32
      %sub3A_421 = arith.subi %div3A_400, %sub3A_420 : i32
      %select_n3A_422 = arith.select %and3A_419, %sub3A_421, %div3A_400 : i32
      %get3A_423 = arith.constant 3 : index
      %get3A_424 = arith.index_cast %select_n3A_422 : i32 to index
      %get3A_425 = arith.constant 0 : index
      %get3A_426 = vector.load %arg0[%get3A_423, %get3A_424, %get3A_425] : memref<16x1024x128xf32, #tpu.memory_space<vmem>>, vector<1x1x128xf32>
      %get3A_427 = vector.shape_cast %get3A_426 : vector<1x1x128xf32> to vector<1x128xf32>
      %mul3A_428 = arith.constant 91 : i32
      %mul3A_429 = arith.muli %select_n3A_422, %mul3A_428 : i32
      %add3A_430 = vector.broadcast %mul3A_429 : i32 to vector<1x128xi32>
      %add3A_431 = arith.addi %add3A_430, %iota3A : vector<1x128xi32>
      %convert_element_type3A_432 = arith.sitofp %add3A_431 : vector<1x128xi32> to vector<1x128xf32>
      %lt3A_433 = vector.broadcast %squeeze3A_396 : vector<1x1xf32> to vector<1x128xf32>
      %lt3A_434 = arith.cmpf olt, %get3A_427, %lt3A_433 : vector<1x128xf32>
      %eq3A_435 = vector.broadcast %squeeze3A_396 : vector<1x1xf32> to vector<1x128xf32>
      %eq3A_436 = arith.cmpf oeq, %get3A_427, %eq3A_435 : vector<1x128xf32>
      %gt3A_437 = vector.broadcast %squeeze3A_394 : vector<1x1xf32> to vector<1x128xf32>
      %gt3A_438 = arith.cmpf ogt, %convert_element_type3A_432, %gt3A_437 : vector<1x128xf32>
      %and3A_439 = arith.andi %eq3A_436, %gt3A_438 : vector<1x128xi1>
      %or3A_440 = arith.ori %lt3A_434, %and3A_439 : vector<1x128xi1>
      %jit3A_441 = arith.constant -2.000000e+00 : f32
      %broadcast_in_dim3A_442 = vector.broadcast %jit3A_441 : f32 to vector<1x128xf32>
      %select_n3A_443 = arith.select %or3A_440, %get3A_427, %broadcast_in_dim3A_442 : vector<1x128xi1>, vector<1x128xf32>
      %reduce_max3A_444 = vector.shape_cast %select_n3A_443 : vector<1x128xf32> to vector<1x1x128xf32>
      %reduce_max3A_445 = arith.constant dense<0xFF800000> : vector<1xf32>
      %reduce_max3A_446 = vector.multi_reduction <maximumf>, %reduce_max3A_444, %reduce_max3A_445 [1, 2] : vector<1x1x128xf32> to vector<1xf32>
      %reduce_max3A_447 = vector.shape_cast %reduce_max3A_446 : vector<1xf32> to vector<1x1x1xf32>
      %reduce_max3A_448 = vector.extract %reduce_max3A_447[0, 0, 0] : f32 from vector<1x1x1xf32>
      %broadcast_in_dim3A_449 = vector.broadcast %reduce_max3A_448 : f32 to vector<1x1xf32>
      %eq3A_450 = vector.broadcast %broadcast_in_dim3A_449 : vector<1x1xf32> to vector<1x128xf32>
      %eq3A_451 = arith.cmpf oeq, %select_n3A_443, %eq3A_450 : vector<1x128xf32>
      %jit3A_452 = arith.constant 1.000000e+09 : f32
      %broadcast_in_dim3A_453 = vector.broadcast %jit3A_452 : f32 to vector<1x128xf32>
      %select_n3A_454 = arith.select %eq3A_451, %convert_element_type3A_432, %broadcast_in_dim3A_453 : vector<1x128xi1>, vector<1x128xf32>
      %reduce_min3A_455 = vector.shape_cast %select_n3A_454 : vector<1x128xf32> to vector<1x1x128xf32>
      %reduce_min3A_456 = arith.constant dense<0x7F800000> : vector<1xf32>
      %reduce_min3A_457 = vector.multi_reduction <minimumf>, %reduce_min3A_455, %reduce_min3A_456 [1, 2] : vector<1x1x128xf32> to vector<1xf32>
      %reduce_min3A_458 = vector.shape_cast %reduce_min3A_457 : vector<1xf32> to vector<1x1x1xf32>
      %reduce_min3A_459 = vector.extract %reduce_min3A_458[0, 0, 0] : f32 from vector<1x1x1xf32>
      %broadcast_in_dim3A_460 = vector.broadcast %reduce_min3A_459 : f32 to vector<1x1xf32>
      %slice3A_461 = vector.extract_strided_slice %get3A_94 {offsets = [3, 0, 0], sizes = [1, 8, 128], strides = [1, 1, 1]} : vector<16x8x128xf32> to vector<1x8x128xf32>
      %squeeze3A_462 = vector.shape_cast %slice3A_461 : vector<1x8x128xf32> to vector<8x128xf32>
      %eq3A_463 = vector.broadcast %squeeze3A_396 : vector<1x1xf32> to vector<8x128xf32>
      %eq3A_464 = arith.cmpf oeq, %squeeze3A_462, %eq3A_463 : vector<8x128xf32>
      %slice3A_465 = vector.extract_strided_slice %get3A_98 {offsets = [3, 0, 0], sizes = [1, 8, 128], strides = [1, 1, 1]} : vector<16x8x128xf32> to vector<1x8x128xf32>
      %squeeze3A_466 = vector.shape_cast %slice3A_465 : vector<1x8x128xf32> to vector<8x128xf32>
      %eq3A_467 = vector.broadcast %squeeze3A_394 : vector<1x1xf32> to vector<8x128xf32>
      %eq3A_468 = arith.cmpf oeq, %squeeze3A_466, %eq3A_467 : vector<8x128xf32>
      %and3A_469 = arith.andi %eq3A_464, %eq3A_468 : vector<8x128xi1>
      %slice3A_470 = vector.extract_strided_slice %get3A_94 {offsets = [3, 0, 0], sizes = [1, 8, 128], strides = [1, 1, 1]} : vector<16x8x128xf32> to vector<1x8x128xf32>
      %squeeze3A_471 = vector.shape_cast %slice3A_470 : vector<1x8x128xf32> to vector<8x128xf32>
      %broadcast_in_dim3A_472 = vector.shape_cast %broadcast_in_dim3A_449 : vector<1x1xf32> to vector<1x1xf32>
      %broadcast_in_dim3A_473 = vector.broadcast %broadcast_in_dim3A_472 : vector<1x1xf32> to vector<8x128xf32>
      %select_n3A_474 = arith.select %and3A_469, %broadcast_in_dim3A_473, %squeeze3A_471 : vector<8x128xi1>, vector<8x128xf32>
      %broadcast_in_dim3A_475 = vector.shape_cast %select_n3A_474 : vector<8x128xf32> to vector<1x8x128xf32>
      %slice3A_476 = vector.extract_strided_slice %get3A_98 {offsets = [3, 0, 0], sizes = [1, 8, 128], strides = [1, 1, 1]} : vector<16x8x128xf32> to vector<1x8x128xf32>
      %squeeze3A_477 = vector.shape_cast %slice3A_476 : vector<1x8x128xf32> to vector<8x128xf32>
      %broadcast_in_dim3A_478 = vector.shape_cast %broadcast_in_dim3A_460 : vector<1x1xf32> to vector<1x1xf32>
      %broadcast_in_dim3A_479 = vector.broadcast %broadcast_in_dim3A_478 : vector<1x1xf32> to vector<8x128xf32>
      %select_n3A_480 = arith.select %and3A_469, %broadcast_in_dim3A_479, %squeeze3A_477 : vector<8x128xi1>, vector<8x128xf32>
      %broadcast_in_dim3A_481 = vector.shape_cast %select_n3A_480 : vector<8x128xf32> to vector<1x8x128xf32>
      %slice3A_482 = vector.extract_strided_slice %broadcast_in_dim3A_107 {offsets = [4, 0, 0], sizes = [1, 1, 1], strides = [1, 1, 1]} : vector<16x1x1xf32> to vector<1x1x1xf32>
      %squeeze3A_483 = vector.shape_cast %slice3A_482 : vector<1x1x1xf32> to vector<1x1xf32>
      %slice3A_484 = vector.extract_strided_slice %broadcast_in_dim3A_100 {offsets = [4, 0, 0], sizes = [1, 1, 1], strides = [1, 1, 1]} : vector<16x1x1xf32> to vector<1x1x1xf32>
      %squeeze3A_485 = vector.shape_cast %slice3A_484 : vector<1x1x1xf32> to vector<1x1xf32>
      %squeeze3A_486 = vector.extract %squeeze3A_483[0, 0] : f32 from vector<1x1xf32>
      %convert_element_type3A_487 = arith.fptosi %squeeze3A_486 : f32 to i32
      %jit3A_488 = arith.constant 91 : i32
      %div3A_489 = arith.divsi %convert_element_type3A_487, %jit3A_488 : i32
      %sign3A_490 = arith.constant 0 : i32
      %sign3A_491 = arith.cmpi sgt, %convert_element_type3A_487, %sign3A_490 : i32
      %sign3A_492 = arith.extui %sign3A_491 : i1 to i32
      %sign3A_493 = arith.constant 0 : i32
      %sign3A_494 = arith.cmpi slt, %convert_element_type3A_487, %sign3A_493 : i32
      %sign3A_495 = arith.extui %sign3A_494 : i1 to i32
      %sign3A_496 = arith.subi %sign3A_492, %sign3A_495 : i32
      %sign3A_497 = arith.constant 0 : i32
      %sign3A_498 = arith.cmpi sgt, %jit3A_488, %sign3A_497 : i32
      %sign3A_499 = arith.extui %sign3A_498 : i1 to i32
      %sign3A_500 = arith.constant 0 : i32
      %sign3A_501 = arith.cmpi slt, %jit3A_488, %sign3A_500 : i32
      %sign3A_502 = arith.extui %sign3A_501 : i1 to i32
      %sign3A_503 = arith.subi %sign3A_499, %sign3A_502 : i32
      %ne3A_504 = arith.cmpi ne, %sign3A_496, %sign3A_503 : i32
      %rem3A_505 = arith.remsi %convert_element_type3A_487, %jit3A_488 : i32
      %ne3A_506 = arith.constant 0 : i32
      %ne3A_507 = arith.cmpi ne, %rem3A_505, %ne3A_506 : i32
      %and3A_508 = arith.andi %ne3A_504, %ne3A_507 : i1
      %sub3A_509 = arith.constant 1 : i32
      %sub3A_510 = arith.subi %div3A_489, %sub3A_509 : i32
      %select_n3A_511 = arith.select %and3A_508, %sub3A_510, %div3A_489 : i32
      %get3A_512 = arith.constant 4 : index
      %get3A_513 = arith.index_cast %select_n3A_511 : i32 to index
      %get3A_514 = arith.constant 0 : index
      %get3A_515 = vector.load %arg0[%get3A_512, %get3A_513, %get3A_514] : memref<16x1024x128xf32, #tpu.memory_space<vmem>>, vector<1x1x128xf32>
      %get3A_516 = vector.shape_cast %get3A_515 : vector<1x1x128xf32> to vector<1x128xf32>
      %mul3A_517 = arith.constant 91 : i32
      %mul3A_518 = arith.muli %select_n3A_511, %mul3A_517 : i32
      %add3A_519 = vector.broadcast %mul3A_518 : i32 to vector<1x128xi32>
      %add3A_520 = arith.addi %add3A_519, %iota3A : vector<1x128xi32>
      %convert_element_type3A_521 = arith.sitofp %add3A_520 : vector<1x128xi32> to vector<1x128xf32>
      %lt3A_522 = vector.broadcast %squeeze3A_485 : vector<1x1xf32> to vector<1x128xf32>
      %lt3A_523 = arith.cmpf olt, %get3A_516, %lt3A_522 : vector<1x128xf32>
      %eq3A_524 = vector.broadcast %squeeze3A_485 : vector<1x1xf32> to vector<1x128xf32>
      %eq3A_525 = arith.cmpf oeq, %get3A_516, %eq3A_524 : vector<1x128xf32>
      %gt3A_526 = vector.broadcast %squeeze3A_483 : vector<1x1xf32> to vector<1x128xf32>
      %gt3A_527 = arith.cmpf ogt, %convert_element_type3A_521, %gt3A_526 : vector<1x128xf32>
      %and3A_528 = arith.andi %eq3A_525, %gt3A_527 : vector<1x128xi1>
      %or3A_529 = arith.ori %lt3A_523, %and3A_528 : vector<1x128xi1>
      %jit3A_530 = arith.constant -2.000000e+00 : f32
      %broadcast_in_dim3A_531 = vector.broadcast %jit3A_530 : f32 to vector<1x128xf32>
      %select_n3A_532 = arith.select %or3A_529, %get3A_516, %broadcast_in_dim3A_531 : vector<1x128xi1>, vector<1x128xf32>
      %reduce_max3A_533 = vector.shape_cast %select_n3A_532 : vector<1x128xf32> to vector<1x1x128xf32>
      %reduce_max3A_534 = arith.constant dense<0xFF800000> : vector<1xf32>
      %reduce_max3A_535 = vector.multi_reduction <maximumf>, %reduce_max3A_533, %reduce_max3A_534 [1, 2] : vector<1x1x128xf32> to vector<1xf32>
      %reduce_max3A_536 = vector.shape_cast %reduce_max3A_535 : vector<1xf32> to vector<1x1x1xf32>
      %reduce_max3A_537 = vector.extract %reduce_max3A_536[0, 0, 0] : f32 from vector<1x1x1xf32>
      %broadcast_in_dim3A_538 = vector.broadcast %reduce_max3A_537 : f32 to vector<1x1xf32>
      %eq3A_539 = vector.broadcast %broadcast_in_dim3A_538 : vector<1x1xf32> to vector<1x128xf32>
      %eq3A_540 = arith.cmpf oeq, %select_n3A_532, %eq3A_539 : vector<1x128xf32>
      %jit3A_541 = arith.constant 1.000000e+09 : f32
      %broadcast_in_dim3A_542 = vector.broadcast %jit3A_541 : f32 to vector<1x128xf32>
      %select_n3A_543 = arith.select %eq3A_540, %convert_element_type3A_521, %broadcast_in_dim3A_542 : vector<1x128xi1>, vector<1x128xf32>
      %reduce_min3A_544 = vector.shape_cast %select_n3A_543 : vector<1x128xf32> to vector<1x1x128xf32>
      %reduce_min3A_545 = arith.constant dense<0x7F800000> : vector<1xf32>
      %reduce_min3A_546 = vector.multi_reduction <minimumf>, %reduce_min3A_544, %reduce_min3A_545 [1, 2] : vector<1x1x128xf32> to vector<1xf32>
      %reduce_min3A_547 = vector.shape_cast %reduce_min3A_546 : vector<1xf32> to vector<1x1x1xf32>
      %reduce_min3A_548 = vector.extract %reduce_min3A_547[0, 0, 0] : f32 from vector<1x1x1xf32>
      %broadcast_in_dim3A_549 = vector.broadcast %reduce_min3A_548 : f32 to vector<1x1xf32>
      %slice3A_550 = vector.extract_strided_slice %get3A_94 {offsets = [4, 0, 0], sizes = [1, 8, 128], strides = [1, 1, 1]} : vector<16x8x128xf32> to vector<1x8x128xf32>
      %squeeze3A_551 = vector.shape_cast %slice3A_550 : vector<1x8x128xf32> to vector<8x128xf32>
      %eq3A_552 = vector.broadcast %squeeze3A_485 : vector<1x1xf32> to vector<8x128xf32>
      %eq3A_553 = arith.cmpf oeq, %squeeze3A_551, %eq3A_552 : vector<8x128xf32>
      %slice3A_554 = vector.extract_strided_slice %get3A_98 {offsets = [4, 0, 0], sizes = [1, 8, 128], strides = [1, 1, 1]} : vector<16x8x128xf32> to vector<1x8x128xf32>
      %squeeze3A_555 = vector.shape_cast %slice3A_554 : vector<1x8x128xf32> to vector<8x128xf32>
      %eq3A_556 = vector.broadcast %squeeze3A_483 : vector<1x1xf32> to vector<8x128xf32>
      %eq3A_557 = arith.cmpf oeq, %squeeze3A_555, %eq3A_556 : vector<8x128xf32>
      %and3A_558 = arith.andi %eq3A_553, %eq3A_557 : vector<8x128xi1>
      %slice3A_559 = vector.extract_strided_slice %get3A_94 {offsets = [4, 0, 0], sizes = [1, 8, 128], strides = [1, 1, 1]} : vector<16x8x128xf32> to vector<1x8x128xf32>
      %squeeze3A_560 = vector.shape_cast %slice3A_559 : vector<1x8x128xf32> to vector<8x128xf32>
      %broadcast_in_dim3A_561 = vector.shape_cast %broadcast_in_dim3A_538 : vector<1x1xf32> to vector<1x1xf32>
      %broadcast_in_dim3A_562 = vector.broadcast %broadcast_in_dim3A_561 : vector<1x1xf32> to vector<8x128xf32>
      %select_n3A_563 = arith.select %and3A_558, %broadcast_in_dim3A_562, %squeeze3A_560 : vector<8x128xi1>, vector<8x128xf32>
      %broadcast_in_dim3A_564 = vector.shape_cast %select_n3A_563 : vector<8x128xf32> to vector<1x8x128xf32>
      %slice3A_565 = vector.extract_strided_slice %get3A_98 {offsets = [4, 0, 0], sizes = [1, 8, 128], strides = [1, 1, 1]} : vector<16x8x128xf32> to vector<1x8x128xf32>
      %squeeze3A_566 = vector.shape_cast %slice3A_565 : vector<1x8x128xf32> to vector<8x128xf32>
      %broadcast_in_dim3A_567 = vector.shape_cast %broadcast_in_dim3A_549 : vector<1x1xf32> to vector<1x1xf32>
      %broadcast_in_dim3A_568 = vector.broadcast %broadcast_in_dim3A_567 : vector<1x1xf32> to vector<8x128xf32>
      %select_n3A_569 = arith.select %and3A_558, %broadcast_in_dim3A_568, %squeeze3A_566 : vector<8x128xi1>, vector<8x128xf32>
      %broadcast_in_dim3A_570 = vector.shape_cast %select_n3A_569 : vector<8x128xf32> to vector<1x8x128xf32>
      %slice3A_571 = vector.extract_strided_slice %broadcast_in_dim3A_107 {offsets = [5, 0, 0], sizes = [1, 1, 1], strides = [1, 1, 1]} : vector<16x1x1xf32> to vector<1x1x1xf32>
      %squeeze3A_572 = vector.shape_cast %slice3A_571 : vector<1x1x1xf32> to vector<1x1xf32>
      %slice3A_573 = vector.extract_strided_slice %broadcast_in_dim3A_100 {offsets = [5, 0, 0], sizes = [1, 1, 1], strides = [1, 1, 1]} : vector<16x1x1xf32> to vector<1x1x1xf32>
      %squeeze3A_574 = vector.shape_cast %slice3A_573 : vector<1x1x1xf32> to vector<1x1xf32>
      %squeeze3A_575 = vector.extract %squeeze3A_572[0, 0] : f32 from vector<1x1xf32>
      %convert_element_type3A_576 = arith.fptosi %squeeze3A_575 : f32 to i32
      %jit3A_577 = arith.constant 91 : i32
      %div3A_578 = arith.divsi %convert_element_type3A_576, %jit3A_577 : i32
      %sign3A_579 = arith.constant 0 : i32
      %sign3A_580 = arith.cmpi sgt, %convert_element_type3A_576, %sign3A_579 : i32
      %sign3A_581 = arith.extui %sign3A_580 : i1 to i32
      %sign3A_582 = arith.constant 0 : i32
      %sign3A_583 = arith.cmpi slt, %convert_element_type3A_576, %sign3A_582 : i32
      %sign3A_584 = arith.extui %sign3A_583 : i1 to i32
      %sign3A_585 = arith.subi %sign3A_581, %sign3A_584 : i32
      %sign3A_586 = arith.constant 0 : i32
      %sign3A_587 = arith.cmpi sgt, %jit3A_577, %sign3A_586 : i32
      %sign3A_588 = arith.extui %sign3A_587 : i1 to i32
      %sign3A_589 = arith.constant 0 : i32
      %sign3A_590 = arith.cmpi slt, %jit3A_577, %sign3A_589 : i32
      %sign3A_591 = arith.extui %sign3A_590 : i1 to i32
      %sign3A_592 = arith.subi %sign3A_588, %sign3A_591 : i32
      %ne3A_593 = arith.cmpi ne, %sign3A_585, %sign3A_592 : i32
      %rem3A_594 = arith.remsi %convert_element_type3A_576, %jit3A_577 : i32
      %ne3A_595 = arith.constant 0 : i32
      %ne3A_596 = arith.cmpi ne, %rem3A_594, %ne3A_595 : i32
      %and3A_597 = arith.andi %ne3A_593, %ne3A_596 : i1
      %sub3A_598 = arith.constant 1 : i32
      %sub3A_599 = arith.subi %div3A_578, %sub3A_598 : i32
      %select_n3A_600 = arith.select %and3A_597, %sub3A_599, %div3A_578 : i32
      %get3A_601 = arith.constant 5 : index
      %get3A_602 = arith.index_cast %select_n3A_600 : i32 to index
      %get3A_603 = arith.constant 0 : index
      %get3A_604 = vector.load %arg0[%get3A_601, %get3A_602, %get3A_603] : memref<16x1024x128xf32, #tpu.memory_space<vmem>>, vector<1x1x128xf32>
      %get3A_605 = vector.shape_cast %get3A_604 : vector<1x1x128xf32> to vector<1x128xf32>
      %mul3A_606 = arith.constant 91 : i32
      %mul3A_607 = arith.muli %select_n3A_600, %mul3A_606 : i32
      %add3A_608 = vector.broadcast %mul3A_607 : i32 to vector<1x128xi32>
      %add3A_609 = arith.addi %add3A_608, %iota3A : vector<1x128xi32>
      %convert_element_type3A_610 = arith.sitofp %add3A_609 : vector<1x128xi32> to vector<1x128xf32>
      %lt3A_611 = vector.broadcast %squeeze3A_574 : vector<1x1xf32> to vector<1x128xf32>
      %lt3A_612 = arith.cmpf olt, %get3A_605, %lt3A_611 : vector<1x128xf32>
      %eq3A_613 = vector.broadcast %squeeze3A_574 : vector<1x1xf32> to vector<1x128xf32>
      %eq3A_614 = arith.cmpf oeq, %get3A_605, %eq3A_613 : vector<1x128xf32>
      %gt3A_615 = vector.broadcast %squeeze3A_572 : vector<1x1xf32> to vector<1x128xf32>
      %gt3A_616 = arith.cmpf ogt, %convert_element_type3A_610, %gt3A_615 : vector<1x128xf32>
      %and3A_617 = arith.andi %eq3A_614, %gt3A_616 : vector<1x128xi1>
      %or3A_618 = arith.ori %lt3A_612, %and3A_617 : vector<1x128xi1>
      %jit3A_619 = arith.constant -2.000000e+00 : f32
      %broadcast_in_dim3A_620 = vector.broadcast %jit3A_619 : f32 to vector<1x128xf32>
      %select_n3A_621 = arith.select %or3A_618, %get3A_605, %broadcast_in_dim3A_620 : vector<1x128xi1>, vector<1x128xf32>
      %reduce_max3A_622 = vector.shape_cast %select_n3A_621 : vector<1x128xf32> to vector<1x1x128xf32>
      %reduce_max3A_623 = arith.constant dense<0xFF800000> : vector<1xf32>
      %reduce_max3A_624 = vector.multi_reduction <maximumf>, %reduce_max3A_622, %reduce_max3A_623 [1, 2] : vector<1x1x128xf32> to vector<1xf32>
      %reduce_max3A_625 = vector.shape_cast %reduce_max3A_624 : vector<1xf32> to vector<1x1x1xf32>
      %reduce_max3A_626 = vector.extract %reduce_max3A_625[0, 0, 0] : f32 from vector<1x1x1xf32>
      %broadcast_in_dim3A_627 = vector.broadcast %reduce_max3A_626 : f32 to vector<1x1xf32>
      %eq3A_628 = vector.broadcast %broadcast_in_dim3A_627 : vector<1x1xf32> to vector<1x128xf32>
      %eq3A_629 = arith.cmpf oeq, %select_n3A_621, %eq3A_628 : vector<1x128xf32>
      %jit3A_630 = arith.constant 1.000000e+09 : f32
      %broadcast_in_dim3A_631 = vector.broadcast %jit3A_630 : f32 to vector<1x128xf32>
      %select_n3A_632 = arith.select %eq3A_629, %convert_element_type3A_610, %broadcast_in_dim3A_631 : vector<1x128xi1>, vector<1x128xf32>
      %reduce_min3A_633 = vector.shape_cast %select_n3A_632 : vector<1x128xf32> to vector<1x1x128xf32>
      %reduce_min3A_634 = arith.constant dense<0x7F800000> : vector<1xf32>
      %reduce_min3A_635 = vector.multi_reduction <minimumf>, %reduce_min3A_633, %reduce_min3A_634 [1, 2] : vector<1x1x128xf32> to vector<1xf32>
      %reduce_min3A_636 = vector.shape_cast %reduce_min3A_635 : vector<1xf32> to vector<1x1x1xf32>
      %reduce_min3A_637 = vector.extract %reduce_min3A_636[0, 0, 0] : f32 from vector<1x1x1xf32>
      %broadcast_in_dim3A_638 = vector.broadcast %reduce_min3A_637 : f32 to vector<1x1xf32>
      %slice3A_639 = vector.extract_strided_slice %get3A_94 {offsets = [5, 0, 0], sizes = [1, 8, 128], strides = [1, 1, 1]} : vector<16x8x128xf32> to vector<1x8x128xf32>
      %squeeze3A_640 = vector.shape_cast %slice3A_639 : vector<1x8x128xf32> to vector<8x128xf32>
      %eq3A_641 = vector.broadcast %squeeze3A_574 : vector<1x1xf32> to vector<8x128xf32>
      %eq3A_642 = arith.cmpf oeq, %squeeze3A_640, %eq3A_641 : vector<8x128xf32>
      %slice3A_643 = vector.extract_strided_slice %get3A_98 {offsets = [5, 0, 0], sizes = [1, 8, 128], strides = [1, 1, 1]} : vector<16x8x128xf32> to vector<1x8x128xf32>
      %squeeze3A_644 = vector.shape_cast %slice3A_643 : vector<1x8x128xf32> to vector<8x128xf32>
      %eq3A_645 = vector.broadcast %squeeze3A_572 : vector<1x1xf32> to vector<8x128xf32>
      %eq3A_646 = arith.cmpf oeq, %squeeze3A_644, %eq3A_645 : vector<8x128xf32>
      %and3A_647 = arith.andi %eq3A_642, %eq3A_646 : vector<8x128xi1>
      %slice3A_648 = vector.extract_strided_slice %get3A_94 {offsets = [5, 0, 0], sizes = [1, 8, 128], strides = [1, 1, 1]} : vector<16x8x128xf32> to vector<1x8x128xf32>
      %squeeze3A_649 = vector.shape_cast %slice3A_648 : vector<1x8x128xf32> to vector<8x128xf32>
      %broadcast_in_dim3A_650 = vector.shape_cast %broadcast_in_dim3A_627 : vector<1x1xf32> to vector<1x1xf32>
      %broadcast_in_dim3A_651 = vector.broadcast %broadcast_in_dim3A_650 : vector<1x1xf32> to vector<8x128xf32>
      %select_n3A_652 = arith.select %and3A_647, %broadcast_in_dim3A_651, %squeeze3A_649 : vector<8x128xi1>, vector<8x128xf32>
      %broadcast_in_dim3A_653 = vector.shape_cast %select_n3A_652 : vector<8x128xf32> to vector<1x8x128xf32>
      %slice3A_654 = vector.extract_strided_slice %get3A_98 {offsets = [5, 0, 0], sizes = [1, 8, 128], strides = [1, 1, 1]} : vector<16x8x128xf32> to vector<1x8x128xf32>
      %squeeze3A_655 = vector.shape_cast %slice3A_654 : vector<1x8x128xf32> to vector<8x128xf32>
      %broadcast_in_dim3A_656 = vector.shape_cast %broadcast_in_dim3A_638 : vector<1x1xf32> to vector<1x1xf32>
      %broadcast_in_dim3A_657 = vector.broadcast %broadcast_in_dim3A_656 : vector<1x1xf32> to vector<8x128xf32>
      %select_n3A_658 = arith.select %and3A_647, %broadcast_in_dim3A_657, %squeeze3A_655 : vector<8x128xi1>, vector<8x128xf32>
      %broadcast_in_dim3A_659 = vector.shape_cast %select_n3A_658 : vector<8x128xf32> to vector<1x8x128xf32>
      %slice3A_660 = vector.extract_strided_slice %broadcast_in_dim3A_107 {offsets = [6, 0, 0], sizes = [1, 1, 1], strides = [1, 1, 1]} : vector<16x1x1xf32> to vector<1x1x1xf32>
      %squeeze3A_661 = vector.shape_cast %slice3A_660 : vector<1x1x1xf32> to vector<1x1xf32>
      %slice3A_662 = vector.extract_strided_slice %broadcast_in_dim3A_100 {offsets = [6, 0, 0], sizes = [1, 1, 1], strides = [1, 1, 1]} : vector<16x1x1xf32> to vector<1x1x1xf32>
      %squeeze3A_663 = vector.shape_cast %slice3A_662 : vector<1x1x1xf32> to vector<1x1xf32>
      %squeeze3A_664 = vector.extract %squeeze3A_661[0, 0] : f32 from vector<1x1xf32>
      %convert_element_type3A_665 = arith.fptosi %squeeze3A_664 : f32 to i32
      %jit3A_666 = arith.constant 91 : i32
      %div3A_667 = arith.divsi %convert_element_type3A_665, %jit3A_666 : i32
      %sign3A_668 = arith.constant 0 : i32
      %sign3A_669 = arith.cmpi sgt, %convert_element_type3A_665, %sign3A_668 : i32
      %sign3A_670 = arith.extui %sign3A_669 : i1 to i32
      %sign3A_671 = arith.constant 0 : i32
      %sign3A_672 = arith.cmpi slt, %convert_element_type3A_665, %sign3A_671 : i32
      %sign3A_673 = arith.extui %sign3A_672 : i1 to i32
      %sign3A_674 = arith.subi %sign3A_670, %sign3A_673 : i32
      %sign3A_675 = arith.constant 0 : i32
      %sign3A_676 = arith.cmpi sgt, %jit3A_666, %sign3A_675 : i32
      %sign3A_677 = arith.extui %sign3A_676 : i1 to i32
      %sign3A_678 = arith.constant 0 : i32
      %sign3A_679 = arith.cmpi slt, %jit3A_666, %sign3A_678 : i32
      %sign3A_680 = arith.extui %sign3A_679 : i1 to i32
      %sign3A_681 = arith.subi %sign3A_677, %sign3A_680 : i32
      %ne3A_682 = arith.cmpi ne, %sign3A_674, %sign3A_681 : i32
      %rem3A_683 = arith.remsi %convert_element_type3A_665, %jit3A_666 : i32
      %ne3A_684 = arith.constant 0 : i32
      %ne3A_685 = arith.cmpi ne, %rem3A_683, %ne3A_684 : i32
      %and3A_686 = arith.andi %ne3A_682, %ne3A_685 : i1
      %sub3A_687 = arith.constant 1 : i32
      %sub3A_688 = arith.subi %div3A_667, %sub3A_687 : i32
      %select_n3A_689 = arith.select %and3A_686, %sub3A_688, %div3A_667 : i32
      %get3A_690 = arith.constant 6 : index
      %get3A_691 = arith.index_cast %select_n3A_689 : i32 to index
      %get3A_692 = arith.constant 0 : index
      %get3A_693 = vector.load %arg0[%get3A_690, %get3A_691, %get3A_692] : memref<16x1024x128xf32, #tpu.memory_space<vmem>>, vector<1x1x128xf32>
      %get3A_694 = vector.shape_cast %get3A_693 : vector<1x1x128xf32> to vector<1x128xf32>
      %mul3A_695 = arith.constant 91 : i32
      %mul3A_696 = arith.muli %select_n3A_689, %mul3A_695 : i32
      %add3A_697 = vector.broadcast %mul3A_696 : i32 to vector<1x128xi32>
      %add3A_698 = arith.addi %add3A_697, %iota3A : vector<1x128xi32>
      %convert_element_type3A_699 = arith.sitofp %add3A_698 : vector<1x128xi32> to vector<1x128xf32>
      %lt3A_700 = vector.broadcast %squeeze3A_663 : vector<1x1xf32> to vector<1x128xf32>
      %lt3A_701 = arith.cmpf olt, %get3A_694, %lt3A_700 : vector<1x128xf32>
      %eq3A_702 = vector.broadcast %squeeze3A_663 : vector<1x1xf32> to vector<1x128xf32>
      %eq3A_703 = arith.cmpf oeq, %get3A_694, %eq3A_702 : vector<1x128xf32>
      %gt3A_704 = vector.broadcast %squeeze3A_661 : vector<1x1xf32> to vector<1x128xf32>
      %gt3A_705 = arith.cmpf ogt, %convert_element_type3A_699, %gt3A_704 : vector<1x128xf32>
      %and3A_706 = arith.andi %eq3A_703, %gt3A_705 : vector<1x128xi1>
      %or3A_707 = arith.ori %lt3A_701, %and3A_706 : vector<1x128xi1>
      %jit3A_708 = arith.constant -2.000000e+00 : f32
      %broadcast_in_dim3A_709 = vector.broadcast %jit3A_708 : f32 to vector<1x128xf32>
      %select_n3A_710 = arith.select %or3A_707, %get3A_694, %broadcast_in_dim3A_709 : vector<1x128xi1>, vector<1x128xf32>
      %reduce_max3A_711 = vector.shape_cast %select_n3A_710 : vector<1x128xf32> to vector<1x1x128xf32>
      %reduce_max3A_712 = arith.constant dense<0xFF800000> : vector<1xf32>
      %reduce_max3A_713 = vector.multi_reduction <maximumf>, %reduce_max3A_711, %reduce_max3A_712 [1, 2] : vector<1x1x128xf32> to vector<1xf32>
      %reduce_max3A_714 = vector.shape_cast %reduce_max3A_713 : vector<1xf32> to vector<1x1x1xf32>
      %reduce_max3A_715 = vector.extract %reduce_max3A_714[0, 0, 0] : f32 from vector<1x1x1xf32>
      %broadcast_in_dim3A_716 = vector.broadcast %reduce_max3A_715 : f32 to vector<1x1xf32>
      %eq3A_717 = vector.broadcast %broadcast_in_dim3A_716 : vector<1x1xf32> to vector<1x128xf32>
      %eq3A_718 = arith.cmpf oeq, %select_n3A_710, %eq3A_717 : vector<1x128xf32>
      %jit3A_719 = arith.constant 1.000000e+09 : f32
      %broadcast_in_dim3A_720 = vector.broadcast %jit3A_719 : f32 to vector<1x128xf32>
      %select_n3A_721 = arith.select %eq3A_718, %convert_element_type3A_699, %broadcast_in_dim3A_720 : vector<1x128xi1>, vector<1x128xf32>
      %reduce_min3A_722 = vector.shape_cast %select_n3A_721 : vector<1x128xf32> to vector<1x1x128xf32>
      %reduce_min3A_723 = arith.constant dense<0x7F800000> : vector<1xf32>
      %reduce_min3A_724 = vector.multi_reduction <minimumf>, %reduce_min3A_722, %reduce_min3A_723 [1, 2] : vector<1x1x128xf32> to vector<1xf32>
      %reduce_min3A_725 = vector.shape_cast %reduce_min3A_724 : vector<1xf32> to vector<1x1x1xf32>
      %reduce_min3A_726 = vector.extract %reduce_min3A_725[0, 0, 0] : f32 from vector<1x1x1xf32>
      %broadcast_in_dim3A_727 = vector.broadcast %reduce_min3A_726 : f32 to vector<1x1xf32>
      %slice3A_728 = vector.extract_strided_slice %get3A_94 {offsets = [6, 0, 0], sizes = [1, 8, 128], strides = [1, 1, 1]} : vector<16x8x128xf32> to vector<1x8x128xf32>
      %squeeze3A_729 = vector.shape_cast %slice3A_728 : vector<1x8x128xf32> to vector<8x128xf32>
      %eq3A_730 = vector.broadcast %squeeze3A_663 : vector<1x1xf32> to vector<8x128xf32>
      %eq3A_731 = arith.cmpf oeq, %squeeze3A_729, %eq3A_730 : vector<8x128xf32>
      %slice3A_732 = vector.extract_strided_slice %get3A_98 {offsets = [6, 0, 0], sizes = [1, 8, 128], strides = [1, 1, 1]} : vector<16x8x128xf32> to vector<1x8x128xf32>
      %squeeze3A_733 = vector.shape_cast %slice3A_732 : vector<1x8x128xf32> to vector<8x128xf32>
      %eq3A_734 = vector.broadcast %squeeze3A_661 : vector<1x1xf32> to vector<8x128xf32>
      %eq3A_735 = arith.cmpf oeq, %squeeze3A_733, %eq3A_734 : vector<8x128xf32>
      %and3A_736 = arith.andi %eq3A_731, %eq3A_735 : vector<8x128xi1>
      %slice3A_737 = vector.extract_strided_slice %get3A_94 {offsets = [6, 0, 0], sizes = [1, 8, 128], strides = [1, 1, 1]} : vector<16x8x128xf32> to vector<1x8x128xf32>
      %squeeze3A_738 = vector.shape_cast %slice3A_737 : vector<1x8x128xf32> to vector<8x128xf32>
      %broadcast_in_dim3A_739 = vector.shape_cast %broadcast_in_dim3A_716 : vector<1x1xf32> to vector<1x1xf32>
      %broadcast_in_dim3A_740 = vector.broadcast %broadcast_in_dim3A_739 : vector<1x1xf32> to vector<8x128xf32>
      %select_n3A_741 = arith.select %and3A_736, %broadcast_in_dim3A_740, %squeeze3A_738 : vector<8x128xi1>, vector<8x128xf32>
      %broadcast_in_dim3A_742 = vector.shape_cast %select_n3A_741 : vector<8x128xf32> to vector<1x8x128xf32>
      %slice3A_743 = vector.extract_strided_slice %get3A_98 {offsets = [6, 0, 0], sizes = [1, 8, 128], strides = [1, 1, 1]} : vector<16x8x128xf32> to vector<1x8x128xf32>
      %squeeze3A_744 = vector.shape_cast %slice3A_743 : vector<1x8x128xf32> to vector<8x128xf32>
      %broadcast_in_dim3A_745 = vector.shape_cast %broadcast_in_dim3A_727 : vector<1x1xf32> to vector<1x1xf32>
      %broadcast_in_dim3A_746 = vector.broadcast %broadcast_in_dim3A_745 : vector<1x1xf32> to vector<8x128xf32>
      %select_n3A_747 = arith.select %and3A_736, %broadcast_in_dim3A_746, %squeeze3A_744 : vector<8x128xi1>, vector<8x128xf32>
      %broadcast_in_dim3A_748 = vector.shape_cast %select_n3A_747 : vector<8x128xf32> to vector<1x8x128xf32>
      %slice3A_749 = vector.extract_strided_slice %broadcast_in_dim3A_107 {offsets = [7, 0, 0], sizes = [1, 1, 1], strides = [1, 1, 1]} : vector<16x1x1xf32> to vector<1x1x1xf32>
      %squeeze3A_750 = vector.shape_cast %slice3A_749 : vector<1x1x1xf32> to vector<1x1xf32>
      %slice3A_751 = vector.extract_strided_slice %broadcast_in_dim3A_100 {offsets = [7, 0, 0], sizes = [1, 1, 1], strides = [1, 1, 1]} : vector<16x1x1xf32> to vector<1x1x1xf32>
      %squeeze3A_752 = vector.shape_cast %slice3A_751 : vector<1x1x1xf32> to vector<1x1xf32>
      %squeeze3A_753 = vector.extract %squeeze3A_750[0, 0] : f32 from vector<1x1xf32>
      %convert_element_type3A_754 = arith.fptosi %squeeze3A_753 : f32 to i32
      %jit3A_755 = arith.constant 91 : i32
      %div3A_756 = arith.divsi %convert_element_type3A_754, %jit3A_755 : i32
      %sign3A_757 = arith.constant 0 : i32
      %sign3A_758 = arith.cmpi sgt, %convert_element_type3A_754, %sign3A_757 : i32
      %sign3A_759 = arith.extui %sign3A_758 : i1 to i32
      %sign3A_760 = arith.constant 0 : i32
      %sign3A_761 = arith.cmpi slt, %convert_element_type3A_754, %sign3A_760 : i32
      %sign3A_762 = arith.extui %sign3A_761 : i1 to i32
      %sign3A_763 = arith.subi %sign3A_759, %sign3A_762 : i32
      %sign3A_764 = arith.constant 0 : i32
      %sign3A_765 = arith.cmpi sgt, %jit3A_755, %sign3A_764 : i32
      %sign3A_766 = arith.extui %sign3A_765 : i1 to i32
      %sign3A_767 = arith.constant 0 : i32
      %sign3A_768 = arith.cmpi slt, %jit3A_755, %sign3A_767 : i32
      %sign3A_769 = arith.extui %sign3A_768 : i1 to i32
      %sign3A_770 = arith.subi %sign3A_766, %sign3A_769 : i32
      %ne3A_771 = arith.cmpi ne, %sign3A_763, %sign3A_770 : i32
      %rem3A_772 = arith.remsi %convert_element_type3A_754, %jit3A_755 : i32
      %ne3A_773 = arith.constant 0 : i32
      %ne3A_774 = arith.cmpi ne, %rem3A_772, %ne3A_773 : i32
      %and3A_775 = arith.andi %ne3A_771, %ne3A_774 : i1
      %sub3A_776 = arith.constant 1 : i32
      %sub3A_777 = arith.subi %div3A_756, %sub3A_776 : i32
      %select_n3A_778 = arith.select %and3A_775, %sub3A_777, %div3A_756 : i32
      %get3A_779 = arith.constant 7 : index
      %get3A_780 = arith.index_cast %select_n3A_778 : i32 to index
      %get3A_781 = arith.constant 0 : index
      %get3A_782 = vector.load %arg0[%get3A_779, %get3A_780, %get3A_781] : memref<16x1024x128xf32, #tpu.memory_space<vmem>>, vector<1x1x128xf32>
      %get3A_783 = vector.shape_cast %get3A_782 : vector<1x1x128xf32> to vector<1x128xf32>
      %mul3A_784 = arith.constant 91 : i32
      %mul3A_785 = arith.muli %select_n3A_778, %mul3A_784 : i32
      %add3A_786 = vector.broadcast %mul3A_785 : i32 to vector<1x128xi32>
      %add3A_787 = arith.addi %add3A_786, %iota3A : vector<1x128xi32>
      %convert_element_type3A_788 = arith.sitofp %add3A_787 : vector<1x128xi32> to vector<1x128xf32>
      %lt3A_789 = vector.broadcast %squeeze3A_752 : vector<1x1xf32> to vector<1x128xf32>
      %lt3A_790 = arith.cmpf olt, %get3A_783, %lt3A_789 : vector<1x128xf32>
      %eq3A_791 = vector.broadcast %squeeze3A_752 : vector<1x1xf32> to vector<1x128xf32>
      %eq3A_792 = arith.cmpf oeq, %get3A_783, %eq3A_791 : vector<1x128xf32>
      %gt3A_793 = vector.broadcast %squeeze3A_750 : vector<1x1xf32> to vector<1x128xf32>
      %gt3A_794 = arith.cmpf ogt, %convert_element_type3A_788, %gt3A_793 : vector<1x128xf32>
      %and3A_795 = arith.andi %eq3A_792, %gt3A_794 : vector<1x128xi1>
      %or3A_796 = arith.ori %lt3A_790, %and3A_795 : vector<1x128xi1>
      %jit3A_797 = arith.constant -2.000000e+00 : f32
      %broadcast_in_dim3A_798 = vector.broadcast %jit3A_797 : f32 to vector<1x128xf32>
      %select_n3A_799 = arith.select %or3A_796, %get3A_783, %broadcast_in_dim3A_798 : vector<1x128xi1>, vector<1x128xf32>
      %reduce_max3A_800 = vector.shape_cast %select_n3A_799 : vector<1x128xf32> to vector<1x1x128xf32>
      %reduce_max3A_801 = arith.constant dense<0xFF800000> : vector<1xf32>
      %reduce_max3A_802 = vector.multi_reduction <maximumf>, %reduce_max3A_800, %reduce_max3A_801 [1, 2] : vector<1x1x128xf32> to vector<1xf32>
      %reduce_max3A_803 = vector.shape_cast %reduce_max3A_802 : vector<1xf32> to vector<1x1x1xf32>
      %reduce_max3A_804 = vector.extract %reduce_max3A_803[0, 0, 0] : f32 from vector<1x1x1xf32>
      %broadcast_in_dim3A_805 = vector.broadcast %reduce_max3A_804 : f32 to vector<1x1xf32>
      %eq3A_806 = vector.broadcast %broadcast_in_dim3A_805 : vector<1x1xf32> to vector<1x128xf32>
      %eq3A_807 = arith.cmpf oeq, %select_n3A_799, %eq3A_806 : vector<1x128xf32>
      %jit3A_808 = arith.constant 1.000000e+09 : f32
      %broadcast_in_dim3A_809 = vector.broadcast %jit3A_808 : f32 to vector<1x128xf32>
      %select_n3A_810 = arith.select %eq3A_807, %convert_element_type3A_788, %broadcast_in_dim3A_809 : vector<1x128xi1>, vector<1x128xf32>
      %reduce_min3A_811 = vector.shape_cast %select_n3A_810 : vector<1x128xf32> to vector<1x1x128xf32>
      %reduce_min3A_812 = arith.constant dense<0x7F800000> : vector<1xf32>
      %reduce_min3A_813 = vector.multi_reduction <minimumf>, %reduce_min3A_811, %reduce_min3A_812 [1, 2] : vector<1x1x128xf32> to vector<1xf32>
      %reduce_min3A_814 = vector.shape_cast %reduce_min3A_813 : vector<1xf32> to vector<1x1x1xf32>
      %reduce_min3A_815 = vector.extract %reduce_min3A_814[0, 0, 0] : f32 from vector<1x1x1xf32>
      %broadcast_in_dim3A_816 = vector.broadcast %reduce_min3A_815 : f32 to vector<1x1xf32>
      %slice3A_817 = vector.extract_strided_slice %get3A_94 {offsets = [7, 0, 0], sizes = [1, 8, 128], strides = [1, 1, 1]} : vector<16x8x128xf32> to vector<1x8x128xf32>
      %squeeze3A_818 = vector.shape_cast %slice3A_817 : vector<1x8x128xf32> to vector<8x128xf32>
      %eq3A_819 = vector.broadcast %squeeze3A_752 : vector<1x1xf32> to vector<8x128xf32>
      %eq3A_820 = arith.cmpf oeq, %squeeze3A_818, %eq3A_819 : vector<8x128xf32>
      %slice3A_821 = vector.extract_strided_slice %get3A_98 {offsets = [7, 0, 0], sizes = [1, 8, 128], strides = [1, 1, 1]} : vector<16x8x128xf32> to vector<1x8x128xf32>
      %squeeze3A_822 = vector.shape_cast %slice3A_821 : vector<1x8x128xf32> to vector<8x128xf32>
      %eq3A_823 = vector.broadcast %squeeze3A_750 : vector<1x1xf32> to vector<8x128xf32>
      %eq3A_824 = arith.cmpf oeq, %squeeze3A_822, %eq3A_823 : vector<8x128xf32>
      %and3A_825 = arith.andi %eq3A_820, %eq3A_824 : vector<8x128xi1>
      %slice3A_826 = vector.extract_strided_slice %get3A_94 {offsets = [7, 0, 0], sizes = [1, 8, 128], strides = [1, 1, 1]} : vector<16x8x128xf32> to vector<1x8x128xf32>
      %squeeze3A_827 = vector.shape_cast %slice3A_826 : vector<1x8x128xf32> to vector<8x128xf32>
      %broadcast_in_dim3A_828 = vector.shape_cast %broadcast_in_dim3A_805 : vector<1x1xf32> to vector<1x1xf32>
      %broadcast_in_dim3A_829 = vector.broadcast %broadcast_in_dim3A_828 : vector<1x1xf32> to vector<8x128xf32>
      %select_n3A_830 = arith.select %and3A_825, %broadcast_in_dim3A_829, %squeeze3A_827 : vector<8x128xi1>, vector<8x128xf32>
      %broadcast_in_dim3A_831 = vector.shape_cast %select_n3A_830 : vector<8x128xf32> to vector<1x8x128xf32>
      %slice3A_832 = vector.extract_strided_slice %get3A_98 {offsets = [7, 0, 0], sizes = [1, 8, 128], strides = [1, 1, 1]} : vector<16x8x128xf32> to vector<1x8x128xf32>
      %squeeze3A_833 = vector.shape_cast %slice3A_832 : vector<1x8x128xf32> to vector<8x128xf32>
      %broadcast_in_dim3A_834 = vector.shape_cast %broadcast_in_dim3A_816 : vector<1x1xf32> to vector<1x1xf32>
      %broadcast_in_dim3A_835 = vector.broadcast %broadcast_in_dim3A_834 : vector<1x1xf32> to vector<8x128xf32>
      %select_n3A_836 = arith.select %and3A_825, %broadcast_in_dim3A_835, %squeeze3A_833 : vector<8x128xi1>, vector<8x128xf32>
      %broadcast_in_dim3A_837 = vector.shape_cast %select_n3A_836 : vector<8x128xf32> to vector<1x8x128xf32>
      %slice3A_838 = vector.extract_strided_slice %broadcast_in_dim3A_107 {offsets = [8, 0, 0], sizes = [1, 1, 1], strides = [1, 1, 1]} : vector<16x1x1xf32> to vector<1x1x1xf32>
      %squeeze3A_839 = vector.shape_cast %slice3A_838 : vector<1x1x1xf32> to vector<1x1xf32>
      %slice3A_840 = vector.extract_strided_slice %broadcast_in_dim3A_100 {offsets = [8, 0, 0], sizes = [1, 1, 1], strides = [1, 1, 1]} : vector<16x1x1xf32> to vector<1x1x1xf32>
      %squeeze3A_841 = vector.shape_cast %slice3A_840 : vector<1x1x1xf32> to vector<1x1xf32>
      %squeeze3A_842 = vector.extract %squeeze3A_839[0, 0] : f32 from vector<1x1xf32>
      %convert_element_type3A_843 = arith.fptosi %squeeze3A_842 : f32 to i32
      %jit3A_844 = arith.constant 91 : i32
      %div3A_845 = arith.divsi %convert_element_type3A_843, %jit3A_844 : i32
      %sign3A_846 = arith.constant 0 : i32
      %sign3A_847 = arith.cmpi sgt, %convert_element_type3A_843, %sign3A_846 : i32
      %sign3A_848 = arith.extui %sign3A_847 : i1 to i32
      %sign3A_849 = arith.constant 0 : i32
      %sign3A_850 = arith.cmpi slt, %convert_element_type3A_843, %sign3A_849 : i32
      %sign3A_851 = arith.extui %sign3A_850 : i1 to i32
      %sign3A_852 = arith.subi %sign3A_848, %sign3A_851 : i32
      %sign3A_853 = arith.constant 0 : i32
      %sign3A_854 = arith.cmpi sgt, %jit3A_844, %sign3A_853 : i32
      %sign3A_855 = arith.extui %sign3A_854 : i1 to i32
      %sign3A_856 = arith.constant 0 : i32
      %sign3A_857 = arith.cmpi slt, %jit3A_844, %sign3A_856 : i32
      %sign3A_858 = arith.extui %sign3A_857 : i1 to i32
      %sign3A_859 = arith.subi %sign3A_855, %sign3A_858 : i32
      %ne3A_860 = arith.cmpi ne, %sign3A_852, %sign3A_859 : i32
      %rem3A_861 = arith.remsi %convert_element_type3A_843, %jit3A_844 : i32
      %ne3A_862 = arith.constant 0 : i32
      %ne3A_863 = arith.cmpi ne, %rem3A_861, %ne3A_862 : i32
      %and3A_864 = arith.andi %ne3A_860, %ne3A_863 : i1
      %sub3A_865 = arith.constant 1 : i32
      %sub3A_866 = arith.subi %div3A_845, %sub3A_865 : i32
      %select_n3A_867 = arith.select %and3A_864, %sub3A_866, %div3A_845 : i32
      %get3A_868 = arith.constant 8 : index
      %get3A_869 = arith.index_cast %select_n3A_867 : i32 to index
      %get3A_870 = arith.constant 0 : index
      %get3A_871 = vector.load %arg0[%get3A_868, %get3A_869, %get3A_870] : memref<16x1024x128xf32, #tpu.memory_space<vmem>>, vector<1x1x128xf32>
      %get3A_872 = vector.shape_cast %get3A_871 : vector<1x1x128xf32> to vector<1x128xf32>
      %mul3A_873 = arith.constant 91 : i32
      %mul3A_874 = arith.muli %select_n3A_867, %mul3A_873 : i32
      %add3A_875 = vector.broadcast %mul3A_874 : i32 to vector<1x128xi32>
      %add3A_876 = arith.addi %add3A_875, %iota3A : vector<1x128xi32>
      %convert_element_type3A_877 = arith.sitofp %add3A_876 : vector<1x128xi32> to vector<1x128xf32>
      %lt3A_878 = vector.broadcast %squeeze3A_841 : vector<1x1xf32> to vector<1x128xf32>
      %lt3A_879 = arith.cmpf olt, %get3A_872, %lt3A_878 : vector<1x128xf32>
      %eq3A_880 = vector.broadcast %squeeze3A_841 : vector<1x1xf32> to vector<1x128xf32>
      %eq3A_881 = arith.cmpf oeq, %get3A_872, %eq3A_880 : vector<1x128xf32>
      %gt3A_882 = vector.broadcast %squeeze3A_839 : vector<1x1xf32> to vector<1x128xf32>
      %gt3A_883 = arith.cmpf ogt, %convert_element_type3A_877, %gt3A_882 : vector<1x128xf32>
      %and3A_884 = arith.andi %eq3A_881, %gt3A_883 : vector<1x128xi1>
      %or3A_885 = arith.ori %lt3A_879, %and3A_884 : vector<1x128xi1>
      %jit3A_886 = arith.constant -2.000000e+00 : f32
      %broadcast_in_dim3A_887 = vector.broadcast %jit3A_886 : f32 to vector<1x128xf32>
      %select_n3A_888 = arith.select %or3A_885, %get3A_872, %broadcast_in_dim3A_887 : vector<1x128xi1>, vector<1x128xf32>
      %reduce_max3A_889 = vector.shape_cast %select_n3A_888 : vector<1x128xf32> to vector<1x1x128xf32>
      %reduce_max3A_890 = arith.constant dense<0xFF800000> : vector<1xf32>
      %reduce_max3A_891 = vector.multi_reduction <maximumf>, %reduce_max3A_889, %reduce_max3A_890 [1, 2] : vector<1x1x128xf32> to vector<1xf32>
      %reduce_max3A_892 = vector.shape_cast %reduce_max3A_891 : vector<1xf32> to vector<1x1x1xf32>
      %reduce_max3A_893 = vector.extract %reduce_max3A_892[0, 0, 0] : f32 from vector<1x1x1xf32>
      %broadcast_in_dim3A_894 = vector.broadcast %reduce_max3A_893 : f32 to vector<1x1xf32>
      %eq3A_895 = vector.broadcast %broadcast_in_dim3A_894 : vector<1x1xf32> to vector<1x128xf32>
      %eq3A_896 = arith.cmpf oeq, %select_n3A_888, %eq3A_895 : vector<1x128xf32>
      %jit3A_897 = arith.constant 1.000000e+09 : f32
      %broadcast_in_dim3A_898 = vector.broadcast %jit3A_897 : f32 to vector<1x128xf32>
      %select_n3A_899 = arith.select %eq3A_896, %convert_element_type3A_877, %broadcast_in_dim3A_898 : vector<1x128xi1>, vector<1x128xf32>
      %reduce_min3A_900 = vector.shape_cast %select_n3A_899 : vector<1x128xf32> to vector<1x1x128xf32>
      %reduce_min3A_901 = arith.constant dense<0x7F800000> : vector<1xf32>
      %reduce_min3A_902 = vector.multi_reduction <minimumf>, %reduce_min3A_900, %reduce_min3A_901 [1, 2] : vector<1x1x128xf32> to vector<1xf32>
      %reduce_min3A_903 = vector.shape_cast %reduce_min3A_902 : vector<1xf32> to vector<1x1x1xf32>
      %reduce_min3A_904 = vector.extract %reduce_min3A_903[0, 0, 0] : f32 from vector<1x1x1xf32>
      %broadcast_in_dim3A_905 = vector.broadcast %reduce_min3A_904 : f32 to vector<1x1xf32>
      %slice3A_906 = vector.extract_strided_slice %get3A_94 {offsets = [8, 0, 0], sizes = [1, 8, 128], strides = [1, 1, 1]} : vector<16x8x128xf32> to vector<1x8x128xf32>
      %squeeze3A_907 = vector.shape_cast %slice3A_906 : vector<1x8x128xf32> to vector<8x128xf32>
      %eq3A_908 = vector.broadcast %squeeze3A_841 : vector<1x1xf32> to vector<8x128xf32>
      %eq3A_909 = arith.cmpf oeq, %squeeze3A_907, %eq3A_908 : vector<8x128xf32>
      %slice3A_910 = vector.extract_strided_slice %get3A_98 {offsets = [8, 0, 0], sizes = [1, 8, 128], strides = [1, 1, 1]} : vector<16x8x128xf32> to vector<1x8x128xf32>
      %squeeze3A_911 = vector.shape_cast %slice3A_910 : vector<1x8x128xf32> to vector<8x128xf32>
      %eq3A_912 = vector.broadcast %squeeze3A_839 : vector<1x1xf32> to vector<8x128xf32>
      %eq3A_913 = arith.cmpf oeq, %squeeze3A_911, %eq3A_912 : vector<8x128xf32>
      %and3A_914 = arith.andi %eq3A_909, %eq3A_913 : vector<8x128xi1>
      %slice3A_915 = vector.extract_strided_slice %get3A_94 {offsets = [8, 0, 0], sizes = [1, 8, 128], strides = [1, 1, 1]} : vector<16x8x128xf32> to vector<1x8x128xf32>
      %squeeze3A_916 = vector.shape_cast %slice3A_915 : vector<1x8x128xf32> to vector<8x128xf32>
      %broadcast_in_dim3A_917 = vector.shape_cast %broadcast_in_dim3A_894 : vector<1x1xf32> to vector<1x1xf32>
      %broadcast_in_dim3A_918 = vector.broadcast %broadcast_in_dim3A_917 : vector<1x1xf32> to vector<8x128xf32>
      %select_n3A_919 = arith.select %and3A_914, %broadcast_in_dim3A_918, %squeeze3A_916 : vector<8x128xi1>, vector<8x128xf32>
      %broadcast_in_dim3A_920 = vector.shape_cast %select_n3A_919 : vector<8x128xf32> to vector<1x8x128xf32>
      %slice3A_921 = vector.extract_strided_slice %get3A_98 {offsets = [8, 0, 0], sizes = [1, 8, 128], strides = [1, 1, 1]} : vector<16x8x128xf32> to vector<1x8x128xf32>
      %squeeze3A_922 = vector.shape_cast %slice3A_921 : vector<1x8x128xf32> to vector<8x128xf32>
      %broadcast_in_dim3A_923 = vector.shape_cast %broadcast_in_dim3A_905 : vector<1x1xf32> to vector<1x1xf32>
      %broadcast_in_dim3A_924 = vector.broadcast %broadcast_in_dim3A_923 : vector<1x1xf32> to vector<8x128xf32>
      %select_n3A_925 = arith.select %and3A_914, %broadcast_in_dim3A_924, %squeeze3A_922 : vector<8x128xi1>, vector<8x128xf32>
      %broadcast_in_dim3A_926 = vector.shape_cast %select_n3A_925 : vector<8x128xf32> to vector<1x8x128xf32>
      %slice3A_927 = vector.extract_strided_slice %broadcast_in_dim3A_107 {offsets = [9, 0, 0], sizes = [1, 1, 1], strides = [1, 1, 1]} : vector<16x1x1xf32> to vector<1x1x1xf32>
      %squeeze3A_928 = vector.shape_cast %slice3A_927 : vector<1x1x1xf32> to vector<1x1xf32>
      %slice3A_929 = vector.extract_strided_slice %broadcast_in_dim3A_100 {offsets = [9, 0, 0], sizes = [1, 1, 1], strides = [1, 1, 1]} : vector<16x1x1xf32> to vector<1x1x1xf32>
      %squeeze3A_930 = vector.shape_cast %slice3A_929 : vector<1x1x1xf32> to vector<1x1xf32>
      %squeeze3A_931 = vector.extract %squeeze3A_928[0, 0] : f32 from vector<1x1xf32>
      %convert_element_type3A_932 = arith.fptosi %squeeze3A_931 : f32 to i32
      %jit3A_933 = arith.constant 91 : i32
      %div3A_934 = arith.divsi %convert_element_type3A_932, %jit3A_933 : i32
      %sign3A_935 = arith.constant 0 : i32
      %sign3A_936 = arith.cmpi sgt, %convert_element_type3A_932, %sign3A_935 : i32
      %sign3A_937 = arith.extui %sign3A_936 : i1 to i32
      %sign3A_938 = arith.constant 0 : i32
      %sign3A_939 = arith.cmpi slt, %convert_element_type3A_932, %sign3A_938 : i32
      %sign3A_940 = arith.extui %sign3A_939 : i1 to i32
      %sign3A_941 = arith.subi %sign3A_937, %sign3A_940 : i32
      %sign3A_942 = arith.constant 0 : i32
      %sign3A_943 = arith.cmpi sgt, %jit3A_933, %sign3A_942 : i32
      %sign3A_944 = arith.extui %sign3A_943 : i1 to i32
      %sign3A_945 = arith.constant 0 : i32
      %sign3A_946 = arith.cmpi slt, %jit3A_933, %sign3A_945 : i32
      %sign3A_947 = arith.extui %sign3A_946 : i1 to i32
      %sign3A_948 = arith.subi %sign3A_944, %sign3A_947 : i32
      %ne3A_949 = arith.cmpi ne, %sign3A_941, %sign3A_948 : i32
      %rem3A_950 = arith.remsi %convert_element_type3A_932, %jit3A_933 : i32
      %ne3A_951 = arith.constant 0 : i32
      %ne3A_952 = arith.cmpi ne, %rem3A_950, %ne3A_951 : i32
      %and3A_953 = arith.andi %ne3A_949, %ne3A_952 : i1
      %sub3A_954 = arith.constant 1 : i32
      %sub3A_955 = arith.subi %div3A_934, %sub3A_954 : i32
      %select_n3A_956 = arith.select %and3A_953, %sub3A_955, %div3A_934 : i32
      %get3A_957 = arith.constant 9 : index
      %get3A_958 = arith.index_cast %select_n3A_956 : i32 to index
      %get3A_959 = arith.constant 0 : index
      %get3A_960 = vector.load %arg0[%get3A_957, %get3A_958, %get3A_959] : memref<16x1024x128xf32, #tpu.memory_space<vmem>>, vector<1x1x128xf32>
      %get3A_961 = vector.shape_cast %get3A_960 : vector<1x1x128xf32> to vector<1x128xf32>
      %mul3A_962 = arith.constant 91 : i32
      %mul3A_963 = arith.muli %select_n3A_956, %mul3A_962 : i32
      %add3A_964 = vector.broadcast %mul3A_963 : i32 to vector<1x128xi32>
      %add3A_965 = arith.addi %add3A_964, %iota3A : vector<1x128xi32>
      %convert_element_type3A_966 = arith.sitofp %add3A_965 : vector<1x128xi32> to vector<1x128xf32>
      %lt3A_967 = vector.broadcast %squeeze3A_930 : vector<1x1xf32> to vector<1x128xf32>
      %lt3A_968 = arith.cmpf olt, %get3A_961, %lt3A_967 : vector<1x128xf32>
      %eq3A_969 = vector.broadcast %squeeze3A_930 : vector<1x1xf32> to vector<1x128xf32>
      %eq3A_970 = arith.cmpf oeq, %get3A_961, %eq3A_969 : vector<1x128xf32>
      %gt3A_971 = vector.broadcast %squeeze3A_928 : vector<1x1xf32> to vector<1x128xf32>
      %gt3A_972 = arith.cmpf ogt, %convert_element_type3A_966, %gt3A_971 : vector<1x128xf32>
      %and3A_973 = arith.andi %eq3A_970, %gt3A_972 : vector<1x128xi1>
      %or3A_974 = arith.ori %lt3A_968, %and3A_973 : vector<1x128xi1>
      %jit3A_975 = arith.constant -2.000000e+00 : f32
      %broadcast_in_dim3A_976 = vector.broadcast %jit3A_975 : f32 to vector<1x128xf32>
      %select_n3A_977 = arith.select %or3A_974, %get3A_961, %broadcast_in_dim3A_976 : vector<1x128xi1>, vector<1x128xf32>
      %reduce_max3A_978 = vector.shape_cast %select_n3A_977 : vector<1x128xf32> to vector<1x1x128xf32>
      %reduce_max3A_979 = arith.constant dense<0xFF800000> : vector<1xf32>
      %reduce_max3A_980 = vector.multi_reduction <maximumf>, %reduce_max3A_978, %reduce_max3A_979 [1, 2] : vector<1x1x128xf32> to vector<1xf32>
      %reduce_max3A_981 = vector.shape_cast %reduce_max3A_980 : vector<1xf32> to vector<1x1x1xf32>
      %reduce_max3A_982 = vector.extract %reduce_max3A_981[0, 0, 0] : f32 from vector<1x1x1xf32>
      %broadcast_in_dim3A_983 = vector.broadcast %reduce_max3A_982 : f32 to vector<1x1xf32>
      %eq3A_984 = vector.broadcast %broadcast_in_dim3A_983 : vector<1x1xf32> to vector<1x128xf32>
      %eq3A_985 = arith.cmpf oeq, %select_n3A_977, %eq3A_984 : vector<1x128xf32>
      %jit3A_986 = arith.constant 1.000000e+09 : f32
      %broadcast_in_dim3A_987 = vector.broadcast %jit3A_986 : f32 to vector<1x128xf32>
      %select_n3A_988 = arith.select %eq3A_985, %convert_element_type3A_966, %broadcast_in_dim3A_987 : vector<1x128xi1>, vector<1x128xf32>
      %reduce_min3A_989 = vector.shape_cast %select_n3A_988 : vector<1x128xf32> to vector<1x1x128xf32>
      %reduce_min3A_990 = arith.constant dense<0x7F800000> : vector<1xf32>
      %reduce_min3A_991 = vector.multi_reduction <minimumf>, %reduce_min3A_989, %reduce_min3A_990 [1, 2] : vector<1x1x128xf32> to vector<1xf32>
      %reduce_min3A_992 = vector.shape_cast %reduce_min3A_991 : vector<1xf32> to vector<1x1x1xf32>
      %reduce_min3A_993 = vector.extract %reduce_min3A_992[0, 0, 0] : f32 from vector<1x1x1xf32>
      %broadcast_in_dim3A_994 = vector.broadcast %reduce_min3A_993 : f32 to vector<1x1xf32>
      %slice3A_995 = vector.extract_strided_slice %get3A_94 {offsets = [9, 0, 0], sizes = [1, 8, 128], strides = [1, 1, 1]} : vector<16x8x128xf32> to vector<1x8x128xf32>
      %squeeze3A_996 = vector.shape_cast %slice3A_995 : vector<1x8x128xf32> to vector<8x128xf32>
      %eq3A_997 = vector.broadcast %squeeze3A_930 : vector<1x1xf32> to vector<8x128xf32>
      %eq3A_998 = arith.cmpf oeq, %squeeze3A_996, %eq3A_997 : vector<8x128xf32>
      %slice3A_999 = vector.extract_strided_slice %get3A_98 {offsets = [9, 0, 0], sizes = [1, 8, 128], strides = [1, 1, 1]} : vector<16x8x128xf32> to vector<1x8x128xf32>
      %squeeze3A_1000 = vector.shape_cast %slice3A_999 : vector<1x8x128xf32> to vector<8x128xf32>
      %eq3A_1001 = vector.broadcast %squeeze3A_928 : vector<1x1xf32> to vector<8x128xf32>
      %eq3A_1002 = arith.cmpf oeq, %squeeze3A_1000, %eq3A_1001 : vector<8x128xf32>
      %and3A_1003 = arith.andi %eq3A_998, %eq3A_1002 : vector<8x128xi1>
      %slice3A_1004 = vector.extract_strided_slice %get3A_94 {offsets = [9, 0, 0], sizes = [1, 8, 128], strides = [1, 1, 1]} : vector<16x8x128xf32> to vector<1x8x128xf32>
      %squeeze3A_1005 = vector.shape_cast %slice3A_1004 : vector<1x8x128xf32> to vector<8x128xf32>
      %broadcast_in_dim3A_1006 = vector.shape_cast %broadcast_in_dim3A_983 : vector<1x1xf32> to vector<1x1xf32>
      %broadcast_in_dim3A_1007 = vector.broadcast %broadcast_in_dim3A_1006 : vector<1x1xf32> to vector<8x128xf32>
      %select_n3A_1008 = arith.select %and3A_1003, %broadcast_in_dim3A_1007, %squeeze3A_1005 : vector<8x128xi1>, vector<8x128xf32>
      %broadcast_in_dim3A_1009 = vector.shape_cast %select_n3A_1008 : vector<8x128xf32> to vector<1x8x128xf32>
      %slice3A_1010 = vector.extract_strided_slice %get3A_98 {offsets = [9, 0, 0], sizes = [1, 8, 128], strides = [1, 1, 1]} : vector<16x8x128xf32> to vector<1x8x128xf32>
      %squeeze3A_1011 = vector.shape_cast %slice3A_1010 : vector<1x8x128xf32> to vector<8x128xf32>
      %broadcast_in_dim3A_1012 = vector.shape_cast %broadcast_in_dim3A_994 : vector<1x1xf32> to vector<1x1xf32>
      %broadcast_in_dim3A_1013 = vector.broadcast %broadcast_in_dim3A_1012 : vector<1x1xf32> to vector<8x128xf32>
      %select_n3A_1014 = arith.select %and3A_1003, %broadcast_in_dim3A_1013, %squeeze3A_1011 : vector<8x128xi1>, vector<8x128xf32>
      %broadcast_in_dim3A_1015 = vector.shape_cast %select_n3A_1014 : vector<8x128xf32> to vector<1x8x128xf32>
      %slice3A_1016 = vector.extract_strided_slice %broadcast_in_dim3A_107 {offsets = [10, 0, 0], sizes = [1, 1, 1], strides = [1, 1, 1]} : vector<16x1x1xf32> to vector<1x1x1xf32>
      %squeeze3A_1017 = vector.shape_cast %slice3A_1016 : vector<1x1x1xf32> to vector<1x1xf32>
      %slice3A_1018 = vector.extract_strided_slice %broadcast_in_dim3A_100 {offsets = [10, 0, 0], sizes = [1, 1, 1], strides = [1, 1, 1]} : vector<16x1x1xf32> to vector<1x1x1xf32>
      %squeeze3A_1019 = vector.shape_cast %slice3A_1018 : vector<1x1x1xf32> to vector<1x1xf32>
      %squeeze3A_1020 = vector.extract %squeeze3A_1017[0, 0] : f32 from vector<1x1xf32>
      %convert_element_type3A_1021 = arith.fptosi %squeeze3A_1020 : f32 to i32
      %jit3A_1022 = arith.constant 91 : i32
      %div3A_1023 = arith.divsi %convert_element_type3A_1021, %jit3A_1022 : i32
      %sign3A_1024 = arith.constant 0 : i32
      %sign3A_1025 = arith.cmpi sgt, %convert_element_type3A_1021, %sign3A_1024 : i32
      %sign3A_1026 = arith.extui %sign3A_1025 : i1 to i32
      %sign3A_1027 = arith.constant 0 : i32
      %sign3A_1028 = arith.cmpi slt, %convert_element_type3A_1021, %sign3A_1027 : i32
      %sign3A_1029 = arith.extui %sign3A_1028 : i1 to i32
      %sign3A_1030 = arith.subi %sign3A_1026, %sign3A_1029 : i32
      %sign3A_1031 = arith.constant 0 : i32
      %sign3A_1032 = arith.cmpi sgt, %jit3A_1022, %sign3A_1031 : i32
      %sign3A_1033 = arith.extui %sign3A_1032 : i1 to i32
      %sign3A_1034 = arith.constant 0 : i32
      %sign3A_1035 = arith.cmpi slt, %jit3A_1022, %sign3A_1034 : i32
      %sign3A_1036 = arith.extui %sign3A_1035 : i1 to i32
      %sign3A_1037 = arith.subi %sign3A_1033, %sign3A_1036 : i32
      %ne3A_1038 = arith.cmpi ne, %sign3A_1030, %sign3A_1037 : i32
      %rem3A_1039 = arith.remsi %convert_element_type3A_1021, %jit3A_1022 : i32
      %ne3A_1040 = arith.constant 0 : i32
      %ne3A_1041 = arith.cmpi ne, %rem3A_1039, %ne3A_1040 : i32
      %and3A_1042 = arith.andi %ne3A_1038, %ne3A_1041 : i1
      %sub3A_1043 = arith.constant 1 : i32
      %sub3A_1044 = arith.subi %div3A_1023, %sub3A_1043 : i32
      %select_n3A_1045 = arith.select %and3A_1042, %sub3A_1044, %div3A_1023 : i32
      %get3A_1046 = arith.constant 10 : index
      %get3A_1047 = arith.index_cast %select_n3A_1045 : i32 to index
      %get3A_1048 = arith.constant 0 : index
      %get3A_1049 = vector.load %arg0[%get3A_1046, %get3A_1047, %get3A_1048] : memref<16x1024x128xf32, #tpu.memory_space<vmem>>, vector<1x1x128xf32>
      %get3A_1050 = vector.shape_cast %get3A_1049 : vector<1x1x128xf32> to vector<1x128xf32>
      %mul3A_1051 = arith.constant 91 : i32
      %mul3A_1052 = arith.muli %select_n3A_1045, %mul3A_1051 : i32
      %add3A_1053 = vector.broadcast %mul3A_1052 : i32 to vector<1x128xi32>
      %add3A_1054 = arith.addi %add3A_1053, %iota3A : vector<1x128xi32>
      %convert_element_type3A_1055 = arith.sitofp %add3A_1054 : vector<1x128xi32> to vector<1x128xf32>
      %lt3A_1056 = vector.broadcast %squeeze3A_1019 : vector<1x1xf32> to vector<1x128xf32>
      %lt3A_1057 = arith.cmpf olt, %get3A_1050, %lt3A_1056 : vector<1x128xf32>
      %eq3A_1058 = vector.broadcast %squeeze3A_1019 : vector<1x1xf32> to vector<1x128xf32>
      %eq3A_1059 = arith.cmpf oeq, %get3A_1050, %eq3A_1058 : vector<1x128xf32>
      %gt3A_1060 = vector.broadcast %squeeze3A_1017 : vector<1x1xf32> to vector<1x128xf32>
      %gt3A_1061 = arith.cmpf ogt, %convert_element_type3A_1055, %gt3A_1060 : vector<1x128xf32>
      %and3A_1062 = arith.andi %eq3A_1059, %gt3A_1061 : vector<1x128xi1>
      %or3A_1063 = arith.ori %lt3A_1057, %and3A_1062 : vector<1x128xi1>
      %jit3A_1064 = arith.constant -2.000000e+00 : f32
      %broadcast_in_dim3A_1065 = vector.broadcast %jit3A_1064 : f32 to vector<1x128xf32>
      %select_n3A_1066 = arith.select %or3A_1063, %get3A_1050, %broadcast_in_dim3A_1065 : vector<1x128xi1>, vector<1x128xf32>
      %reduce_max3A_1067 = vector.shape_cast %select_n3A_1066 : vector<1x128xf32> to vector<1x1x128xf32>
      %reduce_max3A_1068 = arith.constant dense<0xFF800000> : vector<1xf32>
      %reduce_max3A_1069 = vector.multi_reduction <maximumf>, %reduce_max3A_1067, %reduce_max3A_1068 [1, 2] : vector<1x1x128xf32> to vector<1xf32>
      %reduce_max3A_1070 = vector.shape_cast %reduce_max3A_1069 : vector<1xf32> to vector<1x1x1xf32>
      %reduce_max3A_1071 = vector.extract %reduce_max3A_1070[0, 0, 0] : f32 from vector<1x1x1xf32>
      %broadcast_in_dim3A_1072 = vector.broadcast %reduce_max3A_1071 : f32 to vector<1x1xf32>
      %eq3A_1073 = vector.broadcast %broadcast_in_dim3A_1072 : vector<1x1xf32> to vector<1x128xf32>
      %eq3A_1074 = arith.cmpf oeq, %select_n3A_1066, %eq3A_1073 : vector<1x128xf32>
      %jit3A_1075 = arith.constant 1.000000e+09 : f32
      %broadcast_in_dim3A_1076 = vector.broadcast %jit3A_1075 : f32 to vector<1x128xf32>
      %select_n3A_1077 = arith.select %eq3A_1074, %convert_element_type3A_1055, %broadcast_in_dim3A_1076 : vector<1x128xi1>, vector<1x128xf32>
      %reduce_min3A_1078 = vector.shape_cast %select_n3A_1077 : vector<1x128xf32> to vector<1x1x128xf32>
      %reduce_min3A_1079 = arith.constant dense<0x7F800000> : vector<1xf32>
      %reduce_min3A_1080 = vector.multi_reduction <minimumf>, %reduce_min3A_1078, %reduce_min3A_1079 [1, 2] : vector<1x1x128xf32> to vector<1xf32>
      %reduce_min3A_1081 = vector.shape_cast %reduce_min3A_1080 : vector<1xf32> to vector<1x1x1xf32>
      %reduce_min3A_1082 = vector.extract %reduce_min3A_1081[0, 0, 0] : f32 from vector<1x1x1xf32>
      %broadcast_in_dim3A_1083 = vector.broadcast %reduce_min3A_1082 : f32 to vector<1x1xf32>
      %slice3A_1084 = vector.extract_strided_slice %get3A_94 {offsets = [10, 0, 0], sizes = [1, 8, 128], strides = [1, 1, 1]} : vector<16x8x128xf32> to vector<1x8x128xf32>
      %squeeze3A_1085 = vector.shape_cast %slice3A_1084 : vector<1x8x128xf32> to vector<8x128xf32>
      %eq3A_1086 = vector.broadcast %squeeze3A_1019 : vector<1x1xf32> to vector<8x128xf32>
      %eq3A_1087 = arith.cmpf oeq, %squeeze3A_1085, %eq3A_1086 : vector<8x128xf32>
      %slice3A_1088 = vector.extract_strided_slice %get3A_98 {offsets = [10, 0, 0], sizes = [1, 8, 128], strides = [1, 1, 1]} : vector<16x8x128xf32> to vector<1x8x128xf32>
      %squeeze3A_1089 = vector.shape_cast %slice3A_1088 : vector<1x8x128xf32> to vector<8x128xf32>
      %eq3A_1090 = vector.broadcast %squeeze3A_1017 : vector<1x1xf32> to vector<8x128xf32>
      %eq3A_1091 = arith.cmpf oeq, %squeeze3A_1089, %eq3A_1090 : vector<8x128xf32>
      %and3A_1092 = arith.andi %eq3A_1087, %eq3A_1091 : vector<8x128xi1>
      %slice3A_1093 = vector.extract_strided_slice %get3A_94 {offsets = [10, 0, 0], sizes = [1, 8, 128], strides = [1, 1, 1]} : vector<16x8x128xf32> to vector<1x8x128xf32>
      %squeeze3A_1094 = vector.shape_cast %slice3A_1093 : vector<1x8x128xf32> to vector<8x128xf32>
      %broadcast_in_dim3A_1095 = vector.shape_cast %broadcast_in_dim3A_1072 : vector<1x1xf32> to vector<1x1xf32>
      %broadcast_in_dim3A_1096 = vector.broadcast %broadcast_in_dim3A_1095 : vector<1x1xf32> to vector<8x128xf32>
      %select_n3A_1097 = arith.select %and3A_1092, %broadcast_in_dim3A_1096, %squeeze3A_1094 : vector<8x128xi1>, vector<8x128xf32>
      %broadcast_in_dim3A_1098 = vector.shape_cast %select_n3A_1097 : vector<8x128xf32> to vector<1x8x128xf32>
      %slice3A_1099 = vector.extract_strided_slice %get3A_98 {offsets = [10, 0, 0], sizes = [1, 8, 128], strides = [1, 1, 1]} : vector<16x8x128xf32> to vector<1x8x128xf32>
      %squeeze3A_1100 = vector.shape_cast %slice3A_1099 : vector<1x8x128xf32> to vector<8x128xf32>
      %broadcast_in_dim3A_1101 = vector.shape_cast %broadcast_in_dim3A_1083 : vector<1x1xf32> to vector<1x1xf32>
      %broadcast_in_dim3A_1102 = vector.broadcast %broadcast_in_dim3A_1101 : vector<1x1xf32> to vector<8x128xf32>
      %select_n3A_1103 = arith.select %and3A_1092, %broadcast_in_dim3A_1102, %squeeze3A_1100 : vector<8x128xi1>, vector<8x128xf32>
      %broadcast_in_dim3A_1104 = vector.shape_cast %select_n3A_1103 : vector<8x128xf32> to vector<1x8x128xf32>
      %slice3A_1105 = vector.extract_strided_slice %broadcast_in_dim3A_107 {offsets = [11, 0, 0], sizes = [1, 1, 1], strides = [1, 1, 1]} : vector<16x1x1xf32> to vector<1x1x1xf32>
      %squeeze3A_1106 = vector.shape_cast %slice3A_1105 : vector<1x1x1xf32> to vector<1x1xf32>
      %slice3A_1107 = vector.extract_strided_slice %broadcast_in_dim3A_100 {offsets = [11, 0, 0], sizes = [1, 1, 1], strides = [1, 1, 1]} : vector<16x1x1xf32> to vector<1x1x1xf32>
      %squeeze3A_1108 = vector.shape_cast %slice3A_1107 : vector<1x1x1xf32> to vector<1x1xf32>
      %squeeze3A_1109 = vector.extract %squeeze3A_1106[0, 0] : f32 from vector<1x1xf32>
      %convert_element_type3A_1110 = arith.fptosi %squeeze3A_1109 : f32 to i32
      %jit3A_1111 = arith.constant 91 : i32
      %div3A_1112 = arith.divsi %convert_element_type3A_1110, %jit3A_1111 : i32
      %sign3A_1113 = arith.constant 0 : i32
      %sign3A_1114 = arith.cmpi sgt, %convert_element_type3A_1110, %sign3A_1113 : i32
      %sign3A_1115 = arith.extui %sign3A_1114 : i1 to i32
      %sign3A_1116 = arith.constant 0 : i32
      %sign3A_1117 = arith.cmpi slt, %convert_element_type3A_1110, %sign3A_1116 : i32
      %sign3A_1118 = arith.extui %sign3A_1117 : i1 to i32
      %sign3A_1119 = arith.subi %sign3A_1115, %sign3A_1118 : i32
      %sign3A_1120 = arith.constant 0 : i32
      %sign3A_1121 = arith.cmpi sgt, %jit3A_1111, %sign3A_1120 : i32
      %sign3A_1122 = arith.extui %sign3A_1121 : i1 to i32
      %sign3A_1123 = arith.constant 0 : i32
      %sign3A_1124 = arith.cmpi slt, %jit3A_1111, %sign3A_1123 : i32
      %sign3A_1125 = arith.extui %sign3A_1124 : i1 to i32
      %sign3A_1126 = arith.subi %sign3A_1122, %sign3A_1125 : i32
      %ne3A_1127 = arith.cmpi ne, %sign3A_1119, %sign3A_1126 : i32
      %rem3A_1128 = arith.remsi %convert_element_type3A_1110, %jit3A_1111 : i32
      %ne3A_1129 = arith.constant 0 : i32
      %ne3A_1130 = arith.cmpi ne, %rem3A_1128, %ne3A_1129 : i32
      %and3A_1131 = arith.andi %ne3A_1127, %ne3A_1130 : i1
      %sub3A_1132 = arith.constant 1 : i32
      %sub3A_1133 = arith.subi %div3A_1112, %sub3A_1132 : i32
      %select_n3A_1134 = arith.select %and3A_1131, %sub3A_1133, %div3A_1112 : i32
      %get3A_1135 = arith.constant 11 : index
      %get3A_1136 = arith.index_cast %select_n3A_1134 : i32 to index
      %get3A_1137 = arith.constant 0 : index
      %get3A_1138 = vector.load %arg0[%get3A_1135, %get3A_1136, %get3A_1137] : memref<16x1024x128xf32, #tpu.memory_space<vmem>>, vector<1x1x128xf32>
      %get3A_1139 = vector.shape_cast %get3A_1138 : vector<1x1x128xf32> to vector<1x128xf32>
      %mul3A_1140 = arith.constant 91 : i32
      %mul3A_1141 = arith.muli %select_n3A_1134, %mul3A_1140 : i32
      %add3A_1142 = vector.broadcast %mul3A_1141 : i32 to vector<1x128xi32>
      %add3A_1143 = arith.addi %add3A_1142, %iota3A : vector<1x128xi32>
      %convert_element_type3A_1144 = arith.sitofp %add3A_1143 : vector<1x128xi32> to vector<1x128xf32>
      %lt3A_1145 = vector.broadcast %squeeze3A_1108 : vector<1x1xf32> to vector<1x128xf32>
      %lt3A_1146 = arith.cmpf olt, %get3A_1139, %lt3A_1145 : vector<1x128xf32>
      %eq3A_1147 = vector.broadcast %squeeze3A_1108 : vector<1x1xf32> to vector<1x128xf32>
      %eq3A_1148 = arith.cmpf oeq, %get3A_1139, %eq3A_1147 : vector<1x128xf32>
      %gt3A_1149 = vector.broadcast %squeeze3A_1106 : vector<1x1xf32> to vector<1x128xf32>
      %gt3A_1150 = arith.cmpf ogt, %convert_element_type3A_1144, %gt3A_1149 : vector<1x128xf32>
      %and3A_1151 = arith.andi %eq3A_1148, %gt3A_1150 : vector<1x128xi1>
      %or3A_1152 = arith.ori %lt3A_1146, %and3A_1151 : vector<1x128xi1>
      %jit3A_1153 = arith.constant -2.000000e+00 : f32
      %broadcast_in_dim3A_1154 = vector.broadcast %jit3A_1153 : f32 to vector<1x128xf32>
      %select_n3A_1155 = arith.select %or3A_1152, %get3A_1139, %broadcast_in_dim3A_1154 : vector<1x128xi1>, vector<1x128xf32>
      %reduce_max3A_1156 = vector.shape_cast %select_n3A_1155 : vector<1x128xf32> to vector<1x1x128xf32>
      %reduce_max3A_1157 = arith.constant dense<0xFF800000> : vector<1xf32>
      %reduce_max3A_1158 = vector.multi_reduction <maximumf>, %reduce_max3A_1156, %reduce_max3A_1157 [1, 2] : vector<1x1x128xf32> to vector<1xf32>
      %reduce_max3A_1159 = vector.shape_cast %reduce_max3A_1158 : vector<1xf32> to vector<1x1x1xf32>
      %reduce_max3A_1160 = vector.extract %reduce_max3A_1159[0, 0, 0] : f32 from vector<1x1x1xf32>
      %broadcast_in_dim3A_1161 = vector.broadcast %reduce_max3A_1160 : f32 to vector<1x1xf32>
      %eq3A_1162 = vector.broadcast %broadcast_in_dim3A_1161 : vector<1x1xf32> to vector<1x128xf32>
      %eq3A_1163 = arith.cmpf oeq, %select_n3A_1155, %eq3A_1162 : vector<1x128xf32>
      %jit3A_1164 = arith.constant 1.000000e+09 : f32
      %broadcast_in_dim3A_1165 = vector.broadcast %jit3A_1164 : f32 to vector<1x128xf32>
      %select_n3A_1166 = arith.select %eq3A_1163, %convert_element_type3A_1144, %broadcast_in_dim3A_1165 : vector<1x128xi1>, vector<1x128xf32>
      %reduce_min3A_1167 = vector.shape_cast %select_n3A_1166 : vector<1x128xf32> to vector<1x1x128xf32>
      %reduce_min3A_1168 = arith.constant dense<0x7F800000> : vector<1xf32>
      %reduce_min3A_1169 = vector.multi_reduction <minimumf>, %reduce_min3A_1167, %reduce_min3A_1168 [1, 2] : vector<1x1x128xf32> to vector<1xf32>
      %reduce_min3A_1170 = vector.shape_cast %reduce_min3A_1169 : vector<1xf32> to vector<1x1x1xf32>
      %reduce_min3A_1171 = vector.extract %reduce_min3A_1170[0, 0, 0] : f32 from vector<1x1x1xf32>
      %broadcast_in_dim3A_1172 = vector.broadcast %reduce_min3A_1171 : f32 to vector<1x1xf32>
      %slice3A_1173 = vector.extract_strided_slice %get3A_94 {offsets = [11, 0, 0], sizes = [1, 8, 128], strides = [1, 1, 1]} : vector<16x8x128xf32> to vector<1x8x128xf32>
      %squeeze3A_1174 = vector.shape_cast %slice3A_1173 : vector<1x8x128xf32> to vector<8x128xf32>
      %eq3A_1175 = vector.broadcast %squeeze3A_1108 : vector<1x1xf32> to vector<8x128xf32>
      %eq3A_1176 = arith.cmpf oeq, %squeeze3A_1174, %eq3A_1175 : vector<8x128xf32>
      %slice3A_1177 = vector.extract_strided_slice %get3A_98 {offsets = [11, 0, 0], sizes = [1, 8, 128], strides = [1, 1, 1]} : vector<16x8x128xf32> to vector<1x8x128xf32>
      %squeeze3A_1178 = vector.shape_cast %slice3A_1177 : vector<1x8x128xf32> to vector<8x128xf32>
      %eq3A_1179 = vector.broadcast %squeeze3A_1106 : vector<1x1xf32> to vector<8x128xf32>
      %eq3A_1180 = arith.cmpf oeq, %squeeze3A_1178, %eq3A_1179 : vector<8x128xf32>
      %and3A_1181 = arith.andi %eq3A_1176, %eq3A_1180 : vector<8x128xi1>
      %slice3A_1182 = vector.extract_strided_slice %get3A_94 {offsets = [11, 0, 0], sizes = [1, 8, 128], strides = [1, 1, 1]} : vector<16x8x128xf32> to vector<1x8x128xf32>
      %squeeze3A_1183 = vector.shape_cast %slice3A_1182 : vector<1x8x128xf32> to vector<8x128xf32>
      %broadcast_in_dim3A_1184 = vector.shape_cast %broadcast_in_dim3A_1161 : vector<1x1xf32> to vector<1x1xf32>
      %broadcast_in_dim3A_1185 = vector.broadcast %broadcast_in_dim3A_1184 : vector<1x1xf32> to vector<8x128xf32>
      %select_n3A_1186 = arith.select %and3A_1181, %broadcast_in_dim3A_1185, %squeeze3A_1183 : vector<8x128xi1>, vector<8x128xf32>
      %broadcast_in_dim3A_1187 = vector.shape_cast %select_n3A_1186 : vector<8x128xf32> to vector<1x8x128xf32>
      %slice3A_1188 = vector.extract_strided_slice %get3A_98 {offsets = [11, 0, 0], sizes = [1, 8, 128], strides = [1, 1, 1]} : vector<16x8x128xf32> to vector<1x8x128xf32>
      %squeeze3A_1189 = vector.shape_cast %slice3A_1188 : vector<1x8x128xf32> to vector<8x128xf32>
      %broadcast_in_dim3A_1190 = vector.shape_cast %broadcast_in_dim3A_1172 : vector<1x1xf32> to vector<1x1xf32>
      %broadcast_in_dim3A_1191 = vector.broadcast %broadcast_in_dim3A_1190 : vector<1x1xf32> to vector<8x128xf32>
      %select_n3A_1192 = arith.select %and3A_1181, %broadcast_in_dim3A_1191, %squeeze3A_1189 : vector<8x128xi1>, vector<8x128xf32>
      %broadcast_in_dim3A_1193 = vector.shape_cast %select_n3A_1192 : vector<8x128xf32> to vector<1x8x128xf32>
      %slice3A_1194 = vector.extract_strided_slice %broadcast_in_dim3A_107 {offsets = [12, 0, 0], sizes = [1, 1, 1], strides = [1, 1, 1]} : vector<16x1x1xf32> to vector<1x1x1xf32>
      %squeeze3A_1195 = vector.shape_cast %slice3A_1194 : vector<1x1x1xf32> to vector<1x1xf32>
      %slice3A_1196 = vector.extract_strided_slice %broadcast_in_dim3A_100 {offsets = [12, 0, 0], sizes = [1, 1, 1], strides = [1, 1, 1]} : vector<16x1x1xf32> to vector<1x1x1xf32>
      %squeeze3A_1197 = vector.shape_cast %slice3A_1196 : vector<1x1x1xf32> to vector<1x1xf32>
      %squeeze3A_1198 = vector.extract %squeeze3A_1195[0, 0] : f32 from vector<1x1xf32>
      %convert_element_type3A_1199 = arith.fptosi %squeeze3A_1198 : f32 to i32
      %jit3A_1200 = arith.constant 91 : i32
      %div3A_1201 = arith.divsi %convert_element_type3A_1199, %jit3A_1200 : i32
      %sign3A_1202 = arith.constant 0 : i32
      %sign3A_1203 = arith.cmpi sgt, %convert_element_type3A_1199, %sign3A_1202 : i32
      %sign3A_1204 = arith.extui %sign3A_1203 : i1 to i32
      %sign3A_1205 = arith.constant 0 : i32
      %sign3A_1206 = arith.cmpi slt, %convert_element_type3A_1199, %sign3A_1205 : i32
      %sign3A_1207 = arith.extui %sign3A_1206 : i1 to i32
      %sign3A_1208 = arith.subi %sign3A_1204, %sign3A_1207 : i32
      %sign3A_1209 = arith.constant 0 : i32
      %sign3A_1210 = arith.cmpi sgt, %jit3A_1200, %sign3A_1209 : i32
      %sign3A_1211 = arith.extui %sign3A_1210 : i1 to i32
      %sign3A_1212 = arith.constant 0 : i32
      %sign3A_1213 = arith.cmpi slt, %jit3A_1200, %sign3A_1212 : i32
      %sign3A_1214 = arith.extui %sign3A_1213 : i1 to i32
      %sign3A_1215 = arith.subi %sign3A_1211, %sign3A_1214 : i32
      %ne3A_1216 = arith.cmpi ne, %sign3A_1208, %sign3A_1215 : i32
      %rem3A_1217 = arith.remsi %convert_element_type3A_1199, %jit3A_1200 : i32
      %ne3A_1218 = arith.constant 0 : i32
      %ne3A_1219 = arith.cmpi ne, %rem3A_1217, %ne3A_1218 : i32
      %and3A_1220 = arith.andi %ne3A_1216, %ne3A_1219 : i1
      %sub3A_1221 = arith.constant 1 : i32
      %sub3A_1222 = arith.subi %div3A_1201, %sub3A_1221 : i32
      %select_n3A_1223 = arith.select %and3A_1220, %sub3A_1222, %div3A_1201 : i32
      %get3A_1224 = arith.constant 12 : index
      %get3A_1225 = arith.index_cast %select_n3A_1223 : i32 to index
      %get3A_1226 = arith.constant 0 : index
      %get3A_1227 = vector.load %arg0[%get3A_1224, %get3A_1225, %get3A_1226] : memref<16x1024x128xf32, #tpu.memory_space<vmem>>, vector<1x1x128xf32>
      %get3A_1228 = vector.shape_cast %get3A_1227 : vector<1x1x128xf32> to vector<1x128xf32>
      %mul3A_1229 = arith.constant 91 : i32
      %mul3A_1230 = arith.muli %select_n3A_1223, %mul3A_1229 : i32
      %add3A_1231 = vector.broadcast %mul3A_1230 : i32 to vector<1x128xi32>
      %add3A_1232 = arith.addi %add3A_1231, %iota3A : vector<1x128xi32>
      %convert_element_type3A_1233 = arith.sitofp %add3A_1232 : vector<1x128xi32> to vector<1x128xf32>
      %lt3A_1234 = vector.broadcast %squeeze3A_1197 : vector<1x1xf32> to vector<1x128xf32>
      %lt3A_1235 = arith.cmpf olt, %get3A_1228, %lt3A_1234 : vector<1x128xf32>
      %eq3A_1236 = vector.broadcast %squeeze3A_1197 : vector<1x1xf32> to vector<1x128xf32>
      %eq3A_1237 = arith.cmpf oeq, %get3A_1228, %eq3A_1236 : vector<1x128xf32>
      %gt3A_1238 = vector.broadcast %squeeze3A_1195 : vector<1x1xf32> to vector<1x128xf32>
      %gt3A_1239 = arith.cmpf ogt, %convert_element_type3A_1233, %gt3A_1238 : vector<1x128xf32>
      %and3A_1240 = arith.andi %eq3A_1237, %gt3A_1239 : vector<1x128xi1>
      %or3A_1241 = arith.ori %lt3A_1235, %and3A_1240 : vector<1x128xi1>
      %jit3A_1242 = arith.constant -2.000000e+00 : f32
      %broadcast_in_dim3A_1243 = vector.broadcast %jit3A_1242 : f32 to vector<1x128xf32>
      %select_n3A_1244 = arith.select %or3A_1241, %get3A_1228, %broadcast_in_dim3A_1243 : vector<1x128xi1>, vector<1x128xf32>
      %reduce_max3A_1245 = vector.shape_cast %select_n3A_1244 : vector<1x128xf32> to vector<1x1x128xf32>
      %reduce_max3A_1246 = arith.constant dense<0xFF800000> : vector<1xf32>
      %reduce_max3A_1247 = vector.multi_reduction <maximumf>, %reduce_max3A_1245, %reduce_max3A_1246 [1, 2] : vector<1x1x128xf32> to vector<1xf32>
      %reduce_max3A_1248 = vector.shape_cast %reduce_max3A_1247 : vector<1xf32> to vector<1x1x1xf32>
      %reduce_max3A_1249 = vector.extract %reduce_max3A_1248[0, 0, 0] : f32 from vector<1x1x1xf32>
      %broadcast_in_dim3A_1250 = vector.broadcast %reduce_max3A_1249 : f32 to vector<1x1xf32>
      %eq3A_1251 = vector.broadcast %broadcast_in_dim3A_1250 : vector<1x1xf32> to vector<1x128xf32>
      %eq3A_1252 = arith.cmpf oeq, %select_n3A_1244, %eq3A_1251 : vector<1x128xf32>
      %jit3A_1253 = arith.constant 1.000000e+09 : f32
      %broadcast_in_dim3A_1254 = vector.broadcast %jit3A_1253 : f32 to vector<1x128xf32>
      %select_n3A_1255 = arith.select %eq3A_1252, %convert_element_type3A_1233, %broadcast_in_dim3A_1254 : vector<1x128xi1>, vector<1x128xf32>
      %reduce_min3A_1256 = vector.shape_cast %select_n3A_1255 : vector<1x128xf32> to vector<1x1x128xf32>
      %reduce_min3A_1257 = arith.constant dense<0x7F800000> : vector<1xf32>
      %reduce_min3A_1258 = vector.multi_reduction <minimumf>, %reduce_min3A_1256, %reduce_min3A_1257 [1, 2] : vector<1x1x128xf32> to vector<1xf32>
      %reduce_min3A_1259 = vector.shape_cast %reduce_min3A_1258 : vector<1xf32> to vector<1x1x1xf32>
      %reduce_min3A_1260 = vector.extract %reduce_min3A_1259[0, 0, 0] : f32 from vector<1x1x1xf32>
      %broadcast_in_dim3A_1261 = vector.broadcast %reduce_min3A_1260 : f32 to vector<1x1xf32>
      %slice3A_1262 = vector.extract_strided_slice %get3A_94 {offsets = [12, 0, 0], sizes = [1, 8, 128], strides = [1, 1, 1]} : vector<16x8x128xf32> to vector<1x8x128xf32>
      %squeeze3A_1263 = vector.shape_cast %slice3A_1262 : vector<1x8x128xf32> to vector<8x128xf32>
      %eq3A_1264 = vector.broadcast %squeeze3A_1197 : vector<1x1xf32> to vector<8x128xf32>
      %eq3A_1265 = arith.cmpf oeq, %squeeze3A_1263, %eq3A_1264 : vector<8x128xf32>
      %slice3A_1266 = vector.extract_strided_slice %get3A_98 {offsets = [12, 0, 0], sizes = [1, 8, 128], strides = [1, 1, 1]} : vector<16x8x128xf32> to vector<1x8x128xf32>
      %squeeze3A_1267 = vector.shape_cast %slice3A_1266 : vector<1x8x128xf32> to vector<8x128xf32>
      %eq3A_1268 = vector.broadcast %squeeze3A_1195 : vector<1x1xf32> to vector<8x128xf32>
      %eq3A_1269 = arith.cmpf oeq, %squeeze3A_1267, %eq3A_1268 : vector<8x128xf32>
      %and3A_1270 = arith.andi %eq3A_1265, %eq3A_1269 : vector<8x128xi1>
      %slice3A_1271 = vector.extract_strided_slice %get3A_94 {offsets = [12, 0, 0], sizes = [1, 8, 128], strides = [1, 1, 1]} : vector<16x8x128xf32> to vector<1x8x128xf32>
      %squeeze3A_1272 = vector.shape_cast %slice3A_1271 : vector<1x8x128xf32> to vector<8x128xf32>
      %broadcast_in_dim3A_1273 = vector.shape_cast %broadcast_in_dim3A_1250 : vector<1x1xf32> to vector<1x1xf32>
      %broadcast_in_dim3A_1274 = vector.broadcast %broadcast_in_dim3A_1273 : vector<1x1xf32> to vector<8x128xf32>
      %select_n3A_1275 = arith.select %and3A_1270, %broadcast_in_dim3A_1274, %squeeze3A_1272 : vector<8x128xi1>, vector<8x128xf32>
      %broadcast_in_dim3A_1276 = vector.shape_cast %select_n3A_1275 : vector<8x128xf32> to vector<1x8x128xf32>
      %slice3A_1277 = vector.extract_strided_slice %get3A_98 {offsets = [12, 0, 0], sizes = [1, 8, 128], strides = [1, 1, 1]} : vector<16x8x128xf32> to vector<1x8x128xf32>
      %squeeze3A_1278 = vector.shape_cast %slice3A_1277 : vector<1x8x128xf32> to vector<8x128xf32>
      %broadcast_in_dim3A_1279 = vector.shape_cast %broadcast_in_dim3A_1261 : vector<1x1xf32> to vector<1x1xf32>
      %broadcast_in_dim3A_1280 = vector.broadcast %broadcast_in_dim3A_1279 : vector<1x1xf32> to vector<8x128xf32>
      %select_n3A_1281 = arith.select %and3A_1270, %broadcast_in_dim3A_1280, %squeeze3A_1278 : vector<8x128xi1>, vector<8x128xf32>
      %broadcast_in_dim3A_1282 = vector.shape_cast %select_n3A_1281 : vector<8x128xf32> to vector<1x8x128xf32>
      %slice3A_1283 = vector.extract_strided_slice %broadcast_in_dim3A_107 {offsets = [13, 0, 0], sizes = [1, 1, 1], strides = [1, 1, 1]} : vector<16x1x1xf32> to vector<1x1x1xf32>
      %squeeze3A_1284 = vector.shape_cast %slice3A_1283 : vector<1x1x1xf32> to vector<1x1xf32>
      %slice3A_1285 = vector.extract_strided_slice %broadcast_in_dim3A_100 {offsets = [13, 0, 0], sizes = [1, 1, 1], strides = [1, 1, 1]} : vector<16x1x1xf32> to vector<1x1x1xf32>
      %squeeze3A_1286 = vector.shape_cast %slice3A_1285 : vector<1x1x1xf32> to vector<1x1xf32>
      %squeeze3A_1287 = vector.extract %squeeze3A_1284[0, 0] : f32 from vector<1x1xf32>
      %convert_element_type3A_1288 = arith.fptosi %squeeze3A_1287 : f32 to i32
      %jit3A_1289 = arith.constant 91 : i32
      %div3A_1290 = arith.divsi %convert_element_type3A_1288, %jit3A_1289 : i32
      %sign3A_1291 = arith.constant 0 : i32
      %sign3A_1292 = arith.cmpi sgt, %convert_element_type3A_1288, %sign3A_1291 : i32
      %sign3A_1293 = arith.extui %sign3A_1292 : i1 to i32
      %sign3A_1294 = arith.constant 0 : i32
      %sign3A_1295 = arith.cmpi slt, %convert_element_type3A_1288, %sign3A_1294 : i32
      %sign3A_1296 = arith.extui %sign3A_1295 : i1 to i32
      %sign3A_1297 = arith.subi %sign3A_1293, %sign3A_1296 : i32
      %sign3A_1298 = arith.constant 0 : i32
      %sign3A_1299 = arith.cmpi sgt, %jit3A_1289, %sign3A_1298 : i32
      %sign3A_1300 = arith.extui %sign3A_1299 : i1 to i32
      %sign3A_1301 = arith.constant 0 : i32
      %sign3A_1302 = arith.cmpi slt, %jit3A_1289, %sign3A_1301 : i32
      %sign3A_1303 = arith.extui %sign3A_1302 : i1 to i32
      %sign3A_1304 = arith.subi %sign3A_1300, %sign3A_1303 : i32
      %ne3A_1305 = arith.cmpi ne, %sign3A_1297, %sign3A_1304 : i32
      %rem3A_1306 = arith.remsi %convert_element_type3A_1288, %jit3A_1289 : i32
      %ne3A_1307 = arith.constant 0 : i32
      %ne3A_1308 = arith.cmpi ne, %rem3A_1306, %ne3A_1307 : i32
      %and3A_1309 = arith.andi %ne3A_1305, %ne3A_1308 : i1
      %sub3A_1310 = arith.constant 1 : i32
      %sub3A_1311 = arith.subi %div3A_1290, %sub3A_1310 : i32
      %select_n3A_1312 = arith.select %and3A_1309, %sub3A_1311, %div3A_1290 : i32
      %get3A_1313 = arith.constant 13 : index
      %get3A_1314 = arith.index_cast %select_n3A_1312 : i32 to index
      %get3A_1315 = arith.constant 0 : index
      %get3A_1316 = vector.load %arg0[%get3A_1313, %get3A_1314, %get3A_1315] : memref<16x1024x128xf32, #tpu.memory_space<vmem>>, vector<1x1x128xf32>
      %get3A_1317 = vector.shape_cast %get3A_1316 : vector<1x1x128xf32> to vector<1x128xf32>
      %mul3A_1318 = arith.constant 91 : i32
      %mul3A_1319 = arith.muli %select_n3A_1312, %mul3A_1318 : i32
      %add3A_1320 = vector.broadcast %mul3A_1319 : i32 to vector<1x128xi32>
      %add3A_1321 = arith.addi %add3A_1320, %iota3A : vector<1x128xi32>
      %convert_element_type3A_1322 = arith.sitofp %add3A_1321 : vector<1x128xi32> to vector<1x128xf32>
      %lt3A_1323 = vector.broadcast %squeeze3A_1286 : vector<1x1xf32> to vector<1x128xf32>
      %lt3A_1324 = arith.cmpf olt, %get3A_1317, %lt3A_1323 : vector<1x128xf32>
      %eq3A_1325 = vector.broadcast %squeeze3A_1286 : vector<1x1xf32> to vector<1x128xf32>
      %eq3A_1326 = arith.cmpf oeq, %get3A_1317, %eq3A_1325 : vector<1x128xf32>
      %gt3A_1327 = vector.broadcast %squeeze3A_1284 : vector<1x1xf32> to vector<1x128xf32>
      %gt3A_1328 = arith.cmpf ogt, %convert_element_type3A_1322, %gt3A_1327 : vector<1x128xf32>
      %and3A_1329 = arith.andi %eq3A_1326, %gt3A_1328 : vector<1x128xi1>
      %or3A_1330 = arith.ori %lt3A_1324, %and3A_1329 : vector<1x128xi1>
      %jit3A_1331 = arith.constant -2.000000e+00 : f32
      %broadcast_in_dim3A_1332 = vector.broadcast %jit3A_1331 : f32 to vector<1x128xf32>
      %select_n3A_1333 = arith.select %or3A_1330, %get3A_1317, %broadcast_in_dim3A_1332 : vector<1x128xi1>, vector<1x128xf32>
      %reduce_max3A_1334 = vector.shape_cast %select_n3A_1333 : vector<1x128xf32> to vector<1x1x128xf32>
      %reduce_max3A_1335 = arith.constant dense<0xFF800000> : vector<1xf32>
      %reduce_max3A_1336 = vector.multi_reduction <maximumf>, %reduce_max3A_1334, %reduce_max3A_1335 [1, 2] : vector<1x1x128xf32> to vector<1xf32>
      %reduce_max3A_1337 = vector.shape_cast %reduce_max3A_1336 : vector<1xf32> to vector<1x1x1xf32>
      %reduce_max3A_1338 = vector.extract %reduce_max3A_1337[0, 0, 0] : f32 from vector<1x1x1xf32>
      %broadcast_in_dim3A_1339 = vector.broadcast %reduce_max3A_1338 : f32 to vector<1x1xf32>
      %eq3A_1340 = vector.broadcast %broadcast_in_dim3A_1339 : vector<1x1xf32> to vector<1x128xf32>
      %eq3A_1341 = arith.cmpf oeq, %select_n3A_1333, %eq3A_1340 : vector<1x128xf32>
      %jit3A_1342 = arith.constant 1.000000e+09 : f32
      %broadcast_in_dim3A_1343 = vector.broadcast %jit3A_1342 : f32 to vector<1x128xf32>
      %select_n3A_1344 = arith.select %eq3A_1341, %convert_element_type3A_1322, %broadcast_in_dim3A_1343 : vector<1x128xi1>, vector<1x128xf32>
      %reduce_min3A_1345 = vector.shape_cast %select_n3A_1344 : vector<1x128xf32> to vector<1x1x128xf32>
      %reduce_min3A_1346 = arith.constant dense<0x7F800000> : vector<1xf32>
      %reduce_min3A_1347 = vector.multi_reduction <minimumf>, %reduce_min3A_1345, %reduce_min3A_1346 [1, 2] : vector<1x1x128xf32> to vector<1xf32>
      %reduce_min3A_1348 = vector.shape_cast %reduce_min3A_1347 : vector<1xf32> to vector<1x1x1xf32>
      %reduce_min3A_1349 = vector.extract %reduce_min3A_1348[0, 0, 0] : f32 from vector<1x1x1xf32>
      %broadcast_in_dim3A_1350 = vector.broadcast %reduce_min3A_1349 : f32 to vector<1x1xf32>
      %slice3A_1351 = vector.extract_strided_slice %get3A_94 {offsets = [13, 0, 0], sizes = [1, 8, 128], strides = [1, 1, 1]} : vector<16x8x128xf32> to vector<1x8x128xf32>
      %squeeze3A_1352 = vector.shape_cast %slice3A_1351 : vector<1x8x128xf32> to vector<8x128xf32>
      %eq3A_1353 = vector.broadcast %squeeze3A_1286 : vector<1x1xf32> to vector<8x128xf32>
      %eq3A_1354 = arith.cmpf oeq, %squeeze3A_1352, %eq3A_1353 : vector<8x128xf32>
      %slice3A_1355 = vector.extract_strided_slice %get3A_98 {offsets = [13, 0, 0], sizes = [1, 8, 128], strides = [1, 1, 1]} : vector<16x8x128xf32> to vector<1x8x128xf32>
      %squeeze3A_1356 = vector.shape_cast %slice3A_1355 : vector<1x8x128xf32> to vector<8x128xf32>
      %eq3A_1357 = vector.broadcast %squeeze3A_1284 : vector<1x1xf32> to vector<8x128xf32>
      %eq3A_1358 = arith.cmpf oeq, %squeeze3A_1356, %eq3A_1357 : vector<8x128xf32>
      %and3A_1359 = arith.andi %eq3A_1354, %eq3A_1358 : vector<8x128xi1>
      %slice3A_1360 = vector.extract_strided_slice %get3A_94 {offsets = [13, 0, 0], sizes = [1, 8, 128], strides = [1, 1, 1]} : vector<16x8x128xf32> to vector<1x8x128xf32>
      %squeeze3A_1361 = vector.shape_cast %slice3A_1360 : vector<1x8x128xf32> to vector<8x128xf32>
      %broadcast_in_dim3A_1362 = vector.shape_cast %broadcast_in_dim3A_1339 : vector<1x1xf32> to vector<1x1xf32>
      %broadcast_in_dim3A_1363 = vector.broadcast %broadcast_in_dim3A_1362 : vector<1x1xf32> to vector<8x128xf32>
      %select_n3A_1364 = arith.select %and3A_1359, %broadcast_in_dim3A_1363, %squeeze3A_1361 : vector<8x128xi1>, vector<8x128xf32>
      %broadcast_in_dim3A_1365 = vector.shape_cast %select_n3A_1364 : vector<8x128xf32> to vector<1x8x128xf32>
      %slice3A_1366 = vector.extract_strided_slice %get3A_98 {offsets = [13, 0, 0], sizes = [1, 8, 128], strides = [1, 1, 1]} : vector<16x8x128xf32> to vector<1x8x128xf32>
      %squeeze3A_1367 = vector.shape_cast %slice3A_1366 : vector<1x8x128xf32> to vector<8x128xf32>
      %broadcast_in_dim3A_1368 = vector.shape_cast %broadcast_in_dim3A_1350 : vector<1x1xf32> to vector<1x1xf32>
      %broadcast_in_dim3A_1369 = vector.broadcast %broadcast_in_dim3A_1368 : vector<1x1xf32> to vector<8x128xf32>
      %select_n3A_1370 = arith.select %and3A_1359, %broadcast_in_dim3A_1369, %squeeze3A_1367 : vector<8x128xi1>, vector<8x128xf32>
      %broadcast_in_dim3A_1371 = vector.shape_cast %select_n3A_1370 : vector<8x128xf32> to vector<1x8x128xf32>
      %slice3A_1372 = vector.extract_strided_slice %broadcast_in_dim3A_107 {offsets = [14, 0, 0], sizes = [1, 1, 1], strides = [1, 1, 1]} : vector<16x1x1xf32> to vector<1x1x1xf32>
      %squeeze3A_1373 = vector.shape_cast %slice3A_1372 : vector<1x1x1xf32> to vector<1x1xf32>
      %slice3A_1374 = vector.extract_strided_slice %broadcast_in_dim3A_100 {offsets = [14, 0, 0], sizes = [1, 1, 1], strides = [1, 1, 1]} : vector<16x1x1xf32> to vector<1x1x1xf32>
      %squeeze3A_1375 = vector.shape_cast %slice3A_1374 : vector<1x1x1xf32> to vector<1x1xf32>
      %squeeze3A_1376 = vector.extract %squeeze3A_1373[0, 0] : f32 from vector<1x1xf32>
      %convert_element_type3A_1377 = arith.fptosi %squeeze3A_1376 : f32 to i32
      %jit3A_1378 = arith.constant 91 : i32
      %div3A_1379 = arith.divsi %convert_element_type3A_1377, %jit3A_1378 : i32
      %sign3A_1380 = arith.constant 0 : i32
      %sign3A_1381 = arith.cmpi sgt, %convert_element_type3A_1377, %sign3A_1380 : i32
      %sign3A_1382 = arith.extui %sign3A_1381 : i1 to i32
      %sign3A_1383 = arith.constant 0 : i32
      %sign3A_1384 = arith.cmpi slt, %convert_element_type3A_1377, %sign3A_1383 : i32
      %sign3A_1385 = arith.extui %sign3A_1384 : i1 to i32
      %sign3A_1386 = arith.subi %sign3A_1382, %sign3A_1385 : i32
      %sign3A_1387 = arith.constant 0 : i32
      %sign3A_1388 = arith.cmpi sgt, %jit3A_1378, %sign3A_1387 : i32
      %sign3A_1389 = arith.extui %sign3A_1388 : i1 to i32
      %sign3A_1390 = arith.constant 0 : i32
      %sign3A_1391 = arith.cmpi slt, %jit3A_1378, %sign3A_1390 : i32
      %sign3A_1392 = arith.extui %sign3A_1391 : i1 to i32
      %sign3A_1393 = arith.subi %sign3A_1389, %sign3A_1392 : i32
      %ne3A_1394 = arith.cmpi ne, %sign3A_1386, %sign3A_1393 : i32
      %rem3A_1395 = arith.remsi %convert_element_type3A_1377, %jit3A_1378 : i32
      %ne3A_1396 = arith.constant 0 : i32
      %ne3A_1397 = arith.cmpi ne, %rem3A_1395, %ne3A_1396 : i32
      %and3A_1398 = arith.andi %ne3A_1394, %ne3A_1397 : i1
      %sub3A_1399 = arith.constant 1 : i32
      %sub3A_1400 = arith.subi %div3A_1379, %sub3A_1399 : i32
      %select_n3A_1401 = arith.select %and3A_1398, %sub3A_1400, %div3A_1379 : i32
      %get3A_1402 = arith.constant 14 : index
      %get3A_1403 = arith.index_cast %select_n3A_1401 : i32 to index
      %get3A_1404 = arith.constant 0 : index
      %get3A_1405 = vector.load %arg0[%get3A_1402, %get3A_1403, %get3A_1404] : memref<16x1024x128xf32, #tpu.memory_space<vmem>>, vector<1x1x128xf32>
      %get3A_1406 = vector.shape_cast %get3A_1405 : vector<1x1x128xf32> to vector<1x128xf32>
      %mul3A_1407 = arith.constant 91 : i32
      %mul3A_1408 = arith.muli %select_n3A_1401, %mul3A_1407 : i32
      %add3A_1409 = vector.broadcast %mul3A_1408 : i32 to vector<1x128xi32>
      %add3A_1410 = arith.addi %add3A_1409, %iota3A : vector<1x128xi32>
      %convert_element_type3A_1411 = arith.sitofp %add3A_1410 : vector<1x128xi32> to vector<1x128xf32>
      %lt3A_1412 = vector.broadcast %squeeze3A_1375 : vector<1x1xf32> to vector<1x128xf32>
      %lt3A_1413 = arith.cmpf olt, %get3A_1406, %lt3A_1412 : vector<1x128xf32>
      %eq3A_1414 = vector.broadcast %squeeze3A_1375 : vector<1x1xf32> to vector<1x128xf32>
      %eq3A_1415 = arith.cmpf oeq, %get3A_1406, %eq3A_1414 : vector<1x128xf32>
      %gt3A_1416 = vector.broadcast %squeeze3A_1373 : vector<1x1xf32> to vector<1x128xf32>
      %gt3A_1417 = arith.cmpf ogt, %convert_element_type3A_1411, %gt3A_1416 : vector<1x128xf32>
      %and3A_1418 = arith.andi %eq3A_1415, %gt3A_1417 : vector<1x128xi1>
      %or3A_1419 = arith.ori %lt3A_1413, %and3A_1418 : vector<1x128xi1>
      %jit3A_1420 = arith.constant -2.000000e+00 : f32
      %broadcast_in_dim3A_1421 = vector.broadcast %jit3A_1420 : f32 to vector<1x128xf32>
      %select_n3A_1422 = arith.select %or3A_1419, %get3A_1406, %broadcast_in_dim3A_1421 : vector<1x128xi1>, vector<1x128xf32>
      %reduce_max3A_1423 = vector.shape_cast %select_n3A_1422 : vector<1x128xf32> to vector<1x1x128xf32>
      %reduce_max3A_1424 = arith.constant dense<0xFF800000> : vector<1xf32>
      %reduce_max3A_1425 = vector.multi_reduction <maximumf>, %reduce_max3A_1423, %reduce_max3A_1424 [1, 2] : vector<1x1x128xf32> to vector<1xf32>
      %reduce_max3A_1426 = vector.shape_cast %reduce_max3A_1425 : vector<1xf32> to vector<1x1x1xf32>
      %reduce_max3A_1427 = vector.extract %reduce_max3A_1426[0, 0, 0] : f32 from vector<1x1x1xf32>
      %broadcast_in_dim3A_1428 = vector.broadcast %reduce_max3A_1427 : f32 to vector<1x1xf32>
      %eq3A_1429 = vector.broadcast %broadcast_in_dim3A_1428 : vector<1x1xf32> to vector<1x128xf32>
      %eq3A_1430 = arith.cmpf oeq, %select_n3A_1422, %eq3A_1429 : vector<1x128xf32>
      %jit3A_1431 = arith.constant 1.000000e+09 : f32
      %broadcast_in_dim3A_1432 = vector.broadcast %jit3A_1431 : f32 to vector<1x128xf32>
      %select_n3A_1433 = arith.select %eq3A_1430, %convert_element_type3A_1411, %broadcast_in_dim3A_1432 : vector<1x128xi1>, vector<1x128xf32>
      %reduce_min3A_1434 = vector.shape_cast %select_n3A_1433 : vector<1x128xf32> to vector<1x1x128xf32>
      %reduce_min3A_1435 = arith.constant dense<0x7F800000> : vector<1xf32>
      %reduce_min3A_1436 = vector.multi_reduction <minimumf>, %reduce_min3A_1434, %reduce_min3A_1435 [1, 2] : vector<1x1x128xf32> to vector<1xf32>
      %reduce_min3A_1437 = vector.shape_cast %reduce_min3A_1436 : vector<1xf32> to vector<1x1x1xf32>
      %reduce_min3A_1438 = vector.extract %reduce_min3A_1437[0, 0, 0] : f32 from vector<1x1x1xf32>
      %broadcast_in_dim3A_1439 = vector.broadcast %reduce_min3A_1438 : f32 to vector<1x1xf32>
      %slice3A_1440 = vector.extract_strided_slice %get3A_94 {offsets = [14, 0, 0], sizes = [1, 8, 128], strides = [1, 1, 1]} : vector<16x8x128xf32> to vector<1x8x128xf32>
      %squeeze3A_1441 = vector.shape_cast %slice3A_1440 : vector<1x8x128xf32> to vector<8x128xf32>
      %eq3A_1442 = vector.broadcast %squeeze3A_1375 : vector<1x1xf32> to vector<8x128xf32>
      %eq3A_1443 = arith.cmpf oeq, %squeeze3A_1441, %eq3A_1442 : vector<8x128xf32>
      %slice3A_1444 = vector.extract_strided_slice %get3A_98 {offsets = [14, 0, 0], sizes = [1, 8, 128], strides = [1, 1, 1]} : vector<16x8x128xf32> to vector<1x8x128xf32>
      %squeeze3A_1445 = vector.shape_cast %slice3A_1444 : vector<1x8x128xf32> to vector<8x128xf32>
      %eq3A_1446 = vector.broadcast %squeeze3A_1373 : vector<1x1xf32> to vector<8x128xf32>
      %eq3A_1447 = arith.cmpf oeq, %squeeze3A_1445, %eq3A_1446 : vector<8x128xf32>
      %and3A_1448 = arith.andi %eq3A_1443, %eq3A_1447 : vector<8x128xi1>
      %slice3A_1449 = vector.extract_strided_slice %get3A_94 {offsets = [14, 0, 0], sizes = [1, 8, 128], strides = [1, 1, 1]} : vector<16x8x128xf32> to vector<1x8x128xf32>
      %squeeze3A_1450 = vector.shape_cast %slice3A_1449 : vector<1x8x128xf32> to vector<8x128xf32>
      %broadcast_in_dim3A_1451 = vector.shape_cast %broadcast_in_dim3A_1428 : vector<1x1xf32> to vector<1x1xf32>
      %broadcast_in_dim3A_1452 = vector.broadcast %broadcast_in_dim3A_1451 : vector<1x1xf32> to vector<8x128xf32>
      %select_n3A_1453 = arith.select %and3A_1448, %broadcast_in_dim3A_1452, %squeeze3A_1450 : vector<8x128xi1>, vector<8x128xf32>
      %broadcast_in_dim3A_1454 = vector.shape_cast %select_n3A_1453 : vector<8x128xf32> to vector<1x8x128xf32>
      %slice3A_1455 = vector.extract_strided_slice %get3A_98 {offsets = [14, 0, 0], sizes = [1, 8, 128], strides = [1, 1, 1]} : vector<16x8x128xf32> to vector<1x8x128xf32>
      %squeeze3A_1456 = vector.shape_cast %slice3A_1455 : vector<1x8x128xf32> to vector<8x128xf32>
      %broadcast_in_dim3A_1457 = vector.shape_cast %broadcast_in_dim3A_1439 : vector<1x1xf32> to vector<1x1xf32>
      %broadcast_in_dim3A_1458 = vector.broadcast %broadcast_in_dim3A_1457 : vector<1x1xf32> to vector<8x128xf32>
      %select_n3A_1459 = arith.select %and3A_1448, %broadcast_in_dim3A_1458, %squeeze3A_1456 : vector<8x128xi1>, vector<8x128xf32>
      %broadcast_in_dim3A_1460 = vector.shape_cast %select_n3A_1459 : vector<8x128xf32> to vector<1x8x128xf32>
      %slice3A_1461 = vector.extract_strided_slice %broadcast_in_dim3A_107 {offsets = [15, 0, 0], sizes = [1, 1, 1], strides = [1, 1, 1]} : vector<16x1x1xf32> to vector<1x1x1xf32>
      %squeeze3A_1462 = vector.shape_cast %slice3A_1461 : vector<1x1x1xf32> to vector<1x1xf32>
      %slice3A_1463 = vector.extract_strided_slice %broadcast_in_dim3A_100 {offsets = [15, 0, 0], sizes = [1, 1, 1], strides = [1, 1, 1]} : vector<16x1x1xf32> to vector<1x1x1xf32>
      %squeeze3A_1464 = vector.shape_cast %slice3A_1463 : vector<1x1x1xf32> to vector<1x1xf32>
      %squeeze3A_1465 = vector.extract %squeeze3A_1462[0, 0] : f32 from vector<1x1xf32>
      %convert_element_type3A_1466 = arith.fptosi %squeeze3A_1465 : f32 to i32
      %jit3A_1467 = arith.constant 91 : i32
      %div3A_1468 = arith.divsi %convert_element_type3A_1466, %jit3A_1467 : i32
      %sign3A_1469 = arith.constant 0 : i32
      %sign3A_1470 = arith.cmpi sgt, %convert_element_type3A_1466, %sign3A_1469 : i32
      %sign3A_1471 = arith.extui %sign3A_1470 : i1 to i32
      %sign3A_1472 = arith.constant 0 : i32
      %sign3A_1473 = arith.cmpi slt, %convert_element_type3A_1466, %sign3A_1472 : i32
      %sign3A_1474 = arith.extui %sign3A_1473 : i1 to i32
      %sign3A_1475 = arith.subi %sign3A_1471, %sign3A_1474 : i32
      %sign3A_1476 = arith.constant 0 : i32
      %sign3A_1477 = arith.cmpi sgt, %jit3A_1467, %sign3A_1476 : i32
      %sign3A_1478 = arith.extui %sign3A_1477 : i1 to i32
      %sign3A_1479 = arith.constant 0 : i32
      %sign3A_1480 = arith.cmpi slt, %jit3A_1467, %sign3A_1479 : i32
      %sign3A_1481 = arith.extui %sign3A_1480 : i1 to i32
      %sign3A_1482 = arith.subi %sign3A_1478, %sign3A_1481 : i32
      %ne3A_1483 = arith.cmpi ne, %sign3A_1475, %sign3A_1482 : i32
      %rem3A_1484 = arith.remsi %convert_element_type3A_1466, %jit3A_1467 : i32
      %ne3A_1485 = arith.constant 0 : i32
      %ne3A_1486 = arith.cmpi ne, %rem3A_1484, %ne3A_1485 : i32
      %and3A_1487 = arith.andi %ne3A_1483, %ne3A_1486 : i1
      %sub3A_1488 = arith.constant 1 : i32
      %sub3A_1489 = arith.subi %div3A_1468, %sub3A_1488 : i32
      %select_n3A_1490 = arith.select %and3A_1487, %sub3A_1489, %div3A_1468 : i32
      %get3A_1491 = arith.constant 15 : index
      %get3A_1492 = arith.index_cast %select_n3A_1490 : i32 to index
      %get3A_1493 = arith.constant 0 : index
      %get3A_1494 = vector.load %arg0[%get3A_1491, %get3A_1492, %get3A_1493] : memref<16x1024x128xf32, #tpu.memory_space<vmem>>, vector<1x1x128xf32>
      %get3A_1495 = vector.shape_cast %get3A_1494 : vector<1x1x128xf32> to vector<1x128xf32>
      %mul3A_1496 = arith.constant 91 : i32
      %mul3A_1497 = arith.muli %select_n3A_1490, %mul3A_1496 : i32
      %add3A_1498 = vector.broadcast %mul3A_1497 : i32 to vector<1x128xi32>
      %add3A_1499 = arith.addi %add3A_1498, %iota3A : vector<1x128xi32>
      %convert_element_type3A_1500 = arith.sitofp %add3A_1499 : vector<1x128xi32> to vector<1x128xf32>
      %lt3A_1501 = vector.broadcast %squeeze3A_1464 : vector<1x1xf32> to vector<1x128xf32>
      %lt3A_1502 = arith.cmpf olt, %get3A_1495, %lt3A_1501 : vector<1x128xf32>
      %eq3A_1503 = vector.broadcast %squeeze3A_1464 : vector<1x1xf32> to vector<1x128xf32>
      %eq3A_1504 = arith.cmpf oeq, %get3A_1495, %eq3A_1503 : vector<1x128xf32>
      %gt3A_1505 = vector.broadcast %squeeze3A_1462 : vector<1x1xf32> to vector<1x128xf32>
      %gt3A_1506 = arith.cmpf ogt, %convert_element_type3A_1500, %gt3A_1505 : vector<1x128xf32>
      %and3A_1507 = arith.andi %eq3A_1504, %gt3A_1506 : vector<1x128xi1>
      %or3A_1508 = arith.ori %lt3A_1502, %and3A_1507 : vector<1x128xi1>
      %jit3A_1509 = arith.constant -2.000000e+00 : f32
      %broadcast_in_dim3A_1510 = vector.broadcast %jit3A_1509 : f32 to vector<1x128xf32>
      %select_n3A_1511 = arith.select %or3A_1508, %get3A_1495, %broadcast_in_dim3A_1510 : vector<1x128xi1>, vector<1x128xf32>
      %reduce_max3A_1512 = vector.shape_cast %select_n3A_1511 : vector<1x128xf32> to vector<1x1x128xf32>
      %reduce_max3A_1513 = arith.constant dense<0xFF800000> : vector<1xf32>
      %reduce_max3A_1514 = vector.multi_reduction <maximumf>, %reduce_max3A_1512, %reduce_max3A_1513 [1, 2] : vector<1x1x128xf32> to vector<1xf32>
      %reduce_max3A_1515 = vector.shape_cast %reduce_max3A_1514 : vector<1xf32> to vector<1x1x1xf32>
      %reduce_max3A_1516 = vector.extract %reduce_max3A_1515[0, 0, 0] : f32 from vector<1x1x1xf32>
      %broadcast_in_dim3A_1517 = vector.broadcast %reduce_max3A_1516 : f32 to vector<1x1xf32>
      %eq3A_1518 = vector.broadcast %broadcast_in_dim3A_1517 : vector<1x1xf32> to vector<1x128xf32>
      %eq3A_1519 = arith.cmpf oeq, %select_n3A_1511, %eq3A_1518 : vector<1x128xf32>
      %jit3A_1520 = arith.constant 1.000000e+09 : f32
      %broadcast_in_dim3A_1521 = vector.broadcast %jit3A_1520 : f32 to vector<1x128xf32>
      %select_n3A_1522 = arith.select %eq3A_1519, %convert_element_type3A_1500, %broadcast_in_dim3A_1521 : vector<1x128xi1>, vector<1x128xf32>
      %reduce_min3A_1523 = vector.shape_cast %select_n3A_1522 : vector<1x128xf32> to vector<1x1x128xf32>
      %reduce_min3A_1524 = arith.constant dense<0x7F800000> : vector<1xf32>
      %reduce_min3A_1525 = vector.multi_reduction <minimumf>, %reduce_min3A_1523, %reduce_min3A_1524 [1, 2] : vector<1x1x128xf32> to vector<1xf32>
      %reduce_min3A_1526 = vector.shape_cast %reduce_min3A_1525 : vector<1xf32> to vector<1x1x1xf32>
      %reduce_min3A_1527 = vector.extract %reduce_min3A_1526[0, 0, 0] : f32 from vector<1x1x1xf32>
      %broadcast_in_dim3A_1528 = vector.broadcast %reduce_min3A_1527 : f32 to vector<1x1xf32>
      %slice3A_1529 = vector.extract_strided_slice %get3A_94 {offsets = [15, 0, 0], sizes = [1, 8, 128], strides = [1, 1, 1]} : vector<16x8x128xf32> to vector<1x8x128xf32>
      %squeeze3A_1530 = vector.shape_cast %slice3A_1529 : vector<1x8x128xf32> to vector<8x128xf32>
      %eq3A_1531 = vector.broadcast %squeeze3A_1464 : vector<1x1xf32> to vector<8x128xf32>
      %eq3A_1532 = arith.cmpf oeq, %squeeze3A_1530, %eq3A_1531 : vector<8x128xf32>
      %slice3A_1533 = vector.extract_strided_slice %get3A_98 {offsets = [15, 0, 0], sizes = [1, 8, 128], strides = [1, 1, 1]} : vector<16x8x128xf32> to vector<1x8x128xf32>
      %squeeze3A_1534 = vector.shape_cast %slice3A_1533 : vector<1x8x128xf32> to vector<8x128xf32>
      %eq3A_1535 = vector.broadcast %squeeze3A_1462 : vector<1x1xf32> to vector<8x128xf32>
      %eq3A_1536 = arith.cmpf oeq, %squeeze3A_1534, %eq3A_1535 : vector<8x128xf32>
      %and3A_1537 = arith.andi %eq3A_1532, %eq3A_1536 : vector<8x128xi1>
      %slice3A_1538 = vector.extract_strided_slice %get3A_94 {offsets = [15, 0, 0], sizes = [1, 8, 128], strides = [1, 1, 1]} : vector<16x8x128xf32> to vector<1x8x128xf32>
      %squeeze3A_1539 = vector.shape_cast %slice3A_1538 : vector<1x8x128xf32> to vector<8x128xf32>
      %broadcast_in_dim3A_1540 = vector.shape_cast %broadcast_in_dim3A_1517 : vector<1x1xf32> to vector<1x1xf32>
      %broadcast_in_dim3A_1541 = vector.broadcast %broadcast_in_dim3A_1540 : vector<1x1xf32> to vector<8x128xf32>
      %select_n3A_1542 = arith.select %and3A_1537, %broadcast_in_dim3A_1541, %squeeze3A_1539 : vector<8x128xi1>, vector<8x128xf32>
      %broadcast_in_dim3A_1543 = vector.shape_cast %select_n3A_1542 : vector<8x128xf32> to vector<1x8x128xf32>
      %slice3A_1544 = vector.extract_strided_slice %get3A_98 {offsets = [15, 0, 0], sizes = [1, 8, 128], strides = [1, 1, 1]} : vector<16x8x128xf32> to vector<1x8x128xf32>
      %squeeze3A_1545 = vector.shape_cast %slice3A_1544 : vector<1x8x128xf32> to vector<8x128xf32>
      %broadcast_in_dim3A_1546 = vector.shape_cast %broadcast_in_dim3A_1528 : vector<1x1xf32> to vector<1x1xf32>
      %broadcast_in_dim3A_1547 = vector.broadcast %broadcast_in_dim3A_1546 : vector<1x1xf32> to vector<8x128xf32>
      %select_n3A_1548 = arith.select %and3A_1537, %broadcast_in_dim3A_1547, %squeeze3A_1545 : vector<8x128xi1>, vector<8x128xf32>
      %broadcast_in_dim3A_1549 = vector.shape_cast %select_n3A_1548 : vector<8x128xf32> to vector<1x8x128xf32>
      %concatenate3A = tpu.concatenate %broadcast_in_dim3A_208, %broadcast_in_dim3A_297, %broadcast_in_dim3A_386, %broadcast_in_dim3A_475, %broadcast_in_dim3A_564, %broadcast_in_dim3A_653, %broadcast_in_dim3A_742, %broadcast_in_dim3A_831, %broadcast_in_dim3A_920, %broadcast_in_dim3A_1009, %broadcast_in_dim3A_1098, %broadcast_in_dim3A_1187, %broadcast_in_dim3A_1276, %broadcast_in_dim3A_1365, %broadcast_in_dim3A_1454, %broadcast_in_dim3A_1543 in 0 : vector<1x8x128xf32>, vector<1x8x128xf32>, vector<1x8x128xf32>, vector<1x8x128xf32>, vector<1x8x128xf32>, vector<1x8x128xf32>, vector<1x8x128xf32>, vector<1x8x128xf32>, vector<1x8x128xf32>, vector<1x8x128xf32>, vector<1x8x128xf32>, vector<1x8x128xf32>, vector<1x8x128xf32>, vector<1x8x128xf32>, vector<1x8x128xf32>, vector<1x8x128xf32> -> vector<16x8x128xf32>
      %swap3A_1550 = arith.constant 0 : index
      %swap3A_1551 = arith.constant 0 : index
      %swap3A_1552 = arith.constant 0 : index
      %swap3A_1553 = vector.load %arg6[%swap3A_1550, %swap3A_1551, %swap3A_1552] : memref<16x8x128xf32, #tpu.memory_space<vmem>>, vector<16x8x128xf32>
      tpu.vector_store %arg6[%swap3A_1550, %swap3A_1551, %swap3A_1552], %concatenate3A {strides = array<i32>} : memref<16x8x128xf32, #tpu.memory_space<vmem>>, vector<16x8x128xf32>,
      %concatenate3A_1554 = tpu.concatenate %broadcast_in_dim3A_214, %broadcast_in_dim3A_303, %broadcast_in_dim3A_392, %broadcast_in_dim3A_481, %broadcast_in_dim3A_570, %broadcast_in_dim3A_659, %broadcast_in_dim3A_748, %broadcast_in_dim3A_837, %broadcast_in_dim3A_926, %broadcast_in_dim3A_1015, %broadcast_in_dim3A_1104, %broadcast_in_dim3A_1193, %broadcast_in_dim3A_1282, %broadcast_in_dim3A_1371, %broadcast_in_dim3A_1460, %broadcast_in_dim3A_1549 in 0 : vector<1x8x128xf32>, vector<1x8x128xf32>, vector<1x8x128xf32>, vector<1x8x128xf32>, vector<1x8x128xf32>, vector<1x8x128xf32>, vector<1x8x128xf32>, vector<1x8x128xf32>, vector<1x8x128xf32>, vector<1x8x128xf32>, vector<1x8x128xf32>, vector<1x8x128xf32>, vector<1x8x128xf32>, vector<1x8x128xf32>, vector<1x8x128xf32>, vector<1x8x128xf32> -> vector<16x8x128xf32>
      %swap3A_1555 = arith.constant 0 : index
      %swap3A_1556 = arith.constant 0 : index
      %swap3A_1557 = arith.constant 0 : index
      %swap3A_1558 = vector.load %arg7[%swap3A_1555, %swap3A_1556, %swap3A_1557] : memref<16x8x128xf32, #tpu.memory_space<vmem>>, vector<16x8x128xf32>
      tpu.vector_store %arg7[%swap3A_1555, %swap3A_1556, %swap3A_1557], %concatenate3A_1554 {strides = array<i32>} : memref<16x8x128xf32, #tpu.memory_space<vmem>>, vector<16x8x128xf32>,
    }
    %scan3A_27 = arith.constant 128 : i32
    %scan3A_28 = arith.constant 128 : i32
    %scan3A_29 = arith.constant 128 : i32
    %scan3A_30 = arith.addi %scan3A_28, %scan3A_29 : i32
    %scan3A_31 = arith.constant 1 : i32
    scf.for %scan3A_90 = %scan3A_28 to %scan3A_30 step %scan3A_31  : i32 {
      %get3A_91 = arith.constant 0 : index
      %get3A_92 = arith.constant 0 : index
      %get3A_93 = arith.constant 0 : index
      %get3A_94 = vector.load %arg6[%get3A_91, %get3A_92, %get3A_93] : memref<16x8x128xf32, #tpu.memory_space<vmem>>, vector<16x8x128xf32>
      %get3A_95 = arith.constant 0 : index
      %get3A_96 = arith.constant 0 : index
      %get3A_97 = arith.constant 0 : index
      %get3A_98 = vector.load %arg7[%get3A_95, %get3A_96, %get3A_97] : memref<16x8x128xf32, #tpu.memory_space<vmem>>, vector<16x8x128xf32>
      %reduce_max3A = arith.constant dense<0xFF800000> : vector<16xf32>
      %reduce_max3A_99 = vector.multi_reduction <maximumf>, %get3A_94, %reduce_max3A [1, 2] : vector<16x8x128xf32> to vector<16xf32>
      %broadcast_in_dim3A_100 = vector.shape_cast %reduce_max3A_99 : vector<16xf32> to vector<16x1x1xf32>
      %eq3A_101 = vector.broadcast %broadcast_in_dim3A_100 : vector<16x1x1xf32> to vector<16x8x128xf32>
      %eq3A_102 = arith.cmpf oeq, %get3A_94, %eq3A_101 : vector<16x8x128xf32>
      %jit3A_103 = arith.constant 1.000000e+09 : f32
      %broadcast_in_dim3A_104 = vector.broadcast %jit3A_103 : f32 to vector<16x8x128xf32>
      %select_n3A_105 = arith.select %eq3A_102, %get3A_98, %broadcast_in_dim3A_104 : vector<16x8x128xi1>, vector<16x8x128xf32>
      %reduce_min3A = arith.constant dense<0x7F800000> : vector<16xf32>
      %reduce_min3A_106 = vector.multi_reduction <minimumf>, %select_n3A_105, %reduce_min3A [1, 2] : vector<16x8x128xf32> to vector<16xf32>
      %broadcast_in_dim3A_107 = vector.shape_cast %reduce_min3A_106 : vector<16xf32> to vector<16x1x1xf32>
      %sub3A_108 = arith.constant 128 : i32
      %sub3A_109 = arith.subi %scan3A_90, %sub3A_108 : i32
      %eq3A_110 = vector.broadcast %sub3A_109 : i32 to vector<16x128xi32>
      %eq3A_111 = arith.cmpi eq, %iota3A_0, %eq3A_110 : vector<16x128xi32>
      %reshape3A = vector.shape_cast %broadcast_in_dim3A_100 : vector<16x1x1xf32> to vector<16x1xf32>
      %get3A_112 = arith.constant 0 : index
      %get3A_113 = arith.constant 128 : index
      %get3A_114 = vector.load %arg3[%get3A_112, %get3A_113] : memref<16x384xf32, #tpu.memory_space<vmem>>, vector<16x128xf32>
      %broadcast_in_dim3A_115 = vector.shape_cast %reshape3A : vector<16x1xf32> to vector<16x1xf32>
      %broadcast_in_dim3A_116 = vector.broadcast %broadcast_in_dim3A_115 : vector<16x1xf32> to vector<16x128xf32>
      %select_n3A_117 = arith.select %eq3A_111, %broadcast_in_dim3A_116, %get3A_114 : vector<16x128xi1>, vector<16x128xf32>
      %swap3A_118 = arith.constant 0 : index
      %swap3A_119 = arith.constant 128 : index
      %swap3A_120 = vector.load %arg3[%swap3A_118, %swap3A_119] : memref<16x384xf32, #tpu.memory_space<vmem>>, vector<16x128xf32>
      tpu.vector_store %arg3[%swap3A_118, %swap3A_119], %select_n3A_117 {strides = array<i32>} : memref<16x384xf32, #tpu.memory_space<vmem>>, vector<16x128xf32>,
      %reshape3A_121 = vector.shape_cast %broadcast_in_dim3A_107 : vector<16x1x1xf32> to vector<16x1xf32>
      %get3A_122 = arith.constant 0 : index
      %get3A_123 = arith.constant 128 : index
      %get3A_124 = vector.load %arg4[%get3A_122, %get3A_123] : memref<16x384xf32, #tpu.memory_space<vmem>>, vector<16x128xf32>
      %broadcast_in_dim3A_125 = vector.shape_cast %reshape3A_121 : vector<16x1xf32> to vector<16x1xf32>
      %broadcast_in_dim3A_126 = vector.broadcast %broadcast_in_dim3A_125 : vector<16x1xf32> to vector<16x128xf32>
      %select_n3A_127 = arith.select %eq3A_111, %broadcast_in_dim3A_126, %get3A_124 : vector<16x128xi1>, vector<16x128xf32>
      %swap3A_128 = arith.constant 0 : index
      %swap3A_129 = arith.constant 128 : index
      %swap3A_130 = vector.load %arg4[%swap3A_128, %swap3A_129] : memref<16x384xf32, #tpu.memory_space<vmem>>, vector<16x128xf32>
      tpu.vector_store %arg4[%swap3A_128, %swap3A_129], %select_n3A_127 {strides = array<i32>} : memref<16x384xf32, #tpu.memory_space<vmem>>, vector<16x128xf32>,
      %slice3A = vector.extract_strided_slice %broadcast_in_dim3A_107 {offsets = [0, 0, 0], sizes = [1, 1, 1], strides = [1, 1, 1]} : vector<16x1x1xf32> to vector<1x1x1xf32>
      %squeeze3A = vector.shape_cast %slice3A : vector<1x1x1xf32> to vector<1x1xf32>
      %slice3A_131 = vector.extract_strided_slice %broadcast_in_dim3A_100 {offsets = [0, 0, 0], sizes = [1, 1, 1], strides = [1, 1, 1]} : vector<16x1x1xf32> to vector<1x1x1xf32>
      %squeeze3A_132 = vector.shape_cast %slice3A_131 : vector<1x1x1xf32> to vector<1x1xf32>
      %squeeze3A_133 = vector.extract %squeeze3A[0, 0] : f32 from vector<1x1xf32>
      %convert_element_type3A_134 = arith.fptosi %squeeze3A_133 : f32 to i32
      %jit3A_135 = arith.constant 91 : i32
      %div3A_136 = arith.divsi %convert_element_type3A_134, %jit3A_135 : i32
      %sign3A_137 = arith.constant 0 : i32
      %sign3A_138 = arith.cmpi sgt, %convert_element_type3A_134, %sign3A_137 : i32
      %sign3A_139 = arith.extui %sign3A_138 : i1 to i32
      %sign3A_140 = arith.constant 0 : i32
      %sign3A_141 = arith.cmpi slt, %convert_element_type3A_134, %sign3A_140 : i32
      %sign3A_142 = arith.extui %sign3A_141 : i1 to i32
      %sign3A_143 = arith.subi %sign3A_139, %sign3A_142 : i32
      %sign3A_144 = arith.constant 0 : i32
      %sign3A_145 = arith.cmpi sgt, %jit3A_135, %sign3A_144 : i32
      %sign3A_146 = arith.extui %sign3A_145 : i1 to i32
      %sign3A_147 = arith.constant 0 : i32
      %sign3A_148 = arith.cmpi slt, %jit3A_135, %sign3A_147 : i32
      %sign3A_149 = arith.extui %sign3A_148 : i1 to i32
      %sign3A_150 = arith.subi %sign3A_146, %sign3A_149 : i32
      %ne3A_151 = arith.cmpi ne, %sign3A_143, %sign3A_150 : i32
      %rem3A_152 = arith.remsi %convert_element_type3A_134, %jit3A_135 : i32
      %ne3A_153 = arith.constant 0 : i32
      %ne3A_154 = arith.cmpi ne, %rem3A_152, %ne3A_153 : i32
      %and3A_155 = arith.andi %ne3A_151, %ne3A_154 : i1
      %sub3A_156 = arith.constant 1 : i32
      %sub3A_157 = arith.subi %div3A_136, %sub3A_156 : i32
      %select_n3A_158 = arith.select %and3A_155, %sub3A_157, %div3A_136 : i32
      %get3A_159 = arith.constant 0 : index
      %get3A_160 = arith.index_cast %select_n3A_158 : i32 to index
      %get3A_161 = arith.constant 0 : index
      %get3A_162 = vector.load %arg0[%get3A_159, %get3A_160, %get3A_161] : memref<16x1024x128xf32, #tpu.memory_space<vmem>>, vector<1x1x128xf32>
      %get3A_163 = vector.shape_cast %get3A_162 : vector<1x1x128xf32> to vector<1x128xf32>
      %mul3A = arith.constant 91 : i32
      %mul3A_164 = arith.muli %select_n3A_158, %mul3A : i32
      %add3A_165 = vector.broadcast %mul3A_164 : i32 to vector<1x128xi32>
      %add3A_166 = arith.addi %add3A_165, %iota3A : vector<1x128xi32>
      %convert_element_type3A_167 = arith.sitofp %add3A_166 : vector<1x128xi32> to vector<1x128xf32>
      %lt3A_168 = vector.broadcast %squeeze3A_132 : vector<1x1xf32> to vector<1x128xf32>
      %lt3A_169 = arith.cmpf olt, %get3A_163, %lt3A_168 : vector<1x128xf32>
      %eq3A_170 = vector.broadcast %squeeze3A_132 : vector<1x1xf32> to vector<1x128xf32>
      %eq3A_171 = arith.cmpf oeq, %get3A_163, %eq3A_170 : vector<1x128xf32>
      %gt3A = vector.broadcast %squeeze3A : vector<1x1xf32> to vector<1x128xf32>
      %gt3A_172 = arith.cmpf ogt, %convert_element_type3A_167, %gt3A : vector<1x128xf32>
      %and3A_173 = arith.andi %eq3A_171, %gt3A_172 : vector<1x128xi1>
      %or3A = arith.ori %lt3A_169, %and3A_173 : vector<1x128xi1>
      %jit3A_174 = arith.constant -2.000000e+00 : f32
      %broadcast_in_dim3A_175 = vector.broadcast %jit3A_174 : f32 to vector<1x128xf32>
      %select_n3A_176 = arith.select %or3A, %get3A_163, %broadcast_in_dim3A_175 : vector<1x128xi1>, vector<1x128xf32>
      %reduce_max3A_177 = vector.shape_cast %select_n3A_176 : vector<1x128xf32> to vector<1x1x128xf32>
      %reduce_max3A_178 = arith.constant dense<0xFF800000> : vector<1xf32>
      %reduce_max3A_179 = vector.multi_reduction <maximumf>, %reduce_max3A_177, %reduce_max3A_178 [1, 2] : vector<1x1x128xf32> to vector<1xf32>
      %reduce_max3A_180 = vector.shape_cast %reduce_max3A_179 : vector<1xf32> to vector<1x1x1xf32>
      %reduce_max3A_181 = vector.extract %reduce_max3A_180[0, 0, 0] : f32 from vector<1x1x1xf32>
      %broadcast_in_dim3A_182 = vector.broadcast %reduce_max3A_181 : f32 to vector<1x1xf32>
      %eq3A_183 = vector.broadcast %broadcast_in_dim3A_182 : vector<1x1xf32> to vector<1x128xf32>
      %eq3A_184 = arith.cmpf oeq, %select_n3A_176, %eq3A_183 : vector<1x128xf32>
      %jit3A_185 = arith.constant 1.000000e+09 : f32
      %broadcast_in_dim3A_186 = vector.broadcast %jit3A_185 : f32 to vector<1x128xf32>
      %select_n3A_187 = arith.select %eq3A_184, %convert_element_type3A_167, %broadcast_in_dim3A_186 : vector<1x128xi1>, vector<1x128xf32>
      %reduce_min3A_188 = vector.shape_cast %select_n3A_187 : vector<1x128xf32> to vector<1x1x128xf32>
      %reduce_min3A_189 = arith.constant dense<0x7F800000> : vector<1xf32>
      %reduce_min3A_190 = vector.multi_reduction <minimumf>, %reduce_min3A_188, %reduce_min3A_189 [1, 2] : vector<1x1x128xf32> to vector<1xf32>
      %reduce_min3A_191 = vector.shape_cast %reduce_min3A_190 : vector<1xf32> to vector<1x1x1xf32>
      %reduce_min3A_192 = vector.extract %reduce_min3A_191[0, 0, 0] : f32 from vector<1x1x1xf32>
      %broadcast_in_dim3A_193 = vector.broadcast %reduce_min3A_192 : f32 to vector<1x1xf32>
      %slice3A_194 = vector.extract_strided_slice %get3A_94 {offsets = [0, 0, 0], sizes = [1, 8, 128], strides = [1, 1, 1]} : vector<16x8x128xf32> to vector<1x8x128xf32>
      %squeeze3A_195 = vector.shape_cast %slice3A_194 : vector<1x8x128xf32> to vector<8x128xf32>
      %eq3A_196 = vector.broadcast %squeeze3A_132 : vector<1x1xf32> to vector<8x128xf32>
      %eq3A_197 = arith.cmpf oeq, %squeeze3A_195, %eq3A_196 : vector<8x128xf32>
      %slice3A_198 = vector.extract_strided_slice %get3A_98 {offsets = [0, 0, 0], sizes = [1, 8, 128], strides = [1, 1, 1]} : vector<16x8x128xf32> to vector<1x8x128xf32>
      %squeeze3A_199 = vector.shape_cast %slice3A_198 : vector<1x8x128xf32> to vector<8x128xf32>
      %eq3A_200 = vector.broadcast %squeeze3A : vector<1x1xf32> to vector<8x128xf32>
      %eq3A_201 = arith.cmpf oeq, %squeeze3A_199, %eq3A_200 : vector<8x128xf32>
      %and3A_202 = arith.andi %eq3A_197, %eq3A_201 : vector<8x128xi1>
      %slice3A_203 = vector.extract_strided_slice %get3A_94 {offsets = [0, 0, 0], sizes = [1, 8, 128], strides = [1, 1, 1]} : vector<16x8x128xf32> to vector<1x8x128xf32>
      %squeeze3A_204 = vector.shape_cast %slice3A_203 : vector<1x8x128xf32> to vector<8x128xf32>
      %broadcast_in_dim3A_205 = vector.shape_cast %broadcast_in_dim3A_182 : vector<1x1xf32> to vector<1x1xf32>
      %broadcast_in_dim3A_206 = vector.broadcast %broadcast_in_dim3A_205 : vector<1x1xf32> to vector<8x128xf32>
      %select_n3A_207 = arith.select %and3A_202, %broadcast_in_dim3A_206, %squeeze3A_204 : vector<8x128xi1>, vector<8x128xf32>
      %broadcast_in_dim3A_208 = vector.shape_cast %select_n3A_207 : vector<8x128xf32> to vector<1x8x128xf32>
      %slice3A_209 = vector.extract_strided_slice %get3A_98 {offsets = [0, 0, 0], sizes = [1, 8, 128], strides = [1, 1, 1]} : vector<16x8x128xf32> to vector<1x8x128xf32>
      %squeeze3A_210 = vector.shape_cast %slice3A_209 : vector<1x8x128xf32> to vector<8x128xf32>
      %broadcast_in_dim3A_211 = vector.shape_cast %broadcast_in_dim3A_193 : vector<1x1xf32> to vector<1x1xf32>
      %broadcast_in_dim3A_212 = vector.broadcast %broadcast_in_dim3A_211 : vector<1x1xf32> to vector<8x128xf32>
      %select_n3A_213 = arith.select %and3A_202, %broadcast_in_dim3A_212, %squeeze3A_210 : vector<8x128xi1>, vector<8x128xf32>
      %broadcast_in_dim3A_214 = vector.shape_cast %select_n3A_213 : vector<8x128xf32> to vector<1x8x128xf32>
      %slice3A_215 = vector.extract_strided_slice %broadcast_in_dim3A_107 {offsets = [1, 0, 0], sizes = [1, 1, 1], strides = [1, 1, 1]} : vector<16x1x1xf32> to vector<1x1x1xf32>
      %squeeze3A_216 = vector.shape_cast %slice3A_215 : vector<1x1x1xf32> to vector<1x1xf32>
      %slice3A_217 = vector.extract_strided_slice %broadcast_in_dim3A_100 {offsets = [1, 0, 0], sizes = [1, 1, 1], strides = [1, 1, 1]} : vector<16x1x1xf32> to vector<1x1x1xf32>
      %squeeze3A_218 = vector.shape_cast %slice3A_217 : vector<1x1x1xf32> to vector<1x1xf32>
      %squeeze3A_219 = vector.extract %squeeze3A_216[0, 0] : f32 from vector<1x1xf32>
      %convert_element_type3A_220 = arith.fptosi %squeeze3A_219 : f32 to i32
      %jit3A_221 = arith.constant 91 : i32
      %div3A_222 = arith.divsi %convert_element_type3A_220, %jit3A_221 : i32
      %sign3A_223 = arith.constant 0 : i32
      %sign3A_224 = arith.cmpi sgt, %convert_element_type3A_220, %sign3A_223 : i32
      %sign3A_225 = arith.extui %sign3A_224 : i1 to i32
      %sign3A_226 = arith.constant 0 : i32
      %sign3A_227 = arith.cmpi slt, %convert_element_type3A_220, %sign3A_226 : i32
      %sign3A_228 = arith.extui %sign3A_227 : i1 to i32
      %sign3A_229 = arith.subi %sign3A_225, %sign3A_228 : i32
      %sign3A_230 = arith.constant 0 : i32
      %sign3A_231 = arith.cmpi sgt, %jit3A_221, %sign3A_230 : i32
      %sign3A_232 = arith.extui %sign3A_231 : i1 to i32
      %sign3A_233 = arith.constant 0 : i32
      %sign3A_234 = arith.cmpi slt, %jit3A_221, %sign3A_233 : i32
      %sign3A_235 = arith.extui %sign3A_234 : i1 to i32
      %sign3A_236 = arith.subi %sign3A_232, %sign3A_235 : i32
      %ne3A_237 = arith.cmpi ne, %sign3A_229, %sign3A_236 : i32
      %rem3A_238 = arith.remsi %convert_element_type3A_220, %jit3A_221 : i32
      %ne3A_239 = arith.constant 0 : i32
      %ne3A_240 = arith.cmpi ne, %rem3A_238, %ne3A_239 : i32
      %and3A_241 = arith.andi %ne3A_237, %ne3A_240 : i1
      %sub3A_242 = arith.constant 1 : i32
      %sub3A_243 = arith.subi %div3A_222, %sub3A_242 : i32
      %select_n3A_244 = arith.select %and3A_241, %sub3A_243, %div3A_222 : i32
      %get3A_245 = arith.constant 1 : index
      %get3A_246 = arith.index_cast %select_n3A_244 : i32 to index
      %get3A_247 = arith.constant 0 : index
      %get3A_248 = vector.load %arg0[%get3A_245, %get3A_246, %get3A_247] : memref<16x1024x128xf32, #tpu.memory_space<vmem>>, vector<1x1x128xf32>
      %get3A_249 = vector.shape_cast %get3A_248 : vector<1x1x128xf32> to vector<1x128xf32>
      %mul3A_250 = arith.constant 91 : i32
      %mul3A_251 = arith.muli %select_n3A_244, %mul3A_250 : i32
      %add3A_252 = vector.broadcast %mul3A_251 : i32 to vector<1x128xi32>
      %add3A_253 = arith.addi %add3A_252, %iota3A : vector<1x128xi32>
      %convert_element_type3A_254 = arith.sitofp %add3A_253 : vector<1x128xi32> to vector<1x128xf32>
      %lt3A_255 = vector.broadcast %squeeze3A_218 : vector<1x1xf32> to vector<1x128xf32>
      %lt3A_256 = arith.cmpf olt, %get3A_249, %lt3A_255 : vector<1x128xf32>
      %eq3A_257 = vector.broadcast %squeeze3A_218 : vector<1x1xf32> to vector<1x128xf32>
      %eq3A_258 = arith.cmpf oeq, %get3A_249, %eq3A_257 : vector<1x128xf32>
      %gt3A_259 = vector.broadcast %squeeze3A_216 : vector<1x1xf32> to vector<1x128xf32>
      %gt3A_260 = arith.cmpf ogt, %convert_element_type3A_254, %gt3A_259 : vector<1x128xf32>
      %and3A_261 = arith.andi %eq3A_258, %gt3A_260 : vector<1x128xi1>
      %or3A_262 = arith.ori %lt3A_256, %and3A_261 : vector<1x128xi1>
      %jit3A_263 = arith.constant -2.000000e+00 : f32
      %broadcast_in_dim3A_264 = vector.broadcast %jit3A_263 : f32 to vector<1x128xf32>
      %select_n3A_265 = arith.select %or3A_262, %get3A_249, %broadcast_in_dim3A_264 : vector<1x128xi1>, vector<1x128xf32>
      %reduce_max3A_266 = vector.shape_cast %select_n3A_265 : vector<1x128xf32> to vector<1x1x128xf32>
      %reduce_max3A_267 = arith.constant dense<0xFF800000> : vector<1xf32>
      %reduce_max3A_268 = vector.multi_reduction <maximumf>, %reduce_max3A_266, %reduce_max3A_267 [1, 2] : vector<1x1x128xf32> to vector<1xf32>
      %reduce_max3A_269 = vector.shape_cast %reduce_max3A_268 : vector<1xf32> to vector<1x1x1xf32>
      %reduce_max3A_270 = vector.extract %reduce_max3A_269[0, 0, 0] : f32 from vector<1x1x1xf32>
      %broadcast_in_dim3A_271 = vector.broadcast %reduce_max3A_270 : f32 to vector<1x1xf32>
      %eq3A_272 = vector.broadcast %broadcast_in_dim3A_271 : vector<1x1xf32> to vector<1x128xf32>
      %eq3A_273 = arith.cmpf oeq, %select_n3A_265, %eq3A_272 : vector<1x128xf32>
      %jit3A_274 = arith.constant 1.000000e+09 : f32
      %broadcast_in_dim3A_275 = vector.broadcast %jit3A_274 : f32 to vector<1x128xf32>
      %select_n3A_276 = arith.select %eq3A_273, %convert_element_type3A_254, %broadcast_in_dim3A_275 : vector<1x128xi1>, vector<1x128xf32>
      %reduce_min3A_277 = vector.shape_cast %select_n3A_276 : vector<1x128xf32> to vector<1x1x128xf32>
      %reduce_min3A_278 = arith.constant dense<0x7F800000> : vector<1xf32>
      %reduce_min3A_279 = vector.multi_reduction <minimumf>, %reduce_min3A_277, %reduce_min3A_278 [1, 2] : vector<1x1x128xf32> to vector<1xf32>
      %reduce_min3A_280 = vector.shape_cast %reduce_min3A_279 : vector<1xf32> to vector<1x1x1xf32>
      %reduce_min3A_281 = vector.extract %reduce_min3A_280[0, 0, 0] : f32 from vector<1x1x1xf32>
      %broadcast_in_dim3A_282 = vector.broadcast %reduce_min3A_281 : f32 to vector<1x1xf32>
      %slice3A_283 = vector.extract_strided_slice %get3A_94 {offsets = [1, 0, 0], sizes = [1, 8, 128], strides = [1, 1, 1]} : vector<16x8x128xf32> to vector<1x8x128xf32>
      %squeeze3A_284 = vector.shape_cast %slice3A_283 : vector<1x8x128xf32> to vector<8x128xf32>
      %eq3A_285 = vector.broadcast %squeeze3A_218 : vector<1x1xf32> to vector<8x128xf32>
      %eq3A_286 = arith.cmpf oeq, %squeeze3A_284, %eq3A_285 : vector<8x128xf32>
      %slice3A_287 = vector.extract_strided_slice %get3A_98 {offsets = [1, 0, 0], sizes = [1, 8, 128], strides = [1, 1, 1]} : vector<16x8x128xf32> to vector<1x8x128xf32>
      %squeeze3A_288 = vector.shape_cast %slice3A_287 : vector<1x8x128xf32> to vector<8x128xf32>
      %eq3A_289 = vector.broadcast %squeeze3A_216 : vector<1x1xf32> to vector<8x128xf32>
      %eq3A_290 = arith.cmpf oeq, %squeeze3A_288, %eq3A_289 : vector<8x128xf32>
      %and3A_291 = arith.andi %eq3A_286, %eq3A_290 : vector<8x128xi1>
      %slice3A_292 = vector.extract_strided_slice %get3A_94 {offsets = [1, 0, 0], sizes = [1, 8, 128], strides = [1, 1, 1]} : vector<16x8x128xf32> to vector<1x8x128xf32>
      %squeeze3A_293 = vector.shape_cast %slice3A_292 : vector<1x8x128xf32> to vector<8x128xf32>
      %broadcast_in_dim3A_294 = vector.shape_cast %broadcast_in_dim3A_271 : vector<1x1xf32> to vector<1x1xf32>
      %broadcast_in_dim3A_295 = vector.broadcast %broadcast_in_dim3A_294 : vector<1x1xf32> to vector<8x128xf32>
      %select_n3A_296 = arith.select %and3A_291, %broadcast_in_dim3A_295, %squeeze3A_293 : vector<8x128xi1>, vector<8x128xf32>
      %broadcast_in_dim3A_297 = vector.shape_cast %select_n3A_296 : vector<8x128xf32> to vector<1x8x128xf32>
      %slice3A_298 = vector.extract_strided_slice %get3A_98 {offsets = [1, 0, 0], sizes = [1, 8, 128], strides = [1, 1, 1]} : vector<16x8x128xf32> to vector<1x8x128xf32>
      %squeeze3A_299 = vector.shape_cast %slice3A_298 : vector<1x8x128xf32> to vector<8x128xf32>
      %broadcast_in_dim3A_300 = vector.shape_cast %broadcast_in_dim3A_282 : vector<1x1xf32> to vector<1x1xf32>
      %broadcast_in_dim3A_301 = vector.broadcast %broadcast_in_dim3A_300 : vector<1x1xf32> to vector<8x128xf32>
      %select_n3A_302 = arith.select %and3A_291, %broadcast_in_dim3A_301, %squeeze3A_299 : vector<8x128xi1>, vector<8x128xf32>
      %broadcast_in_dim3A_303 = vector.shape_cast %select_n3A_302 : vector<8x128xf32> to vector<1x8x128xf32>
      %slice3A_304 = vector.extract_strided_slice %broadcast_in_dim3A_107 {offsets = [2, 0, 0], sizes = [1, 1, 1], strides = [1, 1, 1]} : vector<16x1x1xf32> to vector<1x1x1xf32>
      %squeeze3A_305 = vector.shape_cast %slice3A_304 : vector<1x1x1xf32> to vector<1x1xf32>
      %slice3A_306 = vector.extract_strided_slice %broadcast_in_dim3A_100 {offsets = [2, 0, 0], sizes = [1, 1, 1], strides = [1, 1, 1]} : vector<16x1x1xf32> to vector<1x1x1xf32>
      %squeeze3A_307 = vector.shape_cast %slice3A_306 : vector<1x1x1xf32> to vector<1x1xf32>
      %squeeze3A_308 = vector.extract %squeeze3A_305[0, 0] : f32 from vector<1x1xf32>
      %convert_element_type3A_309 = arith.fptosi %squeeze3A_308 : f32 to i32
      %jit3A_310 = arith.constant 91 : i32
      %div3A_311 = arith.divsi %convert_element_type3A_309, %jit3A_310 : i32
      %sign3A_312 = arith.constant 0 : i32
      %sign3A_313 = arith.cmpi sgt, %convert_element_type3A_309, %sign3A_312 : i32
      %sign3A_314 = arith.extui %sign3A_313 : i1 to i32
      %sign3A_315 = arith.constant 0 : i32
      %sign3A_316 = arith.cmpi slt, %convert_element_type3A_309, %sign3A_315 : i32
      %sign3A_317 = arith.extui %sign3A_316 : i1 to i32
      %sign3A_318 = arith.subi %sign3A_314, %sign3A_317 : i32
      %sign3A_319 = arith.constant 0 : i32
      %sign3A_320 = arith.cmpi sgt, %jit3A_310, %sign3A_319 : i32
      %sign3A_321 = arith.extui %sign3A_320 : i1 to i32
      %sign3A_322 = arith.constant 0 : i32
      %sign3A_323 = arith.cmpi slt, %jit3A_310, %sign3A_322 : i32
      %sign3A_324 = arith.extui %sign3A_323 : i1 to i32
      %sign3A_325 = arith.subi %sign3A_321, %sign3A_324 : i32
      %ne3A_326 = arith.cmpi ne, %sign3A_318, %sign3A_325 : i32
      %rem3A_327 = arith.remsi %convert_element_type3A_309, %jit3A_310 : i32
      %ne3A_328 = arith.constant 0 : i32
      %ne3A_329 = arith.cmpi ne, %rem3A_327, %ne3A_328 : i32
      %and3A_330 = arith.andi %ne3A_326, %ne3A_329 : i1
      %sub3A_331 = arith.constant 1 : i32
      %sub3A_332 = arith.subi %div3A_311, %sub3A_331 : i32
      %select_n3A_333 = arith.select %and3A_330, %sub3A_332, %div3A_311 : i32
      %get3A_334 = arith.constant 2 : index
      %get3A_335 = arith.index_cast %select_n3A_333 : i32 to index
      %get3A_336 = arith.constant 0 : index
      %get3A_337 = vector.load %arg0[%get3A_334, %get3A_335, %get3A_336] : memref<16x1024x128xf32, #tpu.memory_space<vmem>>, vector<1x1x128xf32>
      %get3A_338 = vector.shape_cast %get3A_337 : vector<1x1x128xf32> to vector<1x128xf32>
      %mul3A_339 = arith.constant 91 : i32
      %mul3A_340 = arith.muli %select_n3A_333, %mul3A_339 : i32
      %add3A_341 = vector.broadcast %mul3A_340 : i32 to vector<1x128xi32>
      %add3A_342 = arith.addi %add3A_341, %iota3A : vector<1x128xi32>
      %convert_element_type3A_343 = arith.sitofp %add3A_342 : vector<1x128xi32> to vector<1x128xf32>
      %lt3A_344 = vector.broadcast %squeeze3A_307 : vector<1x1xf32> to vector<1x128xf32>
      %lt3A_345 = arith.cmpf olt, %get3A_338, %lt3A_344 : vector<1x128xf32>
      %eq3A_346 = vector.broadcast %squeeze3A_307 : vector<1x1xf32> to vector<1x128xf32>
      %eq3A_347 = arith.cmpf oeq, %get3A_338, %eq3A_346 : vector<1x128xf32>
      %gt3A_348 = vector.broadcast %squeeze3A_305 : vector<1x1xf32> to vector<1x128xf32>
      %gt3A_349 = arith.cmpf ogt, %convert_element_type3A_343, %gt3A_348 : vector<1x128xf32>
      %and3A_350 = arith.andi %eq3A_347, %gt3A_349 : vector<1x128xi1>
      %or3A_351 = arith.ori %lt3A_345, %and3A_350 : vector<1x128xi1>
      %jit3A_352 = arith.constant -2.000000e+00 : f32
      %broadcast_in_dim3A_353 = vector.broadcast %jit3A_352 : f32 to vector<1x128xf32>
      %select_n3A_354 = arith.select %or3A_351, %get3A_338, %broadcast_in_dim3A_353 : vector<1x128xi1>, vector<1x128xf32>
      %reduce_max3A_355 = vector.shape_cast %select_n3A_354 : vector<1x128xf32> to vector<1x1x128xf32>
      %reduce_max3A_356 = arith.constant dense<0xFF800000> : vector<1xf32>
      %reduce_max3A_357 = vector.multi_reduction <maximumf>, %reduce_max3A_355, %reduce_max3A_356 [1, 2] : vector<1x1x128xf32> to vector<1xf32>
      %reduce_max3A_358 = vector.shape_cast %reduce_max3A_357 : vector<1xf32> to vector<1x1x1xf32>
      %reduce_max3A_359 = vector.extract %reduce_max3A_358[0, 0, 0] : f32 from vector<1x1x1xf32>
      %broadcast_in_dim3A_360 = vector.broadcast %reduce_max3A_359 : f32 to vector<1x1xf32>
      %eq3A_361 = vector.broadcast %broadcast_in_dim3A_360 : vector<1x1xf32> to vector<1x128xf32>
      %eq3A_362 = arith.cmpf oeq, %select_n3A_354, %eq3A_361 : vector<1x128xf32>
      %jit3A_363 = arith.constant 1.000000e+09 : f32
      %broadcast_in_dim3A_364 = vector.broadcast %jit3A_363 : f32 to vector<1x128xf32>
      %select_n3A_365 = arith.select %eq3A_362, %convert_element_type3A_343, %broadcast_in_dim3A_364 : vector<1x128xi1>, vector<1x128xf32>
      %reduce_min3A_366 = vector.shape_cast %select_n3A_365 : vector<1x128xf32> to vector<1x1x128xf32>
      %reduce_min3A_367 = arith.constant dense<0x7F800000> : vector<1xf32>
      %reduce_min3A_368 = vector.multi_reduction <minimumf>, %reduce_min3A_366, %reduce_min3A_367 [1, 2] : vector<1x1x128xf32> to vector<1xf32>
      %reduce_min3A_369 = vector.shape_cast %reduce_min3A_368 : vector<1xf32> to vector<1x1x1xf32>
      %reduce_min3A_370 = vector.extract %reduce_min3A_369[0, 0, 0] : f32 from vector<1x1x1xf32>
      %broadcast_in_dim3A_371 = vector.broadcast %reduce_min3A_370 : f32 to vector<1x1xf32>
      %slice3A_372 = vector.extract_strided_slice %get3A_94 {offsets = [2, 0, 0], sizes = [1, 8, 128], strides = [1, 1, 1]} : vector<16x8x128xf32> to vector<1x8x128xf32>
      %squeeze3A_373 = vector.shape_cast %slice3A_372 : vector<1x8x128xf32> to vector<8x128xf32>
      %eq3A_374 = vector.broadcast %squeeze3A_307 : vector<1x1xf32> to vector<8x128xf32>
      %eq3A_375 = arith.cmpf oeq, %squeeze3A_373, %eq3A_374 : vector<8x128xf32>
      %slice3A_376 = vector.extract_strided_slice %get3A_98 {offsets = [2, 0, 0], sizes = [1, 8, 128], strides = [1, 1, 1]} : vector<16x8x128xf32> to vector<1x8x128xf32>
      %squeeze3A_377 = vector.shape_cast %slice3A_376 : vector<1x8x128xf32> to vector<8x128xf32>
      %eq3A_378 = vector.broadcast %squeeze3A_305 : vector<1x1xf32> to vector<8x128xf32>
      %eq3A_379 = arith.cmpf oeq, %squeeze3A_377, %eq3A_378 : vector<8x128xf32>
      %and3A_380 = arith.andi %eq3A_375, %eq3A_379 : vector<8x128xi1>
      %slice3A_381 = vector.extract_strided_slice %get3A_94 {offsets = [2, 0, 0], sizes = [1, 8, 128], strides = [1, 1, 1]} : vector<16x8x128xf32> to vector<1x8x128xf32>
      %squeeze3A_382 = vector.shape_cast %slice3A_381 : vector<1x8x128xf32> to vector<8x128xf32>
      %broadcast_in_dim3A_383 = vector.shape_cast %broadcast_in_dim3A_360 : vector<1x1xf32> to vector<1x1xf32>
      %broadcast_in_dim3A_384 = vector.broadcast %broadcast_in_dim3A_383 : vector<1x1xf32> to vector<8x128xf32>
      %select_n3A_385 = arith.select %and3A_380, %broadcast_in_dim3A_384, %squeeze3A_382 : vector<8x128xi1>, vector<8x128xf32>
      %broadcast_in_dim3A_386 = vector.shape_cast %select_n3A_385 : vector<8x128xf32> to vector<1x8x128xf32>
      %slice3A_387 = vector.extract_strided_slice %get3A_98 {offsets = [2, 0, 0], sizes = [1, 8, 128], strides = [1, 1, 1]} : vector<16x8x128xf32> to vector<1x8x128xf32>
      %squeeze3A_388 = vector.shape_cast %slice3A_387 : vector<1x8x128xf32> to vector<8x128xf32>
      %broadcast_in_dim3A_389 = vector.shape_cast %broadcast_in_dim3A_371 : vector<1x1xf32> to vector<1x1xf32>
      %broadcast_in_dim3A_390 = vector.broadcast %broadcast_in_dim3A_389 : vector<1x1xf32> to vector<8x128xf32>
      %select_n3A_391 = arith.select %and3A_380, %broadcast_in_dim3A_390, %squeeze3A_388 : vector<8x128xi1>, vector<8x128xf32>
      %broadcast_in_dim3A_392 = vector.shape_cast %select_n3A_391 : vector<8x128xf32> to vector<1x8x128xf32>
      %slice3A_393 = vector.extract_strided_slice %broadcast_in_dim3A_107 {offsets = [3, 0, 0], sizes = [1, 1, 1], strides = [1, 1, 1]} : vector<16x1x1xf32> to vector<1x1x1xf32>
      %squeeze3A_394 = vector.shape_cast %slice3A_393 : vector<1x1x1xf32> to vector<1x1xf32>
      %slice3A_395 = vector.extract_strided_slice %broadcast_in_dim3A_100 {offsets = [3, 0, 0], sizes = [1, 1, 1], strides = [1, 1, 1]} : vector<16x1x1xf32> to vector<1x1x1xf32>
      %squeeze3A_396 = vector.shape_cast %slice3A_395 : vector<1x1x1xf32> to vector<1x1xf32>
      %squeeze3A_397 = vector.extract %squeeze3A_394[0, 0] : f32 from vector<1x1xf32>
      %convert_element_type3A_398 = arith.fptosi %squeeze3A_397 : f32 to i32
      %jit3A_399 = arith.constant 91 : i32
      %div3A_400 = arith.divsi %convert_element_type3A_398, %jit3A_399 : i32
      %sign3A_401 = arith.constant 0 : i32
      %sign3A_402 = arith.cmpi sgt, %convert_element_type3A_398, %sign3A_401 : i32
      %sign3A_403 = arith.extui %sign3A_402 : i1 to i32
      %sign3A_404 = arith.constant 0 : i32
      %sign3A_405 = arith.cmpi slt, %convert_element_type3A_398, %sign3A_404 : i32
      %sign3A_406 = arith.extui %sign3A_405 : i1 to i32
      %sign3A_407 = arith.subi %sign3A_403, %sign3A_406 : i32
      %sign3A_408 = arith.constant 0 : i32
      %sign3A_409 = arith.cmpi sgt, %jit3A_399, %sign3A_408 : i32
      %sign3A_410 = arith.extui %sign3A_409 : i1 to i32
      %sign3A_411 = arith.constant 0 : i32
      %sign3A_412 = arith.cmpi slt, %jit3A_399, %sign3A_411 : i32
      %sign3A_413 = arith.extui %sign3A_412 : i1 to i32
      %sign3A_414 = arith.subi %sign3A_410, %sign3A_413 : i32
      %ne3A_415 = arith.cmpi ne, %sign3A_407, %sign3A_414 : i32
      %rem3A_416 = arith.remsi %convert_element_type3A_398, %jit3A_399 : i32
      %ne3A_417 = arith.constant 0 : i32
      %ne3A_418 = arith.cmpi ne, %rem3A_416, %ne3A_417 : i32
      %and3A_419 = arith.andi %ne3A_415, %ne3A_418 : i1
      %sub3A_420 = arith.constant 1 : i32
      %sub3A_421 = arith.subi %div3A_400, %sub3A_420 : i32
      %select_n3A_422 = arith.select %and3A_419, %sub3A_421, %div3A_400 : i32
      %get3A_423 = arith.constant 3 : index
      %get3A_424 = arith.index_cast %select_n3A_422 : i32 to index
      %get3A_425 = arith.constant 0 : index
      %get3A_426 = vector.load %arg0[%get3A_423, %get3A_424, %get3A_425] : memref<16x1024x128xf32, #tpu.memory_space<vmem>>, vector<1x1x128xf32>
      %get3A_427 = vector.shape_cast %get3A_426 : vector<1x1x128xf32> to vector<1x128xf32>
      %mul3A_428 = arith.constant 91 : i32
      %mul3A_429 = arith.muli %select_n3A_422, %mul3A_428 : i32
      %add3A_430 = vector.broadcast %mul3A_429 : i32 to vector<1x128xi32>
      %add3A_431 = arith.addi %add3A_430, %iota3A : vector<1x128xi32>
      %convert_element_type3A_432 = arith.sitofp %add3A_431 : vector<1x128xi32> to vector<1x128xf32>
      %lt3A_433 = vector.broadcast %squeeze3A_396 : vector<1x1xf32> to vector<1x128xf32>
      %lt3A_434 = arith.cmpf olt, %get3A_427, %lt3A_433 : vector<1x128xf32>
      %eq3A_435 = vector.broadcast %squeeze3A_396 : vector<1x1xf32> to vector<1x128xf32>
      %eq3A_436 = arith.cmpf oeq, %get3A_427, %eq3A_435 : vector<1x128xf32>
      %gt3A_437 = vector.broadcast %squeeze3A_394 : vector<1x1xf32> to vector<1x128xf32>
      %gt3A_438 = arith.cmpf ogt, %convert_element_type3A_432, %gt3A_437 : vector<1x128xf32>
      %and3A_439 = arith.andi %eq3A_436, %gt3A_438 : vector<1x128xi1>
      %or3A_440 = arith.ori %lt3A_434, %and3A_439 : vector<1x128xi1>
      %jit3A_441 = arith.constant -2.000000e+00 : f32
      %broadcast_in_dim3A_442 = vector.broadcast %jit3A_441 : f32 to vector<1x128xf32>
      %select_n3A_443 = arith.select %or3A_440, %get3A_427, %broadcast_in_dim3A_442 : vector<1x128xi1>, vector<1x128xf32>
      %reduce_max3A_444 = vector.shape_cast %select_n3A_443 : vector<1x128xf32> to vector<1x1x128xf32>
      %reduce_max3A_445 = arith.constant dense<0xFF800000> : vector<1xf32>
      %reduce_max3A_446 = vector.multi_reduction <maximumf>, %reduce_max3A_444, %reduce_max3A_445 [1, 2] : vector<1x1x128xf32> to vector<1xf32>
      %reduce_max3A_447 = vector.shape_cast %reduce_max3A_446 : vector<1xf32> to vector<1x1x1xf32>
      %reduce_max3A_448 = vector.extract %reduce_max3A_447[0, 0, 0] : f32 from vector<1x1x1xf32>
      %broadcast_in_dim3A_449 = vector.broadcast %reduce_max3A_448 : f32 to vector<1x1xf32>
      %eq3A_450 = vector.broadcast %broadcast_in_dim3A_449 : vector<1x1xf32> to vector<1x128xf32>
      %eq3A_451 = arith.cmpf oeq, %select_n3A_443, %eq3A_450 : vector<1x128xf32>
      %jit3A_452 = arith.constant 1.000000e+09 : f32
      %broadcast_in_dim3A_453 = vector.broadcast %jit3A_452 : f32 to vector<1x128xf32>
      %select_n3A_454 = arith.select %eq3A_451, %convert_element_type3A_432, %broadcast_in_dim3A_453 : vector<1x128xi1>, vector<1x128xf32>
      %reduce_min3A_455 = vector.shape_cast %select_n3A_454 : vector<1x128xf32> to vector<1x1x128xf32>
      %reduce_min3A_456 = arith.constant dense<0x7F800000> : vector<1xf32>
      %reduce_min3A_457 = vector.multi_reduction <minimumf>, %reduce_min3A_455, %reduce_min3A_456 [1, 2] : vector<1x1x128xf32> to vector<1xf32>
      %reduce_min3A_458 = vector.shape_cast %reduce_min3A_457 : vector<1xf32> to vector<1x1x1xf32>
      %reduce_min3A_459 = vector.extract %reduce_min3A_458[0, 0, 0] : f32 from vector<1x1x1xf32>
      %broadcast_in_dim3A_460 = vector.broadcast %reduce_min3A_459 : f32 to vector<1x1xf32>
      %slice3A_461 = vector.extract_strided_slice %get3A_94 {offsets = [3, 0, 0], sizes = [1, 8, 128], strides = [1, 1, 1]} : vector<16x8x128xf32> to vector<1x8x128xf32>
      %squeeze3A_462 = vector.shape_cast %slice3A_461 : vector<1x8x128xf32> to vector<8x128xf32>
      %eq3A_463 = vector.broadcast %squeeze3A_396 : vector<1x1xf32> to vector<8x128xf32>
      %eq3A_464 = arith.cmpf oeq, %squeeze3A_462, %eq3A_463 : vector<8x128xf32>
      %slice3A_465 = vector.extract_strided_slice %get3A_98 {offsets = [3, 0, 0], sizes = [1, 8, 128], strides = [1, 1, 1]} : vector<16x8x128xf32> to vector<1x8x128xf32>
      %squeeze3A_466 = vector.shape_cast %slice3A_465 : vector<1x8x128xf32> to vector<8x128xf32>
      %eq3A_467 = vector.broadcast %squeeze3A_394 : vector<1x1xf32> to vector<8x128xf32>
      %eq3A_468 = arith.cmpf oeq, %squeeze3A_466, %eq3A_467 : vector<8x128xf32>
      %and3A_469 = arith.andi %eq3A_464, %eq3A_468 : vector<8x128xi1>
      %slice3A_470 = vector.extract_strided_slice %get3A_94 {offsets = [3, 0, 0], sizes = [1, 8, 128], strides = [1, 1, 1]} : vector<16x8x128xf32> to vector<1x8x128xf32>
      %squeeze3A_471 = vector.shape_cast %slice3A_470 : vector<1x8x128xf32> to vector<8x128xf32>
      %broadcast_in_dim3A_472 = vector.shape_cast %broadcast_in_dim3A_449 : vector<1x1xf32> to vector<1x1xf32>
      %broadcast_in_dim3A_473 = vector.broadcast %broadcast_in_dim3A_472 : vector<1x1xf32> to vector<8x128xf32>
      %select_n3A_474 = arith.select %and3A_469, %broadcast_in_dim3A_473, %squeeze3A_471 : vector<8x128xi1>, vector<8x128xf32>
      %broadcast_in_dim3A_475 = vector.shape_cast %select_n3A_474 : vector<8x128xf32> to vector<1x8x128xf32>
      %slice3A_476 = vector.extract_strided_slice %get3A_98 {offsets = [3, 0, 0], sizes = [1, 8, 128], strides = [1, 1, 1]} : vector<16x8x128xf32> to vector<1x8x128xf32>
      %squeeze3A_477 = vector.shape_cast %slice3A_476 : vector<1x8x128xf32> to vector<8x128xf32>
      %broadcast_in_dim3A_478 = vector.shape_cast %broadcast_in_dim3A_460 : vector<1x1xf32> to vector<1x1xf32>
      %broadcast_in_dim3A_479 = vector.broadcast %broadcast_in_dim3A_478 : vector<1x1xf32> to vector<8x128xf32>
      %select_n3A_480 = arith.select %and3A_469, %broadcast_in_dim3A_479, %squeeze3A_477 : vector<8x128xi1>, vector<8x128xf32>
      %broadcast_in_dim3A_481 = vector.shape_cast %select_n3A_480 : vector<8x128xf32> to vector<1x8x128xf32>
      %slice3A_482 = vector.extract_strided_slice %broadcast_in_dim3A_107 {offsets = [4, 0, 0], sizes = [1, 1, 1], strides = [1, 1, 1]} : vector<16x1x1xf32> to vector<1x1x1xf32>
      %squeeze3A_483 = vector.shape_cast %slice3A_482 : vector<1x1x1xf32> to vector<1x1xf32>
      %slice3A_484 = vector.extract_strided_slice %broadcast_in_dim3A_100 {offsets = [4, 0, 0], sizes = [1, 1, 1], strides = [1, 1, 1]} : vector<16x1x1xf32> to vector<1x1x1xf32>
      %squeeze3A_485 = vector.shape_cast %slice3A_484 : vector<1x1x1xf32> to vector<1x1xf32>
      %squeeze3A_486 = vector.extract %squeeze3A_483[0, 0] : f32 from vector<1x1xf32>
      %convert_element_type3A_487 = arith.fptosi %squeeze3A_486 : f32 to i32
      %jit3A_488 = arith.constant 91 : i32
      %div3A_489 = arith.divsi %convert_element_type3A_487, %jit3A_488 : i32
      %sign3A_490 = arith.constant 0 : i32
      %sign3A_491 = arith.cmpi sgt, %convert_element_type3A_487, %sign3A_490 : i32
      %sign3A_492 = arith.extui %sign3A_491 : i1 to i32
      %sign3A_493 = arith.constant 0 : i32
      %sign3A_494 = arith.cmpi slt, %convert_element_type3A_487, %sign3A_493 : i32
      %sign3A_495 = arith.extui %sign3A_494 : i1 to i32
      %sign3A_496 = arith.subi %sign3A_492, %sign3A_495 : i32
      %sign3A_497 = arith.constant 0 : i32
      %sign3A_498 = arith.cmpi sgt, %jit3A_488, %sign3A_497 : i32
      %sign3A_499 = arith.extui %sign3A_498 : i1 to i32
      %sign3A_500 = arith.constant 0 : i32
      %sign3A_501 = arith.cmpi slt, %jit3A_488, %sign3A_500 : i32
      %sign3A_502 = arith.extui %sign3A_501 : i1 to i32
      %sign3A_503 = arith.subi %sign3A_499, %sign3A_502 : i32
      %ne3A_504 = arith.cmpi ne, %sign3A_496, %sign3A_503 : i32
      %rem3A_505 = arith.remsi %convert_element_type3A_487, %jit3A_488 : i32
      %ne3A_506 = arith.constant 0 : i32
      %ne3A_507 = arith.cmpi ne, %rem3A_505, %ne3A_506 : i32
      %and3A_508 = arith.andi %ne3A_504, %ne3A_507 : i1
      %sub3A_509 = arith.constant 1 : i32
      %sub3A_510 = arith.subi %div3A_489, %sub3A_509 : i32
      %select_n3A_511 = arith.select %and3A_508, %sub3A_510, %div3A_489 : i32
      %get3A_512 = arith.constant 4 : index
      %get3A_513 = arith.index_cast %select_n3A_511 : i32 to index
      %get3A_514 = arith.constant 0 : index
      %get3A_515 = vector.load %arg0[%get3A_512, %get3A_513, %get3A_514] : memref<16x1024x128xf32, #tpu.memory_space<vmem>>, vector<1x1x128xf32>
      %get3A_516 = vector.shape_cast %get3A_515 : vector<1x1x128xf32> to vector<1x128xf32>
      %mul3A_517 = arith.constant 91 : i32
      %mul3A_518 = arith.muli %select_n3A_511, %mul3A_517 : i32
      %add3A_519 = vector.broadcast %mul3A_518 : i32 to vector<1x128xi32>
      %add3A_520 = arith.addi %add3A_519, %iota3A : vector<1x128xi32>
      %convert_element_type3A_521 = arith.sitofp %add3A_520 : vector<1x128xi32> to vector<1x128xf32>
      %lt3A_522 = vector.broadcast %squeeze3A_485 : vector<1x1xf32> to vector<1x128xf32>
      %lt3A_523 = arith.cmpf olt, %get3A_516, %lt3A_522 : vector<1x128xf32>
      %eq3A_524 = vector.broadcast %squeeze3A_485 : vector<1x1xf32> to vector<1x128xf32>
      %eq3A_525 = arith.cmpf oeq, %get3A_516, %eq3A_524 : vector<1x128xf32>
      %gt3A_526 = vector.broadcast %squeeze3A_483 : vector<1x1xf32> to vector<1x128xf32>
      %gt3A_527 = arith.cmpf ogt, %convert_element_type3A_521, %gt3A_526 : vector<1x128xf32>
      %and3A_528 = arith.andi %eq3A_525, %gt3A_527 : vector<1x128xi1>
      %or3A_529 = arith.ori %lt3A_523, %and3A_528 : vector<1x128xi1>
      %jit3A_530 = arith.constant -2.000000e+00 : f32
      %broadcast_in_dim3A_531 = vector.broadcast %jit3A_530 : f32 to vector<1x128xf32>
      %select_n3A_532 = arith.select %or3A_529, %get3A_516, %broadcast_in_dim3A_531 : vector<1x128xi1>, vector<1x128xf32>
      %reduce_max3A_533 = vector.shape_cast %select_n3A_532 : vector<1x128xf32> to vector<1x1x128xf32>
      %reduce_max3A_534 = arith.constant dense<0xFF800000> : vector<1xf32>
      %reduce_max3A_535 = vector.multi_reduction <maximumf>, %reduce_max3A_533, %reduce_max3A_534 [1, 2] : vector<1x1x128xf32> to vector<1xf32>
      %reduce_max3A_536 = vector.shape_cast %reduce_max3A_535 : vector<1xf32> to vector<1x1x1xf32>
      %reduce_max3A_537 = vector.extract %reduce_max3A_536[0, 0, 0] : f32 from vector<1x1x1xf32>
      %broadcast_in_dim3A_538 = vector.broadcast %reduce_max3A_537 : f32 to vector<1x1xf32>
      %eq3A_539 = vector.broadcast %broadcast_in_dim3A_538 : vector<1x1xf32> to vector<1x128xf32>
      %eq3A_540 = arith.cmpf oeq, %select_n3A_532, %eq3A_539 : vector<1x128xf32>
      %jit3A_541 = arith.constant 1.000000e+09 : f32
      %broadcast_in_dim3A_542 = vector.broadcast %jit3A_541 : f32 to vector<1x128xf32>
      %select_n3A_543 = arith.select %eq3A_540, %convert_element_type3A_521, %broadcast_in_dim3A_542 : vector<1x128xi1>, vector<1x128xf32>
      %reduce_min3A_544 = vector.shape_cast %select_n3A_543 : vector<1x128xf32> to vector<1x1x128xf32>
      %reduce_min3A_545 = arith.constant dense<0x7F800000> : vector<1xf32>
      %reduce_min3A_546 = vector.multi_reduction <minimumf>, %reduce_min3A_544, %reduce_min3A_545 [1, 2] : vector<1x1x128xf32> to vector<1xf32>
      %reduce_min3A_547 = vector.shape_cast %reduce_min3A_546 : vector<1xf32> to vector<1x1x1xf32>
      %reduce_min3A_548 = vector.extract %reduce_min3A_547[0, 0, 0] : f32 from vector<1x1x1xf32>
      %broadcast_in_dim3A_549 = vector.broadcast %reduce_min3A_548 : f32 to vector<1x1xf32>
      %slice3A_550 = vector.extract_strided_slice %get3A_94 {offsets = [4, 0, 0], sizes = [1, 8, 128], strides = [1, 1, 1]} : vector<16x8x128xf32> to vector<1x8x128xf32>
      %squeeze3A_551 = vector.shape_cast %slice3A_550 : vector<1x8x128xf32> to vector<8x128xf32>
      %eq3A_552 = vector.broadcast %squeeze3A_485 : vector<1x1xf32> to vector<8x128xf32>
      %eq3A_553 = arith.cmpf oeq, %squeeze3A_551, %eq3A_552 : vector<8x128xf32>
      %slice3A_554 = vector.extract_strided_slice %get3A_98 {offsets = [4, 0, 0], sizes = [1, 8, 128], strides = [1, 1, 1]} : vector<16x8x128xf32> to vector<1x8x128xf32>
      %squeeze3A_555 = vector.shape_cast %slice3A_554 : vector<1x8x128xf32> to vector<8x128xf32>
      %eq3A_556 = vector.broadcast %squeeze3A_483 : vector<1x1xf32> to vector<8x128xf32>
      %eq3A_557 = arith.cmpf oeq, %squeeze3A_555, %eq3A_556 : vector<8x128xf32>
      %and3A_558 = arith.andi %eq3A_553, %eq3A_557 : vector<8x128xi1>
      %slice3A_559 = vector.extract_strided_slice %get3A_94 {offsets = [4, 0, 0], sizes = [1, 8, 128], strides = [1, 1, 1]} : vector<16x8x128xf32> to vector<1x8x128xf32>
      %squeeze3A_560 = vector.shape_cast %slice3A_559 : vector<1x8x128xf32> to vector<8x128xf32>
      %broadcast_in_dim3A_561 = vector.shape_cast %broadcast_in_dim3A_538 : vector<1x1xf32> to vector<1x1xf32>
      %broadcast_in_dim3A_562 = vector.broadcast %broadcast_in_dim3A_561 : vector<1x1xf32> to vector<8x128xf32>
      %select_n3A_563 = arith.select %and3A_558, %broadcast_in_dim3A_562, %squeeze3A_560 : vector<8x128xi1>, vector<8x128xf32>
      %broadcast_in_dim3A_564 = vector.shape_cast %select_n3A_563 : vector<8x128xf32> to vector<1x8x128xf32>
      %slice3A_565 = vector.extract_strided_slice %get3A_98 {offsets = [4, 0, 0], sizes = [1, 8, 128], strides = [1, 1, 1]} : vector<16x8x128xf32> to vector<1x8x128xf32>
      %squeeze3A_566 = vector.shape_cast %slice3A_565 : vector<1x8x128xf32> to vector<8x128xf32>
      %broadcast_in_dim3A_567 = vector.shape_cast %broadcast_in_dim3A_549 : vector<1x1xf32> to vector<1x1xf32>
      %broadcast_in_dim3A_568 = vector.broadcast %broadcast_in_dim3A_567 : vector<1x1xf32> to vector<8x128xf32>
      %select_n3A_569 = arith.select %and3A_558, %broadcast_in_dim3A_568, %squeeze3A_566 : vector<8x128xi1>, vector<8x128xf32>
      %broadcast_in_dim3A_570 = vector.shape_cast %select_n3A_569 : vector<8x128xf32> to vector<1x8x128xf32>
      %slice3A_571 = vector.extract_strided_slice %broadcast_in_dim3A_107 {offsets = [5, 0, 0], sizes = [1, 1, 1], strides = [1, 1, 1]} : vector<16x1x1xf32> to vector<1x1x1xf32>
      %squeeze3A_572 = vector.shape_cast %slice3A_571 : vector<1x1x1xf32> to vector<1x1xf32>
      %slice3A_573 = vector.extract_strided_slice %broadcast_in_dim3A_100 {offsets = [5, 0, 0], sizes = [1, 1, 1], strides = [1, 1, 1]} : vector<16x1x1xf32> to vector<1x1x1xf32>
      %squeeze3A_574 = vector.shape_cast %slice3A_573 : vector<1x1x1xf32> to vector<1x1xf32>
      %squeeze3A_575 = vector.extract %squeeze3A_572[0, 0] : f32 from vector<1x1xf32>
      %convert_element_type3A_576 = arith.fptosi %squeeze3A_575 : f32 to i32
      %jit3A_577 = arith.constant 91 : i32
      %div3A_578 = arith.divsi %convert_element_type3A_576, %jit3A_577 : i32
      %sign3A_579 = arith.constant 0 : i32
      %sign3A_580 = arith.cmpi sgt, %convert_element_type3A_576, %sign3A_579 : i32
      %sign3A_581 = arith.extui %sign3A_580 : i1 to i32
      %sign3A_582 = arith.constant 0 : i32
      %sign3A_583 = arith.cmpi slt, %convert_element_type3A_576, %sign3A_582 : i32
      %sign3A_584 = arith.extui %sign3A_583 : i1 to i32
      %sign3A_585 = arith.subi %sign3A_581, %sign3A_584 : i32
      %sign3A_586 = arith.constant 0 : i32
      %sign3A_587 = arith.cmpi sgt, %jit3A_577, %sign3A_586 : i32
      %sign3A_588 = arith.extui %sign3A_587 : i1 to i32
      %sign3A_589 = arith.constant 0 : i32
      %sign3A_590 = arith.cmpi slt, %jit3A_577, %sign3A_589 : i32
      %sign3A_591 = arith.extui %sign3A_590 : i1 to i32
      %sign3A_592 = arith.subi %sign3A_588, %sign3A_591 : i32
      %ne3A_593 = arith.cmpi ne, %sign3A_585, %sign3A_592 : i32
      %rem3A_594 = arith.remsi %convert_element_type3A_576, %jit3A_577 : i32
      %ne3A_595 = arith.constant 0 : i32
      %ne3A_596 = arith.cmpi ne, %rem3A_594, %ne3A_595 : i32
      %and3A_597 = arith.andi %ne3A_593, %ne3A_596 : i1
      %sub3A_598 = arith.constant 1 : i32
      %sub3A_599 = arith.subi %div3A_578, %sub3A_598 : i32
      %select_n3A_600 = arith.select %and3A_597, %sub3A_599, %div3A_578 : i32
      %get3A_601 = arith.constant 5 : index
      %get3A_602 = arith.index_cast %select_n3A_600 : i32 to index
      %get3A_603 = arith.constant 0 : index
      %get3A_604 = vector.load %arg0[%get3A_601, %get3A_602, %get3A_603] : memref<16x1024x128xf32, #tpu.memory_space<vmem>>, vector<1x1x128xf32>
      %get3A_605 = vector.shape_cast %get3A_604 : vector<1x1x128xf32> to vector<1x128xf32>
      %mul3A_606 = arith.constant 91 : i32
      %mul3A_607 = arith.muli %select_n3A_600, %mul3A_606 : i32
      %add3A_608 = vector.broadcast %mul3A_607 : i32 to vector<1x128xi32>
      %add3A_609 = arith.addi %add3A_608, %iota3A : vector<1x128xi32>
      %convert_element_type3A_610 = arith.sitofp %add3A_609 : vector<1x128xi32> to vector<1x128xf32>
      %lt3A_611 = vector.broadcast %squeeze3A_574 : vector<1x1xf32> to vector<1x128xf32>
      %lt3A_612 = arith.cmpf olt, %get3A_605, %lt3A_611 : vector<1x128xf32>
      %eq3A_613 = vector.broadcast %squeeze3A_574 : vector<1x1xf32> to vector<1x128xf32>
      %eq3A_614 = arith.cmpf oeq, %get3A_605, %eq3A_613 : vector<1x128xf32>
      %gt3A_615 = vector.broadcast %squeeze3A_572 : vector<1x1xf32> to vector<1x128xf32>
      %gt3A_616 = arith.cmpf ogt, %convert_element_type3A_610, %gt3A_615 : vector<1x128xf32>
      %and3A_617 = arith.andi %eq3A_614, %gt3A_616 : vector<1x128xi1>
      %or3A_618 = arith.ori %lt3A_612, %and3A_617 : vector<1x128xi1>
      %jit3A_619 = arith.constant -2.000000e+00 : f32
      %broadcast_in_dim3A_620 = vector.broadcast %jit3A_619 : f32 to vector<1x128xf32>
      %select_n3A_621 = arith.select %or3A_618, %get3A_605, %broadcast_in_dim3A_620 : vector<1x128xi1>, vector<1x128xf32>
      %reduce_max3A_622 = vector.shape_cast %select_n3A_621 : vector<1x128xf32> to vector<1x1x128xf32>
      %reduce_max3A_623 = arith.constant dense<0xFF800000> : vector<1xf32>
      %reduce_max3A_624 = vector.multi_reduction <maximumf>, %reduce_max3A_622, %reduce_max3A_623 [1, 2] : vector<1x1x128xf32> to vector<1xf32>
      %reduce_max3A_625 = vector.shape_cast %reduce_max3A_624 : vector<1xf32> to vector<1x1x1xf32>
      %reduce_max3A_626 = vector.extract %reduce_max3A_625[0, 0, 0] : f32 from vector<1x1x1xf32>
      %broadcast_in_dim3A_627 = vector.broadcast %reduce_max3A_626 : f32 to vector<1x1xf32>
      %eq3A_628 = vector.broadcast %broadcast_in_dim3A_627 : vector<1x1xf32> to vector<1x128xf32>
      %eq3A_629 = arith.cmpf oeq, %select_n3A_621, %eq3A_628 : vector<1x128xf32>
      %jit3A_630 = arith.constant 1.000000e+09 : f32
      %broadcast_in_dim3A_631 = vector.broadcast %jit3A_630 : f32 to vector<1x128xf32>
      %select_n3A_632 = arith.select %eq3A_629, %convert_element_type3A_610, %broadcast_in_dim3A_631 : vector<1x128xi1>, vector<1x128xf32>
      %reduce_min3A_633 = vector.shape_cast %select_n3A_632 : vector<1x128xf32> to vector<1x1x128xf32>
      %reduce_min3A_634 = arith.constant dense<0x7F800000> : vector<1xf32>
      %reduce_min3A_635 = vector.multi_reduction <minimumf>, %reduce_min3A_633, %reduce_min3A_634 [1, 2] : vector<1x1x128xf32> to vector<1xf32>
      %reduce_min3A_636 = vector.shape_cast %reduce_min3A_635 : vector<1xf32> to vector<1x1x1xf32>
      %reduce_min3A_637 = vector.extract %reduce_min3A_636[0, 0, 0] : f32 from vector<1x1x1xf32>
      %broadcast_in_dim3A_638 = vector.broadcast %reduce_min3A_637 : f32 to vector<1x1xf32>
      %slice3A_639 = vector.extract_strided_slice %get3A_94 {offsets = [5, 0, 0], sizes = [1, 8, 128], strides = [1, 1, 1]} : vector<16x8x128xf32> to vector<1x8x128xf32>
      %squeeze3A_640 = vector.shape_cast %slice3A_639 : vector<1x8x128xf32> to vector<8x128xf32>
      %eq3A_641 = vector.broadcast %squeeze3A_574 : vector<1x1xf32> to vector<8x128xf32>
      %eq3A_642 = arith.cmpf oeq, %squeeze3A_640, %eq3A_641 : vector<8x128xf32>
      %slice3A_643 = vector.extract_strided_slice %get3A_98 {offsets = [5, 0, 0], sizes = [1, 8, 128], strides = [1, 1, 1]} : vector<16x8x128xf32> to vector<1x8x128xf32>
      %squeeze3A_644 = vector.shape_cast %slice3A_643 : vector<1x8x128xf32> to vector<8x128xf32>
      %eq3A_645 = vector.broadcast %squeeze3A_572 : vector<1x1xf32> to vector<8x128xf32>
      %eq3A_646 = arith.cmpf oeq, %squeeze3A_644, %eq3A_645 : vector<8x128xf32>
      %and3A_647 = arith.andi %eq3A_642, %eq3A_646 : vector<8x128xi1>
      %slice3A_648 = vector.extract_strided_slice %get3A_94 {offsets = [5, 0, 0], sizes = [1, 8, 128], strides = [1, 1, 1]} : vector<16x8x128xf32> to vector<1x8x128xf32>
      %squeeze3A_649 = vector.shape_cast %slice3A_648 : vector<1x8x128xf32> to vector<8x128xf32>
      %broadcast_in_dim3A_650 = vector.shape_cast %broadcast_in_dim3A_627 : vector<1x1xf32> to vector<1x1xf32>
      %broadcast_in_dim3A_651 = vector.broadcast %broadcast_in_dim3A_650 : vector<1x1xf32> to vector<8x128xf32>
      %select_n3A_652 = arith.select %and3A_647, %broadcast_in_dim3A_651, %squeeze3A_649 : vector<8x128xi1>, vector<8x128xf32>
      %broadcast_in_dim3A_653 = vector.shape_cast %select_n3A_652 : vector<8x128xf32> to vector<1x8x128xf32>
      %slice3A_654 = vector.extract_strided_slice %get3A_98 {offsets = [5, 0, 0], sizes = [1, 8, 128], strides = [1, 1, 1]} : vector<16x8x128xf32> to vector<1x8x128xf32>
      %squeeze3A_655 = vector.shape_cast %slice3A_654 : vector<1x8x128xf32> to vector<8x128xf32>
      %broadcast_in_dim3A_656 = vector.shape_cast %broadcast_in_dim3A_638 : vector<1x1xf32> to vector<1x1xf32>
      %broadcast_in_dim3A_657 = vector.broadcast %broadcast_in_dim3A_656 : vector<1x1xf32> to vector<8x128xf32>
      %select_n3A_658 = arith.select %and3A_647, %broadcast_in_dim3A_657, %squeeze3A_655 : vector<8x128xi1>, vector<8x128xf32>
      %broadcast_in_dim3A_659 = vector.shape_cast %select_n3A_658 : vector<8x128xf32> to vector<1x8x128xf32>
      %slice3A_660 = vector.extract_strided_slice %broadcast_in_dim3A_107 {offsets = [6, 0, 0], sizes = [1, 1, 1], strides = [1, 1, 1]} : vector<16x1x1xf32> to vector<1x1x1xf32>
      %squeeze3A_661 = vector.shape_cast %slice3A_660 : vector<1x1x1xf32> to vector<1x1xf32>
      %slice3A_662 = vector.extract_strided_slice %broadcast_in_dim3A_100 {offsets = [6, 0, 0], sizes = [1, 1, 1], strides = [1, 1, 1]} : vector<16x1x1xf32> to vector<1x1x1xf32>
      %squeeze3A_663 = vector.shape_cast %slice3A_662 : vector<1x1x1xf32> to vector<1x1xf32>
      %squeeze3A_664 = vector.extract %squeeze3A_661[0, 0] : f32 from vector<1x1xf32>
      %convert_element_type3A_665 = arith.fptosi %squeeze3A_664 : f32 to i32
      %jit3A_666 = arith.constant 91 : i32
      %div3A_667 = arith.divsi %convert_element_type3A_665, %jit3A_666 : i32
      %sign3A_668 = arith.constant 0 : i32
      %sign3A_669 = arith.cmpi sgt, %convert_element_type3A_665, %sign3A_668 : i32
      %sign3A_670 = arith.extui %sign3A_669 : i1 to i32
      %sign3A_671 = arith.constant 0 : i32
      %sign3A_672 = arith.cmpi slt, %convert_element_type3A_665, %sign3A_671 : i32
      %sign3A_673 = arith.extui %sign3A_672 : i1 to i32
      %sign3A_674 = arith.subi %sign3A_670, %sign3A_673 : i32
      %sign3A_675 = arith.constant 0 : i32
      %sign3A_676 = arith.cmpi sgt, %jit3A_666, %sign3A_675 : i32
      %sign3A_677 = arith.extui %sign3A_676 : i1 to i32
      %sign3A_678 = arith.constant 0 : i32
      %sign3A_679 = arith.cmpi slt, %jit3A_666, %sign3A_678 : i32
      %sign3A_680 = arith.extui %sign3A_679 : i1 to i32
      %sign3A_681 = arith.subi %sign3A_677, %sign3A_680 : i32
      %ne3A_682 = arith.cmpi ne, %sign3A_674, %sign3A_681 : i32
      %rem3A_683 = arith.remsi %convert_element_type3A_665, %jit3A_666 : i32
      %ne3A_684 = arith.constant 0 : i32
      %ne3A_685 = arith.cmpi ne, %rem3A_683, %ne3A_684 : i32
      %and3A_686 = arith.andi %ne3A_682, %ne3A_685 : i1
      %sub3A_687 = arith.constant 1 : i32
      %sub3A_688 = arith.subi %div3A_667, %sub3A_687 : i32
      %select_n3A_689 = arith.select %and3A_686, %sub3A_688, %div3A_667 : i32
      %get3A_690 = arith.constant 6 : index
      %get3A_691 = arith.index_cast %select_n3A_689 : i32 to index
      %get3A_692 = arith.constant 0 : index
      %get3A_693 = vector.load %arg0[%get3A_690, %get3A_691, %get3A_692] : memref<16x1024x128xf32, #tpu.memory_space<vmem>>, vector<1x1x128xf32>
      %get3A_694 = vector.shape_cast %get3A_693 : vector<1x1x128xf32> to vector<1x128xf32>
      %mul3A_695 = arith.constant 91 : i32
      %mul3A_696 = arith.muli %select_n3A_689, %mul3A_695 : i32
      %add3A_697 = vector.broadcast %mul3A_696 : i32 to vector<1x128xi32>
      %add3A_698 = arith.addi %add3A_697, %iota3A : vector<1x128xi32>
      %convert_element_type3A_699 = arith.sitofp %add3A_698 : vector<1x128xi32> to vector<1x128xf32>
      %lt3A_700 = vector.broadcast %squeeze3A_663 : vector<1x1xf32> to vector<1x128xf32>
      %lt3A_701 = arith.cmpf olt, %get3A_694, %lt3A_700 : vector<1x128xf32>
      %eq3A_702 = vector.broadcast %squeeze3A_663 : vector<1x1xf32> to vector<1x128xf32>
      %eq3A_703 = arith.cmpf oeq, %get3A_694, %eq3A_702 : vector<1x128xf32>
      %gt3A_704 = vector.broadcast %squeeze3A_661 : vector<1x1xf32> to vector<1x128xf32>
      %gt3A_705 = arith.cmpf ogt, %convert_element_type3A_699, %gt3A_704 : vector<1x128xf32>
      %and3A_706 = arith.andi %eq3A_703, %gt3A_705 : vector<1x128xi1>
      %or3A_707 = arith.ori %lt3A_701, %and3A_706 : vector<1x128xi1>
      %jit3A_708 = arith.constant -2.000000e+00 : f32
      %broadcast_in_dim3A_709 = vector.broadcast %jit3A_708 : f32 to vector<1x128xf32>
      %select_n3A_710 = arith.select %or3A_707, %get3A_694, %broadcast_in_dim3A_709 : vector<1x128xi1>, vector<1x128xf32>
      %reduce_max3A_711 = vector.shape_cast %select_n3A_710 : vector<1x128xf32> to vector<1x1x128xf32>
      %reduce_max3A_712 = arith.constant dense<0xFF800000> : vector<1xf32>
      %reduce_max3A_713 = vector.multi_reduction <maximumf>, %reduce_max3A_711, %reduce_max3A_712 [1, 2] : vector<1x1x128xf32> to vector<1xf32>
      %reduce_max3A_714 = vector.shape_cast %reduce_max3A_713 : vector<1xf32> to vector<1x1x1xf32>
      %reduce_max3A_715 = vector.extract %reduce_max3A_714[0, 0, 0] : f32 from vector<1x1x1xf32>
      %broadcast_in_dim3A_716 = vector.broadcast %reduce_max3A_715 : f32 to vector<1x1xf32>
      %eq3A_717 = vector.broadcast %broadcast_in_dim3A_716 : vector<1x1xf32> to vector<1x128xf32>
      %eq3A_718 = arith.cmpf oeq, %select_n3A_710, %eq3A_717 : vector<1x128xf32>
      %jit3A_719 = arith.constant 1.000000e+09 : f32
      %broadcast_in_dim3A_720 = vector.broadcast %jit3A_719 : f32 to vector<1x128xf32>
      %select_n3A_721 = arith.select %eq3A_718, %convert_element_type3A_699, %broadcast_in_dim3A_720 : vector<1x128xi1>, vector<1x128xf32>
      %reduce_min3A_722 = vector.shape_cast %select_n3A_721 : vector<1x128xf32> to vector<1x1x128xf32>
      %reduce_min3A_723 = arith.constant dense<0x7F800000> : vector<1xf32>
      %reduce_min3A_724 = vector.multi_reduction <minimumf>, %reduce_min3A_722, %reduce_min3A_723 [1, 2] : vector<1x1x128xf32> to vector<1xf32>
      %reduce_min3A_725 = vector.shape_cast %reduce_min3A_724 : vector<1xf32> to vector<1x1x1xf32>
      %reduce_min3A_726 = vector.extract %reduce_min3A_725[0, 0, 0] : f32 from vector<1x1x1xf32>
      %broadcast_in_dim3A_727 = vector.broadcast %reduce_min3A_726 : f32 to vector<1x1xf32>
      %slice3A_728 = vector.extract_strided_slice %get3A_94 {offsets = [6, 0, 0], sizes = [1, 8, 128], strides = [1, 1, 1]} : vector<16x8x128xf32> to vector<1x8x128xf32>
      %squeeze3A_729 = vector.shape_cast %slice3A_728 : vector<1x8x128xf32> to vector<8x128xf32>
      %eq3A_730 = vector.broadcast %squeeze3A_663 : vector<1x1xf32> to vector<8x128xf32>
      %eq3A_731 = arith.cmpf oeq, %squeeze3A_729, %eq3A_730 : vector<8x128xf32>
      %slice3A_732 = vector.extract_strided_slice %get3A_98 {offsets = [6, 0, 0], sizes = [1, 8, 128], strides = [1, 1, 1]} : vector<16x8x128xf32> to vector<1x8x128xf32>
      %squeeze3A_733 = vector.shape_cast %slice3A_732 : vector<1x8x128xf32> to vector<8x128xf32>
      %eq3A_734 = vector.broadcast %squeeze3A_661 : vector<1x1xf32> to vector<8x128xf32>
      %eq3A_735 = arith.cmpf oeq, %squeeze3A_733, %eq3A_734 : vector<8x128xf32>
      %and3A_736 = arith.andi %eq3A_731, %eq3A_735 : vector<8x128xi1>
      %slice3A_737 = vector.extract_strided_slice %get3A_94 {offsets = [6, 0, 0], sizes = [1, 8, 128], strides = [1, 1, 1]} : vector<16x8x128xf32> to vector<1x8x128xf32>
      %squeeze3A_738 = vector.shape_cast %slice3A_737 : vector<1x8x128xf32> to vector<8x128xf32>
      %broadcast_in_dim3A_739 = vector.shape_cast %broadcast_in_dim3A_716 : vector<1x1xf32> to vector<1x1xf32>
      %broadcast_in_dim3A_740 = vector.broadcast %broadcast_in_dim3A_739 : vector<1x1xf32> to vector<8x128xf32>
      %select_n3A_741 = arith.select %and3A_736, %broadcast_in_dim3A_740, %squeeze3A_738 : vector<8x128xi1>, vector<8x128xf32>
      %broadcast_in_dim3A_742 = vector.shape_cast %select_n3A_741 : vector<8x128xf32> to vector<1x8x128xf32>
      %slice3A_743 = vector.extract_strided_slice %get3A_98 {offsets = [6, 0, 0], sizes = [1, 8, 128], strides = [1, 1, 1]} : vector<16x8x128xf32> to vector<1x8x128xf32>
      %squeeze3A_744 = vector.shape_cast %slice3A_743 : vector<1x8x128xf32> to vector<8x128xf32>
      %broadcast_in_dim3A_745 = vector.shape_cast %broadcast_in_dim3A_727 : vector<1x1xf32> to vector<1x1xf32>
      %broadcast_in_dim3A_746 = vector.broadcast %broadcast_in_dim3A_745 : vector<1x1xf32> to vector<8x128xf32>
      %select_n3A_747 = arith.select %and3A_736, %broadcast_in_dim3A_746, %squeeze3A_744 : vector<8x128xi1>, vector<8x128xf32>
      %broadcast_in_dim3A_748 = vector.shape_cast %select_n3A_747 : vector<8x128xf32> to vector<1x8x128xf32>
      %slice3A_749 = vector.extract_strided_slice %broadcast_in_dim3A_107 {offsets = [7, 0, 0], sizes = [1, 1, 1], strides = [1, 1, 1]} : vector<16x1x1xf32> to vector<1x1x1xf32>
      %squeeze3A_750 = vector.shape_cast %slice3A_749 : vector<1x1x1xf32> to vector<1x1xf32>
      %slice3A_751 = vector.extract_strided_slice %broadcast_in_dim3A_100 {offsets = [7, 0, 0], sizes = [1, 1, 1], strides = [1, 1, 1]} : vector<16x1x1xf32> to vector<1x1x1xf32>
      %squeeze3A_752 = vector.shape_cast %slice3A_751 : vector<1x1x1xf32> to vector<1x1xf32>
      %squeeze3A_753 = vector.extract %squeeze3A_750[0, 0] : f32 from vector<1x1xf32>
      %convert_element_type3A_754 = arith.fptosi %squeeze3A_753 : f32 to i32
      %jit3A_755 = arith.constant 91 : i32
      %div3A_756 = arith.divsi %convert_element_type3A_754, %jit3A_755 : i32
      %sign3A_757 = arith.constant 0 : i32
      %sign3A_758 = arith.cmpi sgt, %convert_element_type3A_754, %sign3A_757 : i32
      %sign3A_759 = arith.extui %sign3A_758 : i1 to i32
      %sign3A_760 = arith.constant 0 : i32
      %sign3A_761 = arith.cmpi slt, %convert_element_type3A_754, %sign3A_760 : i32
      %sign3A_762 = arith.extui %sign3A_761 : i1 to i32
      %sign3A_763 = arith.subi %sign3A_759, %sign3A_762 : i32
      %sign3A_764 = arith.constant 0 : i32
      %sign3A_765 = arith.cmpi sgt, %jit3A_755, %sign3A_764 : i32
      %sign3A_766 = arith.extui %sign3A_765 : i1 to i32
      %sign3A_767 = arith.constant 0 : i32
      %sign3A_768 = arith.cmpi slt, %jit3A_755, %sign3A_767 : i32
      %sign3A_769 = arith.extui %sign3A_768 : i1 to i32
      %sign3A_770 = arith.subi %sign3A_766, %sign3A_769 : i32
      %ne3A_771 = arith.cmpi ne, %sign3A_763, %sign3A_770 : i32
      %rem3A_772 = arith.remsi %convert_element_type3A_754, %jit3A_755 : i32
      %ne3A_773 = arith.constant 0 : i32
      %ne3A_774 = arith.cmpi ne, %rem3A_772, %ne3A_773 : i32
      %and3A_775 = arith.andi %ne3A_771, %ne3A_774 : i1
      %sub3A_776 = arith.constant 1 : i32
      %sub3A_777 = arith.subi %div3A_756, %sub3A_776 : i32
      %select_n3A_778 = arith.select %and3A_775, %sub3A_777, %div3A_756 : i32
      %get3A_779 = arith.constant 7 : index
      %get3A_780 = arith.index_cast %select_n3A_778 : i32 to index
      %get3A_781 = arith.constant 0 : index
      %get3A_782 = vector.load %arg0[%get3A_779, %get3A_780, %get3A_781] : memref<16x1024x128xf32, #tpu.memory_space<vmem>>, vector<1x1x128xf32>
      %get3A_783 = vector.shape_cast %get3A_782 : vector<1x1x128xf32> to vector<1x128xf32>
      %mul3A_784 = arith.constant 91 : i32
      %mul3A_785 = arith.muli %select_n3A_778, %mul3A_784 : i32
      %add3A_786 = vector.broadcast %mul3A_785 : i32 to vector<1x128xi32>
      %add3A_787 = arith.addi %add3A_786, %iota3A : vector<1x128xi32>
      %convert_element_type3A_788 = arith.sitofp %add3A_787 : vector<1x128xi32> to vector<1x128xf32>
      %lt3A_789 = vector.broadcast %squeeze3A_752 : vector<1x1xf32> to vector<1x128xf32>
      %lt3A_790 = arith.cmpf olt, %get3A_783, %lt3A_789 : vector<1x128xf32>
      %eq3A_791 = vector.broadcast %squeeze3A_752 : vector<1x1xf32> to vector<1x128xf32>
      %eq3A_792 = arith.cmpf oeq, %get3A_783, %eq3A_791 : vector<1x128xf32>
      %gt3A_793 = vector.broadcast %squeeze3A_750 : vector<1x1xf32> to vector<1x128xf32>
      %gt3A_794 = arith.cmpf ogt, %convert_element_type3A_788, %gt3A_793 : vector<1x128xf32>
      %and3A_795 = arith.andi %eq3A_792, %gt3A_794 : vector<1x128xi1>
      %or3A_796 = arith.ori %lt3A_790, %and3A_795 : vector<1x128xi1>
      %jit3A_797 = arith.constant -2.000000e+00 : f32
      %broadcast_in_dim3A_798 = vector.broadcast %jit3A_797 : f32 to vector<1x128xf32>
      %select_n3A_799 = arith.select %or3A_796, %get3A_783, %broadcast_in_dim3A_798 : vector<1x128xi1>, vector<1x128xf32>
      %reduce_max3A_800 = vector.shape_cast %select_n3A_799 : vector<1x128xf32> to vector<1x1x128xf32>
      %reduce_max3A_801 = arith.constant dense<0xFF800000> : vector<1xf32>
      %reduce_max3A_802 = vector.multi_reduction <maximumf>, %reduce_max3A_800, %reduce_max3A_801 [1, 2] : vector<1x1x128xf32> to vector<1xf32>
      %reduce_max3A_803 = vector.shape_cast %reduce_max3A_802 : vector<1xf32> to vector<1x1x1xf32>
      %reduce_max3A_804 = vector.extract %reduce_max3A_803[0, 0, 0] : f32 from vector<1x1x1xf32>
      %broadcast_in_dim3A_805 = vector.broadcast %reduce_max3A_804 : f32 to vector<1x1xf32>
      %eq3A_806 = vector.broadcast %broadcast_in_dim3A_805 : vector<1x1xf32> to vector<1x128xf32>
      %eq3A_807 = arith.cmpf oeq, %select_n3A_799, %eq3A_806 : vector<1x128xf32>
      %jit3A_808 = arith.constant 1.000000e+09 : f32
      %broadcast_in_dim3A_809 = vector.broadcast %jit3A_808 : f32 to vector<1x128xf32>
      %select_n3A_810 = arith.select %eq3A_807, %convert_element_type3A_788, %broadcast_in_dim3A_809 : vector<1x128xi1>, vector<1x128xf32>
      %reduce_min3A_811 = vector.shape_cast %select_n3A_810 : vector<1x128xf32> to vector<1x1x128xf32>
      %reduce_min3A_812 = arith.constant dense<0x7F800000> : vector<1xf32>
      %reduce_min3A_813 = vector.multi_reduction <minimumf>, %reduce_min3A_811, %reduce_min3A_812 [1, 2] : vector<1x1x128xf32> to vector<1xf32>
      %reduce_min3A_814 = vector.shape_cast %reduce_min3A_813 : vector<1xf32> to vector<1x1x1xf32>
      %reduce_min3A_815 = vector.extract %reduce_min3A_814[0, 0, 0] : f32 from vector<1x1x1xf32>
      %broadcast_in_dim3A_816 = vector.broadcast %reduce_min3A_815 : f32 to vector<1x1xf32>
      %slice3A_817 = vector.extract_strided_slice %get3A_94 {offsets = [7, 0, 0], sizes = [1, 8, 128], strides = [1, 1, 1]} : vector<16x8x128xf32> to vector<1x8x128xf32>
      %squeeze3A_818 = vector.shape_cast %slice3A_817 : vector<1x8x128xf32> to vector<8x128xf32>
      %eq3A_819 = vector.broadcast %squeeze3A_752 : vector<1x1xf32> to vector<8x128xf32>
      %eq3A_820 = arith.cmpf oeq, %squeeze3A_818, %eq3A_819 : vector<8x128xf32>
      %slice3A_821 = vector.extract_strided_slice %get3A_98 {offsets = [7, 0, 0], sizes = [1, 8, 128], strides = [1, 1, 1]} : vector<16x8x128xf32> to vector<1x8x128xf32>
      %squeeze3A_822 = vector.shape_cast %slice3A_821 : vector<1x8x128xf32> to vector<8x128xf32>
      %eq3A_823 = vector.broadcast %squeeze3A_750 : vector<1x1xf32> to vector<8x128xf32>
      %eq3A_824 = arith.cmpf oeq, %squeeze3A_822, %eq3A_823 : vector<8x128xf32>
      %and3A_825 = arith.andi %eq3A_820, %eq3A_824 : vector<8x128xi1>
      %slice3A_826 = vector.extract_strided_slice %get3A_94 {offsets = [7, 0, 0], sizes = [1, 8, 128], strides = [1, 1, 1]} : vector<16x8x128xf32> to vector<1x8x128xf32>
      %squeeze3A_827 = vector.shape_cast %slice3A_826 : vector<1x8x128xf32> to vector<8x128xf32>
      %broadcast_in_dim3A_828 = vector.shape_cast %broadcast_in_dim3A_805 : vector<1x1xf32> to vector<1x1xf32>
      %broadcast_in_dim3A_829 = vector.broadcast %broadcast_in_dim3A_828 : vector<1x1xf32> to vector<8x128xf32>
      %select_n3A_830 = arith.select %and3A_825, %broadcast_in_dim3A_829, %squeeze3A_827 : vector<8x128xi1>, vector<8x128xf32>
      %broadcast_in_dim3A_831 = vector.shape_cast %select_n3A_830 : vector<8x128xf32> to vector<1x8x128xf32>
      %slice3A_832 = vector.extract_strided_slice %get3A_98 {offsets = [7, 0, 0], sizes = [1, 8, 128], strides = [1, 1, 1]} : vector<16x8x128xf32> to vector<1x8x128xf32>
      %squeeze3A_833 = vector.shape_cast %slice3A_832 : vector<1x8x128xf32> to vector<8x128xf32>
      %broadcast_in_dim3A_834 = vector.shape_cast %broadcast_in_dim3A_816 : vector<1x1xf32> to vector<1x1xf32>
      %broadcast_in_dim3A_835 = vector.broadcast %broadcast_in_dim3A_834 : vector<1x1xf32> to vector<8x128xf32>
      %select_n3A_836 = arith.select %and3A_825, %broadcast_in_dim3A_835, %squeeze3A_833 : vector<8x128xi1>, vector<8x128xf32>
      %broadcast_in_dim3A_837 = vector.shape_cast %select_n3A_836 : vector<8x128xf32> to vector<1x8x128xf32>
      %slice3A_838 = vector.extract_strided_slice %broadcast_in_dim3A_107 {offsets = [8, 0, 0], sizes = [1, 1, 1], strides = [1, 1, 1]} : vector<16x1x1xf32> to vector<1x1x1xf32>
      %squeeze3A_839 = vector.shape_cast %slice3A_838 : vector<1x1x1xf32> to vector<1x1xf32>
      %slice3A_840 = vector.extract_strided_slice %broadcast_in_dim3A_100 {offsets = [8, 0, 0], sizes = [1, 1, 1], strides = [1, 1, 1]} : vector<16x1x1xf32> to vector<1x1x1xf32>
      %squeeze3A_841 = vector.shape_cast %slice3A_840 : vector<1x1x1xf32> to vector<1x1xf32>
      %squeeze3A_842 = vector.extract %squeeze3A_839[0, 0] : f32 from vector<1x1xf32>
      %convert_element_type3A_843 = arith.fptosi %squeeze3A_842 : f32 to i32
      %jit3A_844 = arith.constant 91 : i32
      %div3A_845 = arith.divsi %convert_element_type3A_843, %jit3A_844 : i32
      %sign3A_846 = arith.constant 0 : i32
      %sign3A_847 = arith.cmpi sgt, %convert_element_type3A_843, %sign3A_846 : i32
      %sign3A_848 = arith.extui %sign3A_847 : i1 to i32
      %sign3A_849 = arith.constant 0 : i32
      %sign3A_850 = arith.cmpi slt, %convert_element_type3A_843, %sign3A_849 : i32
      %sign3A_851 = arith.extui %sign3A_850 : i1 to i32
      %sign3A_852 = arith.subi %sign3A_848, %sign3A_851 : i32
      %sign3A_853 = arith.constant 0 : i32
      %sign3A_854 = arith.cmpi sgt, %jit3A_844, %sign3A_853 : i32
      %sign3A_855 = arith.extui %sign3A_854 : i1 to i32
      %sign3A_856 = arith.constant 0 : i32
      %sign3A_857 = arith.cmpi slt, %jit3A_844, %sign3A_856 : i32
      %sign3A_858 = arith.extui %sign3A_857 : i1 to i32
      %sign3A_859 = arith.subi %sign3A_855, %sign3A_858 : i32
      %ne3A_860 = arith.cmpi ne, %sign3A_852, %sign3A_859 : i32
      %rem3A_861 = arith.remsi %convert_element_type3A_843, %jit3A_844 : i32
      %ne3A_862 = arith.constant 0 : i32
      %ne3A_863 = arith.cmpi ne, %rem3A_861, %ne3A_862 : i32
      %and3A_864 = arith.andi %ne3A_860, %ne3A_863 : i1
      %sub3A_865 = arith.constant 1 : i32
      %sub3A_866 = arith.subi %div3A_845, %sub3A_865 : i32
      %select_n3A_867 = arith.select %and3A_864, %sub3A_866, %div3A_845 : i32
      %get3A_868 = arith.constant 8 : index
      %get3A_869 = arith.index_cast %select_n3A_867 : i32 to index
      %get3A_870 = arith.constant 0 : index
      %get3A_871 = vector.load %arg0[%get3A_868, %get3A_869, %get3A_870] : memref<16x1024x128xf32, #tpu.memory_space<vmem>>, vector<1x1x128xf32>
      %get3A_872 = vector.shape_cast %get3A_871 : vector<1x1x128xf32> to vector<1x128xf32>
      %mul3A_873 = arith.constant 91 : i32
      %mul3A_874 = arith.muli %select_n3A_867, %mul3A_873 : i32
      %add3A_875 = vector.broadcast %mul3A_874 : i32 to vector<1x128xi32>
      %add3A_876 = arith.addi %add3A_875, %iota3A : vector<1x128xi32>
      %convert_element_type3A_877 = arith.sitofp %add3A_876 : vector<1x128xi32> to vector<1x128xf32>
      %lt3A_878 = vector.broadcast %squeeze3A_841 : vector<1x1xf32> to vector<1x128xf32>
      %lt3A_879 = arith.cmpf olt, %get3A_872, %lt3A_878 : vector<1x128xf32>
      %eq3A_880 = vector.broadcast %squeeze3A_841 : vector<1x1xf32> to vector<1x128xf32>
      %eq3A_881 = arith.cmpf oeq, %get3A_872, %eq3A_880 : vector<1x128xf32>
      %gt3A_882 = vector.broadcast %squeeze3A_839 : vector<1x1xf32> to vector<1x128xf32>
      %gt3A_883 = arith.cmpf ogt, %convert_element_type3A_877, %gt3A_882 : vector<1x128xf32>
      %and3A_884 = arith.andi %eq3A_881, %gt3A_883 : vector<1x128xi1>
      %or3A_885 = arith.ori %lt3A_879, %and3A_884 : vector<1x128xi1>
      %jit3A_886 = arith.constant -2.000000e+00 : f32
      %broadcast_in_dim3A_887 = vector.broadcast %jit3A_886 : f32 to vector<1x128xf32>
      %select_n3A_888 = arith.select %or3A_885, %get3A_872, %broadcast_in_dim3A_887 : vector<1x128xi1>, vector<1x128xf32>
      %reduce_max3A_889 = vector.shape_cast %select_n3A_888 : vector<1x128xf32> to vector<1x1x128xf32>
      %reduce_max3A_890 = arith.constant dense<0xFF800000> : vector<1xf32>
      %reduce_max3A_891 = vector.multi_reduction <maximumf>, %reduce_max3A_889, %reduce_max3A_890 [1, 2] : vector<1x1x128xf32> to vector<1xf32>
      %reduce_max3A_892 = vector.shape_cast %reduce_max3A_891 : vector<1xf32> to vector<1x1x1xf32>
      %reduce_max3A_893 = vector.extract %reduce_max3A_892[0, 0, 0] : f32 from vector<1x1x1xf32>
      %broadcast_in_dim3A_894 = vector.broadcast %reduce_max3A_893 : f32 to vector<1x1xf32>
      %eq3A_895 = vector.broadcast %broadcast_in_dim3A_894 : vector<1x1xf32> to vector<1x128xf32>
      %eq3A_896 = arith.cmpf oeq, %select_n3A_888, %eq3A_895 : vector<1x128xf32>
      %jit3A_897 = arith.constant 1.000000e+09 : f32
      %broadcast_in_dim3A_898 = vector.broadcast %jit3A_897 : f32 to vector<1x128xf32>
      %select_n3A_899 = arith.select %eq3A_896, %convert_element_type3A_877, %broadcast_in_dim3A_898 : vector<1x128xi1>, vector<1x128xf32>
      %reduce_min3A_900 = vector.shape_cast %select_n3A_899 : vector<1x128xf32> to vector<1x1x128xf32>
      %reduce_min3A_901 = arith.constant dense<0x7F800000> : vector<1xf32>
      %reduce_min3A_902 = vector.multi_reduction <minimumf>, %reduce_min3A_900, %reduce_min3A_901 [1, 2] : vector<1x1x128xf32> to vector<1xf32>
      %reduce_min3A_903 = vector.shape_cast %reduce_min3A_902 : vector<1xf32> to vector<1x1x1xf32>
      %reduce_min3A_904 = vector.extract %reduce_min3A_903[0, 0, 0] : f32 from vector<1x1x1xf32>
      %broadcast_in_dim3A_905 = vector.broadcast %reduce_min3A_904 : f32 to vector<1x1xf32>
      %slice3A_906 = vector.extract_strided_slice %get3A_94 {offsets = [8, 0, 0], sizes = [1, 8, 128], strides = [1, 1, 1]} : vector<16x8x128xf32> to vector<1x8x128xf32>
      %squeeze3A_907 = vector.shape_cast %slice3A_906 : vector<1x8x128xf32> to vector<8x128xf32>
      %eq3A_908 = vector.broadcast %squeeze3A_841 : vector<1x1xf32> to vector<8x128xf32>
      %eq3A_909 = arith.cmpf oeq, %squeeze3A_907, %eq3A_908 : vector<8x128xf32>
      %slice3A_910 = vector.extract_strided_slice %get3A_98 {offsets = [8, 0, 0], sizes = [1, 8, 128], strides = [1, 1, 1]} : vector<16x8x128xf32> to vector<1x8x128xf32>
      %squeeze3A_911 = vector.shape_cast %slice3A_910 : vector<1x8x128xf32> to vector<8x128xf32>
      %eq3A_912 = vector.broadcast %squeeze3A_839 : vector<1x1xf32> to vector<8x128xf32>
      %eq3A_913 = arith.cmpf oeq, %squeeze3A_911, %eq3A_912 : vector<8x128xf32>
      %and3A_914 = arith.andi %eq3A_909, %eq3A_913 : vector<8x128xi1>
      %slice3A_915 = vector.extract_strided_slice %get3A_94 {offsets = [8, 0, 0], sizes = [1, 8, 128], strides = [1, 1, 1]} : vector<16x8x128xf32> to vector<1x8x128xf32>
      %squeeze3A_916 = vector.shape_cast %slice3A_915 : vector<1x8x128xf32> to vector<8x128xf32>
      %broadcast_in_dim3A_917 = vector.shape_cast %broadcast_in_dim3A_894 : vector<1x1xf32> to vector<1x1xf32>
      %broadcast_in_dim3A_918 = vector.broadcast %broadcast_in_dim3A_917 : vector<1x1xf32> to vector<8x128xf32>
      %select_n3A_919 = arith.select %and3A_914, %broadcast_in_dim3A_918, %squeeze3A_916 : vector<8x128xi1>, vector<8x128xf32>
      %broadcast_in_dim3A_920 = vector.shape_cast %select_n3A_919 : vector<8x128xf32> to vector<1x8x128xf32>
      %slice3A_921 = vector.extract_strided_slice %get3A_98 {offsets = [8, 0, 0], sizes = [1, 8, 128], strides = [1, 1, 1]} : vector<16x8x128xf32> to vector<1x8x128xf32>
      %squeeze3A_922 = vector.shape_cast %slice3A_921 : vector<1x8x128xf32> to vector<8x128xf32>
      %broadcast_in_dim3A_923 = vector.shape_cast %broadcast_in_dim3A_905 : vector<1x1xf32> to vector<1x1xf32>
      %broadcast_in_dim3A_924 = vector.broadcast %broadcast_in_dim3A_923 : vector<1x1xf32> to vector<8x128xf32>
      %select_n3A_925 = arith.select %and3A_914, %broadcast_in_dim3A_924, %squeeze3A_922 : vector<8x128xi1>, vector<8x128xf32>
      %broadcast_in_dim3A_926 = vector.shape_cast %select_n3A_925 : vector<8x128xf32> to vector<1x8x128xf32>
      %slice3A_927 = vector.extract_strided_slice %broadcast_in_dim3A_107 {offsets = [9, 0, 0], sizes = [1, 1, 1], strides = [1, 1, 1]} : vector<16x1x1xf32> to vector<1x1x1xf32>
      %squeeze3A_928 = vector.shape_cast %slice3A_927 : vector<1x1x1xf32> to vector<1x1xf32>
      %slice3A_929 = vector.extract_strided_slice %broadcast_in_dim3A_100 {offsets = [9, 0, 0], sizes = [1, 1, 1], strides = [1, 1, 1]} : vector<16x1x1xf32> to vector<1x1x1xf32>
      %squeeze3A_930 = vector.shape_cast %slice3A_929 : vector<1x1x1xf32> to vector<1x1xf32>
      %squeeze3A_931 = vector.extract %squeeze3A_928[0, 0] : f32 from vector<1x1xf32>
      %convert_element_type3A_932 = arith.fptosi %squeeze3A_931 : f32 to i32
      %jit3A_933 = arith.constant 91 : i32
      %div3A_934 = arith.divsi %convert_element_type3A_932, %jit3A_933 : i32
      %sign3A_935 = arith.constant 0 : i32
      %sign3A_936 = arith.cmpi sgt, %convert_element_type3A_932, %sign3A_935 : i32
      %sign3A_937 = arith.extui %sign3A_936 : i1 to i32
      %sign3A_938 = arith.constant 0 : i32
      %sign3A_939 = arith.cmpi slt, %convert_element_type3A_932, %sign3A_938 : i32
      %sign3A_940 = arith.extui %sign3A_939 : i1 to i32
      %sign3A_941 = arith.subi %sign3A_937, %sign3A_940 : i32
      %sign3A_942 = arith.constant 0 : i32
      %sign3A_943 = arith.cmpi sgt, %jit3A_933, %sign3A_942 : i32
      %sign3A_944 = arith.extui %sign3A_943 : i1 to i32
      %sign3A_945 = arith.constant 0 : i32
      %sign3A_946 = arith.cmpi slt, %jit3A_933, %sign3A_945 : i32
      %sign3A_947 = arith.extui %sign3A_946 : i1 to i32
      %sign3A_948 = arith.subi %sign3A_944, %sign3A_947 : i32
      %ne3A_949 = arith.cmpi ne, %sign3A_941, %sign3A_948 : i32
      %rem3A_950 = arith.remsi %convert_element_type3A_932, %jit3A_933 : i32
      %ne3A_951 = arith.constant 0 : i32
      %ne3A_952 = arith.cmpi ne, %rem3A_950, %ne3A_951 : i32
      %and3A_953 = arith.andi %ne3A_949, %ne3A_952 : i1
      %sub3A_954 = arith.constant 1 : i32
      %sub3A_955 = arith.subi %div3A_934, %sub3A_954 : i32
      %select_n3A_956 = arith.select %and3A_953, %sub3A_955, %div3A_934 : i32
      %get3A_957 = arith.constant 9 : index
      %get3A_958 = arith.index_cast %select_n3A_956 : i32 to index
      %get3A_959 = arith.constant 0 : index
      %get3A_960 = vector.load %arg0[%get3A_957, %get3A_958, %get3A_959] : memref<16x1024x128xf32, #tpu.memory_space<vmem>>, vector<1x1x128xf32>
      %get3A_961 = vector.shape_cast %get3A_960 : vector<1x1x128xf32> to vector<1x128xf32>
      %mul3A_962 = arith.constant 91 : i32
      %mul3A_963 = arith.muli %select_n3A_956, %mul3A_962 : i32
      %add3A_964 = vector.broadcast %mul3A_963 : i32 to vector<1x128xi32>
      %add3A_965 = arith.addi %add3A_964, %iota3A : vector<1x128xi32>
      %convert_element_type3A_966 = arith.sitofp %add3A_965 : vector<1x128xi32> to vector<1x128xf32>
      %lt3A_967 = vector.broadcast %squeeze3A_930 : vector<1x1xf32> to vector<1x128xf32>
      %lt3A_968 = arith.cmpf olt, %get3A_961, %lt3A_967 : vector<1x128xf32>
      %eq3A_969 = vector.broadcast %squeeze3A_930 : vector<1x1xf32> to vector<1x128xf32>
      %eq3A_970 = arith.cmpf oeq, %get3A_961, %eq3A_969 : vector<1x128xf32>
      %gt3A_971 = vector.broadcast %squeeze3A_928 : vector<1x1xf32> to vector<1x128xf32>
      %gt3A_972 = arith.cmpf ogt, %convert_element_type3A_966, %gt3A_971 : vector<1x128xf32>
      %and3A_973 = arith.andi %eq3A_970, %gt3A_972 : vector<1x128xi1>
      %or3A_974 = arith.ori %lt3A_968, %and3A_973 : vector<1x128xi1>
      %jit3A_975 = arith.constant -2.000000e+00 : f32
      %broadcast_in_dim3A_976 = vector.broadcast %jit3A_975 : f32 to vector<1x128xf32>
      %select_n3A_977 = arith.select %or3A_974, %get3A_961, %broadcast_in_dim3A_976 : vector<1x128xi1>, vector<1x128xf32>
      %reduce_max3A_978 = vector.shape_cast %select_n3A_977 : vector<1x128xf32> to vector<1x1x128xf32>
      %reduce_max3A_979 = arith.constant dense<0xFF800000> : vector<1xf32>
      %reduce_max3A_980 = vector.multi_reduction <maximumf>, %reduce_max3A_978, %reduce_max3A_979 [1, 2] : vector<1x1x128xf32> to vector<1xf32>
      %reduce_max3A_981 = vector.shape_cast %reduce_max3A_980 : vector<1xf32> to vector<1x1x1xf32>
      %reduce_max3A_982 = vector.extract %reduce_max3A_981[0, 0, 0] : f32 from vector<1x1x1xf32>
      %broadcast_in_dim3A_983 = vector.broadcast %reduce_max3A_982 : f32 to vector<1x1xf32>
      %eq3A_984 = vector.broadcast %broadcast_in_dim3A_983 : vector<1x1xf32> to vector<1x128xf32>
      %eq3A_985 = arith.cmpf oeq, %select_n3A_977, %eq3A_984 : vector<1x128xf32>
      %jit3A_986 = arith.constant 1.000000e+09 : f32
      %broadcast_in_dim3A_987 = vector.broadcast %jit3A_986 : f32 to vector<1x128xf32>
      %select_n3A_988 = arith.select %eq3A_985, %convert_element_type3A_966, %broadcast_in_dim3A_987 : vector<1x128xi1>, vector<1x128xf32>
      %reduce_min3A_989 = vector.shape_cast %select_n3A_988 : vector<1x128xf32> to vector<1x1x128xf32>
      %reduce_min3A_990 = arith.constant dense<0x7F800000> : vector<1xf32>
      %reduce_min3A_991 = vector.multi_reduction <minimumf>, %reduce_min3A_989, %reduce_min3A_990 [1, 2] : vector<1x1x128xf32> to vector<1xf32>
      %reduce_min3A_992 = vector.shape_cast %reduce_min3A_991 : vector<1xf32> to vector<1x1x1xf32>
      %reduce_min3A_993 = vector.extract %reduce_min3A_992[0, 0, 0] : f32 from vector<1x1x1xf32>
      %broadcast_in_dim3A_994 = vector.broadcast %reduce_min3A_993 : f32 to vector<1x1xf32>
      %slice3A_995 = vector.extract_strided_slice %get3A_94 {offsets = [9, 0, 0], sizes = [1, 8, 128], strides = [1, 1, 1]} : vector<16x8x128xf32> to vector<1x8x128xf32>
      %squeeze3A_996 = vector.shape_cast %slice3A_995 : vector<1x8x128xf32> to vector<8x128xf32>
      %eq3A_997 = vector.broadcast %squeeze3A_930 : vector<1x1xf32> to vector<8x128xf32>
      %eq3A_998 = arith.cmpf oeq, %squeeze3A_996, %eq3A_997 : vector<8x128xf32>
      %slice3A_999 = vector.extract_strided_slice %get3A_98 {offsets = [9, 0, 0], sizes = [1, 8, 128], strides = [1, 1, 1]} : vector<16x8x128xf32> to vector<1x8x128xf32>
      %squeeze3A_1000 = vector.shape_cast %slice3A_999 : vector<1x8x128xf32> to vector<8x128xf32>
      %eq3A_1001 = vector.broadcast %squeeze3A_928 : vector<1x1xf32> to vector<8x128xf32>
      %eq3A_1002 = arith.cmpf oeq, %squeeze3A_1000, %eq3A_1001 : vector<8x128xf32>
      %and3A_1003 = arith.andi %eq3A_998, %eq3A_1002 : vector<8x128xi1>
      %slice3A_1004 = vector.extract_strided_slice %get3A_94 {offsets = [9, 0, 0], sizes = [1, 8, 128], strides = [1, 1, 1]} : vector<16x8x128xf32> to vector<1x8x128xf32>
      %squeeze3A_1005 = vector.shape_cast %slice3A_1004 : vector<1x8x128xf32> to vector<8x128xf32>
      %broadcast_in_dim3A_1006 = vector.shape_cast %broadcast_in_dim3A_983 : vector<1x1xf32> to vector<1x1xf32>
      %broadcast_in_dim3A_1007 = vector.broadcast %broadcast_in_dim3A_1006 : vector<1x1xf32> to vector<8x128xf32>
      %select_n3A_1008 = arith.select %and3A_1003, %broadcast_in_dim3A_1007, %squeeze3A_1005 : vector<8x128xi1>, vector<8x128xf32>
      %broadcast_in_dim3A_1009 = vector.shape_cast %select_n3A_1008 : vector<8x128xf32> to vector<1x8x128xf32>
      %slice3A_1010 = vector.extract_strided_slice %get3A_98 {offsets = [9, 0, 0], sizes = [1, 8, 128], strides = [1, 1, 1]} : vector<16x8x128xf32> to vector<1x8x128xf32>
      %squeeze3A_1011 = vector.shape_cast %slice3A_1010 : vector<1x8x128xf32> to vector<8x128xf32>
      %broadcast_in_dim3A_1012 = vector.shape_cast %broadcast_in_dim3A_994 : vector<1x1xf32> to vector<1x1xf32>
      %broadcast_in_dim3A_1013 = vector.broadcast %broadcast_in_dim3A_1012 : vector<1x1xf32> to vector<8x128xf32>
      %select_n3A_1014 = arith.select %and3A_1003, %broadcast_in_dim3A_1013, %squeeze3A_1011 : vector<8x128xi1>, vector<8x128xf32>
      %broadcast_in_dim3A_1015 = vector.shape_cast %select_n3A_1014 : vector<8x128xf32> to vector<1x8x128xf32>
      %slice3A_1016 = vector.extract_strided_slice %broadcast_in_dim3A_107 {offsets = [10, 0, 0], sizes = [1, 1, 1], strides = [1, 1, 1]} : vector<16x1x1xf32> to vector<1x1x1xf32>
      %squeeze3A_1017 = vector.shape_cast %slice3A_1016 : vector<1x1x1xf32> to vector<1x1xf32>
      %slice3A_1018 = vector.extract_strided_slice %broadcast_in_dim3A_100 {offsets = [10, 0, 0], sizes = [1, 1, 1], strides = [1, 1, 1]} : vector<16x1x1xf32> to vector<1x1x1xf32>
      %squeeze3A_1019 = vector.shape_cast %slice3A_1018 : vector<1x1x1xf32> to vector<1x1xf32>
      %squeeze3A_1020 = vector.extract %squeeze3A_1017[0, 0] : f32 from vector<1x1xf32>
      %convert_element_type3A_1021 = arith.fptosi %squeeze3A_1020 : f32 to i32
      %jit3A_1022 = arith.constant 91 : i32
      %div3A_1023 = arith.divsi %convert_element_type3A_1021, %jit3A_1022 : i32
      %sign3A_1024 = arith.constant 0 : i32
      %sign3A_1025 = arith.cmpi sgt, %convert_element_type3A_1021, %sign3A_1024 : i32
      %sign3A_1026 = arith.extui %sign3A_1025 : i1 to i32
      %sign3A_1027 = arith.constant 0 : i32
      %sign3A_1028 = arith.cmpi slt, %convert_element_type3A_1021, %sign3A_1027 : i32
      %sign3A_1029 = arith.extui %sign3A_1028 : i1 to i32
      %sign3A_1030 = arith.subi %sign3A_1026, %sign3A_1029 : i32
      %sign3A_1031 = arith.constant 0 : i32
      %sign3A_1032 = arith.cmpi sgt, %jit3A_1022, %sign3A_1031 : i32
      %sign3A_1033 = arith.extui %sign3A_1032 : i1 to i32
      %sign3A_1034 = arith.constant 0 : i32
      %sign3A_1035 = arith.cmpi slt, %jit3A_1022, %sign3A_1034 : i32
      %sign3A_1036 = arith.extui %sign3A_1035 : i1 to i32
      %sign3A_1037 = arith.subi %sign3A_1033, %sign3A_1036 : i32
      %ne3A_1038 = arith.cmpi ne, %sign3A_1030, %sign3A_1037 : i32
      %rem3A_1039 = arith.remsi %convert_element_type3A_1021, %jit3A_1022 : i32
      %ne3A_1040 = arith.constant 0 : i32
      %ne3A_1041 = arith.cmpi ne, %rem3A_1039, %ne3A_1040 : i32
      %and3A_1042 = arith.andi %ne3A_1038, %ne3A_1041 : i1
      %sub3A_1043 = arith.constant 1 : i32
      %sub3A_1044 = arith.subi %div3A_1023, %sub3A_1043 : i32
      %select_n3A_1045 = arith.select %and3A_1042, %sub3A_1044, %div3A_1023 : i32
      %get3A_1046 = arith.constant 10 : index
      %get3A_1047 = arith.index_cast %select_n3A_1045 : i32 to index
      %get3A_1048 = arith.constant 0 : index
      %get3A_1049 = vector.load %arg0[%get3A_1046, %get3A_1047, %get3A_1048] : memref<16x1024x128xf32, #tpu.memory_space<vmem>>, vector<1x1x128xf32>
      %get3A_1050 = vector.shape_cast %get3A_1049 : vector<1x1x128xf32> to vector<1x128xf32>
      %mul3A_1051 = arith.constant 91 : i32
      %mul3A_1052 = arith.muli %select_n3A_1045, %mul3A_1051 : i32
      %add3A_1053 = vector.broadcast %mul3A_1052 : i32 to vector<1x128xi32>
      %add3A_1054 = arith.addi %add3A_1053, %iota3A : vector<1x128xi32>
      %convert_element_type3A_1055 = arith.sitofp %add3A_1054 : vector<1x128xi32> to vector<1x128xf32>
      %lt3A_1056 = vector.broadcast %squeeze3A_1019 : vector<1x1xf32> to vector<1x128xf32>
      %lt3A_1057 = arith.cmpf olt, %get3A_1050, %lt3A_1056 : vector<1x128xf32>
      %eq3A_1058 = vector.broadcast %squeeze3A_1019 : vector<1x1xf32> to vector<1x128xf32>
      %eq3A_1059 = arith.cmpf oeq, %get3A_1050, %eq3A_1058 : vector<1x128xf32>
      %gt3A_1060 = vector.broadcast %squeeze3A_1017 : vector<1x1xf32> to vector<1x128xf32>
      %gt3A_1061 = arith.cmpf ogt, %convert_element_type3A_1055, %gt3A_1060 : vector<1x128xf32>
      %and3A_1062 = arith.andi %eq3A_1059, %gt3A_1061 : vector<1x128xi1>
      %or3A_1063 = arith.ori %lt3A_1057, %and3A_1062 : vector<1x128xi1>
      %jit3A_1064 = arith.constant -2.000000e+00 : f32
      %broadcast_in_dim3A_1065 = vector.broadcast %jit3A_1064 : f32 to vector<1x128xf32>
      %select_n3A_1066 = arith.select %or3A_1063, %get3A_1050, %broadcast_in_dim3A_1065 : vector<1x128xi1>, vector<1x128xf32>
      %reduce_max3A_1067 = vector.shape_cast %select_n3A_1066 : vector<1x128xf32> to vector<1x1x128xf32>
      %reduce_max3A_1068 = arith.constant dense<0xFF800000> : vector<1xf32>
      %reduce_max3A_1069 = vector.multi_reduction <maximumf>, %reduce_max3A_1067, %reduce_max3A_1068 [1, 2] : vector<1x1x128xf32> to vector<1xf32>
      %reduce_max3A_1070 = vector.shape_cast %reduce_max3A_1069 : vector<1xf32> to vector<1x1x1xf32>
      %reduce_max3A_1071 = vector.extract %reduce_max3A_1070[0, 0, 0] : f32 from vector<1x1x1xf32>
      %broadcast_in_dim3A_1072 = vector.broadcast %reduce_max3A_1071 : f32 to vector<1x1xf32>
      %eq3A_1073 = vector.broadcast %broadcast_in_dim3A_1072 : vector<1x1xf32> to vector<1x128xf32>
      %eq3A_1074 = arith.cmpf oeq, %select_n3A_1066, %eq3A_1073 : vector<1x128xf32>
      %jit3A_1075 = arith.constant 1.000000e+09 : f32
      %broadcast_in_dim3A_1076 = vector.broadcast %jit3A_1075 : f32 to vector<1x128xf32>
      %select_n3A_1077 = arith.select %eq3A_1074, %convert_element_type3A_1055, %broadcast_in_dim3A_1076 : vector<1x128xi1>, vector<1x128xf32>
      %reduce_min3A_1078 = vector.shape_cast %select_n3A_1077 : vector<1x128xf32> to vector<1x1x128xf32>
      %reduce_min3A_1079 = arith.constant dense<0x7F800000> : vector<1xf32>
      %reduce_min3A_1080 = vector.multi_reduction <minimumf>, %reduce_min3A_1078, %reduce_min3A_1079 [1, 2] : vector<1x1x128xf32> to vector<1xf32>
      %reduce_min3A_1081 = vector.shape_cast %reduce_min3A_1080 : vector<1xf32> to vector<1x1x1xf32>
      %reduce_min3A_1082 = vector.extract %reduce_min3A_1081[0, 0, 0] : f32 from vector<1x1x1xf32>
      %broadcast_in_dim3A_1083 = vector.broadcast %reduce_min3A_1082 : f32 to vector<1x1xf32>
      %slice3A_1084 = vector.extract_strided_slice %get3A_94 {offsets = [10, 0, 0], sizes = [1, 8, 128], strides = [1, 1, 1]} : vector<16x8x128xf32> to vector<1x8x128xf32>
      %squeeze3A_1085 = vector.shape_cast %slice3A_1084 : vector<1x8x128xf32> to vector<8x128xf32>
      %eq3A_1086 = vector.broadcast %squeeze3A_1019 : vector<1x1xf32> to vector<8x128xf32>
      %eq3A_1087 = arith.cmpf oeq, %squeeze3A_1085, %eq3A_1086 : vector<8x128xf32>
      %slice3A_1088 = vector.extract_strided_slice %get3A_98 {offsets = [10, 0, 0], sizes = [1, 8, 128], strides = [1, 1, 1]} : vector<16x8x128xf32> to vector<1x8x128xf32>
      %squeeze3A_1089 = vector.shape_cast %slice3A_1088 : vector<1x8x128xf32> to vector<8x128xf32>
      %eq3A_1090 = vector.broadcast %squeeze3A_1017 : vector<1x1xf32> to vector<8x128xf32>
      %eq3A_1091 = arith.cmpf oeq, %squeeze3A_1089, %eq3A_1090 : vector<8x128xf32>
      %and3A_1092 = arith.andi %eq3A_1087, %eq3A_1091 : vector<8x128xi1>
      %slice3A_1093 = vector.extract_strided_slice %get3A_94 {offsets = [10, 0, 0], sizes = [1, 8, 128], strides = [1, 1, 1]} : vector<16x8x128xf32> to vector<1x8x128xf32>
      %squeeze3A_1094 = vector.shape_cast %slice3A_1093 : vector<1x8x128xf32> to vector<8x128xf32>
      %broadcast_in_dim3A_1095 = vector.shape_cast %broadcast_in_dim3A_1072 : vector<1x1xf32> to vector<1x1xf32>
      %broadcast_in_dim3A_1096 = vector.broadcast %broadcast_in_dim3A_1095 : vector<1x1xf32> to vector<8x128xf32>
      %select_n3A_1097 = arith.select %and3A_1092, %broadcast_in_dim3A_1096, %squeeze3A_1094 : vector<8x128xi1>, vector<8x128xf32>
      %broadcast_in_dim3A_1098 = vector.shape_cast %select_n3A_1097 : vector<8x128xf32> to vector<1x8x128xf32>
      %slice3A_1099 = vector.extract_strided_slice %get3A_98 {offsets = [10, 0, 0], sizes = [1, 8, 128], strides = [1, 1, 1]} : vector<16x8x128xf32> to vector<1x8x128xf32>
      %squeeze3A_1100 = vector.shape_cast %slice3A_1099 : vector<1x8x128xf32> to vector<8x128xf32>
      %broadcast_in_dim3A_1101 = vector.shape_cast %broadcast_in_dim3A_1083 : vector<1x1xf32> to vector<1x1xf32>
      %broadcast_in_dim3A_1102 = vector.broadcast %broadcast_in_dim3A_1101 : vector<1x1xf32> to vector<8x128xf32>
      %select_n3A_1103 = arith.select %and3A_1092, %broadcast_in_dim3A_1102, %squeeze3A_1100 : vector<8x128xi1>, vector<8x128xf32>
      %broadcast_in_dim3A_1104 = vector.shape_cast %select_n3A_1103 : vector<8x128xf32> to vector<1x8x128xf32>
      %slice3A_1105 = vector.extract_strided_slice %broadcast_in_dim3A_107 {offsets = [11, 0, 0], sizes = [1, 1, 1], strides = [1, 1, 1]} : vector<16x1x1xf32> to vector<1x1x1xf32>
      %squeeze3A_1106 = vector.shape_cast %slice3A_1105 : vector<1x1x1xf32> to vector<1x1xf32>
      %slice3A_1107 = vector.extract_strided_slice %broadcast_in_dim3A_100 {offsets = [11, 0, 0], sizes = [1, 1, 1], strides = [1, 1, 1]} : vector<16x1x1xf32> to vector<1x1x1xf32>
      %squeeze3A_1108 = vector.shape_cast %slice3A_1107 : vector<1x1x1xf32> to vector<1x1xf32>
      %squeeze3A_1109 = vector.extract %squeeze3A_1106[0, 0] : f32 from vector<1x1xf32>
      %convert_element_type3A_1110 = arith.fptosi %squeeze3A_1109 : f32 to i32
      %jit3A_1111 = arith.constant 91 : i32
      %div3A_1112 = arith.divsi %convert_element_type3A_1110, %jit3A_1111 : i32
      %sign3A_1113 = arith.constant 0 : i32
      %sign3A_1114 = arith.cmpi sgt, %convert_element_type3A_1110, %sign3A_1113 : i32
      %sign3A_1115 = arith.extui %sign3A_1114 : i1 to i32
      %sign3A_1116 = arith.constant 0 : i32
      %sign3A_1117 = arith.cmpi slt, %convert_element_type3A_1110, %sign3A_1116 : i32
      %sign3A_1118 = arith.extui %sign3A_1117 : i1 to i32
      %sign3A_1119 = arith.subi %sign3A_1115, %sign3A_1118 : i32
      %sign3A_1120 = arith.constant 0 : i32
      %sign3A_1121 = arith.cmpi sgt, %jit3A_1111, %sign3A_1120 : i32
      %sign3A_1122 = arith.extui %sign3A_1121 : i1 to i32
      %sign3A_1123 = arith.constant 0 : i32
      %sign3A_1124 = arith.cmpi slt, %jit3A_1111, %sign3A_1123 : i32
      %sign3A_1125 = arith.extui %sign3A_1124 : i1 to i32
      %sign3A_1126 = arith.subi %sign3A_1122, %sign3A_1125 : i32
      %ne3A_1127 = arith.cmpi ne, %sign3A_1119, %sign3A_1126 : i32
      %rem3A_1128 = arith.remsi %convert_element_type3A_1110, %jit3A_1111 : i32
      %ne3A_1129 = arith.constant 0 : i32
      %ne3A_1130 = arith.cmpi ne, %rem3A_1128, %ne3A_1129 : i32
      %and3A_1131 = arith.andi %ne3A_1127, %ne3A_1130 : i1
      %sub3A_1132 = arith.constant 1 : i32
      %sub3A_1133 = arith.subi %div3A_1112, %sub3A_1132 : i32
      %select_n3A_1134 = arith.select %and3A_1131, %sub3A_1133, %div3A_1112 : i32
      %get3A_1135 = arith.constant 11 : index
      %get3A_1136 = arith.index_cast %select_n3A_1134 : i32 to index
      %get3A_1137 = arith.constant 0 : index
      %get3A_1138 = vector.load %arg0[%get3A_1135, %get3A_1136, %get3A_1137] : memref<16x1024x128xf32, #tpu.memory_space<vmem>>, vector<1x1x128xf32>
      %get3A_1139 = vector.shape_cast %get3A_1138 : vector<1x1x128xf32> to vector<1x128xf32>
      %mul3A_1140 = arith.constant 91 : i32
      %mul3A_1141 = arith.muli %select_n3A_1134, %mul3A_1140 : i32
      %add3A_1142 = vector.broadcast %mul3A_1141 : i32 to vector<1x128xi32>
      %add3A_1143 = arith.addi %add3A_1142, %iota3A : vector<1x128xi32>
      %convert_element_type3A_1144 = arith.sitofp %add3A_1143 : vector<1x128xi32> to vector<1x128xf32>
      %lt3A_1145 = vector.broadcast %squeeze3A_1108 : vector<1x1xf32> to vector<1x128xf32>
      %lt3A_1146 = arith.cmpf olt, %get3A_1139, %lt3A_1145 : vector<1x128xf32>
      %eq3A_1147 = vector.broadcast %squeeze3A_1108 : vector<1x1xf32> to vector<1x128xf32>
      %eq3A_1148 = arith.cmpf oeq, %get3A_1139, %eq3A_1147 : vector<1x128xf32>
      %gt3A_1149 = vector.broadcast %squeeze3A_1106 : vector<1x1xf32> to vector<1x128xf32>
      %gt3A_1150 = arith.cmpf ogt, %convert_element_type3A_1144, %gt3A_1149 : vector<1x128xf32>
      %and3A_1151 = arith.andi %eq3A_1148, %gt3A_1150 : vector<1x128xi1>
      %or3A_1152 = arith.ori %lt3A_1146, %and3A_1151 : vector<1x128xi1>
      %jit3A_1153 = arith.constant -2.000000e+00 : f32
      %broadcast_in_dim3A_1154 = vector.broadcast %jit3A_1153 : f32 to vector<1x128xf32>
      %select_n3A_1155 = arith.select %or3A_1152, %get3A_1139, %broadcast_in_dim3A_1154 : vector<1x128xi1>, vector<1x128xf32>
      %reduce_max3A_1156 = vector.shape_cast %select_n3A_1155 : vector<1x128xf32> to vector<1x1x128xf32>
      %reduce_max3A_1157 = arith.constant dense<0xFF800000> : vector<1xf32>
      %reduce_max3A_1158 = vector.multi_reduction <maximumf>, %reduce_max3A_1156, %reduce_max3A_1157 [1, 2] : vector<1x1x128xf32> to vector<1xf32>
      %reduce_max3A_1159 = vector.shape_cast %reduce_max3A_1158 : vector<1xf32> to vector<1x1x1xf32>
      %reduce_max3A_1160 = vector.extract %reduce_max3A_1159[0, 0, 0] : f32 from vector<1x1x1xf32>
      %broadcast_in_dim3A_1161 = vector.broadcast %reduce_max3A_1160 : f32 to vector<1x1xf32>
      %eq3A_1162 = vector.broadcast %broadcast_in_dim3A_1161 : vector<1x1xf32> to vector<1x128xf32>
      %eq3A_1163 = arith.cmpf oeq, %select_n3A_1155, %eq3A_1162 : vector<1x128xf32>
      %jit3A_1164 = arith.constant 1.000000e+09 : f32
      %broadcast_in_dim3A_1165 = vector.broadcast %jit3A_1164 : f32 to vector<1x128xf32>
      %select_n3A_1166 = arith.select %eq3A_1163, %convert_element_type3A_1144, %broadcast_in_dim3A_1165 : vector<1x128xi1>, vector<1x128xf32>
      %reduce_min3A_1167 = vector.shape_cast %select_n3A_1166 : vector<1x128xf32> to vector<1x1x128xf32>
      %reduce_min3A_1168 = arith.constant dense<0x7F800000> : vector<1xf32>
      %reduce_min3A_1169 = vector.multi_reduction <minimumf>, %reduce_min3A_1167, %reduce_min3A_1168 [1, 2] : vector<1x1x128xf32> to vector<1xf32>
      %reduce_min3A_1170 = vector.shape_cast %reduce_min3A_1169 : vector<1xf32> to vector<1x1x1xf32>
      %reduce_min3A_1171 = vector.extract %reduce_min3A_1170[0, 0, 0] : f32 from vector<1x1x1xf32>
      %broadcast_in_dim3A_1172 = vector.broadcast %reduce_min3A_1171 : f32 to vector<1x1xf32>
      %slice3A_1173 = vector.extract_strided_slice %get3A_94 {offsets = [11, 0, 0], sizes = [1, 8, 128], strides = [1, 1, 1]} : vector<16x8x128xf32> to vector<1x8x128xf32>
      %squeeze3A_1174 = vector.shape_cast %slice3A_1173 : vector<1x8x128xf32> to vector<8x128xf32>
      %eq3A_1175 = vector.broadcast %squeeze3A_1108 : vector<1x1xf32> to vector<8x128xf32>
      %eq3A_1176 = arith.cmpf oeq, %squeeze3A_1174, %eq3A_1175 : vector<8x128xf32>
      %slice3A_1177 = vector.extract_strided_slice %get3A_98 {offsets = [11, 0, 0], sizes = [1, 8, 128], strides = [1, 1, 1]} : vector<16x8x128xf32> to vector<1x8x128xf32>
      %squeeze3A_1178 = vector.shape_cast %slice3A_1177 : vector<1x8x128xf32> to vector<8x128xf32>
      %eq3A_1179 = vector.broadcast %squeeze3A_1106 : vector<1x1xf32> to vector<8x128xf32>
      %eq3A_1180 = arith.cmpf oeq, %squeeze3A_1178, %eq3A_1179 : vector<8x128xf32>
      %and3A_1181 = arith.andi %eq3A_1176, %eq3A_1180 : vector<8x128xi1>
      %slice3A_1182 = vector.extract_strided_slice %get3A_94 {offsets = [11, 0, 0], sizes = [1, 8, 128], strides = [1, 1, 1]} : vector<16x8x128xf32> to vector<1x8x128xf32>
      %squeeze3A_1183 = vector.shape_cast %slice3A_1182 : vector<1x8x128xf32> to vector<8x128xf32>
      %broadcast_in_dim3A_1184 = vector.shape_cast %broadcast_in_dim3A_1161 : vector<1x1xf32> to vector<1x1xf32>
      %broadcast_in_dim3A_1185 = vector.broadcast %broadcast_in_dim3A_1184 : vector<1x1xf32> to vector<8x128xf32>
      %select_n3A_1186 = arith.select %and3A_1181, %broadcast_in_dim3A_1185, %squeeze3A_1183 : vector<8x128xi1>, vector<8x128xf32>
      %broadcast_in_dim3A_1187 = vector.shape_cast %select_n3A_1186 : vector<8x128xf32> to vector<1x8x128xf32>
      %slice3A_1188 = vector.extract_strided_slice %get3A_98 {offsets = [11, 0, 0], sizes = [1, 8, 128], strides = [1, 1, 1]} : vector<16x8x128xf32> to vector<1x8x128xf32>
      %squeeze3A_1189 = vector.shape_cast %slice3A_1188 : vector<1x8x128xf32> to vector<8x128xf32>
      %broadcast_in_dim3A_1190 = vector.shape_cast %broadcast_in_dim3A_1172 : vector<1x1xf32> to vector<1x1xf32>
      %broadcast_in_dim3A_1191 = vector.broadcast %broadcast_in_dim3A_1190 : vector<1x1xf32> to vector<8x128xf32>
      %select_n3A_1192 = arith.select %and3A_1181, %broadcast_in_dim3A_1191, %squeeze3A_1189 : vector<8x128xi1>, vector<8x128xf32>
      %broadcast_in_dim3A_1193 = vector.shape_cast %select_n3A_1192 : vector<8x128xf32> to vector<1x8x128xf32>
      %slice3A_1194 = vector.extract_strided_slice %broadcast_in_dim3A_107 {offsets = [12, 0, 0], sizes = [1, 1, 1], strides = [1, 1, 1]} : vector<16x1x1xf32> to vector<1x1x1xf32>
      %squeeze3A_1195 = vector.shape_cast %slice3A_1194 : vector<1x1x1xf32> to vector<1x1xf32>
      %slice3A_1196 = vector.extract_strided_slice %broadcast_in_dim3A_100 {offsets = [12, 0, 0], sizes = [1, 1, 1], strides = [1, 1, 1]} : vector<16x1x1xf32> to vector<1x1x1xf32>
      %squeeze3A_1197 = vector.shape_cast %slice3A_1196 : vector<1x1x1xf32> to vector<1x1xf32>
      %squeeze3A_1198 = vector.extract %squeeze3A_1195[0, 0] : f32 from vector<1x1xf32>
      %convert_element_type3A_1199 = arith.fptosi %squeeze3A_1198 : f32 to i32
      %jit3A_1200 = arith.constant 91 : i32
      %div3A_1201 = arith.divsi %convert_element_type3A_1199, %jit3A_1200 : i32
      %sign3A_1202 = arith.constant 0 : i32
      %sign3A_1203 = arith.cmpi sgt, %convert_element_type3A_1199, %sign3A_1202 : i32
      %sign3A_1204 = arith.extui %sign3A_1203 : i1 to i32
      %sign3A_1205 = arith.constant 0 : i32
      %sign3A_1206 = arith.cmpi slt, %convert_element_type3A_1199, %sign3A_1205 : i32
      %sign3A_1207 = arith.extui %sign3A_1206 : i1 to i32
      %sign3A_1208 = arith.subi %sign3A_1204, %sign3A_1207 : i32
      %sign3A_1209 = arith.constant 0 : i32
      %sign3A_1210 = arith.cmpi sgt, %jit3A_1200, %sign3A_1209 : i32
      %sign3A_1211 = arith.extui %sign3A_1210 : i1 to i32
      %sign3A_1212 = arith.constant 0 : i32
      %sign3A_1213 = arith.cmpi slt, %jit3A_1200, %sign3A_1212 : i32
      %sign3A_1214 = arith.extui %sign3A_1213 : i1 to i32
      %sign3A_1215 = arith.subi %sign3A_1211, %sign3A_1214 : i32
      %ne3A_1216 = arith.cmpi ne, %sign3A_1208, %sign3A_1215 : i32
      %rem3A_1217 = arith.remsi %convert_element_type3A_1199, %jit3A_1200 : i32
      %ne3A_1218 = arith.constant 0 : i32
      %ne3A_1219 = arith.cmpi ne, %rem3A_1217, %ne3A_1218 : i32
      %and3A_1220 = arith.andi %ne3A_1216, %ne3A_1219 : i1
      %sub3A_1221 = arith.constant 1 : i32
      %sub3A_1222 = arith.subi %div3A_1201, %sub3A_1221 : i32
      %select_n3A_1223 = arith.select %and3A_1220, %sub3A_1222, %div3A_1201 : i32
      %get3A_1224 = arith.constant 12 : index
      %get3A_1225 = arith.index_cast %select_n3A_1223 : i32 to index
      %get3A_1226 = arith.constant 0 : index
      %get3A_1227 = vector.load %arg0[%get3A_1224, %get3A_1225, %get3A_1226] : memref<16x1024x128xf32, #tpu.memory_space<vmem>>, vector<1x1x128xf32>
      %get3A_1228 = vector.shape_cast %get3A_1227 : vector<1x1x128xf32> to vector<1x128xf32>
      %mul3A_1229 = arith.constant 91 : i32
      %mul3A_1230 = arith.muli %select_n3A_1223, %mul3A_1229 : i32
      %add3A_1231 = vector.broadcast %mul3A_1230 : i32 to vector<1x128xi32>
      %add3A_1232 = arith.addi %add3A_1231, %iota3A : vector<1x128xi32>
      %convert_element_type3A_1233 = arith.sitofp %add3A_1232 : vector<1x128xi32> to vector<1x128xf32>
      %lt3A_1234 = vector.broadcast %squeeze3A_1197 : vector<1x1xf32> to vector<1x128xf32>
      %lt3A_1235 = arith.cmpf olt, %get3A_1228, %lt3A_1234 : vector<1x128xf32>
      %eq3A_1236 = vector.broadcast %squeeze3A_1197 : vector<1x1xf32> to vector<1x128xf32>
      %eq3A_1237 = arith.cmpf oeq, %get3A_1228, %eq3A_1236 : vector<1x128xf32>
      %gt3A_1238 = vector.broadcast %squeeze3A_1195 : vector<1x1xf32> to vector<1x128xf32>
      %gt3A_1239 = arith.cmpf ogt, %convert_element_type3A_1233, %gt3A_1238 : vector<1x128xf32>
      %and3A_1240 = arith.andi %eq3A_1237, %gt3A_1239 : vector<1x128xi1>
      %or3A_1241 = arith.ori %lt3A_1235, %and3A_1240 : vector<1x128xi1>
      %jit3A_1242 = arith.constant -2.000000e+00 : f32
      %broadcast_in_dim3A_1243 = vector.broadcast %jit3A_1242 : f32 to vector<1x128xf32>
      %select_n3A_1244 = arith.select %or3A_1241, %get3A_1228, %broadcast_in_dim3A_1243 : vector<1x128xi1>, vector<1x128xf32>
      %reduce_max3A_1245 = vector.shape_cast %select_n3A_1244 : vector<1x128xf32> to vector<1x1x128xf32>
      %reduce_max3A_1246 = arith.constant dense<0xFF800000> : vector<1xf32>
      %reduce_max3A_1247 = vector.multi_reduction <maximumf>, %reduce_max3A_1245, %reduce_max3A_1246 [1, 2] : vector<1x1x128xf32> to vector<1xf32>
      %reduce_max3A_1248 = vector.shape_cast %reduce_max3A_1247 : vector<1xf32> to vector<1x1x1xf32>
      %reduce_max3A_1249 = vector.extract %reduce_max3A_1248[0, 0, 0] : f32 from vector<1x1x1xf32>
      %broadcast_in_dim3A_1250 = vector.broadcast %reduce_max3A_1249 : f32 to vector<1x1xf32>
      %eq3A_1251 = vector.broadcast %broadcast_in_dim3A_1250 : vector<1x1xf32> to vector<1x128xf32>
      %eq3A_1252 = arith.cmpf oeq, %select_n3A_1244, %eq3A_1251 : vector<1x128xf32>
      %jit3A_1253 = arith.constant 1.000000e+09 : f32
      %broadcast_in_dim3A_1254 = vector.broadcast %jit3A_1253 : f32 to vector<1x128xf32>
      %select_n3A_1255 = arith.select %eq3A_1252, %convert_element_type3A_1233, %broadcast_in_dim3A_1254 : vector<1x128xi1>, vector<1x128xf32>
      %reduce_min3A_1256 = vector.shape_cast %select_n3A_1255 : vector<1x128xf32> to vector<1x1x128xf32>
      %reduce_min3A_1257 = arith.constant dense<0x7F800000> : vector<1xf32>
      %reduce_min3A_1258 = vector.multi_reduction <minimumf>, %reduce_min3A_1256, %reduce_min3A_1257 [1, 2] : vector<1x1x128xf32> to vector<1xf32>
      %reduce_min3A_1259 = vector.shape_cast %reduce_min3A_1258 : vector<1xf32> to vector<1x1x1xf32>
      %reduce_min3A_1260 = vector.extract %reduce_min3A_1259[0, 0, 0] : f32 from vector<1x1x1xf32>
      %broadcast_in_dim3A_1261 = vector.broadcast %reduce_min3A_1260 : f32 to vector<1x1xf32>
      %slice3A_1262 = vector.extract_strided_slice %get3A_94 {offsets = [12, 0, 0], sizes = [1, 8, 128], strides = [1, 1, 1]} : vector<16x8x128xf32> to vector<1x8x128xf32>
      %squeeze3A_1263 = vector.shape_cast %slice3A_1262 : vector<1x8x128xf32> to vector<8x128xf32>
      %eq3A_1264 = vector.broadcast %squeeze3A_1197 : vector<1x1xf32> to vector<8x128xf32>
      %eq3A_1265 = arith.cmpf oeq, %squeeze3A_1263, %eq3A_1264 : vector<8x128xf32>
      %slice3A_1266 = vector.extract_strided_slice %get3A_98 {offsets = [12, 0, 0], sizes = [1, 8, 128], strides = [1, 1, 1]} : vector<16x8x128xf32> to vector<1x8x128xf32>
      %squeeze3A_1267 = vector.shape_cast %slice3A_1266 : vector<1x8x128xf32> to vector<8x128xf32>
      %eq3A_1268 = vector.broadcast %squeeze3A_1195 : vector<1x1xf32> to vector<8x128xf32>
      %eq3A_1269 = arith.cmpf oeq, %squeeze3A_1267, %eq3A_1268 : vector<8x128xf32>
      %and3A_1270 = arith.andi %eq3A_1265, %eq3A_1269 : vector<8x128xi1>
      %slice3A_1271 = vector.extract_strided_slice %get3A_94 {offsets = [12, 0, 0], sizes = [1, 8, 128], strides = [1, 1, 1]} : vector<16x8x128xf32> to vector<1x8x128xf32>
      %squeeze3A_1272 = vector.shape_cast %slice3A_1271 : vector<1x8x128xf32> to vector<8x128xf32>
      %broadcast_in_dim3A_1273 = vector.shape_cast %broadcast_in_dim3A_1250 : vector<1x1xf32> to vector<1x1xf32>
      %broadcast_in_dim3A_1274 = vector.broadcast %broadcast_in_dim3A_1273 : vector<1x1xf32> to vector<8x128xf32>
      %select_n3A_1275 = arith.select %and3A_1270, %broadcast_in_dim3A_1274, %squeeze3A_1272 : vector<8x128xi1>, vector<8x128xf32>
      %broadcast_in_dim3A_1276 = vector.shape_cast %select_n3A_1275 : vector<8x128xf32> to vector<1x8x128xf32>
      %slice3A_1277 = vector.extract_strided_slice %get3A_98 {offsets = [12, 0, 0], sizes = [1, 8, 128], strides = [1, 1, 1]} : vector<16x8x128xf32> to vector<1x8x128xf32>
      %squeeze3A_1278 = vector.shape_cast %slice3A_1277 : vector<1x8x128xf32> to vector<8x128xf32>
      %broadcast_in_dim3A_1279 = vector.shape_cast %broadcast_in_dim3A_1261 : vector<1x1xf32> to vector<1x1xf32>
      %broadcast_in_dim3A_1280 = vector.broadcast %broadcast_in_dim3A_1279 : vector<1x1xf32> to vector<8x128xf32>
      %select_n3A_1281 = arith.select %and3A_1270, %broadcast_in_dim3A_1280, %squeeze3A_1278 : vector<8x128xi1>, vector<8x128xf32>
      %broadcast_in_dim3A_1282 = vector.shape_cast %select_n3A_1281 : vector<8x128xf32> to vector<1x8x128xf32>
      %slice3A_1283 = vector.extract_strided_slice %broadcast_in_dim3A_107 {offsets = [13, 0, 0], sizes = [1, 1, 1], strides = [1, 1, 1]} : vector<16x1x1xf32> to vector<1x1x1xf32>
      %squeeze3A_1284 = vector.shape_cast %slice3A_1283 : vector<1x1x1xf32> to vector<1x1xf32>
      %slice3A_1285 = vector.extract_strided_slice %broadcast_in_dim3A_100 {offsets = [13, 0, 0], sizes = [1, 1, 1], strides = [1, 1, 1]} : vector<16x1x1xf32> to vector<1x1x1xf32>
      %squeeze3A_1286 = vector.shape_cast %slice3A_1285 : vector<1x1x1xf32> to vector<1x1xf32>
      %squeeze3A_1287 = vector.extract %squeeze3A_1284[0, 0] : f32 from vector<1x1xf32>
      %convert_element_type3A_1288 = arith.fptosi %squeeze3A_1287 : f32 to i32
      %jit3A_1289 = arith.constant 91 : i32
      %div3A_1290 = arith.divsi %convert_element_type3A_1288, %jit3A_1289 : i32
      %sign3A_1291 = arith.constant 0 : i32
      %sign3A_1292 = arith.cmpi sgt, %convert_element_type3A_1288, %sign3A_1291 : i32
      %sign3A_1293 = arith.extui %sign3A_1292 : i1 to i32
      %sign3A_1294 = arith.constant 0 : i32
      %sign3A_1295 = arith.cmpi slt, %convert_element_type3A_1288, %sign3A_1294 : i32
      %sign3A_1296 = arith.extui %sign3A_1295 : i1 to i32
      %sign3A_1297 = arith.subi %sign3A_1293, %sign3A_1296 : i32
      %sign3A_1298 = arith.constant 0 : i32
      %sign3A_1299 = arith.cmpi sgt, %jit3A_1289, %sign3A_1298 : i32
      %sign3A_1300 = arith.extui %sign3A_1299 : i1 to i32
      %sign3A_1301 = arith.constant 0 : i32
      %sign3A_1302 = arith.cmpi slt, %jit3A_1289, %sign3A_1301 : i32
      %sign3A_1303 = arith.extui %sign3A_1302 : i1 to i32
      %sign3A_1304 = arith.subi %sign3A_1300, %sign3A_1303 : i32
      %ne3A_1305 = arith.cmpi ne, %sign3A_1297, %sign3A_1304 : i32
      %rem3A_1306 = arith.remsi %convert_element_type3A_1288, %jit3A_1289 : i32
      %ne3A_1307 = arith.constant 0 : i32
      %ne3A_1308 = arith.cmpi ne, %rem3A_1306, %ne3A_1307 : i32
      %and3A_1309 = arith.andi %ne3A_1305, %ne3A_1308 : i1
      %sub3A_1310 = arith.constant 1 : i32
      %sub3A_1311 = arith.subi %div3A_1290, %sub3A_1310 : i32
      %select_n3A_1312 = arith.select %and3A_1309, %sub3A_1311, %div3A_1290 : i32
      %get3A_1313 = arith.constant 13 : index
      %get3A_1314 = arith.index_cast %select_n3A_1312 : i32 to index
      %get3A_1315 = arith.constant 0 : index
      %get3A_1316 = vector.load %arg0[%get3A_1313, %get3A_1314, %get3A_1315] : memref<16x1024x128xf32, #tpu.memory_space<vmem>>, vector<1x1x128xf32>
      %get3A_1317 = vector.shape_cast %get3A_1316 : vector<1x1x128xf32> to vector<1x128xf32>
      %mul3A_1318 = arith.constant 91 : i32
      %mul3A_1319 = arith.muli %select_n3A_1312, %mul3A_1318 : i32
      %add3A_1320 = vector.broadcast %mul3A_1319 : i32 to vector<1x128xi32>
      %add3A_1321 = arith.addi %add3A_1320, %iota3A : vector<1x128xi32>
      %convert_element_type3A_1322 = arith.sitofp %add3A_1321 : vector<1x128xi32> to vector<1x128xf32>
      %lt3A_1323 = vector.broadcast %squeeze3A_1286 : vector<1x1xf32> to vector<1x128xf32>
      %lt3A_1324 = arith.cmpf olt, %get3A_1317, %lt3A_1323 : vector<1x128xf32>
      %eq3A_1325 = vector.broadcast %squeeze3A_1286 : vector<1x1xf32> to vector<1x128xf32>
      %eq3A_1326 = arith.cmpf oeq, %get3A_1317, %eq3A_1325 : vector<1x128xf32>
      %gt3A_1327 = vector.broadcast %squeeze3A_1284 : vector<1x1xf32> to vector<1x128xf32>
      %gt3A_1328 = arith.cmpf ogt, %convert_element_type3A_1322, %gt3A_1327 : vector<1x128xf32>
      %and3A_1329 = arith.andi %eq3A_1326, %gt3A_1328 : vector<1x128xi1>
      %or3A_1330 = arith.ori %lt3A_1324, %and3A_1329 : vector<1x128xi1>
      %jit3A_1331 = arith.constant -2.000000e+00 : f32
      %broadcast_in_dim3A_1332 = vector.broadcast %jit3A_1331 : f32 to vector<1x128xf32>
      %select_n3A_1333 = arith.select %or3A_1330, %get3A_1317, %broadcast_in_dim3A_1332 : vector<1x128xi1>, vector<1x128xf32>
      %reduce_max3A_1334 = vector.shape_cast %select_n3A_1333 : vector<1x128xf32> to vector<1x1x128xf32>
      %reduce_max3A_1335 = arith.constant dense<0xFF800000> : vector<1xf32>
      %reduce_max3A_1336 = vector.multi_reduction <maximumf>, %reduce_max3A_1334, %reduce_max3A_1335 [1, 2] : vector<1x1x128xf32> to vector<1xf32>
      %reduce_max3A_1337 = vector.shape_cast %reduce_max3A_1336 : vector<1xf32> to vector<1x1x1xf32>
      %reduce_max3A_1338 = vector.extract %reduce_max3A_1337[0, 0, 0] : f32 from vector<1x1x1xf32>
      %broadcast_in_dim3A_1339 = vector.broadcast %reduce_max3A_1338 : f32 to vector<1x1xf32>
      %eq3A_1340 = vector.broadcast %broadcast_in_dim3A_1339 : vector<1x1xf32> to vector<1x128xf32>
      %eq3A_1341 = arith.cmpf oeq, %select_n3A_1333, %eq3A_1340 : vector<1x128xf32>
      %jit3A_1342 = arith.constant 1.000000e+09 : f32
      %broadcast_in_dim3A_1343 = vector.broadcast %jit3A_1342 : f32 to vector<1x128xf32>
      %select_n3A_1344 = arith.select %eq3A_1341, %convert_element_type3A_1322, %broadcast_in_dim3A_1343 : vector<1x128xi1>, vector<1x128xf32>
      %reduce_min3A_1345 = vector.shape_cast %select_n3A_1344 : vector<1x128xf32> to vector<1x1x128xf32>
      %reduce_min3A_1346 = arith.constant dense<0x7F800000> : vector<1xf32>
      %reduce_min3A_1347 = vector.multi_reduction <minimumf>, %reduce_min3A_1345, %reduce_min3A_1346 [1, 2] : vector<1x1x128xf32> to vector<1xf32>
      %reduce_min3A_1348 = vector.shape_cast %reduce_min3A_1347 : vector<1xf32> to vector<1x1x1xf32>
      %reduce_min3A_1349 = vector.extract %reduce_min3A_1348[0, 0, 0] : f32 from vector<1x1x1xf32>
      %broadcast_in_dim3A_1350 = vector.broadcast %reduce_min3A_1349 : f32 to vector<1x1xf32>
      %slice3A_1351 = vector.extract_strided_slice %get3A_94 {offsets = [13, 0, 0], sizes = [1, 8, 128], strides = [1, 1, 1]} : vector<16x8x128xf32> to vector<1x8x128xf32>
      %squeeze3A_1352 = vector.shape_cast %slice3A_1351 : vector<1x8x128xf32> to vector<8x128xf32>
      %eq3A_1353 = vector.broadcast %squeeze3A_1286 : vector<1x1xf32> to vector<8x128xf32>
      %eq3A_1354 = arith.cmpf oeq, %squeeze3A_1352, %eq3A_1353 : vector<8x128xf32>
      %slice3A_1355 = vector.extract_strided_slice %get3A_98 {offsets = [13, 0, 0], sizes = [1, 8, 128], strides = [1, 1, 1]} : vector<16x8x128xf32> to vector<1x8x128xf32>
      %squeeze3A_1356 = vector.shape_cast %slice3A_1355 : vector<1x8x128xf32> to vector<8x128xf32>
      %eq3A_1357 = vector.broadcast %squeeze3A_1284 : vector<1x1xf32> to vector<8x128xf32>
      %eq3A_1358 = arith.cmpf oeq, %squeeze3A_1356, %eq3A_1357 : vector<8x128xf32>
      %and3A_1359 = arith.andi %eq3A_1354, %eq3A_1358 : vector<8x128xi1>
      %slice3A_1360 = vector.extract_strided_slice %get3A_94 {offsets = [13, 0, 0], sizes = [1, 8, 128], strides = [1, 1, 1]} : vector<16x8x128xf32> to vector<1x8x128xf32>
      %squeeze3A_1361 = vector.shape_cast %slice3A_1360 : vector<1x8x128xf32> to vector<8x128xf32>
      %broadcast_in_dim3A_1362 = vector.shape_cast %broadcast_in_dim3A_1339 : vector<1x1xf32> to vector<1x1xf32>
      %broadcast_in_dim3A_1363 = vector.broadcast %broadcast_in_dim3A_1362 : vector<1x1xf32> to vector<8x128xf32>
      %select_n3A_1364 = arith.select %and3A_1359, %broadcast_in_dim3A_1363, %squeeze3A_1361 : vector<8x128xi1>, vector<8x128xf32>
      %broadcast_in_dim3A_1365 = vector.shape_cast %select_n3A_1364 : vector<8x128xf32> to vector<1x8x128xf32>
      %slice3A_1366 = vector.extract_strided_slice %get3A_98 {offsets = [13, 0, 0], sizes = [1, 8, 128], strides = [1, 1, 1]} : vector<16x8x128xf32> to vector<1x8x128xf32>
      %squeeze3A_1367 = vector.shape_cast %slice3A_1366 : vector<1x8x128xf32> to vector<8x128xf32>
      %broadcast_in_dim3A_1368 = vector.shape_cast %broadcast_in_dim3A_1350 : vector<1x1xf32> to vector<1x1xf32>
      %broadcast_in_dim3A_1369 = vector.broadcast %broadcast_in_dim3A_1368 : vector<1x1xf32> to vector<8x128xf32>
      %select_n3A_1370 = arith.select %and3A_1359, %broadcast_in_dim3A_1369, %squeeze3A_1367 : vector<8x128xi1>, vector<8x128xf32>
      %broadcast_in_dim3A_1371 = vector.shape_cast %select_n3A_1370 : vector<8x128xf32> to vector<1x8x128xf32>
      %slice3A_1372 = vector.extract_strided_slice %broadcast_in_dim3A_107 {offsets = [14, 0, 0], sizes = [1, 1, 1], strides = [1, 1, 1]} : vector<16x1x1xf32> to vector<1x1x1xf32>
      %squeeze3A_1373 = vector.shape_cast %slice3A_1372 : vector<1x1x1xf32> to vector<1x1xf32>
      %slice3A_1374 = vector.extract_strided_slice %broadcast_in_dim3A_100 {offsets = [14, 0, 0], sizes = [1, 1, 1], strides = [1, 1, 1]} : vector<16x1x1xf32> to vector<1x1x1xf32>
      %squeeze3A_1375 = vector.shape_cast %slice3A_1374 : vector<1x1x1xf32> to vector<1x1xf32>
      %squeeze3A_1376 = vector.extract %squeeze3A_1373[0, 0] : f32 from vector<1x1xf32>
      %convert_element_type3A_1377 = arith.fptosi %squeeze3A_1376 : f32 to i32
      %jit3A_1378 = arith.constant 91 : i32
      %div3A_1379 = arith.divsi %convert_element_type3A_1377, %jit3A_1378 : i32
      %sign3A_1380 = arith.constant 0 : i32
      %sign3A_1381 = arith.cmpi sgt, %convert_element_type3A_1377, %sign3A_1380 : i32
      %sign3A_1382 = arith.extui %sign3A_1381 : i1 to i32
      %sign3A_1383 = arith.constant 0 : i32
      %sign3A_1384 = arith.cmpi slt, %convert_element_type3A_1377, %sign3A_1383 : i32
      %sign3A_1385 = arith.extui %sign3A_1384 : i1 to i32
      %sign3A_1386 = arith.subi %sign3A_1382, %sign3A_1385 : i32
      %sign3A_1387 = arith.constant 0 : i32
      %sign3A_1388 = arith.cmpi sgt, %jit3A_1378, %sign3A_1387 : i32
      %sign3A_1389 = arith.extui %sign3A_1388 : i1 to i32
      %sign3A_1390 = arith.constant 0 : i32
      %sign3A_1391 = arith.cmpi slt, %jit3A_1378, %sign3A_1390 : i32
      %sign3A_1392 = arith.extui %sign3A_1391 : i1 to i32
      %sign3A_1393 = arith.subi %sign3A_1389, %sign3A_1392 : i32
      %ne3A_1394 = arith.cmpi ne, %sign3A_1386, %sign3A_1393 : i32
      %rem3A_1395 = arith.remsi %convert_element_type3A_1377, %jit3A_1378 : i32
      %ne3A_1396 = arith.constant 0 : i32
      %ne3A_1397 = arith.cmpi ne, %rem3A_1395, %ne3A_1396 : i32
      %and3A_1398 = arith.andi %ne3A_1394, %ne3A_1397 : i1
      %sub3A_1399 = arith.constant 1 : i32
      %sub3A_1400 = arith.subi %div3A_1379, %sub3A_1399 : i32
      %select_n3A_1401 = arith.select %and3A_1398, %sub3A_1400, %div3A_1379 : i32
      %get3A_1402 = arith.constant 14 : index
      %get3A_1403 = arith.index_cast %select_n3A_1401 : i32 to index
      %get3A_1404 = arith.constant 0 : index
      %get3A_1405 = vector.load %arg0[%get3A_1402, %get3A_1403, %get3A_1404] : memref<16x1024x128xf32, #tpu.memory_space<vmem>>, vector<1x1x128xf32>
      %get3A_1406 = vector.shape_cast %get3A_1405 : vector<1x1x128xf32> to vector<1x128xf32>
      %mul3A_1407 = arith.constant 91 : i32
      %mul3A_1408 = arith.muli %select_n3A_1401, %mul3A_1407 : i32
      %add3A_1409 = vector.broadcast %mul3A_1408 : i32 to vector<1x128xi32>
      %add3A_1410 = arith.addi %add3A_1409, %iota3A : vector<1x128xi32>
      %convert_element_type3A_1411 = arith.sitofp %add3A_1410 : vector<1x128xi32> to vector<1x128xf32>
      %lt3A_1412 = vector.broadcast %squeeze3A_1375 : vector<1x1xf32> to vector<1x128xf32>
      %lt3A_1413 = arith.cmpf olt, %get3A_1406, %lt3A_1412 : vector<1x128xf32>
      %eq3A_1414 = vector.broadcast %squeeze3A_1375 : vector<1x1xf32> to vector<1x128xf32>
      %eq3A_1415 = arith.cmpf oeq, %get3A_1406, %eq3A_1414 : vector<1x128xf32>
      %gt3A_1416 = vector.broadcast %squeeze3A_1373 : vector<1x1xf32> to vector<1x128xf32>
      %gt3A_1417 = arith.cmpf ogt, %convert_element_type3A_1411, %gt3A_1416 : vector<1x128xf32>
      %and3A_1418 = arith.andi %eq3A_1415, %gt3A_1417 : vector<1x128xi1>
      %or3A_1419 = arith.ori %lt3A_1413, %and3A_1418 : vector<1x128xi1>
      %jit3A_1420 = arith.constant -2.000000e+00 : f32
      %broadcast_in_dim3A_1421 = vector.broadcast %jit3A_1420 : f32 to vector<1x128xf32>
      %select_n3A_1422 = arith.select %or3A_1419, %get3A_1406, %broadcast_in_dim3A_1421 : vector<1x128xi1>, vector<1x128xf32>
      %reduce_max3A_1423 = vector.shape_cast %select_n3A_1422 : vector<1x128xf32> to vector<1x1x128xf32>
      %reduce_max3A_1424 = arith.constant dense<0xFF800000> : vector<1xf32>
      %reduce_max3A_1425 = vector.multi_reduction <maximumf>, %reduce_max3A_1423, %reduce_max3A_1424 [1, 2] : vector<1x1x128xf32> to vector<1xf32>
      %reduce_max3A_1426 = vector.shape_cast %reduce_max3A_1425 : vector<1xf32> to vector<1x1x1xf32>
      %reduce_max3A_1427 = vector.extract %reduce_max3A_1426[0, 0, 0] : f32 from vector<1x1x1xf32>
      %broadcast_in_dim3A_1428 = vector.broadcast %reduce_max3A_1427 : f32 to vector<1x1xf32>
      %eq3A_1429 = vector.broadcast %broadcast_in_dim3A_1428 : vector<1x1xf32> to vector<1x128xf32>
      %eq3A_1430 = arith.cmpf oeq, %select_n3A_1422, %eq3A_1429 : vector<1x128xf32>
      %jit3A_1431 = arith.constant 1.000000e+09 : f32
      %broadcast_in_dim3A_1432 = vector.broadcast %jit3A_1431 : f32 to vector<1x128xf32>
      %select_n3A_1433 = arith.select %eq3A_1430, %convert_element_type3A_1411, %broadcast_in_dim3A_1432 : vector<1x128xi1>, vector<1x128xf32>
      %reduce_min3A_1434 = vector.shape_cast %select_n3A_1433 : vector<1x128xf32> to vector<1x1x128xf32>
      %reduce_min3A_1435 = arith.constant dense<0x7F800000> : vector<1xf32>
      %reduce_min3A_1436 = vector.multi_reduction <minimumf>, %reduce_min3A_1434, %reduce_min3A_1435 [1, 2] : vector<1x1x128xf32> to vector<1xf32>
      %reduce_min3A_1437 = vector.shape_cast %reduce_min3A_1436 : vector<1xf32> to vector<1x1x1xf32>
      %reduce_min3A_1438 = vector.extract %reduce_min3A_1437[0, 0, 0] : f32 from vector<1x1x1xf32>
      %broadcast_in_dim3A_1439 = vector.broadcast %reduce_min3A_1438 : f32 to vector<1x1xf32>
      %slice3A_1440 = vector.extract_strided_slice %get3A_94 {offsets = [14, 0, 0], sizes = [1, 8, 128], strides = [1, 1, 1]} : vector<16x8x128xf32> to vector<1x8x128xf32>
      %squeeze3A_1441 = vector.shape_cast %slice3A_1440 : vector<1x8x128xf32> to vector<8x128xf32>
      %eq3A_1442 = vector.broadcast %squeeze3A_1375 : vector<1x1xf32> to vector<8x128xf32>
      %eq3A_1443 = arith.cmpf oeq, %squeeze3A_1441, %eq3A_1442 : vector<8x128xf32>
      %slice3A_1444 = vector.extract_strided_slice %get3A_98 {offsets = [14, 0, 0], sizes = [1, 8, 128], strides = [1, 1, 1]} : vector<16x8x128xf32> to vector<1x8x128xf32>
      %squeeze3A_1445 = vector.shape_cast %slice3A_1444 : vector<1x8x128xf32> to vector<8x128xf32>
      %eq3A_1446 = vector.broadcast %squeeze3A_1373 : vector<1x1xf32> to vector<8x128xf32>
      %eq3A_1447 = arith.cmpf oeq, %squeeze3A_1445, %eq3A_1446 : vector<8x128xf32>
      %and3A_1448 = arith.andi %eq3A_1443, %eq3A_1447 : vector<8x128xi1>
      %slice3A_1449 = vector.extract_strided_slice %get3A_94 {offsets = [14, 0, 0], sizes = [1, 8, 128], strides = [1, 1, 1]} : vector<16x8x128xf32> to vector<1x8x128xf32>
      %squeeze3A_1450 = vector.shape_cast %slice3A_1449 : vector<1x8x128xf32> to vector<8x128xf32>
      %broadcast_in_dim3A_1451 = vector.shape_cast %broadcast_in_dim3A_1428 : vector<1x1xf32> to vector<1x1xf32>
      %broadcast_in_dim3A_1452 = vector.broadcast %broadcast_in_dim3A_1451 : vector<1x1xf32> to vector<8x128xf32>
      %select_n3A_1453 = arith.select %and3A_1448, %broadcast_in_dim3A_1452, %squeeze3A_1450 : vector<8x128xi1>, vector<8x128xf32>
      %broadcast_in_dim3A_1454 = vector.shape_cast %select_n3A_1453 : vector<8x128xf32> to vector<1x8x128xf32>
      %slice3A_1455 = vector.extract_strided_slice %get3A_98 {offsets = [14, 0, 0], sizes = [1, 8, 128], strides = [1, 1, 1]} : vector<16x8x128xf32> to vector<1x8x128xf32>
      %squeeze3A_1456 = vector.shape_cast %slice3A_1455 : vector<1x8x128xf32> to vector<8x128xf32>
      %broadcast_in_dim3A_1457 = vector.shape_cast %broadcast_in_dim3A_1439 : vector<1x1xf32> to vector<1x1xf32>
      %broadcast_in_dim3A_1458 = vector.broadcast %broadcast_in_dim3A_1457 : vector<1x1xf32> to vector<8x128xf32>
      %select_n3A_1459 = arith.select %and3A_1448, %broadcast_in_dim3A_1458, %squeeze3A_1456 : vector<8x128xi1>, vector<8x128xf32>
      %broadcast_in_dim3A_1460 = vector.shape_cast %select_n3A_1459 : vector<8x128xf32> to vector<1x8x128xf32>
      %slice3A_1461 = vector.extract_strided_slice %broadcast_in_dim3A_107 {offsets = [15, 0, 0], sizes = [1, 1, 1], strides = [1, 1, 1]} : vector<16x1x1xf32> to vector<1x1x1xf32>
      %squeeze3A_1462 = vector.shape_cast %slice3A_1461 : vector<1x1x1xf32> to vector<1x1xf32>
      %slice3A_1463 = vector.extract_strided_slice %broadcast_in_dim3A_100 {offsets = [15, 0, 0], sizes = [1, 1, 1], strides = [1, 1, 1]} : vector<16x1x1xf32> to vector<1x1x1xf32>
      %squeeze3A_1464 = vector.shape_cast %slice3A_1463 : vector<1x1x1xf32> to vector<1x1xf32>
      %squeeze3A_1465 = vector.extract %squeeze3A_1462[0, 0] : f32 from vector<1x1xf32>
      %convert_element_type3A_1466 = arith.fptosi %squeeze3A_1465 : f32 to i32
      %jit3A_1467 = arith.constant 91 : i32
      %div3A_1468 = arith.divsi %convert_element_type3A_1466, %jit3A_1467 : i32
      %sign3A_1469 = arith.constant 0 : i32
      %sign3A_1470 = arith.cmpi sgt, %convert_element_type3A_1466, %sign3A_1469 : i32
      %sign3A_1471 = arith.extui %sign3A_1470 : i1 to i32
      %sign3A_1472 = arith.constant 0 : i32
      %sign3A_1473 = arith.cmpi slt, %convert_element_type3A_1466, %sign3A_1472 : i32
      %sign3A_1474 = arith.extui %sign3A_1473 : i1 to i32
      %sign3A_1475 = arith.subi %sign3A_1471, %sign3A_1474 : i32
      %sign3A_1476 = arith.constant 0 : i32
      %sign3A_1477 = arith.cmpi sgt, %jit3A_1467, %sign3A_1476 : i32
      %sign3A_1478 = arith.extui %sign3A_1477 : i1 to i32
      %sign3A_1479 = arith.constant 0 : i32
      %sign3A_1480 = arith.cmpi slt, %jit3A_1467, %sign3A_1479 : i32
      %sign3A_1481 = arith.extui %sign3A_1480 : i1 to i32
      %sign3A_1482 = arith.subi %sign3A_1478, %sign3A_1481 : i32
      %ne3A_1483 = arith.cmpi ne, %sign3A_1475, %sign3A_1482 : i32
      %rem3A_1484 = arith.remsi %convert_element_type3A_1466, %jit3A_1467 : i32
      %ne3A_1485 = arith.constant 0 : i32
      %ne3A_1486 = arith.cmpi ne, %rem3A_1484, %ne3A_1485 : i32
      %and3A_1487 = arith.andi %ne3A_1483, %ne3A_1486 : i1
      %sub3A_1488 = arith.constant 1 : i32
      %sub3A_1489 = arith.subi %div3A_1468, %sub3A_1488 : i32
      %select_n3A_1490 = arith.select %and3A_1487, %sub3A_1489, %div3A_1468 : i32
      %get3A_1491 = arith.constant 15 : index
      %get3A_1492 = arith.index_cast %select_n3A_1490 : i32 to index
      %get3A_1493 = arith.constant 0 : index
      %get3A_1494 = vector.load %arg0[%get3A_1491, %get3A_1492, %get3A_1493] : memref<16x1024x128xf32, #tpu.memory_space<vmem>>, vector<1x1x128xf32>
      %get3A_1495 = vector.shape_cast %get3A_1494 : vector<1x1x128xf32> to vector<1x128xf32>
      %mul3A_1496 = arith.constant 91 : i32
      %mul3A_1497 = arith.muli %select_n3A_1490, %mul3A_1496 : i32
      %add3A_1498 = vector.broadcast %mul3A_1497 : i32 to vector<1x128xi32>
      %add3A_1499 = arith.addi %add3A_1498, %iota3A : vector<1x128xi32>
      %convert_element_type3A_1500 = arith.sitofp %add3A_1499 : vector<1x128xi32> to vector<1x128xf32>
      %lt3A_1501 = vector.broadcast %squeeze3A_1464 : vector<1x1xf32> to vector<1x128xf32>
      %lt3A_1502 = arith.cmpf olt, %get3A_1495, %lt3A_1501 : vector<1x128xf32>
      %eq3A_1503 = vector.broadcast %squeeze3A_1464 : vector<1x1xf32> to vector<1x128xf32>
      %eq3A_1504 = arith.cmpf oeq, %get3A_1495, %eq3A_1503 : vector<1x128xf32>
      %gt3A_1505 = vector.broadcast %squeeze3A_1462 : vector<1x1xf32> to vector<1x128xf32>
      %gt3A_1506 = arith.cmpf ogt, %convert_element_type3A_1500, %gt3A_1505 : vector<1x128xf32>
      %and3A_1507 = arith.andi %eq3A_1504, %gt3A_1506 : vector<1x128xi1>
      %or3A_1508 = arith.ori %lt3A_1502, %and3A_1507 : vector<1x128xi1>
      %jit3A_1509 = arith.constant -2.000000e+00 : f32
      %broadcast_in_dim3A_1510 = vector.broadcast %jit3A_1509 : f32 to vector<1x128xf32>
      %select_n3A_1511 = arith.select %or3A_1508, %get3A_1495, %broadcast_in_dim3A_1510 : vector<1x128xi1>, vector<1x128xf32>
      %reduce_max3A_1512 = vector.shape_cast %select_n3A_1511 : vector<1x128xf32> to vector<1x1x128xf32>
      %reduce_max3A_1513 = arith.constant dense<0xFF800000> : vector<1xf32>
      %reduce_max3A_1514 = vector.multi_reduction <maximumf>, %reduce_max3A_1512, %reduce_max3A_1513 [1, 2] : vector<1x1x128xf32> to vector<1xf32>
      %reduce_max3A_1515 = vector.shape_cast %reduce_max3A_1514 : vector<1xf32> to vector<1x1x1xf32>
      %reduce_max3A_1516 = vector.extract %reduce_max3A_1515[0, 0, 0] : f32 from vector<1x1x1xf32>
      %broadcast_in_dim3A_1517 = vector.broadcast %reduce_max3A_1516 : f32 to vector<1x1xf32>
      %eq3A_1518 = vector.broadcast %broadcast_in_dim3A_1517 : vector<1x1xf32> to vector<1x128xf32>
      %eq3A_1519 = arith.cmpf oeq, %select_n3A_1511, %eq3A_1518 : vector<1x128xf32>
      %jit3A_1520 = arith.constant 1.000000e+09 : f32
      %broadcast_in_dim3A_1521 = vector.broadcast %jit3A_1520 : f32 to vector<1x128xf32>
      %select_n3A_1522 = arith.select %eq3A_1519, %convert_element_type3A_1500, %broadcast_in_dim3A_1521 : vector<1x128xi1>, vector<1x128xf32>
      %reduce_min3A_1523 = vector.shape_cast %select_n3A_1522 : vector<1x128xf32> to vector<1x1x128xf32>
      %reduce_min3A_1524 = arith.constant dense<0x7F800000> : vector<1xf32>
      %reduce_min3A_1525 = vector.multi_reduction <minimumf>, %reduce_min3A_1523, %reduce_min3A_1524 [1, 2] : vector<1x1x128xf32> to vector<1xf32>
      %reduce_min3A_1526 = vector.shape_cast %reduce_min3A_1525 : vector<1xf32> to vector<1x1x1xf32>
      %reduce_min3A_1527 = vector.extract %reduce_min3A_1526[0, 0, 0] : f32 from vector<1x1x1xf32>
      %broadcast_in_dim3A_1528 = vector.broadcast %reduce_min3A_1527 : f32 to vector<1x1xf32>
      %slice3A_1529 = vector.extract_strided_slice %get3A_94 {offsets = [15, 0, 0], sizes = [1, 8, 128], strides = [1, 1, 1]} : vector<16x8x128xf32> to vector<1x8x128xf32>
      %squeeze3A_1530 = vector.shape_cast %slice3A_1529 : vector<1x8x128xf32> to vector<8x128xf32>
      %eq3A_1531 = vector.broadcast %squeeze3A_1464 : vector<1x1xf32> to vector<8x128xf32>
      %eq3A_1532 = arith.cmpf oeq, %squeeze3A_1530, %eq3A_1531 : vector<8x128xf32>
      %slice3A_1533 = vector.extract_strided_slice %get3A_98 {offsets = [15, 0, 0], sizes = [1, 8, 128], strides = [1, 1, 1]} : vector<16x8x128xf32> to vector<1x8x128xf32>
      %squeeze3A_1534 = vector.shape_cast %slice3A_1533 : vector<1x8x128xf32> to vector<8x128xf32>
      %eq3A_1535 = vector.broadcast %squeeze3A_1462 : vector<1x1xf32> to vector<8x128xf32>
      %eq3A_1536 = arith.cmpf oeq, %squeeze3A_1534, %eq3A_1535 : vector<8x128xf32>
      %and3A_1537 = arith.andi %eq3A_1532, %eq3A_1536 : vector<8x128xi1>
      %slice3A_1538 = vector.extract_strided_slice %get3A_94 {offsets = [15, 0, 0], sizes = [1, 8, 128], strides = [1, 1, 1]} : vector<16x8x128xf32> to vector<1x8x128xf32>
      %squeeze3A_1539 = vector.shape_cast %slice3A_1538 : vector<1x8x128xf32> to vector<8x128xf32>
      %broadcast_in_dim3A_1540 = vector.shape_cast %broadcast_in_dim3A_1517 : vector<1x1xf32> to vector<1x1xf32>
      %broadcast_in_dim3A_1541 = vector.broadcast %broadcast_in_dim3A_1540 : vector<1x1xf32> to vector<8x128xf32>
      %select_n3A_1542 = arith.select %and3A_1537, %broadcast_in_dim3A_1541, %squeeze3A_1539 : vector<8x128xi1>, vector<8x128xf32>
      %broadcast_in_dim3A_1543 = vector.shape_cast %select_n3A_1542 : vector<8x128xf32> to vector<1x8x128xf32>
      %slice3A_1544 = vector.extract_strided_slice %get3A_98 {offsets = [15, 0, 0], sizes = [1, 8, 128], strides = [1, 1, 1]} : vector<16x8x128xf32> to vector<1x8x128xf32>
      %squeeze3A_1545 = vector.shape_cast %slice3A_1544 : vector<1x8x128xf32> to vector<8x128xf32>
      %broadcast_in_dim3A_1546 = vector.shape_cast %broadcast_in_dim3A_1528 : vector<1x1xf32> to vector<1x1xf32>
      %broadcast_in_dim3A_1547 = vector.broadcast %broadcast_in_dim3A_1546 : vector<1x1xf32> to vector<8x128xf32>
      %select_n3A_1548 = arith.select %and3A_1537, %broadcast_in_dim3A_1547, %squeeze3A_1545 : vector<8x128xi1>, vector<8x128xf32>
      %broadcast_in_dim3A_1549 = vector.shape_cast %select_n3A_1548 : vector<8x128xf32> to vector<1x8x128xf32>
      %concatenate3A = tpu.concatenate %broadcast_in_dim3A_208, %broadcast_in_dim3A_297, %broadcast_in_dim3A_386, %broadcast_in_dim3A_475, %broadcast_in_dim3A_564, %broadcast_in_dim3A_653, %broadcast_in_dim3A_742, %broadcast_in_dim3A_831, %broadcast_in_dim3A_920, %broadcast_in_dim3A_1009, %broadcast_in_dim3A_1098, %broadcast_in_dim3A_1187, %broadcast_in_dim3A_1276, %broadcast_in_dim3A_1365, %broadcast_in_dim3A_1454, %broadcast_in_dim3A_1543 in 0 : vector<1x8x128xf32>, vector<1x8x128xf32>, vector<1x8x128xf32>, vector<1x8x128xf32>, vector<1x8x128xf32>, vector<1x8x128xf32>, vector<1x8x128xf32>, vector<1x8x128xf32>, vector<1x8x128xf32>, vector<1x8x128xf32>, vector<1x8x128xf32>, vector<1x8x128xf32>, vector<1x8x128xf32>, vector<1x8x128xf32>, vector<1x8x128xf32>, vector<1x8x128xf32> -> vector<16x8x128xf32>
      %swap3A_1550 = arith.constant 0 : index
      %swap3A_1551 = arith.constant 0 : index
      %swap3A_1552 = arith.constant 0 : index
      %swap3A_1553 = vector.load %arg6[%swap3A_1550, %swap3A_1551, %swap3A_1552] : memref<16x8x128xf32, #tpu.memory_space<vmem>>, vector<16x8x128xf32>
      tpu.vector_store %arg6[%swap3A_1550, %swap3A_1551, %swap3A_1552], %concatenate3A {strides = array<i32>} : memref<16x8x128xf32, #tpu.memory_space<vmem>>, vector<16x8x128xf32>,
      %concatenate3A_1554 = tpu.concatenate %broadcast_in_dim3A_214, %broadcast_in_dim3A_303, %broadcast_in_dim3A_392, %broadcast_in_dim3A_481, %broadcast_in_dim3A_570, %broadcast_in_dim3A_659, %broadcast_in_dim3A_748, %broadcast_in_dim3A_837, %broadcast_in_dim3A_926, %broadcast_in_dim3A_1015, %broadcast_in_dim3A_1104, %broadcast_in_dim3A_1193, %broadcast_in_dim3A_1282, %broadcast_in_dim3A_1371, %broadcast_in_dim3A_1460, %broadcast_in_dim3A_1549 in 0 : vector<1x8x128xf32>, vector<1x8x128xf32>, vector<1x8x128xf32>, vector<1x8x128xf32>, vector<1x8x128xf32>, vector<1x8x128xf32>, vector<1x8x128xf32>, vector<1x8x128xf32>, vector<1x8x128xf32>, vector<1x8x128xf32>, vector<1x8x128xf32>, vector<1x8x128xf32>, vector<1x8x128xf32>, vector<1x8x128xf32>, vector<1x8x128xf32>, vector<1x8x128xf32> -> vector<16x8x128xf32>
      %swap3A_1555 = arith.constant 0 : index
      %swap3A_1556 = arith.constant 0 : index
      %swap3A_1557 = arith.constant 0 : index
      %swap3A_1558 = vector.load %arg7[%swap3A_1555, %swap3A_1556, %swap3A_1557] : memref<16x8x128xf32, #tpu.memory_space<vmem>>, vector<16x8x128xf32>
      tpu.vector_store %arg7[%swap3A_1555, %swap3A_1556, %swap3A_1557], %concatenate3A_1554 {strides = array<i32>} : memref<16x8x128xf32, #tpu.memory_space<vmem>>, vector<16x8x128xf32>,
    }
    %scan3A_32 = arith.constant 128 : i32
    %scan3A_33 = arith.constant 256 : i32
    %scan3A_34 = arith.constant 44 : i32
    %scan3A_35 = arith.addi %scan3A_33, %scan3A_34 : i32
    %scan3A_36 = arith.constant 1 : i32
    scf.for %scan3A_90 = %scan3A_33 to %scan3A_35 step %scan3A_36  : i32 {
      %get3A_91 = arith.constant 0 : index
      %get3A_92 = arith.constant 0 : index
      %get3A_93 = arith.constant 0 : index
      %get3A_94 = vector.load %arg6[%get3A_91, %get3A_92, %get3A_93] : memref<16x8x128xf32, #tpu.memory_space<vmem>>, vector<16x8x128xf32>
      %get3A_95 = arith.constant 0 : index
      %get3A_96 = arith.constant 0 : index
      %get3A_97 = arith.constant 0 : index
      %get3A_98 = vector.load %arg7[%get3A_95, %get3A_96, %get3A_97] : memref<16x8x128xf32, #tpu.memory_space<vmem>>, vector<16x8x128xf32>
      %reduce_max3A = arith.constant dense<0xFF800000> : vector<16xf32>
      %reduce_max3A_99 = vector.multi_reduction <maximumf>, %get3A_94, %reduce_max3A [1, 2] : vector<16x8x128xf32> to vector<16xf32>
      %broadcast_in_dim3A_100 = vector.shape_cast %reduce_max3A_99 : vector<16xf32> to vector<16x1x1xf32>
      %eq3A_101 = vector.broadcast %broadcast_in_dim3A_100 : vector<16x1x1xf32> to vector<16x8x128xf32>
      %eq3A_102 = arith.cmpf oeq, %get3A_94, %eq3A_101 : vector<16x8x128xf32>
      %jit3A_103 = arith.constant 1.000000e+09 : f32
      %broadcast_in_dim3A_104 = vector.broadcast %jit3A_103 : f32 to vector<16x8x128xf32>
      %select_n3A_105 = arith.select %eq3A_102, %get3A_98, %broadcast_in_dim3A_104 : vector<16x8x128xi1>, vector<16x8x128xf32>
      %reduce_min3A = arith.constant dense<0x7F800000> : vector<16xf32>
      %reduce_min3A_106 = vector.multi_reduction <minimumf>, %select_n3A_105, %reduce_min3A [1, 2] : vector<16x8x128xf32> to vector<16xf32>
      %broadcast_in_dim3A_107 = vector.shape_cast %reduce_min3A_106 : vector<16xf32> to vector<16x1x1xf32>
      %sub3A_108 = arith.constant 256 : i32
      %sub3A_109 = arith.subi %scan3A_90, %sub3A_108 : i32
      %eq3A_110 = vector.broadcast %sub3A_109 : i32 to vector<16x128xi32>
      %eq3A_111 = arith.cmpi eq, %iota3A_0, %eq3A_110 : vector<16x128xi32>
      %reshape3A = vector.shape_cast %broadcast_in_dim3A_100 : vector<16x1x1xf32> to vector<16x1xf32>
      %get3A_112 = arith.constant 0 : index
      %get3A_113 = arith.constant 256 : index
      %get3A_114 = vector.load %arg3[%get3A_112, %get3A_113] : memref<16x384xf32, #tpu.memory_space<vmem>>, vector<16x128xf32>
      %broadcast_in_dim3A_115 = vector.shape_cast %reshape3A : vector<16x1xf32> to vector<16x1xf32>
      %broadcast_in_dim3A_116 = vector.broadcast %broadcast_in_dim3A_115 : vector<16x1xf32> to vector<16x128xf32>
      %select_n3A_117 = arith.select %eq3A_111, %broadcast_in_dim3A_116, %get3A_114 : vector<16x128xi1>, vector<16x128xf32>
      %swap3A_118 = arith.constant 0 : index
      %swap3A_119 = arith.constant 256 : index
      %swap3A_120 = vector.load %arg3[%swap3A_118, %swap3A_119] : memref<16x384xf32, #tpu.memory_space<vmem>>, vector<16x128xf32>
      tpu.vector_store %arg3[%swap3A_118, %swap3A_119], %select_n3A_117 {strides = array<i32>} : memref<16x384xf32, #tpu.memory_space<vmem>>, vector<16x128xf32>,
      %reshape3A_121 = vector.shape_cast %broadcast_in_dim3A_107 : vector<16x1x1xf32> to vector<16x1xf32>
      %get3A_122 = arith.constant 0 : index
      %get3A_123 = arith.constant 256 : index
      %get3A_124 = vector.load %arg4[%get3A_122, %get3A_123] : memref<16x384xf32, #tpu.memory_space<vmem>>, vector<16x128xf32>
      %broadcast_in_dim3A_125 = vector.shape_cast %reshape3A_121 : vector<16x1xf32> to vector<16x1xf32>
      %broadcast_in_dim3A_126 = vector.broadcast %broadcast_in_dim3A_125 : vector<16x1xf32> to vector<16x128xf32>
      %select_n3A_127 = arith.select %eq3A_111, %broadcast_in_dim3A_126, %get3A_124 : vector<16x128xi1>, vector<16x128xf32>
      %swap3A_128 = arith.constant 0 : index
      %swap3A_129 = arith.constant 256 : index
      %swap3A_130 = vector.load %arg4[%swap3A_128, %swap3A_129] : memref<16x384xf32, #tpu.memory_space<vmem>>, vector<16x128xf32>
      tpu.vector_store %arg4[%swap3A_128, %swap3A_129], %select_n3A_127 {strides = array<i32>} : memref<16x384xf32, #tpu.memory_space<vmem>>, vector<16x128xf32>,
      %slice3A = vector.extract_strided_slice %broadcast_in_dim3A_107 {offsets = [0, 0, 0], sizes = [1, 1, 1], strides = [1, 1, 1]} : vector<16x1x1xf32> to vector<1x1x1xf32>
      %squeeze3A = vector.shape_cast %slice3A : vector<1x1x1xf32> to vector<1x1xf32>
      %slice3A_131 = vector.extract_strided_slice %broadcast_in_dim3A_100 {offsets = [0, 0, 0], sizes = [1, 1, 1], strides = [1, 1, 1]} : vector<16x1x1xf32> to vector<1x1x1xf32>
      %squeeze3A_132 = vector.shape_cast %slice3A_131 : vector<1x1x1xf32> to vector<1x1xf32>
      %squeeze3A_133 = vector.extract %squeeze3A[0, 0] : f32 from vector<1x1xf32>
      %convert_element_type3A_134 = arith.fptosi %squeeze3A_133 : f32 to i32
      %jit3A_135 = arith.constant 91 : i32
      %div3A_136 = arith.divsi %convert_element_type3A_134, %jit3A_135 : i32
      %sign3A_137 = arith.constant 0 : i32
      %sign3A_138 = arith.cmpi sgt, %convert_element_type3A_134, %sign3A_137 : i32
      %sign3A_139 = arith.extui %sign3A_138 : i1 to i32
      %sign3A_140 = arith.constant 0 : i32
      %sign3A_141 = arith.cmpi slt, %convert_element_type3A_134, %sign3A_140 : i32
      %sign3A_142 = arith.extui %sign3A_141 : i1 to i32
      %sign3A_143 = arith.subi %sign3A_139, %sign3A_142 : i32
      %sign3A_144 = arith.constant 0 : i32
      %sign3A_145 = arith.cmpi sgt, %jit3A_135, %sign3A_144 : i32
      %sign3A_146 = arith.extui %sign3A_145 : i1 to i32
      %sign3A_147 = arith.constant 0 : i32
      %sign3A_148 = arith.cmpi slt, %jit3A_135, %sign3A_147 : i32
      %sign3A_149 = arith.extui %sign3A_148 : i1 to i32
      %sign3A_150 = arith.subi %sign3A_146, %sign3A_149 : i32
      %ne3A_151 = arith.cmpi ne, %sign3A_143, %sign3A_150 : i32
      %rem3A_152 = arith.remsi %convert_element_type3A_134, %jit3A_135 : i32
      %ne3A_153 = arith.constant 0 : i32
      %ne3A_154 = arith.cmpi ne, %rem3A_152, %ne3A_153 : i32
      %and3A_155 = arith.andi %ne3A_151, %ne3A_154 : i1
      %sub3A_156 = arith.constant 1 : i32
      %sub3A_157 = arith.subi %div3A_136, %sub3A_156 : i32
      %select_n3A_158 = arith.select %and3A_155, %sub3A_157, %div3A_136 : i32
      %get3A_159 = arith.constant 0 : index
      %get3A_160 = arith.index_cast %select_n3A_158 : i32 to index
      %get3A_161 = arith.constant 0 : index
      %get3A_162 = vector.load %arg0[%get3A_159, %get3A_160, %get3A_161] : memref<16x1024x128xf32, #tpu.memory_space<vmem>>, vector<1x1x128xf32>
      %get3A_163 = vector.shape_cast %get3A_162 : vector<1x1x128xf32> to vector<1x128xf32>
      %mul3A = arith.constant 91 : i32
      %mul3A_164 = arith.muli %select_n3A_158, %mul3A : i32
      %add3A_165 = vector.broadcast %mul3A_164 : i32 to vector<1x128xi32>
      %add3A_166 = arith.addi %add3A_165, %iota3A : vector<1x128xi32>
      %convert_element_type3A_167 = arith.sitofp %add3A_166 : vector<1x128xi32> to vector<1x128xf32>
      %lt3A_168 = vector.broadcast %squeeze3A_132 : vector<1x1xf32> to vector<1x128xf32>
      %lt3A_169 = arith.cmpf olt, %get3A_163, %lt3A_168 : vector<1x128xf32>
      %eq3A_170 = vector.broadcast %squeeze3A_132 : vector<1x1xf32> to vector<1x128xf32>
      %eq3A_171 = arith.cmpf oeq, %get3A_163, %eq3A_170 : vector<1x128xf32>
      %gt3A = vector.broadcast %squeeze3A : vector<1x1xf32> to vector<1x128xf32>
      %gt3A_172 = arith.cmpf ogt, %convert_element_type3A_167, %gt3A : vector<1x128xf32>
      %and3A_173 = arith.andi %eq3A_171, %gt3A_172 : vector<1x128xi1>
      %or3A = arith.ori %lt3A_169, %and3A_173 : vector<1x128xi1>
      %jit3A_174 = arith.constant -2.000000e+00 : f32
      %broadcast_in_dim3A_175 = vector.broadcast %jit3A_174 : f32 to vector<1x128xf32>
      %select_n3A_176 = arith.select %or3A, %get3A_163, %broadcast_in_dim3A_175 : vector<1x128xi1>, vector<1x128xf32>
      %reduce_max3A_177 = vector.shape_cast %select_n3A_176 : vector<1x128xf32> to vector<1x1x128xf32>
      %reduce_max3A_178 = arith.constant dense<0xFF800000> : vector<1xf32>
      %reduce_max3A_179 = vector.multi_reduction <maximumf>, %reduce_max3A_177, %reduce_max3A_178 [1, 2] : vector<1x1x128xf32> to vector<1xf32>
      %reduce_max3A_180 = vector.shape_cast %reduce_max3A_179 : vector<1xf32> to vector<1x1x1xf32>
      %reduce_max3A_181 = vector.extract %reduce_max3A_180[0, 0, 0] : f32 from vector<1x1x1xf32>
      %broadcast_in_dim3A_182 = vector.broadcast %reduce_max3A_181 : f32 to vector<1x1xf32>
      %eq3A_183 = vector.broadcast %broadcast_in_dim3A_182 : vector<1x1xf32> to vector<1x128xf32>
      %eq3A_184 = arith.cmpf oeq, %select_n3A_176, %eq3A_183 : vector<1x128xf32>
      %jit3A_185 = arith.constant 1.000000e+09 : f32
      %broadcast_in_dim3A_186 = vector.broadcast %jit3A_185 : f32 to vector<1x128xf32>
      %select_n3A_187 = arith.select %eq3A_184, %convert_element_type3A_167, %broadcast_in_dim3A_186 : vector<1x128xi1>, vector<1x128xf32>
      %reduce_min3A_188 = vector.shape_cast %select_n3A_187 : vector<1x128xf32> to vector<1x1x128xf32>
      %reduce_min3A_189 = arith.constant dense<0x7F800000> : vector<1xf32>
      %reduce_min3A_190 = vector.multi_reduction <minimumf>, %reduce_min3A_188, %reduce_min3A_189 [1, 2] : vector<1x1x128xf32> to vector<1xf32>
      %reduce_min3A_191 = vector.shape_cast %reduce_min3A_190 : vector<1xf32> to vector<1x1x1xf32>
      %reduce_min3A_192 = vector.extract %reduce_min3A_191[0, 0, 0] : f32 from vector<1x1x1xf32>
      %broadcast_in_dim3A_193 = vector.broadcast %reduce_min3A_192 : f32 to vector<1x1xf32>
      %slice3A_194 = vector.extract_strided_slice %get3A_94 {offsets = [0, 0, 0], sizes = [1, 8, 128], strides = [1, 1, 1]} : vector<16x8x128xf32> to vector<1x8x128xf32>
      %squeeze3A_195 = vector.shape_cast %slice3A_194 : vector<1x8x128xf32> to vector<8x128xf32>
      %eq3A_196 = vector.broadcast %squeeze3A_132 : vector<1x1xf32> to vector<8x128xf32>
      %eq3A_197 = arith.cmpf oeq, %squeeze3A_195, %eq3A_196 : vector<8x128xf32>
      %slice3A_198 = vector.extract_strided_slice %get3A_98 {offsets = [0, 0, 0], sizes = [1, 8, 128], strides = [1, 1, 1]} : vector<16x8x128xf32> to vector<1x8x128xf32>
      %squeeze3A_199 = vector.shape_cast %slice3A_198 : vector<1x8x128xf32> to vector<8x128xf32>
      %eq3A_200 = vector.broadcast %squeeze3A : vector<1x1xf32> to vector<8x128xf32>
      %eq3A_201 = arith.cmpf oeq, %squeeze3A_199, %eq3A_200 : vector<8x128xf32>
      %and3A_202 = arith.andi %eq3A_197, %eq3A_201 : vector<8x128xi1>
      %slice3A_203 = vector.extract_strided_slice %get3A_94 {offsets = [0, 0, 0], sizes = [1, 8, 128], strides = [1, 1, 1]} : vector<16x8x128xf32> to vector<1x8x128xf32>
      %squeeze3A_204 = vector.shape_cast %slice3A_203 : vector<1x8x128xf32> to vector<8x128xf32>
      %broadcast_in_dim3A_205 = vector.shape_cast %broadcast_in_dim3A_182 : vector<1x1xf32> to vector<1x1xf32>
      %broadcast_in_dim3A_206 = vector.broadcast %broadcast_in_dim3A_205 : vector<1x1xf32> to vector<8x128xf32>
      %select_n3A_207 = arith.select %and3A_202, %broadcast_in_dim3A_206, %squeeze3A_204 : vector<8x128xi1>, vector<8x128xf32>
      %broadcast_in_dim3A_208 = vector.shape_cast %select_n3A_207 : vector<8x128xf32> to vector<1x8x128xf32>
      %slice3A_209 = vector.extract_strided_slice %get3A_98 {offsets = [0, 0, 0], sizes = [1, 8, 128], strides = [1, 1, 1]} : vector<16x8x128xf32> to vector<1x8x128xf32>
      %squeeze3A_210 = vector.shape_cast %slice3A_209 : vector<1x8x128xf32> to vector<8x128xf32>
      %broadcast_in_dim3A_211 = vector.shape_cast %broadcast_in_dim3A_193 : vector<1x1xf32> to vector<1x1xf32>
      %broadcast_in_dim3A_212 = vector.broadcast %broadcast_in_dim3A_211 : vector<1x1xf32> to vector<8x128xf32>
      %select_n3A_213 = arith.select %and3A_202, %broadcast_in_dim3A_212, %squeeze3A_210 : vector<8x128xi1>, vector<8x128xf32>
      %broadcast_in_dim3A_214 = vector.shape_cast %select_n3A_213 : vector<8x128xf32> to vector<1x8x128xf32>
      %slice3A_215 = vector.extract_strided_slice %broadcast_in_dim3A_107 {offsets = [1, 0, 0], sizes = [1, 1, 1], strides = [1, 1, 1]} : vector<16x1x1xf32> to vector<1x1x1xf32>
      %squeeze3A_216 = vector.shape_cast %slice3A_215 : vector<1x1x1xf32> to vector<1x1xf32>
      %slice3A_217 = vector.extract_strided_slice %broadcast_in_dim3A_100 {offsets = [1, 0, 0], sizes = [1, 1, 1], strides = [1, 1, 1]} : vector<16x1x1xf32> to vector<1x1x1xf32>
      %squeeze3A_218 = vector.shape_cast %slice3A_217 : vector<1x1x1xf32> to vector<1x1xf32>
      %squeeze3A_219 = vector.extract %squeeze3A_216[0, 0] : f32 from vector<1x1xf32>
      %convert_element_type3A_220 = arith.fptosi %squeeze3A_219 : f32 to i32
      %jit3A_221 = arith.constant 91 : i32
      %div3A_222 = arith.divsi %convert_element_type3A_220, %jit3A_221 : i32
      %sign3A_223 = arith.constant 0 : i32
      %sign3A_224 = arith.cmpi sgt, %convert_element_type3A_220, %sign3A_223 : i32
      %sign3A_225 = arith.extui %sign3A_224 : i1 to i32
      %sign3A_226 = arith.constant 0 : i32
      %sign3A_227 = arith.cmpi slt, %convert_element_type3A_220, %sign3A_226 : i32
      %sign3A_228 = arith.extui %sign3A_227 : i1 to i32
      %sign3A_229 = arith.subi %sign3A_225, %sign3A_228 : i32
      %sign3A_230 = arith.constant 0 : i32
      %sign3A_231 = arith.cmpi sgt, %jit3A_221, %sign3A_230 : i32
      %sign3A_232 = arith.extui %sign3A_231 : i1 to i32
      %sign3A_233 = arith.constant 0 : i32
      %sign3A_234 = arith.cmpi slt, %jit3A_221, %sign3A_233 : i32
      %sign3A_235 = arith.extui %sign3A_234 : i1 to i32
      %sign3A_236 = arith.subi %sign3A_232, %sign3A_235 : i32
      %ne3A_237 = arith.cmpi ne, %sign3A_229, %sign3A_236 : i32
      %rem3A_238 = arith.remsi %convert_element_type3A_220, %jit3A_221 : i32
      %ne3A_239 = arith.constant 0 : i32
      %ne3A_240 = arith.cmpi ne, %rem3A_238, %ne3A_239 : i32
      %and3A_241 = arith.andi %ne3A_237, %ne3A_240 : i1
      %sub3A_242 = arith.constant 1 : i32
      %sub3A_243 = arith.subi %div3A_222, %sub3A_242 : i32
      %select_n3A_244 = arith.select %and3A_241, %sub3A_243, %div3A_222 : i32
      %get3A_245 = arith.constant 1 : index
      %get3A_246 = arith.index_cast %select_n3A_244 : i32 to index
      %get3A_247 = arith.constant 0 : index
      %get3A_248 = vector.load %arg0[%get3A_245, %get3A_246, %get3A_247] : memref<16x1024x128xf32, #tpu.memory_space<vmem>>, vector<1x1x128xf32>
      %get3A_249 = vector.shape_cast %get3A_248 : vector<1x1x128xf32> to vector<1x128xf32>
      %mul3A_250 = arith.constant 91 : i32
      %mul3A_251 = arith.muli %select_n3A_244, %mul3A_250 : i32
      %add3A_252 = vector.broadcast %mul3A_251 : i32 to vector<1x128xi32>
      %add3A_253 = arith.addi %add3A_252, %iota3A : vector<1x128xi32>
      %convert_element_type3A_254 = arith.sitofp %add3A_253 : vector<1x128xi32> to vector<1x128xf32>
      %lt3A_255 = vector.broadcast %squeeze3A_218 : vector<1x1xf32> to vector<1x128xf32>
      %lt3A_256 = arith.cmpf olt, %get3A_249, %lt3A_255 : vector<1x128xf32>
      %eq3A_257 = vector.broadcast %squeeze3A_218 : vector<1x1xf32> to vector<1x128xf32>
      %eq3A_258 = arith.cmpf oeq, %get3A_249, %eq3A_257 : vector<1x128xf32>
      %gt3A_259 = vector.broadcast %squeeze3A_216 : vector<1x1xf32> to vector<1x128xf32>
      %gt3A_260 = arith.cmpf ogt, %convert_element_type3A_254, %gt3A_259 : vector<1x128xf32>
      %and3A_261 = arith.andi %eq3A_258, %gt3A_260 : vector<1x128xi1>
      %or3A_262 = arith.ori %lt3A_256, %and3A_261 : vector<1x128xi1>
      %jit3A_263 = arith.constant -2.000000e+00 : f32
      %broadcast_in_dim3A_264 = vector.broadcast %jit3A_263 : f32 to vector<1x128xf32>
      %select_n3A_265 = arith.select %or3A_262, %get3A_249, %broadcast_in_dim3A_264 : vector<1x128xi1>, vector<1x128xf32>
      %reduce_max3A_266 = vector.shape_cast %select_n3A_265 : vector<1x128xf32> to vector<1x1x128xf32>
      %reduce_max3A_267 = arith.constant dense<0xFF800000> : vector<1xf32>
      %reduce_max3A_268 = vector.multi_reduction <maximumf>, %reduce_max3A_266, %reduce_max3A_267 [1, 2] : vector<1x1x128xf32> to vector<1xf32>
      %reduce_max3A_269 = vector.shape_cast %reduce_max3A_268 : vector<1xf32> to vector<1x1x1xf32>
      %reduce_max3A_270 = vector.extract %reduce_max3A_269[0, 0, 0] : f32 from vector<1x1x1xf32>
      %broadcast_in_dim3A_271 = vector.broadcast %reduce_max3A_270 : f32 to vector<1x1xf32>
      %eq3A_272 = vector.broadcast %broadcast_in_dim3A_271 : vector<1x1xf32> to vector<1x128xf32>
      %eq3A_273 = arith.cmpf oeq, %select_n3A_265, %eq3A_272 : vector<1x128xf32>
      %jit3A_274 = arith.constant 1.000000e+09 : f32
      %broadcast_in_dim3A_275 = vector.broadcast %jit3A_274 : f32 to vector<1x128xf32>
      %select_n3A_276 = arith.select %eq3A_273, %convert_element_type3A_254, %broadcast_in_dim3A_275 : vector<1x128xi1>, vector<1x128xf32>
      %reduce_min3A_277 = vector.shape_cast %select_n3A_276 : vector<1x128xf32> to vector<1x1x128xf32>
      %reduce_min3A_278 = arith.constant dense<0x7F800000> : vector<1xf32>
      %reduce_min3A_279 = vector.multi_reduction <minimumf>, %reduce_min3A_277, %reduce_min3A_278 [1, 2] : vector<1x1x128xf32> to vector<1xf32>
      %reduce_min3A_280 = vector.shape_cast %reduce_min3A_279 : vector<1xf32> to vector<1x1x1xf32>
      %reduce_min3A_281 = vector.extract %reduce_min3A_280[0, 0, 0] : f32 from vector<1x1x1xf32>
      %broadcast_in_dim3A_282 = vector.broadcast %reduce_min3A_281 : f32 to vector<1x1xf32>
      %slice3A_283 = vector.extract_strided_slice %get3A_94 {offsets = [1, 0, 0], sizes = [1, 8, 128], strides = [1, 1, 1]} : vector<16x8x128xf32> to vector<1x8x128xf32>
      %squeeze3A_284 = vector.shape_cast %slice3A_283 : vector<1x8x128xf32> to vector<8x128xf32>
      %eq3A_285 = vector.broadcast %squeeze3A_218 : vector<1x1xf32> to vector<8x128xf32>
      %eq3A_286 = arith.cmpf oeq, %squeeze3A_284, %eq3A_285 : vector<8x128xf32>
      %slice3A_287 = vector.extract_strided_slice %get3A_98 {offsets = [1, 0, 0], sizes = [1, 8, 128], strides = [1, 1, 1]} : vector<16x8x128xf32> to vector<1x8x128xf32>
      %squeeze3A_288 = vector.shape_cast %slice3A_287 : vector<1x8x128xf32> to vector<8x128xf32>
      %eq3A_289 = vector.broadcast %squeeze3A_216 : vector<1x1xf32> to vector<8x128xf32>
      %eq3A_290 = arith.cmpf oeq, %squeeze3A_288, %eq3A_289 : vector<8x128xf32>
      %and3A_291 = arith.andi %eq3A_286, %eq3A_290 : vector<8x128xi1>
      %slice3A_292 = vector.extract_strided_slice %get3A_94 {offsets = [1, 0, 0], sizes = [1, 8, 128], strides = [1, 1, 1]} : vector<16x8x128xf32> to vector<1x8x128xf32>
      %squeeze3A_293 = vector.shape_cast %slice3A_292 : vector<1x8x128xf32> to vector<8x128xf32>
      %broadcast_in_dim3A_294 = vector.shape_cast %broadcast_in_dim3A_271 : vector<1x1xf32> to vector<1x1xf32>
      %broadcast_in_dim3A_295 = vector.broadcast %broadcast_in_dim3A_294 : vector<1x1xf32> to vector<8x128xf32>
      %select_n3A_296 = arith.select %and3A_291, %broadcast_in_dim3A_295, %squeeze3A_293 : vector<8x128xi1>, vector<8x128xf32>
      %broadcast_in_dim3A_297 = vector.shape_cast %select_n3A_296 : vector<8x128xf32> to vector<1x8x128xf32>
      %slice3A_298 = vector.extract_strided_slice %get3A_98 {offsets = [1, 0, 0], sizes = [1, 8, 128], strides = [1, 1, 1]} : vector<16x8x128xf32> to vector<1x8x128xf32>
      %squeeze3A_299 = vector.shape_cast %slice3A_298 : vector<1x8x128xf32> to vector<8x128xf32>
      %broadcast_in_dim3A_300 = vector.shape_cast %broadcast_in_dim3A_282 : vector<1x1xf32> to vector<1x1xf32>
      %broadcast_in_dim3A_301 = vector.broadcast %broadcast_in_dim3A_300 : vector<1x1xf32> to vector<8x128xf32>
      %select_n3A_302 = arith.select %and3A_291, %broadcast_in_dim3A_301, %squeeze3A_299 : vector<8x128xi1>, vector<8x128xf32>
      %broadcast_in_dim3A_303 = vector.shape_cast %select_n3A_302 : vector<8x128xf32> to vector<1x8x128xf32>
      %slice3A_304 = vector.extract_strided_slice %broadcast_in_dim3A_107 {offsets = [2, 0, 0], sizes = [1, 1, 1], strides = [1, 1, 1]} : vector<16x1x1xf32> to vector<1x1x1xf32>
      %squeeze3A_305 = vector.shape_cast %slice3A_304 : vector<1x1x1xf32> to vector<1x1xf32>
      %slice3A_306 = vector.extract_strided_slice %broadcast_in_dim3A_100 {offsets = [2, 0, 0], sizes = [1, 1, 1], strides = [1, 1, 1]} : vector<16x1x1xf32> to vector<1x1x1xf32>
      %squeeze3A_307 = vector.shape_cast %slice3A_306 : vector<1x1x1xf32> to vector<1x1xf32>
      %squeeze3A_308 = vector.extract %squeeze3A_305[0, 0] : f32 from vector<1x1xf32>
      %convert_element_type3A_309 = arith.fptosi %squeeze3A_308 : f32 to i32
      %jit3A_310 = arith.constant 91 : i32
      %div3A_311 = arith.divsi %convert_element_type3A_309, %jit3A_310 : i32
      %sign3A_312 = arith.constant 0 : i32
      %sign3A_313 = arith.cmpi sgt, %convert_element_type3A_309, %sign3A_312 : i32
      %sign3A_314 = arith.extui %sign3A_313 : i1 to i32
      %sign3A_315 = arith.constant 0 : i32
      %sign3A_316 = arith.cmpi slt, %convert_element_type3A_309, %sign3A_315 : i32
      %sign3A_317 = arith.extui %sign3A_316 : i1 to i32
      %sign3A_318 = arith.subi %sign3A_314, %sign3A_317 : i32
      %sign3A_319 = arith.constant 0 : i32
      %sign3A_320 = arith.cmpi sgt, %jit3A_310, %sign3A_319 : i32
      %sign3A_321 = arith.extui %sign3A_320 : i1 to i32
      %sign3A_322 = arith.constant 0 : i32
      %sign3A_323 = arith.cmpi slt, %jit3A_310, %sign3A_322 : i32
      %sign3A_324 = arith.extui %sign3A_323 : i1 to i32
      %sign3A_325 = arith.subi %sign3A_321, %sign3A_324 : i32
      %ne3A_326 = arith.cmpi ne, %sign3A_318, %sign3A_325 : i32
      %rem3A_327 = arith.remsi %convert_element_type3A_309, %jit3A_310 : i32
      %ne3A_328 = arith.constant 0 : i32
      %ne3A_329 = arith.cmpi ne, %rem3A_327, %ne3A_328 : i32
      %and3A_330 = arith.andi %ne3A_326, %ne3A_329 : i1
      %sub3A_331 = arith.constant 1 : i32
      %sub3A_332 = arith.subi %div3A_311, %sub3A_331 : i32
      %select_n3A_333 = arith.select %and3A_330, %sub3A_332, %div3A_311 : i32
      %get3A_334 = arith.constant 2 : index
      %get3A_335 = arith.index_cast %select_n3A_333 : i32 to index
      %get3A_336 = arith.constant 0 : index
      %get3A_337 = vector.load %arg0[%get3A_334, %get3A_335, %get3A_336] : memref<16x1024x128xf32, #tpu.memory_space<vmem>>, vector<1x1x128xf32>
      %get3A_338 = vector.shape_cast %get3A_337 : vector<1x1x128xf32> to vector<1x128xf32>
      %mul3A_339 = arith.constant 91 : i32
      %mul3A_340 = arith.muli %select_n3A_333, %mul3A_339 : i32
      %add3A_341 = vector.broadcast %mul3A_340 : i32 to vector<1x128xi32>
      %add3A_342 = arith.addi %add3A_341, %iota3A : vector<1x128xi32>
      %convert_element_type3A_343 = arith.sitofp %add3A_342 : vector<1x128xi32> to vector<1x128xf32>
      %lt3A_344 = vector.broadcast %squeeze3A_307 : vector<1x1xf32> to vector<1x128xf32>
      %lt3A_345 = arith.cmpf olt, %get3A_338, %lt3A_344 : vector<1x128xf32>
      %eq3A_346 = vector.broadcast %squeeze3A_307 : vector<1x1xf32> to vector<1x128xf32>
      %eq3A_347 = arith.cmpf oeq, %get3A_338, %eq3A_346 : vector<1x128xf32>
      %gt3A_348 = vector.broadcast %squeeze3A_305 : vector<1x1xf32> to vector<1x128xf32>
      %gt3A_349 = arith.cmpf ogt, %convert_element_type3A_343, %gt3A_348 : vector<1x128xf32>
      %and3A_350 = arith.andi %eq3A_347, %gt3A_349 : vector<1x128xi1>
      %or3A_351 = arith.ori %lt3A_345, %and3A_350 : vector<1x128xi1>
      %jit3A_352 = arith.constant -2.000000e+00 : f32
      %broadcast_in_dim3A_353 = vector.broadcast %jit3A_352 : f32 to vector<1x128xf32>
      %select_n3A_354 = arith.select %or3A_351, %get3A_338, %broadcast_in_dim3A_353 : vector<1x128xi1>, vector<1x128xf32>
      %reduce_max3A_355 = vector.shape_cast %select_n3A_354 : vector<1x128xf32> to vector<1x1x128xf32>
      %reduce_max3A_356 = arith.constant dense<0xFF800000> : vector<1xf32>
      %reduce_max3A_357 = vector.multi_reduction <maximumf>, %reduce_max3A_355, %reduce_max3A_356 [1, 2] : vector<1x1x128xf32> to vector<1xf32>
      %reduce_max3A_358 = vector.shape_cast %reduce_max3A_357 : vector<1xf32> to vector<1x1x1xf32>
      %reduce_max3A_359 = vector.extract %reduce_max3A_358[0, 0, 0] : f32 from vector<1x1x1xf32>
      %broadcast_in_dim3A_360 = vector.broadcast %reduce_max3A_359 : f32 to vector<1x1xf32>
      %eq3A_361 = vector.broadcast %broadcast_in_dim3A_360 : vector<1x1xf32> to vector<1x128xf32>
      %eq3A_362 = arith.cmpf oeq, %select_n3A_354, %eq3A_361 : vector<1x128xf32>
      %jit3A_363 = arith.constant 1.000000e+09 : f32
      %broadcast_in_dim3A_364 = vector.broadcast %jit3A_363 : f32 to vector<1x128xf32>
      %select_n3A_365 = arith.select %eq3A_362, %convert_element_type3A_343, %broadcast_in_dim3A_364 : vector<1x128xi1>, vector<1x128xf32>
      %reduce_min3A_366 = vector.shape_cast %select_n3A_365 : vector<1x128xf32> to vector<1x1x128xf32>
      %reduce_min3A_367 = arith.constant dense<0x7F800000> : vector<1xf32>
      %reduce_min3A_368 = vector.multi_reduction <minimumf>, %reduce_min3A_366, %reduce_min3A_367 [1, 2] : vector<1x1x128xf32> to vector<1xf32>
      %reduce_min3A_369 = vector.shape_cast %reduce_min3A_368 : vector<1xf32> to vector<1x1x1xf32>
      %reduce_min3A_370 = vector.extract %reduce_min3A_369[0, 0, 0] : f32 from vector<1x1x1xf32>
      %broadcast_in_dim3A_371 = vector.broadcast %reduce_min3A_370 : f32 to vector<1x1xf32>
      %slice3A_372 = vector.extract_strided_slice %get3A_94 {offsets = [2, 0, 0], sizes = [1, 8, 128], strides = [1, 1, 1]} : vector<16x8x128xf32> to vector<1x8x128xf32>
      %squeeze3A_373 = vector.shape_cast %slice3A_372 : vector<1x8x128xf32> to vector<8x128xf32>
      %eq3A_374 = vector.broadcast %squeeze3A_307 : vector<1x1xf32> to vector<8x128xf32>
      %eq3A_375 = arith.cmpf oeq, %squeeze3A_373, %eq3A_374 : vector<8x128xf32>
      %slice3A_376 = vector.extract_strided_slice %get3A_98 {offsets = [2, 0, 0], sizes = [1, 8, 128], strides = [1, 1, 1]} : vector<16x8x128xf32> to vector<1x8x128xf32>
      %squeeze3A_377 = vector.shape_cast %slice3A_376 : vector<1x8x128xf32> to vector<8x128xf32>
      %eq3A_378 = vector.broadcast %squeeze3A_305 : vector<1x1xf32> to vector<8x128xf32>
      %eq3A_379 = arith.cmpf oeq, %squeeze3A_377, %eq3A_378 : vector<8x128xf32>
      %and3A_380 = arith.andi %eq3A_375, %eq3A_379 : vector<8x128xi1>
      %slice3A_381 = vector.extract_strided_slice %get3A_94 {offsets = [2, 0, 0], sizes = [1, 8, 128], strides = [1, 1, 1]} : vector<16x8x128xf32> to vector<1x8x128xf32>
      %squeeze3A_382 = vector.shape_cast %slice3A_381 : vector<1x8x128xf32> to vector<8x128xf32>
      %broadcast_in_dim3A_383 = vector.shape_cast %broadcast_in_dim3A_360 : vector<1x1xf32> to vector<1x1xf32>
      %broadcast_in_dim3A_384 = vector.broadcast %broadcast_in_dim3A_383 : vector<1x1xf32> to vector<8x128xf32>
      %select_n3A_385 = arith.select %and3A_380, %broadcast_in_dim3A_384, %squeeze3A_382 : vector<8x128xi1>, vector<8x128xf32>
      %broadcast_in_dim3A_386 = vector.shape_cast %select_n3A_385 : vector<8x128xf32> to vector<1x8x128xf32>
      %slice3A_387 = vector.extract_strided_slice %get3A_98 {offsets = [2, 0, 0], sizes = [1, 8, 128], strides = [1, 1, 1]} : vector<16x8x128xf32> to vector<1x8x128xf32>
      %squeeze3A_388 = vector.shape_cast %slice3A_387 : vector<1x8x128xf32> to vector<8x128xf32>
      %broadcast_in_dim3A_389 = vector.shape_cast %broadcast_in_dim3A_371 : vector<1x1xf32> to vector<1x1xf32>
      %broadcast_in_dim3A_390 = vector.broadcast %broadcast_in_dim3A_389 : vector<1x1xf32> to vector<8x128xf32>
      %select_n3A_391 = arith.select %and3A_380, %broadcast_in_dim3A_390, %squeeze3A_388 : vector<8x128xi1>, vector<8x128xf32>
      %broadcast_in_dim3A_392 = vector.shape_cast %select_n3A_391 : vector<8x128xf32> to vector<1x8x128xf32>
      %slice3A_393 = vector.extract_strided_slice %broadcast_in_dim3A_107 {offsets = [3, 0, 0], sizes = [1, 1, 1], strides = [1, 1, 1]} : vector<16x1x1xf32> to vector<1x1x1xf32>
      %squeeze3A_394 = vector.shape_cast %slice3A_393 : vector<1x1x1xf32> to vector<1x1xf32>
      %slice3A_395 = vector.extract_strided_slice %broadcast_in_dim3A_100 {offsets = [3, 0, 0], sizes = [1, 1, 1], strides = [1, 1, 1]} : vector<16x1x1xf32> to vector<1x1x1xf32>
      %squeeze3A_396 = vector.shape_cast %slice3A_395 : vector<1x1x1xf32> to vector<1x1xf32>
      %squeeze3A_397 = vector.extract %squeeze3A_394[0, 0] : f32 from vector<1x1xf32>
      %convert_element_type3A_398 = arith.fptosi %squeeze3A_397 : f32 to i32
      %jit3A_399 = arith.constant 91 : i32
      %div3A_400 = arith.divsi %convert_element_type3A_398, %jit3A_399 : i32
      %sign3A_401 = arith.constant 0 : i32
      %sign3A_402 = arith.cmpi sgt, %convert_element_type3A_398, %sign3A_401 : i32
      %sign3A_403 = arith.extui %sign3A_402 : i1 to i32
      %sign3A_404 = arith.constant 0 : i32
      %sign3A_405 = arith.cmpi slt, %convert_element_type3A_398, %sign3A_404 : i32
      %sign3A_406 = arith.extui %sign3A_405 : i1 to i32
      %sign3A_407 = arith.subi %sign3A_403, %sign3A_406 : i32
      %sign3A_408 = arith.constant 0 : i32
      %sign3A_409 = arith.cmpi sgt, %jit3A_399, %sign3A_408 : i32
      %sign3A_410 = arith.extui %sign3A_409 : i1 to i32
      %sign3A_411 = arith.constant 0 : i32
      %sign3A_412 = arith.cmpi slt, %jit3A_399, %sign3A_411 : i32
      %sign3A_413 = arith.extui %sign3A_412 : i1 to i32
      %sign3A_414 = arith.subi %sign3A_410, %sign3A_413 : i32
      %ne3A_415 = arith.cmpi ne, %sign3A_407, %sign3A_414 : i32
      %rem3A_416 = arith.remsi %convert_element_type3A_398, %jit3A_399 : i32
      %ne3A_417 = arith.constant 0 : i32
      %ne3A_418 = arith.cmpi ne, %rem3A_416, %ne3A_417 : i32
      %and3A_419 = arith.andi %ne3A_415, %ne3A_418 : i1
      %sub3A_420 = arith.constant 1 : i32
      %sub3A_421 = arith.subi %div3A_400, %sub3A_420 : i32
      %select_n3A_422 = arith.select %and3A_419, %sub3A_421, %div3A_400 : i32
      %get3A_423 = arith.constant 3 : index
      %get3A_424 = arith.index_cast %select_n3A_422 : i32 to index
      %get3A_425 = arith.constant 0 : index
      %get3A_426 = vector.load %arg0[%get3A_423, %get3A_424, %get3A_425] : memref<16x1024x128xf32, #tpu.memory_space<vmem>>, vector<1x1x128xf32>
      %get3A_427 = vector.shape_cast %get3A_426 : vector<1x1x128xf32> to vector<1x128xf32>
      %mul3A_428 = arith.constant 91 : i32
      %mul3A_429 = arith.muli %select_n3A_422, %mul3A_428 : i32
      %add3A_430 = vector.broadcast %mul3A_429 : i32 to vector<1x128xi32>
      %add3A_431 = arith.addi %add3A_430, %iota3A : vector<1x128xi32>
      %convert_element_type3A_432 = arith.sitofp %add3A_431 : vector<1x128xi32> to vector<1x128xf32>
      %lt3A_433 = vector.broadcast %squeeze3A_396 : vector<1x1xf32> to vector<1x128xf32>
      %lt3A_434 = arith.cmpf olt, %get3A_427, %lt3A_433 : vector<1x128xf32>
      %eq3A_435 = vector.broadcast %squeeze3A_396 : vector<1x1xf32> to vector<1x128xf32>
      %eq3A_436 = arith.cmpf oeq, %get3A_427, %eq3A_435 : vector<1x128xf32>
      %gt3A_437 = vector.broadcast %squeeze3A_394 : vector<1x1xf32> to vector<1x128xf32>
      %gt3A_438 = arith.cmpf ogt, %convert_element_type3A_432, %gt3A_437 : vector<1x128xf32>
      %and3A_439 = arith.andi %eq3A_436, %gt3A_438 : vector<1x128xi1>
      %or3A_440 = arith.ori %lt3A_434, %and3A_439 : vector<1x128xi1>
      %jit3A_441 = arith.constant -2.000000e+00 : f32
      %broadcast_in_dim3A_442 = vector.broadcast %jit3A_441 : f32 to vector<1x128xf32>
      %select_n3A_443 = arith.select %or3A_440, %get3A_427, %broadcast_in_dim3A_442 : vector<1x128xi1>, vector<1x128xf32>
      %reduce_max3A_444 = vector.shape_cast %select_n3A_443 : vector<1x128xf32> to vector<1x1x128xf32>
      %reduce_max3A_445 = arith.constant dense<0xFF800000> : vector<1xf32>
      %reduce_max3A_446 = vector.multi_reduction <maximumf>, %reduce_max3A_444, %reduce_max3A_445 [1, 2] : vector<1x1x128xf32> to vector<1xf32>
      %reduce_max3A_447 = vector.shape_cast %reduce_max3A_446 : vector<1xf32> to vector<1x1x1xf32>
      %reduce_max3A_448 = vector.extract %reduce_max3A_447[0, 0, 0] : f32 from vector<1x1x1xf32>
      %broadcast_in_dim3A_449 = vector.broadcast %reduce_max3A_448 : f32 to vector<1x1xf32>
      %eq3A_450 = vector.broadcast %broadcast_in_dim3A_449 : vector<1x1xf32> to vector<1x128xf32>
      %eq3A_451 = arith.cmpf oeq, %select_n3A_443, %eq3A_450 : vector<1x128xf32>
      %jit3A_452 = arith.constant 1.000000e+09 : f32
      %broadcast_in_dim3A_453 = vector.broadcast %jit3A_452 : f32 to vector<1x128xf32>
      %select_n3A_454 = arith.select %eq3A_451, %convert_element_type3A_432, %broadcast_in_dim3A_453 : vector<1x128xi1>, vector<1x128xf32>
      %reduce_min3A_455 = vector.shape_cast %select_n3A_454 : vector<1x128xf32> to vector<1x1x128xf32>
      %reduce_min3A_456 = arith.constant dense<0x7F800000> : vector<1xf32>
      %reduce_min3A_457 = vector.multi_reduction <minimumf>, %reduce_min3A_455, %reduce_min3A_456 [1, 2] : vector<1x1x128xf32> to vector<1xf32>
      %reduce_min3A_458 = vector.shape_cast %reduce_min3A_457 : vector<1xf32> to vector<1x1x1xf32>
      %reduce_min3A_459 = vector.extract %reduce_min3A_458[0, 0, 0] : f32 from vector<1x1x1xf32>
      %broadcast_in_dim3A_460 = vector.broadcast %reduce_min3A_459 : f32 to vector<1x1xf32>
      %slice3A_461 = vector.extract_strided_slice %get3A_94 {offsets = [3, 0, 0], sizes = [1, 8, 128], strides = [1, 1, 1]} : vector<16x8x128xf32> to vector<1x8x128xf32>
      %squeeze3A_462 = vector.shape_cast %slice3A_461 : vector<1x8x128xf32> to vector<8x128xf32>
      %eq3A_463 = vector.broadcast %squeeze3A_396 : vector<1x1xf32> to vector<8x128xf32>
      %eq3A_464 = arith.cmpf oeq, %squeeze3A_462, %eq3A_463 : vector<8x128xf32>
      %slice3A_465 = vector.extract_strided_slice %get3A_98 {offsets = [3, 0, 0], sizes = [1, 8, 128], strides = [1, 1, 1]} : vector<16x8x128xf32> to vector<1x8x128xf32>
      %squeeze3A_466 = vector.shape_cast %slice3A_465 : vector<1x8x128xf32> to vector<8x128xf32>
      %eq3A_467 = vector.broadcast %squeeze3A_394 : vector<1x1xf32> to vector<8x128xf32>
      %eq3A_468 = arith.cmpf oeq, %squeeze3A_466, %eq3A_467 : vector<8x128xf32>
      %and3A_469 = arith.andi %eq3A_464, %eq3A_468 : vector<8x128xi1>
      %slice3A_470 = vector.extract_strided_slice %get3A_94 {offsets = [3, 0, 0], sizes = [1, 8, 128], strides = [1, 1, 1]} : vector<16x8x128xf32> to vector<1x8x128xf32>
      %squeeze3A_471 = vector.shape_cast %slice3A_470 : vector<1x8x128xf32> to vector<8x128xf32>
      %broadcast_in_dim3A_472 = vector.shape_cast %broadcast_in_dim3A_449 : vector<1x1xf32> to vector<1x1xf32>
      %broadcast_in_dim3A_473 = vector.broadcast %broadcast_in_dim3A_472 : vector<1x1xf32> to vector<8x128xf32>
      %select_n3A_474 = arith.select %and3A_469, %broadcast_in_dim3A_473, %squeeze3A_471 : vector<8x128xi1>, vector<8x128xf32>
      %broadcast_in_dim3A_475 = vector.shape_cast %select_n3A_474 : vector<8x128xf32> to vector<1x8x128xf32>
      %slice3A_476 = vector.extract_strided_slice %get3A_98 {offsets = [3, 0, 0], sizes = [1, 8, 128], strides = [1, 1, 1]} : vector<16x8x128xf32> to vector<1x8x128xf32>
      %squeeze3A_477 = vector.shape_cast %slice3A_476 : vector<1x8x128xf32> to vector<8x128xf32>
      %broadcast_in_dim3A_478 = vector.shape_cast %broadcast_in_dim3A_460 : vector<1x1xf32> to vector<1x1xf32>
      %broadcast_in_dim3A_479 = vector.broadcast %broadcast_in_dim3A_478 : vector<1x1xf32> to vector<8x128xf32>
      %select_n3A_480 = arith.select %and3A_469, %broadcast_in_dim3A_479, %squeeze3A_477 : vector<8x128xi1>, vector<8x128xf32>
      %broadcast_in_dim3A_481 = vector.shape_cast %select_n3A_480 : vector<8x128xf32> to vector<1x8x128xf32>
      %slice3A_482 = vector.extract_strided_slice %broadcast_in_dim3A_107 {offsets = [4, 0, 0], sizes = [1, 1, 1], strides = [1, 1, 1]} : vector<16x1x1xf32> to vector<1x1x1xf32>
      %squeeze3A_483 = vector.shape_cast %slice3A_482 : vector<1x1x1xf32> to vector<1x1xf32>
      %slice3A_484 = vector.extract_strided_slice %broadcast_in_dim3A_100 {offsets = [4, 0, 0], sizes = [1, 1, 1], strides = [1, 1, 1]} : vector<16x1x1xf32> to vector<1x1x1xf32>
      %squeeze3A_485 = vector.shape_cast %slice3A_484 : vector<1x1x1xf32> to vector<1x1xf32>
      %squeeze3A_486 = vector.extract %squeeze3A_483[0, 0] : f32 from vector<1x1xf32>
      %convert_element_type3A_487 = arith.fptosi %squeeze3A_486 : f32 to i32
      %jit3A_488 = arith.constant 91 : i32
      %div3A_489 = arith.divsi %convert_element_type3A_487, %jit3A_488 : i32
      %sign3A_490 = arith.constant 0 : i32
      %sign3A_491 = arith.cmpi sgt, %convert_element_type3A_487, %sign3A_490 : i32
      %sign3A_492 = arith.extui %sign3A_491 : i1 to i32
      %sign3A_493 = arith.constant 0 : i32
      %sign3A_494 = arith.cmpi slt, %convert_element_type3A_487, %sign3A_493 : i32
      %sign3A_495 = arith.extui %sign3A_494 : i1 to i32
      %sign3A_496 = arith.subi %sign3A_492, %sign3A_495 : i32
      %sign3A_497 = arith.constant 0 : i32
      %sign3A_498 = arith.cmpi sgt, %jit3A_488, %sign3A_497 : i32
      %sign3A_499 = arith.extui %sign3A_498 : i1 to i32
      %sign3A_500 = arith.constant 0 : i32
      %sign3A_501 = arith.cmpi slt, %jit3A_488, %sign3A_500 : i32
      %sign3A_502 = arith.extui %sign3A_501 : i1 to i32
      %sign3A_503 = arith.subi %sign3A_499, %sign3A_502 : i32
      %ne3A_504 = arith.cmpi ne, %sign3A_496, %sign3A_503 : i32
      %rem3A_505 = arith.remsi %convert_element_type3A_487, %jit3A_488 : i32
      %ne3A_506 = arith.constant 0 : i32
      %ne3A_507 = arith.cmpi ne, %rem3A_505, %ne3A_506 : i32
      %and3A_508 = arith.andi %ne3A_504, %ne3A_507 : i1
      %sub3A_509 = arith.constant 1 : i32
      %sub3A_510 = arith.subi %div3A_489, %sub3A_509 : i32
      %select_n3A_511 = arith.select %and3A_508, %sub3A_510, %div3A_489 : i32
      %get3A_512 = arith.constant 4 : index
      %get3A_513 = arith.index_cast %select_n3A_511 : i32 to index
      %get3A_514 = arith.constant 0 : index
      %get3A_515 = vector.load %arg0[%get3A_512, %get3A_513, %get3A_514] : memref<16x1024x128xf32, #tpu.memory_space<vmem>>, vector<1x1x128xf32>
      %get3A_516 = vector.shape_cast %get3A_515 : vector<1x1x128xf32> to vector<1x128xf32>
      %mul3A_517 = arith.constant 91 : i32
      %mul3A_518 = arith.muli %select_n3A_511, %mul3A_517 : i32
      %add3A_519 = vector.broadcast %mul3A_518 : i32 to vector<1x128xi32>
      %add3A_520 = arith.addi %add3A_519, %iota3A : vector<1x128xi32>
      %convert_element_type3A_521 = arith.sitofp %add3A_520 : vector<1x128xi32> to vector<1x128xf32>
      %lt3A_522 = vector.broadcast %squeeze3A_485 : vector<1x1xf32> to vector<1x128xf32>
      %lt3A_523 = arith.cmpf olt, %get3A_516, %lt3A_522 : vector<1x128xf32>
      %eq3A_524 = vector.broadcast %squeeze3A_485 : vector<1x1xf32> to vector<1x128xf32>
      %eq3A_525 = arith.cmpf oeq, %get3A_516, %eq3A_524 : vector<1x128xf32>
      %gt3A_526 = vector.broadcast %squeeze3A_483 : vector<1x1xf32> to vector<1x128xf32>
      %gt3A_527 = arith.cmpf ogt, %convert_element_type3A_521, %gt3A_526 : vector<1x128xf32>
      %and3A_528 = arith.andi %eq3A_525, %gt3A_527 : vector<1x128xi1>
      %or3A_529 = arith.ori %lt3A_523, %and3A_528 : vector<1x128xi1>
      %jit3A_530 = arith.constant -2.000000e+00 : f32
      %broadcast_in_dim3A_531 = vector.broadcast %jit3A_530 : f32 to vector<1x128xf32>
      %select_n3A_532 = arith.select %or3A_529, %get3A_516, %broadcast_in_dim3A_531 : vector<1x128xi1>, vector<1x128xf32>
      %reduce_max3A_533 = vector.shape_cast %select_n3A_532 : vector<1x128xf32> to vector<1x1x128xf32>
      %reduce_max3A_534 = arith.constant dense<0xFF800000> : vector<1xf32>
      %reduce_max3A_535 = vector.multi_reduction <maximumf>, %reduce_max3A_533, %reduce_max3A_534 [1, 2] : vector<1x1x128xf32> to vector<1xf32>
      %reduce_max3A_536 = vector.shape_cast %reduce_max3A_535 : vector<1xf32> to vector<1x1x1xf32>
      %reduce_max3A_537 = vector.extract %reduce_max3A_536[0, 0, 0] : f32 from vector<1x1x1xf32>
      %broadcast_in_dim3A_538 = vector.broadcast %reduce_max3A_537 : f32 to vector<1x1xf32>
      %eq3A_539 = vector.broadcast %broadcast_in_dim3A_538 : vector<1x1xf32> to vector<1x128xf32>
      %eq3A_540 = arith.cmpf oeq, %select_n3A_532, %eq3A_539 : vector<1x128xf32>
      %jit3A_541 = arith.constant 1.000000e+09 : f32
      %broadcast_in_dim3A_542 = vector.broadcast %jit3A_541 : f32 to vector<1x128xf32>
      %select_n3A_543 = arith.select %eq3A_540, %convert_element_type3A_521, %broadcast_in_dim3A_542 : vector<1x128xi1>, vector<1x128xf32>
      %reduce_min3A_544 = vector.shape_cast %select_n3A_543 : vector<1x128xf32> to vector<1x1x128xf32>
      %reduce_min3A_545 = arith.constant dense<0x7F800000> : vector<1xf32>
      %reduce_min3A_546 = vector.multi_reduction <minimumf>, %reduce_min3A_544, %reduce_min3A_545 [1, 2] : vector<1x1x128xf32> to vector<1xf32>
      %reduce_min3A_547 = vector.shape_cast %reduce_min3A_546 : vector<1xf32> to vector<1x1x1xf32>
      %reduce_min3A_548 = vector.extract %reduce_min3A_547[0, 0, 0] : f32 from vector<1x1x1xf32>
      %broadcast_in_dim3A_549 = vector.broadcast %reduce_min3A_548 : f32 to vector<1x1xf32>
      %slice3A_550 = vector.extract_strided_slice %get3A_94 {offsets = [4, 0, 0], sizes = [1, 8, 128], strides = [1, 1, 1]} : vector<16x8x128xf32> to vector<1x8x128xf32>
      %squeeze3A_551 = vector.shape_cast %slice3A_550 : vector<1x8x128xf32> to vector<8x128xf32>
      %eq3A_552 = vector.broadcast %squeeze3A_485 : vector<1x1xf32> to vector<8x128xf32>
      %eq3A_553 = arith.cmpf oeq, %squeeze3A_551, %eq3A_552 : vector<8x128xf32>
      %slice3A_554 = vector.extract_strided_slice %get3A_98 {offsets = [4, 0, 0], sizes = [1, 8, 128], strides = [1, 1, 1]} : vector<16x8x128xf32> to vector<1x8x128xf32>
      %squeeze3A_555 = vector.shape_cast %slice3A_554 : vector<1x8x128xf32> to vector<8x128xf32>
      %eq3A_556 = vector.broadcast %squeeze3A_483 : vector<1x1xf32> to vector<8x128xf32>
      %eq3A_557 = arith.cmpf oeq, %squeeze3A_555, %eq3A_556 : vector<8x128xf32>
      %and3A_558 = arith.andi %eq3A_553, %eq3A_557 : vector<8x128xi1>
      %slice3A_559 = vector.extract_strided_slice %get3A_94 {offsets = [4, 0, 0], sizes = [1, 8, 128], strides = [1, 1, 1]} : vector<16x8x128xf32> to vector<1x8x128xf32>
      %squeeze3A_560 = vector.shape_cast %slice3A_559 : vector<1x8x128xf32> to vector<8x128xf32>
      %broadcast_in_dim3A_561 = vector.shape_cast %broadcast_in_dim3A_538 : vector<1x1xf32> to vector<1x1xf32>
      %broadcast_in_dim3A_562 = vector.broadcast %broadcast_in_dim3A_561 : vector<1x1xf32> to vector<8x128xf32>
      %select_n3A_563 = arith.select %and3A_558, %broadcast_in_dim3A_562, %squeeze3A_560 : vector<8x128xi1>, vector<8x128xf32>
      %broadcast_in_dim3A_564 = vector.shape_cast %select_n3A_563 : vector<8x128xf32> to vector<1x8x128xf32>
      %slice3A_565 = vector.extract_strided_slice %get3A_98 {offsets = [4, 0, 0], sizes = [1, 8, 128], strides = [1, 1, 1]} : vector<16x8x128xf32> to vector<1x8x128xf32>
      %squeeze3A_566 = vector.shape_cast %slice3A_565 : vector<1x8x128xf32> to vector<8x128xf32>
      %broadcast_in_dim3A_567 = vector.shape_cast %broadcast_in_dim3A_549 : vector<1x1xf32> to vector<1x1xf32>
      %broadcast_in_dim3A_568 = vector.broadcast %broadcast_in_dim3A_567 : vector<1x1xf32> to vector<8x128xf32>
      %select_n3A_569 = arith.select %and3A_558, %broadcast_in_dim3A_568, %squeeze3A_566 : vector<8x128xi1>, vector<8x128xf32>
      %broadcast_in_dim3A_570 = vector.shape_cast %select_n3A_569 : vector<8x128xf32> to vector<1x8x128xf32>
      %slice3A_571 = vector.extract_strided_slice %broadcast_in_dim3A_107 {offsets = [5, 0, 0], sizes = [1, 1, 1], strides = [1, 1, 1]} : vector<16x1x1xf32> to vector<1x1x1xf32>
      %squeeze3A_572 = vector.shape_cast %slice3A_571 : vector<1x1x1xf32> to vector<1x1xf32>
      %slice3A_573 = vector.extract_strided_slice %broadcast_in_dim3A_100 {offsets = [5, 0, 0], sizes = [1, 1, 1], strides = [1, 1, 1]} : vector<16x1x1xf32> to vector<1x1x1xf32>
      %squeeze3A_574 = vector.shape_cast %slice3A_573 : vector<1x1x1xf32> to vector<1x1xf32>
      %squeeze3A_575 = vector.extract %squeeze3A_572[0, 0] : f32 from vector<1x1xf32>
      %convert_element_type3A_576 = arith.fptosi %squeeze3A_575 : f32 to i32
      %jit3A_577 = arith.constant 91 : i32
      %div3A_578 = arith.divsi %convert_element_type3A_576, %jit3A_577 : i32
      %sign3A_579 = arith.constant 0 : i32
      %sign3A_580 = arith.cmpi sgt, %convert_element_type3A_576, %sign3A_579 : i32
      %sign3A_581 = arith.extui %sign3A_580 : i1 to i32
      %sign3A_582 = arith.constant 0 : i32
      %sign3A_583 = arith.cmpi slt, %convert_element_type3A_576, %sign3A_582 : i32
      %sign3A_584 = arith.extui %sign3A_583 : i1 to i32
      %sign3A_585 = arith.subi %sign3A_581, %sign3A_584 : i32
      %sign3A_586 = arith.constant 0 : i32
      %sign3A_587 = arith.cmpi sgt, %jit3A_577, %sign3A_586 : i32
      %sign3A_588 = arith.extui %sign3A_587 : i1 to i32
      %sign3A_589 = arith.constant 0 : i32
      %sign3A_590 = arith.cmpi slt, %jit3A_577, %sign3A_589 : i32
      %sign3A_591 = arith.extui %sign3A_590 : i1 to i32
      %sign3A_592 = arith.subi %sign3A_588, %sign3A_591 : i32
      %ne3A_593 = arith.cmpi ne, %sign3A_585, %sign3A_592 : i32
      %rem3A_594 = arith.remsi %convert_element_type3A_576, %jit3A_577 : i32
      %ne3A_595 = arith.constant 0 : i32
      %ne3A_596 = arith.cmpi ne, %rem3A_594, %ne3A_595 : i32
      %and3A_597 = arith.andi %ne3A_593, %ne3A_596 : i1
      %sub3A_598 = arith.constant 1 : i32
      %sub3A_599 = arith.subi %div3A_578, %sub3A_598 : i32
      %select_n3A_600 = arith.select %and3A_597, %sub3A_599, %div3A_578 : i32
      %get3A_601 = arith.constant 5 : index
      %get3A_602 = arith.index_cast %select_n3A_600 : i32 to index
      %get3A_603 = arith.constant 0 : index
      %get3A_604 = vector.load %arg0[%get3A_601, %get3A_602, %get3A_603] : memref<16x1024x128xf32, #tpu.memory_space<vmem>>, vector<1x1x128xf32>
      %get3A_605 = vector.shape_cast %get3A_604 : vector<1x1x128xf32> to vector<1x128xf32>
      %mul3A_606 = arith.constant 91 : i32
      %mul3A_607 = arith.muli %select_n3A_600, %mul3A_606 : i32
      %add3A_608 = vector.broadcast %mul3A_607 : i32 to vector<1x128xi32>
      %add3A_609 = arith.addi %add3A_608, %iota3A : vector<1x128xi32>
      %convert_element_type3A_610 = arith.sitofp %add3A_609 : vector<1x128xi32> to vector<1x128xf32>
      %lt3A_611 = vector.broadcast %squeeze3A_574 : vector<1x1xf32> to vector<1x128xf32>
      %lt3A_612 = arith.cmpf olt, %get3A_605, %lt3A_611 : vector<1x128xf32>
      %eq3A_613 = vector.broadcast %squeeze3A_574 : vector<1x1xf32> to vector<1x128xf32>
      %eq3A_614 = arith.cmpf oeq, %get3A_605, %eq3A_613 : vector<1x128xf32>
      %gt3A_615 = vector.broadcast %squeeze3A_572 : vector<1x1xf32> to vector<1x128xf32>
      %gt3A_616 = arith.cmpf ogt, %convert_element_type3A_610, %gt3A_615 : vector<1x128xf32>
      %and3A_617 = arith.andi %eq3A_614, %gt3A_616 : vector<1x128xi1>
      %or3A_618 = arith.ori %lt3A_612, %and3A_617 : vector<1x128xi1>
      %jit3A_619 = arith.constant -2.000000e+00 : f32
      %broadcast_in_dim3A_620 = vector.broadcast %jit3A_619 : f32 to vector<1x128xf32>
      %select_n3A_621 = arith.select %or3A_618, %get3A_605, %broadcast_in_dim3A_620 : vector<1x128xi1>, vector<1x128xf32>
      %reduce_max3A_622 = vector.shape_cast %select_n3A_621 : vector<1x128xf32> to vector<1x1x128xf32>
      %reduce_max3A_623 = arith.constant dense<0xFF800000> : vector<1xf32>
      %reduce_max3A_624 = vector.multi_reduction <maximumf>, %reduce_max3A_622, %reduce_max3A_623 [1, 2] : vector<1x1x128xf32> to vector<1xf32>
      %reduce_max3A_625 = vector.shape_cast %reduce_max3A_624 : vector<1xf32> to vector<1x1x1xf32>
      %reduce_max3A_626 = vector.extract %reduce_max3A_625[0, 0, 0] : f32 from vector<1x1x1xf32>
      %broadcast_in_dim3A_627 = vector.broadcast %reduce_max3A_626 : f32 to vector<1x1xf32>
      %eq3A_628 = vector.broadcast %broadcast_in_dim3A_627 : vector<1x1xf32> to vector<1x128xf32>
      %eq3A_629 = arith.cmpf oeq, %select_n3A_621, %eq3A_628 : vector<1x128xf32>
      %jit3A_630 = arith.constant 1.000000e+09 : f32
      %broadcast_in_dim3A_631 = vector.broadcast %jit3A_630 : f32 to vector<1x128xf32>
      %select_n3A_632 = arith.select %eq3A_629, %convert_element_type3A_610, %broadcast_in_dim3A_631 : vector<1x128xi1>, vector<1x128xf32>
      %reduce_min3A_633 = vector.shape_cast %select_n3A_632 : vector<1x128xf32> to vector<1x1x128xf32>
      %reduce_min3A_634 = arith.constant dense<0x7F800000> : vector<1xf32>
      %reduce_min3A_635 = vector.multi_reduction <minimumf>, %reduce_min3A_633, %reduce_min3A_634 [1, 2] : vector<1x1x128xf32> to vector<1xf32>
      %reduce_min3A_636 = vector.shape_cast %reduce_min3A_635 : vector<1xf32> to vector<1x1x1xf32>
      %reduce_min3A_637 = vector.extract %reduce_min3A_636[0, 0, 0] : f32 from vector<1x1x1xf32>
      %broadcast_in_dim3A_638 = vector.broadcast %reduce_min3A_637 : f32 to vector<1x1xf32>
      %slice3A_639 = vector.extract_strided_slice %get3A_94 {offsets = [5, 0, 0], sizes = [1, 8, 128], strides = [1, 1, 1]} : vector<16x8x128xf32> to vector<1x8x128xf32>
      %squeeze3A_640 = vector.shape_cast %slice3A_639 : vector<1x8x128xf32> to vector<8x128xf32>
      %eq3A_641 = vector.broadcast %squeeze3A_574 : vector<1x1xf32> to vector<8x128xf32>
      %eq3A_642 = arith.cmpf oeq, %squeeze3A_640, %eq3A_641 : vector<8x128xf32>
      %slice3A_643 = vector.extract_strided_slice %get3A_98 {offsets = [5, 0, 0], sizes = [1, 8, 128], strides = [1, 1, 1]} : vector<16x8x128xf32> to vector<1x8x128xf32>
      %squeeze3A_644 = vector.shape_cast %slice3A_643 : vector<1x8x128xf32> to vector<8x128xf32>
      %eq3A_645 = vector.broadcast %squeeze3A_572 : vector<1x1xf32> to vector<8x128xf32>
      %eq3A_646 = arith.cmpf oeq, %squeeze3A_644, %eq3A_645 : vector<8x128xf32>
      %and3A_647 = arith.andi %eq3A_642, %eq3A_646 : vector<8x128xi1>
      %slice3A_648 = vector.extract_strided_slice %get3A_94 {offsets = [5, 0, 0], sizes = [1, 8, 128], strides = [1, 1, 1]} : vector<16x8x128xf32> to vector<1x8x128xf32>
      %squeeze3A_649 = vector.shape_cast %slice3A_648 : vector<1x8x128xf32> to vector<8x128xf32>
      %broadcast_in_dim3A_650 = vector.shape_cast %broadcast_in_dim3A_627 : vector<1x1xf32> to vector<1x1xf32>
      %broadcast_in_dim3A_651 = vector.broadcast %broadcast_in_dim3A_650 : vector<1x1xf32> to vector<8x128xf32>
      %select_n3A_652 = arith.select %and3A_647, %broadcast_in_dim3A_651, %squeeze3A_649 : vector<8x128xi1>, vector<8x128xf32>
      %broadcast_in_dim3A_653 = vector.shape_cast %select_n3A_652 : vector<8x128xf32> to vector<1x8x128xf32>
      %slice3A_654 = vector.extract_strided_slice %get3A_98 {offsets = [5, 0, 0], sizes = [1, 8, 128], strides = [1, 1, 1]} : vector<16x8x128xf32> to vector<1x8x128xf32>
      %squeeze3A_655 = vector.shape_cast %slice3A_654 : vector<1x8x128xf32> to vector<8x128xf32>
      %broadcast_in_dim3A_656 = vector.shape_cast %broadcast_in_dim3A_638 : vector<1x1xf32> to vector<1x1xf32>
      %broadcast_in_dim3A_657 = vector.broadcast %broadcast_in_dim3A_656 : vector<1x1xf32> to vector<8x128xf32>
      %select_n3A_658 = arith.select %and3A_647, %broadcast_in_dim3A_657, %squeeze3A_655 : vector<8x128xi1>, vector<8x128xf32>
      %broadcast_in_dim3A_659 = vector.shape_cast %select_n3A_658 : vector<8x128xf32> to vector<1x8x128xf32>
      %slice3A_660 = vector.extract_strided_slice %broadcast_in_dim3A_107 {offsets = [6, 0, 0], sizes = [1, 1, 1], strides = [1, 1, 1]} : vector<16x1x1xf32> to vector<1x1x1xf32>
      %squeeze3A_661 = vector.shape_cast %slice3A_660 : vector<1x1x1xf32> to vector<1x1xf32>
      %slice3A_662 = vector.extract_strided_slice %broadcast_in_dim3A_100 {offsets = [6, 0, 0], sizes = [1, 1, 1], strides = [1, 1, 1]} : vector<16x1x1xf32> to vector<1x1x1xf32>
      %squeeze3A_663 = vector.shape_cast %slice3A_662 : vector<1x1x1xf32> to vector<1x1xf32>
      %squeeze3A_664 = vector.extract %squeeze3A_661[0, 0] : f32 from vector<1x1xf32>
      %convert_element_type3A_665 = arith.fptosi %squeeze3A_664 : f32 to i32
      %jit3A_666 = arith.constant 91 : i32
      %div3A_667 = arith.divsi %convert_element_type3A_665, %jit3A_666 : i32
      %sign3A_668 = arith.constant 0 : i32
      %sign3A_669 = arith.cmpi sgt, %convert_element_type3A_665, %sign3A_668 : i32
      %sign3A_670 = arith.extui %sign3A_669 : i1 to i32
      %sign3A_671 = arith.constant 0 : i32
      %sign3A_672 = arith.cmpi slt, %convert_element_type3A_665, %sign3A_671 : i32
      %sign3A_673 = arith.extui %sign3A_672 : i1 to i32
      %sign3A_674 = arith.subi %sign3A_670, %sign3A_673 : i32
      %sign3A_675 = arith.constant 0 : i32
      %sign3A_676 = arith.cmpi sgt, %jit3A_666, %sign3A_675 : i32
      %sign3A_677 = arith.extui %sign3A_676 : i1 to i32
      %sign3A_678 = arith.constant 0 : i32
      %sign3A_679 = arith.cmpi slt, %jit3A_666, %sign3A_678 : i32
      %sign3A_680 = arith.extui %sign3A_679 : i1 to i32
      %sign3A_681 = arith.subi %sign3A_677, %sign3A_680 : i32
      %ne3A_682 = arith.cmpi ne, %sign3A_674, %sign3A_681 : i32
      %rem3A_683 = arith.remsi %convert_element_type3A_665, %jit3A_666 : i32
      %ne3A_684 = arith.constant 0 : i32
      %ne3A_685 = arith.cmpi ne, %rem3A_683, %ne3A_684 : i32
      %and3A_686 = arith.andi %ne3A_682, %ne3A_685 : i1
      %sub3A_687 = arith.constant 1 : i32
      %sub3A_688 = arith.subi %div3A_667, %sub3A_687 : i32
      %select_n3A_689 = arith.select %and3A_686, %sub3A_688, %div3A_667 : i32
      %get3A_690 = arith.constant 6 : index
      %get3A_691 = arith.index_cast %select_n3A_689 : i32 to index
      %get3A_692 = arith.constant 0 : index
      %get3A_693 = vector.load %arg0[%get3A_690, %get3A_691, %get3A_692] : memref<16x1024x128xf32, #tpu.memory_space<vmem>>, vector<1x1x128xf32>
      %get3A_694 = vector.shape_cast %get3A_693 : vector<1x1x128xf32> to vector<1x128xf32>
      %mul3A_695 = arith.constant 91 : i32
      %mul3A_696 = arith.muli %select_n3A_689, %mul3A_695 : i32
      %add3A_697 = vector.broadcast %mul3A_696 : i32 to vector<1x128xi32>
      %add3A_698 = arith.addi %add3A_697, %iota3A : vector<1x128xi32>
      %convert_element_type3A_699 = arith.sitofp %add3A_698 : vector<1x128xi32> to vector<1x128xf32>
      %lt3A_700 = vector.broadcast %squeeze3A_663 : vector<1x1xf32> to vector<1x128xf32>
      %lt3A_701 = arith.cmpf olt, %get3A_694, %lt3A_700 : vector<1x128xf32>
      %eq3A_702 = vector.broadcast %squeeze3A_663 : vector<1x1xf32> to vector<1x128xf32>
      %eq3A_703 = arith.cmpf oeq, %get3A_694, %eq3A_702 : vector<1x128xf32>
      %gt3A_704 = vector.broadcast %squeeze3A_661 : vector<1x1xf32> to vector<1x128xf32>
      %gt3A_705 = arith.cmpf ogt, %convert_element_type3A_699, %gt3A_704 : vector<1x128xf32>
      %and3A_706 = arith.andi %eq3A_703, %gt3A_705 : vector<1x128xi1>
      %or3A_707 = arith.ori %lt3A_701, %and3A_706 : vector<1x128xi1>
      %jit3A_708 = arith.constant -2.000000e+00 : f32
      %broadcast_in_dim3A_709 = vector.broadcast %jit3A_708 : f32 to vector<1x128xf32>
      %select_n3A_710 = arith.select %or3A_707, %get3A_694, %broadcast_in_dim3A_709 : vector<1x128xi1>, vector<1x128xf32>
      %reduce_max3A_711 = vector.shape_cast %select_n3A_710 : vector<1x128xf32> to vector<1x1x128xf32>
      %reduce_max3A_712 = arith.constant dense<0xFF800000> : vector<1xf32>
      %reduce_max3A_713 = vector.multi_reduction <maximumf>, %reduce_max3A_711, %reduce_max3A_712 [1, 2] : vector<1x1x128xf32> to vector<1xf32>
      %reduce_max3A_714 = vector.shape_cast %reduce_max3A_713 : vector<1xf32> to vector<1x1x1xf32>
      %reduce_max3A_715 = vector.extract %reduce_max3A_714[0, 0, 0] : f32 from vector<1x1x1xf32>
      %broadcast_in_dim3A_716 = vector.broadcast %reduce_max3A_715 : f32 to vector<1x1xf32>
      %eq3A_717 = vector.broadcast %broadcast_in_dim3A_716 : vector<1x1xf32> to vector<1x128xf32>
      %eq3A_718 = arith.cmpf oeq, %select_n3A_710, %eq3A_717 : vector<1x128xf32>
      %jit3A_719 = arith.constant 1.000000e+09 : f32
      %broadcast_in_dim3A_720 = vector.broadcast %jit3A_719 : f32 to vector<1x128xf32>
      %select_n3A_721 = arith.select %eq3A_718, %convert_element_type3A_699, %broadcast_in_dim3A_720 : vector<1x128xi1>, vector<1x128xf32>
      %reduce_min3A_722 = vector.shape_cast %select_n3A_721 : vector<1x128xf32> to vector<1x1x128xf32>
      %reduce_min3A_723 = arith.constant dense<0x7F800000> : vector<1xf32>
      %reduce_min3A_724 = vector.multi_reduction <minimumf>, %reduce_min3A_722, %reduce_min3A_723 [1, 2] : vector<1x1x128xf32> to vector<1xf32>
      %reduce_min3A_725 = vector.shape_cast %reduce_min3A_724 : vector<1xf32> to vector<1x1x1xf32>
      %reduce_min3A_726 = vector.extract %reduce_min3A_725[0, 0, 0] : f32 from vector<1x1x1xf32>
      %broadcast_in_dim3A_727 = vector.broadcast %reduce_min3A_726 : f32 to vector<1x1xf32>
      %slice3A_728 = vector.extract_strided_slice %get3A_94 {offsets = [6, 0, 0], sizes = [1, 8, 128], strides = [1, 1, 1]} : vector<16x8x128xf32> to vector<1x8x128xf32>
      %squeeze3A_729 = vector.shape_cast %slice3A_728 : vector<1x8x128xf32> to vector<8x128xf32>
      %eq3A_730 = vector.broadcast %squeeze3A_663 : vector<1x1xf32> to vector<8x128xf32>
      %eq3A_731 = arith.cmpf oeq, %squeeze3A_729, %eq3A_730 : vector<8x128xf32>
      %slice3A_732 = vector.extract_strided_slice %get3A_98 {offsets = [6, 0, 0], sizes = [1, 8, 128], strides = [1, 1, 1]} : vector<16x8x128xf32> to vector<1x8x128xf32>
      %squeeze3A_733 = vector.shape_cast %slice3A_732 : vector<1x8x128xf32> to vector<8x128xf32>
      %eq3A_734 = vector.broadcast %squeeze3A_661 : vector<1x1xf32> to vector<8x128xf32>
      %eq3A_735 = arith.cmpf oeq, %squeeze3A_733, %eq3A_734 : vector<8x128xf32>
      %and3A_736 = arith.andi %eq3A_731, %eq3A_735 : vector<8x128xi1>
      %slice3A_737 = vector.extract_strided_slice %get3A_94 {offsets = [6, 0, 0], sizes = [1, 8, 128], strides = [1, 1, 1]} : vector<16x8x128xf32> to vector<1x8x128xf32>
      %squeeze3A_738 = vector.shape_cast %slice3A_737 : vector<1x8x128xf32> to vector<8x128xf32>
      %broadcast_in_dim3A_739 = vector.shape_cast %broadcast_in_dim3A_716 : vector<1x1xf32> to vector<1x1xf32>
      %broadcast_in_dim3A_740 = vector.broadcast %broadcast_in_dim3A_739 : vector<1x1xf32> to vector<8x128xf32>
      %select_n3A_741 = arith.select %and3A_736, %broadcast_in_dim3A_740, %squeeze3A_738 : vector<8x128xi1>, vector<8x128xf32>
      %broadcast_in_dim3A_742 = vector.shape_cast %select_n3A_741 : vector<8x128xf32> to vector<1x8x128xf32>
      %slice3A_743 = vector.extract_strided_slice %get3A_98 {offsets = [6, 0, 0], sizes = [1, 8, 128], strides = [1, 1, 1]} : vector<16x8x128xf32> to vector<1x8x128xf32>
      %squeeze3A_744 = vector.shape_cast %slice3A_743 : vector<1x8x128xf32> to vector<8x128xf32>
      %broadcast_in_dim3A_745 = vector.shape_cast %broadcast_in_dim3A_727 : vector<1x1xf32> to vector<1x1xf32>
      %broadcast_in_dim3A_746 = vector.broadcast %broadcast_in_dim3A_745 : vector<1x1xf32> to vector<8x128xf32>
      %select_n3A_747 = arith.select %and3A_736, %broadcast_in_dim3A_746, %squeeze3A_744 : vector<8x128xi1>, vector<8x128xf32>
      %broadcast_in_dim3A_748 = vector.shape_cast %select_n3A_747 : vector<8x128xf32> to vector<1x8x128xf32>
      %slice3A_749 = vector.extract_strided_slice %broadcast_in_dim3A_107 {offsets = [7, 0, 0], sizes = [1, 1, 1], strides = [1, 1, 1]} : vector<16x1x1xf32> to vector<1x1x1xf32>
      %squeeze3A_750 = vector.shape_cast %slice3A_749 : vector<1x1x1xf32> to vector<1x1xf32>
      %slice3A_751 = vector.extract_strided_slice %broadcast_in_dim3A_100 {offsets = [7, 0, 0], sizes = [1, 1, 1], strides = [1, 1, 1]} : vector<16x1x1xf32> to vector<1x1x1xf32>
      %squeeze3A_752 = vector.shape_cast %slice3A_751 : vector<1x1x1xf32> to vector<1x1xf32>
      %squeeze3A_753 = vector.extract %squeeze3A_750[0, 0] : f32 from vector<1x1xf32>
      %convert_element_type3A_754 = arith.fptosi %squeeze3A_753 : f32 to i32
      %jit3A_755 = arith.constant 91 : i32
      %div3A_756 = arith.divsi %convert_element_type3A_754, %jit3A_755 : i32
      %sign3A_757 = arith.constant 0 : i32
      %sign3A_758 = arith.cmpi sgt, %convert_element_type3A_754, %sign3A_757 : i32
      %sign3A_759 = arith.extui %sign3A_758 : i1 to i32
      %sign3A_760 = arith.constant 0 : i32
      %sign3A_761 = arith.cmpi slt, %convert_element_type3A_754, %sign3A_760 : i32
      %sign3A_762 = arith.extui %sign3A_761 : i1 to i32
      %sign3A_763 = arith.subi %sign3A_759, %sign3A_762 : i32
      %sign3A_764 = arith.constant 0 : i32
      %sign3A_765 = arith.cmpi sgt, %jit3A_755, %sign3A_764 : i32
      %sign3A_766 = arith.extui %sign3A_765 : i1 to i32
      %sign3A_767 = arith.constant 0 : i32
      %sign3A_768 = arith.cmpi slt, %jit3A_755, %sign3A_767 : i32
      %sign3A_769 = arith.extui %sign3A_768 : i1 to i32
      %sign3A_770 = arith.subi %sign3A_766, %sign3A_769 : i32
      %ne3A_771 = arith.cmpi ne, %sign3A_763, %sign3A_770 : i32
      %rem3A_772 = arith.remsi %convert_element_type3A_754, %jit3A_755 : i32
      %ne3A_773 = arith.constant 0 : i32
      %ne3A_774 = arith.cmpi ne, %rem3A_772, %ne3A_773 : i32
      %and3A_775 = arith.andi %ne3A_771, %ne3A_774 : i1
      %sub3A_776 = arith.constant 1 : i32
      %sub3A_777 = arith.subi %div3A_756, %sub3A_776 : i32
      %select_n3A_778 = arith.select %and3A_775, %sub3A_777, %div3A_756 : i32
      %get3A_779 = arith.constant 7 : index
      %get3A_780 = arith.index_cast %select_n3A_778 : i32 to index
      %get3A_781 = arith.constant 0 : index
      %get3A_782 = vector.load %arg0[%get3A_779, %get3A_780, %get3A_781] : memref<16x1024x128xf32, #tpu.memory_space<vmem>>, vector<1x1x128xf32>
      %get3A_783 = vector.shape_cast %get3A_782 : vector<1x1x128xf32> to vector<1x128xf32>
      %mul3A_784 = arith.constant 91 : i32
      %mul3A_785 = arith.muli %select_n3A_778, %mul3A_784 : i32
      %add3A_786 = vector.broadcast %mul3A_785 : i32 to vector<1x128xi32>
      %add3A_787 = arith.addi %add3A_786, %iota3A : vector<1x128xi32>
      %convert_element_type3A_788 = arith.sitofp %add3A_787 : vector<1x128xi32> to vector<1x128xf32>
      %lt3A_789 = vector.broadcast %squeeze3A_752 : vector<1x1xf32> to vector<1x128xf32>
      %lt3A_790 = arith.cmpf olt, %get3A_783, %lt3A_789 : vector<1x128xf32>
      %eq3A_791 = vector.broadcast %squeeze3A_752 : vector<1x1xf32> to vector<1x128xf32>
      %eq3A_792 = arith.cmpf oeq, %get3A_783, %eq3A_791 : vector<1x128xf32>
      %gt3A_793 = vector.broadcast %squeeze3A_750 : vector<1x1xf32> to vector<1x128xf32>
      %gt3A_794 = arith.cmpf ogt, %convert_element_type3A_788, %gt3A_793 : vector<1x128xf32>
      %and3A_795 = arith.andi %eq3A_792, %gt3A_794 : vector<1x128xi1>
      %or3A_796 = arith.ori %lt3A_790, %and3A_795 : vector<1x128xi1>
      %jit3A_797 = arith.constant -2.000000e+00 : f32
      %broadcast_in_dim3A_798 = vector.broadcast %jit3A_797 : f32 to vector<1x128xf32>
      %select_n3A_799 = arith.select %or3A_796, %get3A_783, %broadcast_in_dim3A_798 : vector<1x128xi1>, vector<1x128xf32>
      %reduce_max3A_800 = vector.shape_cast %select_n3A_799 : vector<1x128xf32> to vector<1x1x128xf32>
      %reduce_max3A_801 = arith.constant dense<0xFF800000> : vector<1xf32>
      %reduce_max3A_802 = vector.multi_reduction <maximumf>, %reduce_max3A_800, %reduce_max3A_801 [1, 2] : vector<1x1x128xf32> to vector<1xf32>
      %reduce_max3A_803 = vector.shape_cast %reduce_max3A_802 : vector<1xf32> to vector<1x1x1xf32>
      %reduce_max3A_804 = vector.extract %reduce_max3A_803[0, 0, 0] : f32 from vector<1x1x1xf32>
      %broadcast_in_dim3A_805 = vector.broadcast %reduce_max3A_804 : f32 to vector<1x1xf32>
      %eq3A_806 = vector.broadcast %broadcast_in_dim3A_805 : vector<1x1xf32> to vector<1x128xf32>
      %eq3A_807 = arith.cmpf oeq, %select_n3A_799, %eq3A_806 : vector<1x128xf32>
      %jit3A_808 = arith.constant 1.000000e+09 : f32
      %broadcast_in_dim3A_809 = vector.broadcast %jit3A_808 : f32 to vector<1x128xf32>
      %select_n3A_810 = arith.select %eq3A_807, %convert_element_type3A_788, %broadcast_in_dim3A_809 : vector<1x128xi1>, vector<1x128xf32>
      %reduce_min3A_811 = vector.shape_cast %select_n3A_810 : vector<1x128xf32> to vector<1x1x128xf32>
      %reduce_min3A_812 = arith.constant dense<0x7F800000> : vector<1xf32>
      %reduce_min3A_813 = vector.multi_reduction <minimumf>, %reduce_min3A_811, %reduce_min3A_812 [1, 2] : vector<1x1x128xf32> to vector<1xf32>
      %reduce_min3A_814 = vector.shape_cast %reduce_min3A_813 : vector<1xf32> to vector<1x1x1xf32>
      %reduce_min3A_815 = vector.extract %reduce_min3A_814[0, 0, 0] : f32 from vector<1x1x1xf32>
      %broadcast_in_dim3A_816 = vector.broadcast %reduce_min3A_815 : f32 to vector<1x1xf32>
      %slice3A_817 = vector.extract_strided_slice %get3A_94 {offsets = [7, 0, 0], sizes = [1, 8, 128], strides = [1, 1, 1]} : vector<16x8x128xf32> to vector<1x8x128xf32>
      %squeeze3A_818 = vector.shape_cast %slice3A_817 : vector<1x8x128xf32> to vector<8x128xf32>
      %eq3A_819 = vector.broadcast %squeeze3A_752 : vector<1x1xf32> to vector<8x128xf32>
      %eq3A_820 = arith.cmpf oeq, %squeeze3A_818, %eq3A_819 : vector<8x128xf32>
      %slice3A_821 = vector.extract_strided_slice %get3A_98 {offsets = [7, 0, 0], sizes = [1, 8, 128], strides = [1, 1, 1]} : vector<16x8x128xf32> to vector<1x8x128xf32>
      %squeeze3A_822 = vector.shape_cast %slice3A_821 : vector<1x8x128xf32> to vector<8x128xf32>
      %eq3A_823 = vector.broadcast %squeeze3A_750 : vector<1x1xf32> to vector<8x128xf32>
      %eq3A_824 = arith.cmpf oeq, %squeeze3A_822, %eq3A_823 : vector<8x128xf32>
      %and3A_825 = arith.andi %eq3A_820, %eq3A_824 : vector<8x128xi1>
      %slice3A_826 = vector.extract_strided_slice %get3A_94 {offsets = [7, 0, 0], sizes = [1, 8, 128], strides = [1, 1, 1]} : vector<16x8x128xf32> to vector<1x8x128xf32>
      %squeeze3A_827 = vector.shape_cast %slice3A_826 : vector<1x8x128xf32> to vector<8x128xf32>
      %broadcast_in_dim3A_828 = vector.shape_cast %broadcast_in_dim3A_805 : vector<1x1xf32> to vector<1x1xf32>
      %broadcast_in_dim3A_829 = vector.broadcast %broadcast_in_dim3A_828 : vector<1x1xf32> to vector<8x128xf32>
      %select_n3A_830 = arith.select %and3A_825, %broadcast_in_dim3A_829, %squeeze3A_827 : vector<8x128xi1>, vector<8x128xf32>
      %broadcast_in_dim3A_831 = vector.shape_cast %select_n3A_830 : vector<8x128xf32> to vector<1x8x128xf32>
      %slice3A_832 = vector.extract_strided_slice %get3A_98 {offsets = [7, 0, 0], sizes = [1, 8, 128], strides = [1, 1, 1]} : vector<16x8x128xf32> to vector<1x8x128xf32>
      %squeeze3A_833 = vector.shape_cast %slice3A_832 : vector<1x8x128xf32> to vector<8x128xf32>
      %broadcast_in_dim3A_834 = vector.shape_cast %broadcast_in_dim3A_816 : vector<1x1xf32> to vector<1x1xf32>
      %broadcast_in_dim3A_835 = vector.broadcast %broadcast_in_dim3A_834 : vector<1x1xf32> to vector<8x128xf32>
      %select_n3A_836 = arith.select %and3A_825, %broadcast_in_dim3A_835, %squeeze3A_833 : vector<8x128xi1>, vector<8x128xf32>
      %broadcast_in_dim3A_837 = vector.shape_cast %select_n3A_836 : vector<8x128xf32> to vector<1x8x128xf32>
      %slice3A_838 = vector.extract_strided_slice %broadcast_in_dim3A_107 {offsets = [8, 0, 0], sizes = [1, 1, 1], strides = [1, 1, 1]} : vector<16x1x1xf32> to vector<1x1x1xf32>
      %squeeze3A_839 = vector.shape_cast %slice3A_838 : vector<1x1x1xf32> to vector<1x1xf32>
      %slice3A_840 = vector.extract_strided_slice %broadcast_in_dim3A_100 {offsets = [8, 0, 0], sizes = [1, 1, 1], strides = [1, 1, 1]} : vector<16x1x1xf32> to vector<1x1x1xf32>
      %squeeze3A_841 = vector.shape_cast %slice3A_840 : vector<1x1x1xf32> to vector<1x1xf32>
      %squeeze3A_842 = vector.extract %squeeze3A_839[0, 0] : f32 from vector<1x1xf32>
      %convert_element_type3A_843 = arith.fptosi %squeeze3A_842 : f32 to i32
      %jit3A_844 = arith.constant 91 : i32
      %div3A_845 = arith.divsi %convert_element_type3A_843, %jit3A_844 : i32
      %sign3A_846 = arith.constant 0 : i32
      %sign3A_847 = arith.cmpi sgt, %convert_element_type3A_843, %sign3A_846 : i32
      %sign3A_848 = arith.extui %sign3A_847 : i1 to i32
      %sign3A_849 = arith.constant 0 : i32
      %sign3A_850 = arith.cmpi slt, %convert_element_type3A_843, %sign3A_849 : i32
      %sign3A_851 = arith.extui %sign3A_850 : i1 to i32
      %sign3A_852 = arith.subi %sign3A_848, %sign3A_851 : i32
      %sign3A_853 = arith.constant 0 : i32
      %sign3A_854 = arith.cmpi sgt, %jit3A_844, %sign3A_853 : i32
      %sign3A_855 = arith.extui %sign3A_854 : i1 to i32
      %sign3A_856 = arith.constant 0 : i32
      %sign3A_857 = arith.cmpi slt, %jit3A_844, %sign3A_856 : i32
      %sign3A_858 = arith.extui %sign3A_857 : i1 to i32
      %sign3A_859 = arith.subi %sign3A_855, %sign3A_858 : i32
      %ne3A_860 = arith.cmpi ne, %sign3A_852, %sign3A_859 : i32
      %rem3A_861 = arith.remsi %convert_element_type3A_843, %jit3A_844 : i32
      %ne3A_862 = arith.constant 0 : i32
      %ne3A_863 = arith.cmpi ne, %rem3A_861, %ne3A_862 : i32
      %and3A_864 = arith.andi %ne3A_860, %ne3A_863 : i1
      %sub3A_865 = arith.constant 1 : i32
      %sub3A_866 = arith.subi %div3A_845, %sub3A_865 : i32
      %select_n3A_867 = arith.select %and3A_864, %sub3A_866, %div3A_845 : i32
      %get3A_868 = arith.constant 8 : index
      %get3A_869 = arith.index_cast %select_n3A_867 : i32 to index
      %get3A_870 = arith.constant 0 : index
      %get3A_871 = vector.load %arg0[%get3A_868, %get3A_869, %get3A_870] : memref<16x1024x128xf32, #tpu.memory_space<vmem>>, vector<1x1x128xf32>
      %get3A_872 = vector.shape_cast %get3A_871 : vector<1x1x128xf32> to vector<1x128xf32>
      %mul3A_873 = arith.constant 91 : i32
      %mul3A_874 = arith.muli %select_n3A_867, %mul3A_873 : i32
      %add3A_875 = vector.broadcast %mul3A_874 : i32 to vector<1x128xi32>
      %add3A_876 = arith.addi %add3A_875, %iota3A : vector<1x128xi32>
      %convert_element_type3A_877 = arith.sitofp %add3A_876 : vector<1x128xi32> to vector<1x128xf32>
      %lt3A_878 = vector.broadcast %squeeze3A_841 : vector<1x1xf32> to vector<1x128xf32>
      %lt3A_879 = arith.cmpf olt, %get3A_872, %lt3A_878 : vector<1x128xf32>
      %eq3A_880 = vector.broadcast %squeeze3A_841 : vector<1x1xf32> to vector<1x128xf32>
      %eq3A_881 = arith.cmpf oeq, %get3A_872, %eq3A_880 : vector<1x128xf32>
      %gt3A_882 = vector.broadcast %squeeze3A_839 : vector<1x1xf32> to vector<1x128xf32>
      %gt3A_883 = arith.cmpf ogt, %convert_element_type3A_877, %gt3A_882 : vector<1x128xf32>
      %and3A_884 = arith.andi %eq3A_881, %gt3A_883 : vector<1x128xi1>
      %or3A_885 = arith.ori %lt3A_879, %and3A_884 : vector<1x128xi1>
      %jit3A_886 = arith.constant -2.000000e+00 : f32
      %broadcast_in_dim3A_887 = vector.broadcast %jit3A_886 : f32 to vector<1x128xf32>
      %select_n3A_888 = arith.select %or3A_885, %get3A_872, %broadcast_in_dim3A_887 : vector<1x128xi1>, vector<1x128xf32>
      %reduce_max3A_889 = vector.shape_cast %select_n3A_888 : vector<1x128xf32> to vector<1x1x128xf32>
      %reduce_max3A_890 = arith.constant dense<0xFF800000> : vector<1xf32>
      %reduce_max3A_891 = vector.multi_reduction <maximumf>, %reduce_max3A_889, %reduce_max3A_890 [1, 2] : vector<1x1x128xf32> to vector<1xf32>
      %reduce_max3A_892 = vector.shape_cast %reduce_max3A_891 : vector<1xf32> to vector<1x1x1xf32>
      %reduce_max3A_893 = vector.extract %reduce_max3A_892[0, 0, 0] : f32 from vector<1x1x1xf32>
      %broadcast_in_dim3A_894 = vector.broadcast %reduce_max3A_893 : f32 to vector<1x1xf32>
      %eq3A_895 = vector.broadcast %broadcast_in_dim3A_894 : vector<1x1xf32> to vector<1x128xf32>
      %eq3A_896 = arith.cmpf oeq, %select_n3A_888, %eq3A_895 : vector<1x128xf32>
      %jit3A_897 = arith.constant 1.000000e+09 : f32
      %broadcast_in_dim3A_898 = vector.broadcast %jit3A_897 : f32 to vector<1x128xf32>
      %select_n3A_899 = arith.select %eq3A_896, %convert_element_type3A_877, %broadcast_in_dim3A_898 : vector<1x128xi1>, vector<1x128xf32>
      %reduce_min3A_900 = vector.shape_cast %select_n3A_899 : vector<1x128xf32> to vector<1x1x128xf32>
      %reduce_min3A_901 = arith.constant dense<0x7F800000> : vector<1xf32>
      %reduce_min3A_902 = vector.multi_reduction <minimumf>, %reduce_min3A_900, %reduce_min3A_901 [1, 2] : vector<1x1x128xf32> to vector<1xf32>
      %reduce_min3A_903 = vector.shape_cast %reduce_min3A_902 : vector<1xf32> to vector<1x1x1xf32>
      %reduce_min3A_904 = vector.extract %reduce_min3A_903[0, 0, 0] : f32 from vector<1x1x1xf32>
      %broadcast_in_dim3A_905 = vector.broadcast %reduce_min3A_904 : f32 to vector<1x1xf32>
      %slice3A_906 = vector.extract_strided_slice %get3A_94 {offsets = [8, 0, 0], sizes = [1, 8, 128], strides = [1, 1, 1]} : vector<16x8x128xf32> to vector<1x8x128xf32>
      %squeeze3A_907 = vector.shape_cast %slice3A_906 : vector<1x8x128xf32> to vector<8x128xf32>
      %eq3A_908 = vector.broadcast %squeeze3A_841 : vector<1x1xf32> to vector<8x128xf32>
      %eq3A_909 = arith.cmpf oeq, %squeeze3A_907, %eq3A_908 : vector<8x128xf32>
      %slice3A_910 = vector.extract_strided_slice %get3A_98 {offsets = [8, 0, 0], sizes = [1, 8, 128], strides = [1, 1, 1]} : vector<16x8x128xf32> to vector<1x8x128xf32>
      %squeeze3A_911 = vector.shape_cast %slice3A_910 : vector<1x8x128xf32> to vector<8x128xf32>
      %eq3A_912 = vector.broadcast %squeeze3A_839 : vector<1x1xf32> to vector<8x128xf32>
      %eq3A_913 = arith.cmpf oeq, %squeeze3A_911, %eq3A_912 : vector<8x128xf32>
      %and3A_914 = arith.andi %eq3A_909, %eq3A_913 : vector<8x128xi1>
      %slice3A_915 = vector.extract_strided_slice %get3A_94 {offsets = [8, 0, 0], sizes = [1, 8, 128], strides = [1, 1, 1]} : vector<16x8x128xf32> to vector<1x8x128xf32>
      %squeeze3A_916 = vector.shape_cast %slice3A_915 : vector<1x8x128xf32> to vector<8x128xf32>
      %broadcast_in_dim3A_917 = vector.shape_cast %broadcast_in_dim3A_894 : vector<1x1xf32> to vector<1x1xf32>
      %broadcast_in_dim3A_918 = vector.broadcast %broadcast_in_dim3A_917 : vector<1x1xf32> to vector<8x128xf32>
      %select_n3A_919 = arith.select %and3A_914, %broadcast_in_dim3A_918, %squeeze3A_916 : vector<8x128xi1>, vector<8x128xf32>
      %broadcast_in_dim3A_920 = vector.shape_cast %select_n3A_919 : vector<8x128xf32> to vector<1x8x128xf32>
      %slice3A_921 = vector.extract_strided_slice %get3A_98 {offsets = [8, 0, 0], sizes = [1, 8, 128], strides = [1, 1, 1]} : vector<16x8x128xf32> to vector<1x8x128xf32>
      %squeeze3A_922 = vector.shape_cast %slice3A_921 : vector<1x8x128xf32> to vector<8x128xf32>
      %broadcast_in_dim3A_923 = vector.shape_cast %broadcast_in_dim3A_905 : vector<1x1xf32> to vector<1x1xf32>
      %broadcast_in_dim3A_924 = vector.broadcast %broadcast_in_dim3A_923 : vector<1x1xf32> to vector<8x128xf32>
      %select_n3A_925 = arith.select %and3A_914, %broadcast_in_dim3A_924, %squeeze3A_922 : vector<8x128xi1>, vector<8x128xf32>
      %broadcast_in_dim3A_926 = vector.shape_cast %select_n3A_925 : vector<8x128xf32> to vector<1x8x128xf32>
      %slice3A_927 = vector.extract_strided_slice %broadcast_in_dim3A_107 {offsets = [9, 0, 0], sizes = [1, 1, 1], strides = [1, 1, 1]} : vector<16x1x1xf32> to vector<1x1x1xf32>
      %squeeze3A_928 = vector.shape_cast %slice3A_927 : vector<1x1x1xf32> to vector<1x1xf32>
      %slice3A_929 = vector.extract_strided_slice %broadcast_in_dim3A_100 {offsets = [9, 0, 0], sizes = [1, 1, 1], strides = [1, 1, 1]} : vector<16x1x1xf32> to vector<1x1x1xf32>
      %squeeze3A_930 = vector.shape_cast %slice3A_929 : vector<1x1x1xf32> to vector<1x1xf32>
      %squeeze3A_931 = vector.extract %squeeze3A_928[0, 0] : f32 from vector<1x1xf32>
      %convert_element_type3A_932 = arith.fptosi %squeeze3A_931 : f32 to i32
      %jit3A_933 = arith.constant 91 : i32
      %div3A_934 = arith.divsi %convert_element_type3A_932, %jit3A_933 : i32
      %sign3A_935 = arith.constant 0 : i32
      %sign3A_936 = arith.cmpi sgt, %convert_element_type3A_932, %sign3A_935 : i32
      %sign3A_937 = arith.extui %sign3A_936 : i1 to i32
      %sign3A_938 = arith.constant 0 : i32
      %sign3A_939 = arith.cmpi slt, %convert_element_type3A_932, %sign3A_938 : i32
      %sign3A_940 = arith.extui %sign3A_939 : i1 to i32
      %sign3A_941 = arith.subi %sign3A_937, %sign3A_940 : i32
      %sign3A_942 = arith.constant 0 : i32
      %sign3A_943 = arith.cmpi sgt, %jit3A_933, %sign3A_942 : i32
      %sign3A_944 = arith.extui %sign3A_943 : i1 to i32
      %sign3A_945 = arith.constant 0 : i32
      %sign3A_946 = arith.cmpi slt, %jit3A_933, %sign3A_945 : i32
      %sign3A_947 = arith.extui %sign3A_946 : i1 to i32
      %sign3A_948 = arith.subi %sign3A_944, %sign3A_947 : i32
      %ne3A_949 = arith.cmpi ne, %sign3A_941, %sign3A_948 : i32
      %rem3A_950 = arith.remsi %convert_element_type3A_932, %jit3A_933 : i32
      %ne3A_951 = arith.constant 0 : i32
      %ne3A_952 = arith.cmpi ne, %rem3A_950, %ne3A_951 : i32
      %and3A_953 = arith.andi %ne3A_949, %ne3A_952 : i1
      %sub3A_954 = arith.constant 1 : i32
      %sub3A_955 = arith.subi %div3A_934, %sub3A_954 : i32
      %select_n3A_956 = arith.select %and3A_953, %sub3A_955, %div3A_934 : i32
      %get3A_957 = arith.constant 9 : index
      %get3A_958 = arith.index_cast %select_n3A_956 : i32 to index
      %get3A_959 = arith.constant 0 : index
      %get3A_960 = vector.load %arg0[%get3A_957, %get3A_958, %get3A_959] : memref<16x1024x128xf32, #tpu.memory_space<vmem>>, vector<1x1x128xf32>
      %get3A_961 = vector.shape_cast %get3A_960 : vector<1x1x128xf32> to vector<1x128xf32>
      %mul3A_962 = arith.constant 91 : i32
      %mul3A_963 = arith.muli %select_n3A_956, %mul3A_962 : i32
      %add3A_964 = vector.broadcast %mul3A_963 : i32 to vector<1x128xi32>
      %add3A_965 = arith.addi %add3A_964, %iota3A : vector<1x128xi32>
      %convert_element_type3A_966 = arith.sitofp %add3A_965 : vector<1x128xi32> to vector<1x128xf32>
      %lt3A_967 = vector.broadcast %squeeze3A_930 : vector<1x1xf32> to vector<1x128xf32>
      %lt3A_968 = arith.cmpf olt, %get3A_961, %lt3A_967 : vector<1x128xf32>
      %eq3A_969 = vector.broadcast %squeeze3A_930 : vector<1x1xf32> to vector<1x128xf32>
      %eq3A_970 = arith.cmpf oeq, %get3A_961, %eq3A_969 : vector<1x128xf32>
      %gt3A_971 = vector.broadcast %squeeze3A_928 : vector<1x1xf32> to vector<1x128xf32>
      %gt3A_972 = arith.cmpf ogt, %convert_element_type3A_966, %gt3A_971 : vector<1x128xf32>
      %and3A_973 = arith.andi %eq3A_970, %gt3A_972 : vector<1x128xi1>
      %or3A_974 = arith.ori %lt3A_968, %and3A_973 : vector<1x128xi1>
      %jit3A_975 = arith.constant -2.000000e+00 : f32
      %broadcast_in_dim3A_976 = vector.broadcast %jit3A_975 : f32 to vector<1x128xf32>
      %select_n3A_977 = arith.select %or3A_974, %get3A_961, %broadcast_in_dim3A_976 : vector<1x128xi1>, vector<1x128xf32>
      %reduce_max3A_978 = vector.shape_cast %select_n3A_977 : vector<1x128xf32> to vector<1x1x128xf32>
      %reduce_max3A_979 = arith.constant dense<0xFF800000> : vector<1xf32>
      %reduce_max3A_980 = vector.multi_reduction <maximumf>, %reduce_max3A_978, %reduce_max3A_979 [1, 2] : vector<1x1x128xf32> to vector<1xf32>
      %reduce_max3A_981 = vector.shape_cast %reduce_max3A_980 : vector<1xf32> to vector<1x1x1xf32>
      %reduce_max3A_982 = vector.extract %reduce_max3A_981[0, 0, 0] : f32 from vector<1x1x1xf32>
      %broadcast_in_dim3A_983 = vector.broadcast %reduce_max3A_982 : f32 to vector<1x1xf32>
      %eq3A_984 = vector.broadcast %broadcast_in_dim3A_983 : vector<1x1xf32> to vector<1x128xf32>
      %eq3A_985 = arith.cmpf oeq, %select_n3A_977, %eq3A_984 : vector<1x128xf32>
      %jit3A_986 = arith.constant 1.000000e+09 : f32
      %broadcast_in_dim3A_987 = vector.broadcast %jit3A_986 : f32 to vector<1x128xf32>
      %select_n3A_988 = arith.select %eq3A_985, %convert_element_type3A_966, %broadcast_in_dim3A_987 : vector<1x128xi1>, vector<1x128xf32>
      %reduce_min3A_989 = vector.shape_cast %select_n3A_988 : vector<1x128xf32> to vector<1x1x128xf32>
      %reduce_min3A_990 = arith.constant dense<0x7F800000> : vector<1xf32>
      %reduce_min3A_991 = vector.multi_reduction <minimumf>, %reduce_min3A_989, %reduce_min3A_990 [1, 2] : vector<1x1x128xf32> to vector<1xf32>
      %reduce_min3A_992 = vector.shape_cast %reduce_min3A_991 : vector<1xf32> to vector<1x1x1xf32>
      %reduce_min3A_993 = vector.extract %reduce_min3A_992[0, 0, 0] : f32 from vector<1x1x1xf32>
      %broadcast_in_dim3A_994 = vector.broadcast %reduce_min3A_993 : f32 to vector<1x1xf32>
      %slice3A_995 = vector.extract_strided_slice %get3A_94 {offsets = [9, 0, 0], sizes = [1, 8, 128], strides = [1, 1, 1]} : vector<16x8x128xf32> to vector<1x8x128xf32>
      %squeeze3A_996 = vector.shape_cast %slice3A_995 : vector<1x8x128xf32> to vector<8x128xf32>
      %eq3A_997 = vector.broadcast %squeeze3A_930 : vector<1x1xf32> to vector<8x128xf32>
      %eq3A_998 = arith.cmpf oeq, %squeeze3A_996, %eq3A_997 : vector<8x128xf32>
      %slice3A_999 = vector.extract_strided_slice %get3A_98 {offsets = [9, 0, 0], sizes = [1, 8, 128], strides = [1, 1, 1]} : vector<16x8x128xf32> to vector<1x8x128xf32>
      %squeeze3A_1000 = vector.shape_cast %slice3A_999 : vector<1x8x128xf32> to vector<8x128xf32>
      %eq3A_1001 = vector.broadcast %squeeze3A_928 : vector<1x1xf32> to vector<8x128xf32>
      %eq3A_1002 = arith.cmpf oeq, %squeeze3A_1000, %eq3A_1001 : vector<8x128xf32>
      %and3A_1003 = arith.andi %eq3A_998, %eq3A_1002 : vector<8x128xi1>
      %slice3A_1004 = vector.extract_strided_slice %get3A_94 {offsets = [9, 0, 0], sizes = [1, 8, 128], strides = [1, 1, 1]} : vector<16x8x128xf32> to vector<1x8x128xf32>
      %squeeze3A_1005 = vector.shape_cast %slice3A_1004 : vector<1x8x128xf32> to vector<8x128xf32>
      %broadcast_in_dim3A_1006 = vector.shape_cast %broadcast_in_dim3A_983 : vector<1x1xf32> to vector<1x1xf32>
      %broadcast_in_dim3A_1007 = vector.broadcast %broadcast_in_dim3A_1006 : vector<1x1xf32> to vector<8x128xf32>
      %select_n3A_1008 = arith.select %and3A_1003, %broadcast_in_dim3A_1007, %squeeze3A_1005 : vector<8x128xi1>, vector<8x128xf32>
      %broadcast_in_dim3A_1009 = vector.shape_cast %select_n3A_1008 : vector<8x128xf32> to vector<1x8x128xf32>
      %slice3A_1010 = vector.extract_strided_slice %get3A_98 {offsets = [9, 0, 0], sizes = [1, 8, 128], strides = [1, 1, 1]} : vector<16x8x128xf32> to vector<1x8x128xf32>
      %squeeze3A_1011 = vector.shape_cast %slice3A_1010 : vector<1x8x128xf32> to vector<8x128xf32>
      %broadcast_in_dim3A_1012 = vector.shape_cast %broadcast_in_dim3A_994 : vector<1x1xf32> to vector<1x1xf32>
      %broadcast_in_dim3A_1013 = vector.broadcast %broadcast_in_dim3A_1012 : vector<1x1xf32> to vector<8x128xf32>
      %select_n3A_1014 = arith.select %and3A_1003, %broadcast_in_dim3A_1013, %squeeze3A_1011 : vector<8x128xi1>, vector<8x128xf32>
      %broadcast_in_dim3A_1015 = vector.shape_cast %select_n3A_1014 : vector<8x128xf32> to vector<1x8x128xf32>
      %slice3A_1016 = vector.extract_strided_slice %broadcast_in_dim3A_107 {offsets = [10, 0, 0], sizes = [1, 1, 1], strides = [1, 1, 1]} : vector<16x1x1xf32> to vector<1x1x1xf32>
      %squeeze3A_1017 = vector.shape_cast %slice3A_1016 : vector<1x1x1xf32> to vector<1x1xf32>
      %slice3A_1018 = vector.extract_strided_slice %broadcast_in_dim3A_100 {offsets = [10, 0, 0], sizes = [1, 1, 1], strides = [1, 1, 1]} : vector<16x1x1xf32> to vector<1x1x1xf32>
      %squeeze3A_1019 = vector.shape_cast %slice3A_1018 : vector<1x1x1xf32> to vector<1x1xf32>
      %squeeze3A_1020 = vector.extract %squeeze3A_1017[0, 0] : f32 from vector<1x1xf32>
      %convert_element_type3A_1021 = arith.fptosi %squeeze3A_1020 : f32 to i32
      %jit3A_1022 = arith.constant 91 : i32
      %div3A_1023 = arith.divsi %convert_element_type3A_1021, %jit3A_1022 : i32
      %sign3A_1024 = arith.constant 0 : i32
      %sign3A_1025 = arith.cmpi sgt, %convert_element_type3A_1021, %sign3A_1024 : i32
      %sign3A_1026 = arith.extui %sign3A_1025 : i1 to i32
      %sign3A_1027 = arith.constant 0 : i32
      %sign3A_1028 = arith.cmpi slt, %convert_element_type3A_1021, %sign3A_1027 : i32
      %sign3A_1029 = arith.extui %sign3A_1028 : i1 to i32
      %sign3A_1030 = arith.subi %sign3A_1026, %sign3A_1029 : i32
      %sign3A_1031 = arith.constant 0 : i32
      %sign3A_1032 = arith.cmpi sgt, %jit3A_1022, %sign3A_1031 : i32
      %sign3A_1033 = arith.extui %sign3A_1032 : i1 to i32
      %sign3A_1034 = arith.constant 0 : i32
      %sign3A_1035 = arith.cmpi slt, %jit3A_1022, %sign3A_1034 : i32
      %sign3A_1036 = arith.extui %sign3A_1035 : i1 to i32
      %sign3A_1037 = arith.subi %sign3A_1033, %sign3A_1036 : i32
      %ne3A_1038 = arith.cmpi ne, %sign3A_1030, %sign3A_1037 : i32
      %rem3A_1039 = arith.remsi %convert_element_type3A_1021, %jit3A_1022 : i32
      %ne3A_1040 = arith.constant 0 : i32
      %ne3A_1041 = arith.cmpi ne, %rem3A_1039, %ne3A_1040 : i32
      %and3A_1042 = arith.andi %ne3A_1038, %ne3A_1041 : i1
      %sub3A_1043 = arith.constant 1 : i32
      %sub3A_1044 = arith.subi %div3A_1023, %sub3A_1043 : i32
      %select_n3A_1045 = arith.select %and3A_1042, %sub3A_1044, %div3A_1023 : i32
      %get3A_1046 = arith.constant 10 : index
      %get3A_1047 = arith.index_cast %select_n3A_1045 : i32 to index
      %get3A_1048 = arith.constant 0 : index
      %get3A_1049 = vector.load %arg0[%get3A_1046, %get3A_1047, %get3A_1048] : memref<16x1024x128xf32, #tpu.memory_space<vmem>>, vector<1x1x128xf32>
      %get3A_1050 = vector.shape_cast %get3A_1049 : vector<1x1x128xf32> to vector<1x128xf32>
      %mul3A_1051 = arith.constant 91 : i32
      %mul3A_1052 = arith.muli %select_n3A_1045, %mul3A_1051 : i32
      %add3A_1053 = vector.broadcast %mul3A_1052 : i32 to vector<1x128xi32>
      %add3A_1054 = arith.addi %add3A_1053, %iota3A : vector<1x128xi32>
      %convert_element_type3A_1055 = arith.sitofp %add3A_1054 : vector<1x128xi32> to vector<1x128xf32>
      %lt3A_1056 = vector.broadcast %squeeze3A_1019 : vector<1x1xf32> to vector<1x128xf32>
      %lt3A_1057 = arith.cmpf olt, %get3A_1050, %lt3A_1056 : vector<1x128xf32>
      %eq3A_1058 = vector.broadcast %squeeze3A_1019 : vector<1x1xf32> to vector<1x128xf32>
      %eq3A_1059 = arith.cmpf oeq, %get3A_1050, %eq3A_1058 : vector<1x128xf32>
      %gt3A_1060 = vector.broadcast %squeeze3A_1017 : vector<1x1xf32> to vector<1x128xf32>
      %gt3A_1061 = arith.cmpf ogt, %convert_element_type3A_1055, %gt3A_1060 : vector<1x128xf32>
      %and3A_1062 = arith.andi %eq3A_1059, %gt3A_1061 : vector<1x128xi1>
      %or3A_1063 = arith.ori %lt3A_1057, %and3A_1062 : vector<1x128xi1>
      %jit3A_1064 = arith.constant -2.000000e+00 : f32
      %broadcast_in_dim3A_1065 = vector.broadcast %jit3A_1064 : f32 to vector<1x128xf32>
      %select_n3A_1066 = arith.select %or3A_1063, %get3A_1050, %broadcast_in_dim3A_1065 : vector<1x128xi1>, vector<1x128xf32>
      %reduce_max3A_1067 = vector.shape_cast %select_n3A_1066 : vector<1x128xf32> to vector<1x1x128xf32>
      %reduce_max3A_1068 = arith.constant dense<0xFF800000> : vector<1xf32>
      %reduce_max3A_1069 = vector.multi_reduction <maximumf>, %reduce_max3A_1067, %reduce_max3A_1068 [1, 2] : vector<1x1x128xf32> to vector<1xf32>
      %reduce_max3A_1070 = vector.shape_cast %reduce_max3A_1069 : vector<1xf32> to vector<1x1x1xf32>
      %reduce_max3A_1071 = vector.extract %reduce_max3A_1070[0, 0, 0] : f32 from vector<1x1x1xf32>
      %broadcast_in_dim3A_1072 = vector.broadcast %reduce_max3A_1071 : f32 to vector<1x1xf32>
      %eq3A_1073 = vector.broadcast %broadcast_in_dim3A_1072 : vector<1x1xf32> to vector<1x128xf32>
      %eq3A_1074 = arith.cmpf oeq, %select_n3A_1066, %eq3A_1073 : vector<1x128xf32>
      %jit3A_1075 = arith.constant 1.000000e+09 : f32
      %broadcast_in_dim3A_1076 = vector.broadcast %jit3A_1075 : f32 to vector<1x128xf32>
      %select_n3A_1077 = arith.select %eq3A_1074, %convert_element_type3A_1055, %broadcast_in_dim3A_1076 : vector<1x128xi1>, vector<1x128xf32>
      %reduce_min3A_1078 = vector.shape_cast %select_n3A_1077 : vector<1x128xf32> to vector<1x1x128xf32>
      %reduce_min3A_1079 = arith.constant dense<0x7F800000> : vector<1xf32>
      %reduce_min3A_1080 = vector.multi_reduction <minimumf>, %reduce_min3A_1078, %reduce_min3A_1079 [1, 2] : vector<1x1x128xf32> to vector<1xf32>
      %reduce_min3A_1081 = vector.shape_cast %reduce_min3A_1080 : vector<1xf32> to vector<1x1x1xf32>
      %reduce_min3A_1082 = vector.extract %reduce_min3A_1081[0, 0, 0] : f32 from vector<1x1x1xf32>
      %broadcast_in_dim3A_1083 = vector.broadcast %reduce_min3A_1082 : f32 to vector<1x1xf32>
      %slice3A_1084 = vector.extract_strided_slice %get3A_94 {offsets = [10, 0, 0], sizes = [1, 8, 128], strides = [1, 1, 1]} : vector<16x8x128xf32> to vector<1x8x128xf32>
      %squeeze3A_1085 = vector.shape_cast %slice3A_1084 : vector<1x8x128xf32> to vector<8x128xf32>
      %eq3A_1086 = vector.broadcast %squeeze3A_1019 : vector<1x1xf32> to vector<8x128xf32>
      %eq3A_1087 = arith.cmpf oeq, %squeeze3A_1085, %eq3A_1086 : vector<8x128xf32>
      %slice3A_1088 = vector.extract_strided_slice %get3A_98 {offsets = [10, 0, 0], sizes = [1, 8, 128], strides = [1, 1, 1]} : vector<16x8x128xf32> to vector<1x8x128xf32>
      %squeeze3A_1089 = vector.shape_cast %slice3A_1088 : vector<1x8x128xf32> to vector<8x128xf32>
      %eq3A_1090 = vector.broadcast %squeeze3A_1017 : vector<1x1xf32> to vector<8x128xf32>
      %eq3A_1091 = arith.cmpf oeq, %squeeze3A_1089, %eq3A_1090 : vector<8x128xf32>
      %and3A_1092 = arith.andi %eq3A_1087, %eq3A_1091 : vector<8x128xi1>
      %slice3A_1093 = vector.extract_strided_slice %get3A_94 {offsets = [10, 0, 0], sizes = [1, 8, 128], strides = [1, 1, 1]} : vector<16x8x128xf32> to vector<1x8x128xf32>
      %squeeze3A_1094 = vector.shape_cast %slice3A_1093 : vector<1x8x128xf32> to vector<8x128xf32>
      %broadcast_in_dim3A_1095 = vector.shape_cast %broadcast_in_dim3A_1072 : vector<1x1xf32> to vector<1x1xf32>
      %broadcast_in_dim3A_1096 = vector.broadcast %broadcast_in_dim3A_1095 : vector<1x1xf32> to vector<8x128xf32>
      %select_n3A_1097 = arith.select %and3A_1092, %broadcast_in_dim3A_1096, %squeeze3A_1094 : vector<8x128xi1>, vector<8x128xf32>
      %broadcast_in_dim3A_1098 = vector.shape_cast %select_n3A_1097 : vector<8x128xf32> to vector<1x8x128xf32>
      %slice3A_1099 = vector.extract_strided_slice %get3A_98 {offsets = [10, 0, 0], sizes = [1, 8, 128], strides = [1, 1, 1]} : vector<16x8x128xf32> to vector<1x8x128xf32>
      %squeeze3A_1100 = vector.shape_cast %slice3A_1099 : vector<1x8x128xf32> to vector<8x128xf32>
      %broadcast_in_dim3A_1101 = vector.shape_cast %broadcast_in_dim3A_1083 : vector<1x1xf32> to vector<1x1xf32>
      %broadcast_in_dim3A_1102 = vector.broadcast %broadcast_in_dim3A_1101 : vector<1x1xf32> to vector<8x128xf32>
      %select_n3A_1103 = arith.select %and3A_1092, %broadcast_in_dim3A_1102, %squeeze3A_1100 : vector<8x128xi1>, vector<8x128xf32>
      %broadcast_in_dim3A_1104 = vector.shape_cast %select_n3A_1103 : vector<8x128xf32> to vector<1x8x128xf32>
      %slice3A_1105 = vector.extract_strided_slice %broadcast_in_dim3A_107 {offsets = [11, 0, 0], sizes = [1, 1, 1], strides = [1, 1, 1]} : vector<16x1x1xf32> to vector<1x1x1xf32>
      %squeeze3A_1106 = vector.shape_cast %slice3A_1105 : vector<1x1x1xf32> to vector<1x1xf32>
      %slice3A_1107 = vector.extract_strided_slice %broadcast_in_dim3A_100 {offsets = [11, 0, 0], sizes = [1, 1, 1], strides = [1, 1, 1]} : vector<16x1x1xf32> to vector<1x1x1xf32>
      %squeeze3A_1108 = vector.shape_cast %slice3A_1107 : vector<1x1x1xf32> to vector<1x1xf32>
      %squeeze3A_1109 = vector.extract %squeeze3A_1106[0, 0] : f32 from vector<1x1xf32>
      %convert_element_type3A_1110 = arith.fptosi %squeeze3A_1109 : f32 to i32
      %jit3A_1111 = arith.constant 91 : i32
      %div3A_1112 = arith.divsi %convert_element_type3A_1110, %jit3A_1111 : i32
      %sign3A_1113 = arith.constant 0 : i32
      %sign3A_1114 = arith.cmpi sgt, %convert_element_type3A_1110, %sign3A_1113 : i32
      %sign3A_1115 = arith.extui %sign3A_1114 : i1 to i32
      %sign3A_1116 = arith.constant 0 : i32
      %sign3A_1117 = arith.cmpi slt, %convert_element_type3A_1110, %sign3A_1116 : i32
      %sign3A_1118 = arith.extui %sign3A_1117 : i1 to i32
      %sign3A_1119 = arith.subi %sign3A_1115, %sign3A_1118 : i32
      %sign3A_1120 = arith.constant 0 : i32
      %sign3A_1121 = arith.cmpi sgt, %jit3A_1111, %sign3A_1120 : i32
      %sign3A_1122 = arith.extui %sign3A_1121 : i1 to i32
      %sign3A_1123 = arith.constant 0 : i32
      %sign3A_1124 = arith.cmpi slt, %jit3A_1111, %sign3A_1123 : i32
      %sign3A_1125 = arith.extui %sign3A_1124 : i1 to i32
      %sign3A_1126 = arith.subi %sign3A_1122, %sign3A_1125 : i32
      %ne3A_1127 = arith.cmpi ne, %sign3A_1119, %sign3A_1126 : i32
      %rem3A_1128 = arith.remsi %convert_element_type3A_1110, %jit3A_1111 : i32
      %ne3A_1129 = arith.constant 0 : i32
      %ne3A_1130 = arith.cmpi ne, %rem3A_1128, %ne3A_1129 : i32
      %and3A_1131 = arith.andi %ne3A_1127, %ne3A_1130 : i1
      %sub3A_1132 = arith.constant 1 : i32
      %sub3A_1133 = arith.subi %div3A_1112, %sub3A_1132 : i32
      %select_n3A_1134 = arith.select %and3A_1131, %sub3A_1133, %div3A_1112 : i32
      %get3A_1135 = arith.constant 11 : index
      %get3A_1136 = arith.index_cast %select_n3A_1134 : i32 to index
      %get3A_1137 = arith.constant 0 : index
      %get3A_1138 = vector.load %arg0[%get3A_1135, %get3A_1136, %get3A_1137] : memref<16x1024x128xf32, #tpu.memory_space<vmem>>, vector<1x1x128xf32>
      %get3A_1139 = vector.shape_cast %get3A_1138 : vector<1x1x128xf32> to vector<1x128xf32>
      %mul3A_1140 = arith.constant 91 : i32
      %mul3A_1141 = arith.muli %select_n3A_1134, %mul3A_1140 : i32
      %add3A_1142 = vector.broadcast %mul3A_1141 : i32 to vector<1x128xi32>
      %add3A_1143 = arith.addi %add3A_1142, %iota3A : vector<1x128xi32>
      %convert_element_type3A_1144 = arith.sitofp %add3A_1143 : vector<1x128xi32> to vector<1x128xf32>
      %lt3A_1145 = vector.broadcast %squeeze3A_1108 : vector<1x1xf32> to vector<1x128xf32>
      %lt3A_1146 = arith.cmpf olt, %get3A_1139, %lt3A_1145 : vector<1x128xf32>
      %eq3A_1147 = vector.broadcast %squeeze3A_1108 : vector<1x1xf32> to vector<1x128xf32>
      %eq3A_1148 = arith.cmpf oeq, %get3A_1139, %eq3A_1147 : vector<1x128xf32>
      %gt3A_1149 = vector.broadcast %squeeze3A_1106 : vector<1x1xf32> to vector<1x128xf32>
      %gt3A_1150 = arith.cmpf ogt, %convert_element_type3A_1144, %gt3A_1149 : vector<1x128xf32>
      %and3A_1151 = arith.andi %eq3A_1148, %gt3A_1150 : vector<1x128xi1>
      %or3A_1152 = arith.ori %lt3A_1146, %and3A_1151 : vector<1x128xi1>
      %jit3A_1153 = arith.constant -2.000000e+00 : f32
      %broadcast_in_dim3A_1154 = vector.broadcast %jit3A_1153 : f32 to vector<1x128xf32>
      %select_n3A_1155 = arith.select %or3A_1152, %get3A_1139, %broadcast_in_dim3A_1154 : vector<1x128xi1>, vector<1x128xf32>
      %reduce_max3A_1156 = vector.shape_cast %select_n3A_1155 : vector<1x128xf32> to vector<1x1x128xf32>
      %reduce_max3A_1157 = arith.constant dense<0xFF800000> : vector<1xf32>
      %reduce_max3A_1158 = vector.multi_reduction <maximumf>, %reduce_max3A_1156, %reduce_max3A_1157 [1, 2] : vector<1x1x128xf32> to vector<1xf32>
      %reduce_max3A_1159 = vector.shape_cast %reduce_max3A_1158 : vector<1xf32> to vector<1x1x1xf32>
      %reduce_max3A_1160 = vector.extract %reduce_max3A_1159[0, 0, 0] : f32 from vector<1x1x1xf32>
      %broadcast_in_dim3A_1161 = vector.broadcast %reduce_max3A_1160 : f32 to vector<1x1xf32>
      %eq3A_1162 = vector.broadcast %broadcast_in_dim3A_1161 : vector<1x1xf32> to vector<1x128xf32>
      %eq3A_1163 = arith.cmpf oeq, %select_n3A_1155, %eq3A_1162 : vector<1x128xf32>
      %jit3A_1164 = arith.constant 1.000000e+09 : f32
      %broadcast_in_dim3A_1165 = vector.broadcast %jit3A_1164 : f32 to vector<1x128xf32>
      %select_n3A_1166 = arith.select %eq3A_1163, %convert_element_type3A_1144, %broadcast_in_dim3A_1165 : vector<1x128xi1>, vector<1x128xf32>
      %reduce_min3A_1167 = vector.shape_cast %select_n3A_1166 : vector<1x128xf32> to vector<1x1x128xf32>
      %reduce_min3A_1168 = arith.constant dense<0x7F800000> : vector<1xf32>
      %reduce_min3A_1169 = vector.multi_reduction <minimumf>, %reduce_min3A_1167, %reduce_min3A_1168 [1, 2] : vector<1x1x128xf32> to vector<1xf32>
      %reduce_min3A_1170 = vector.shape_cast %reduce_min3A_1169 : vector<1xf32> to vector<1x1x1xf32>
      %reduce_min3A_1171 = vector.extract %reduce_min3A_1170[0, 0, 0] : f32 from vector<1x1x1xf32>
      %broadcast_in_dim3A_1172 = vector.broadcast %reduce_min3A_1171 : f32 to vector<1x1xf32>
      %slice3A_1173 = vector.extract_strided_slice %get3A_94 {offsets = [11, 0, 0], sizes = [1, 8, 128], strides = [1, 1, 1]} : vector<16x8x128xf32> to vector<1x8x128xf32>
      %squeeze3A_1174 = vector.shape_cast %slice3A_1173 : vector<1x8x128xf32> to vector<8x128xf32>
      %eq3A_1175 = vector.broadcast %squeeze3A_1108 : vector<1x1xf32> to vector<8x128xf32>
      %eq3A_1176 = arith.cmpf oeq, %squeeze3A_1174, %eq3A_1175 : vector<8x128xf32>
      %slice3A_1177 = vector.extract_strided_slice %get3A_98 {offsets = [11, 0, 0], sizes = [1, 8, 128], strides = [1, 1, 1]} : vector<16x8x128xf32> to vector<1x8x128xf32>
      %squeeze3A_1178 = vector.shape_cast %slice3A_1177 : vector<1x8x128xf32> to vector<8x128xf32>
      %eq3A_1179 = vector.broadcast %squeeze3A_1106 : vector<1x1xf32> to vector<8x128xf32>
      %eq3A_1180 = arith.cmpf oeq, %squeeze3A_1178, %eq3A_1179 : vector<8x128xf32>
      %and3A_1181 = arith.andi %eq3A_1176, %eq3A_1180 : vector<8x128xi1>
      %slice3A_1182 = vector.extract_strided_slice %get3A_94 {offsets = [11, 0, 0], sizes = [1, 8, 128], strides = [1, 1, 1]} : vector<16x8x128xf32> to vector<1x8x128xf32>
      %squeeze3A_1183 = vector.shape_cast %slice3A_1182 : vector<1x8x128xf32> to vector<8x128xf32>
      %broadcast_in_dim3A_1184 = vector.shape_cast %broadcast_in_dim3A_1161 : vector<1x1xf32> to vector<1x1xf32>
      %broadcast_in_dim3A_1185 = vector.broadcast %broadcast_in_dim3A_1184 : vector<1x1xf32> to vector<8x128xf32>
      %select_n3A_1186 = arith.select %and3A_1181, %broadcast_in_dim3A_1185, %squeeze3A_1183 : vector<8x128xi1>, vector<8x128xf32>
      %broadcast_in_dim3A_1187 = vector.shape_cast %select_n3A_1186 : vector<8x128xf32> to vector<1x8x128xf32>
      %slice3A_1188 = vector.extract_strided_slice %get3A_98 {offsets = [11, 0, 0], sizes = [1, 8, 128], strides = [1, 1, 1]} : vector<16x8x128xf32> to vector<1x8x128xf32>
      %squeeze3A_1189 = vector.shape_cast %slice3A_1188 : vector<1x8x128xf32> to vector<8x128xf32>
      %broadcast_in_dim3A_1190 = vector.shape_cast %broadcast_in_dim3A_1172 : vector<1x1xf32> to vector<1x1xf32>
      %broadcast_in_dim3A_1191 = vector.broadcast %broadcast_in_dim3A_1190 : vector<1x1xf32> to vector<8x128xf32>
      %select_n3A_1192 = arith.select %and3A_1181, %broadcast_in_dim3A_1191, %squeeze3A_1189 : vector<8x128xi1>, vector<8x128xf32>
      %broadcast_in_dim3A_1193 = vector.shape_cast %select_n3A_1192 : vector<8x128xf32> to vector<1x8x128xf32>
      %slice3A_1194 = vector.extract_strided_slice %broadcast_in_dim3A_107 {offsets = [12, 0, 0], sizes = [1, 1, 1], strides = [1, 1, 1]} : vector<16x1x1xf32> to vector<1x1x1xf32>
      %squeeze3A_1195 = vector.shape_cast %slice3A_1194 : vector<1x1x1xf32> to vector<1x1xf32>
      %slice3A_1196 = vector.extract_strided_slice %broadcast_in_dim3A_100 {offsets = [12, 0, 0], sizes = [1, 1, 1], strides = [1, 1, 1]} : vector<16x1x1xf32> to vector<1x1x1xf32>
      %squeeze3A_1197 = vector.shape_cast %slice3A_1196 : vector<1x1x1xf32> to vector<1x1xf32>
      %squeeze3A_1198 = vector.extract %squeeze3A_1195[0, 0] : f32 from vector<1x1xf32>
      %convert_element_type3A_1199 = arith.fptosi %squeeze3A_1198 : f32 to i32
      %jit3A_1200 = arith.constant 91 : i32
      %div3A_1201 = arith.divsi %convert_element_type3A_1199, %jit3A_1200 : i32
      %sign3A_1202 = arith.constant 0 : i32
      %sign3A_1203 = arith.cmpi sgt, %convert_element_type3A_1199, %sign3A_1202 : i32
      %sign3A_1204 = arith.extui %sign3A_1203 : i1 to i32
      %sign3A_1205 = arith.constant 0 : i32
      %sign3A_1206 = arith.cmpi slt, %convert_element_type3A_1199, %sign3A_1205 : i32
      %sign3A_1207 = arith.extui %sign3A_1206 : i1 to i32
      %sign3A_1208 = arith.subi %sign3A_1204, %sign3A_1207 : i32
      %sign3A_1209 = arith.constant 0 : i32
      %sign3A_1210 = arith.cmpi sgt, %jit3A_1200, %sign3A_1209 : i32
      %sign3A_1211 = arith.extui %sign3A_1210 : i1 to i32
      %sign3A_1212 = arith.constant 0 : i32
      %sign3A_1213 = arith.cmpi slt, %jit3A_1200, %sign3A_1212 : i32
      %sign3A_1214 = arith.extui %sign3A_1213 : i1 to i32
      %sign3A_1215 = arith.subi %sign3A_1211, %sign3A_1214 : i32
      %ne3A_1216 = arith.cmpi ne, %sign3A_1208, %sign3A_1215 : i32
      %rem3A_1217 = arith.remsi %convert_element_type3A_1199, %jit3A_1200 : i32
      %ne3A_1218 = arith.constant 0 : i32
      %ne3A_1219 = arith.cmpi ne, %rem3A_1217, %ne3A_1218 : i32
      %and3A_1220 = arith.andi %ne3A_1216, %ne3A_1219 : i1
      %sub3A_1221 = arith.constant 1 : i32
      %sub3A_1222 = arith.subi %div3A_1201, %sub3A_1221 : i32
      %select_n3A_1223 = arith.select %and3A_1220, %sub3A_1222, %div3A_1201 : i32
      %get3A_1224 = arith.constant 12 : index
      %get3A_1225 = arith.index_cast %select_n3A_1223 : i32 to index
      %get3A_1226 = arith.constant 0 : index
      %get3A_1227 = vector.load %arg0[%get3A_1224, %get3A_1225, %get3A_1226] : memref<16x1024x128xf32, #tpu.memory_space<vmem>>, vector<1x1x128xf32>
      %get3A_1228 = vector.shape_cast %get3A_1227 : vector<1x1x128xf32> to vector<1x128xf32>
      %mul3A_1229 = arith.constant 91 : i32
      %mul3A_1230 = arith.muli %select_n3A_1223, %mul3A_1229 : i32
      %add3A_1231 = vector.broadcast %mul3A_1230 : i32 to vector<1x128xi32>
      %add3A_1232 = arith.addi %add3A_1231, %iota3A : vector<1x128xi32>
      %convert_element_type3A_1233 = arith.sitofp %add3A_1232 : vector<1x128xi32> to vector<1x128xf32>
      %lt3A_1234 = vector.broadcast %squeeze3A_1197 : vector<1x1xf32> to vector<1x128xf32>
      %lt3A_1235 = arith.cmpf olt, %get3A_1228, %lt3A_1234 : vector<1x128xf32>
      %eq3A_1236 = vector.broadcast %squeeze3A_1197 : vector<1x1xf32> to vector<1x128xf32>
      %eq3A_1237 = arith.cmpf oeq, %get3A_1228, %eq3A_1236 : vector<1x128xf32>
      %gt3A_1238 = vector.broadcast %squeeze3A_1195 : vector<1x1xf32> to vector<1x128xf32>
      %gt3A_1239 = arith.cmpf ogt, %convert_element_type3A_1233, %gt3A_1238 : vector<1x128xf32>
      %and3A_1240 = arith.andi %eq3A_1237, %gt3A_1239 : vector<1x128xi1>
      %or3A_1241 = arith.ori %lt3A_1235, %and3A_1240 : vector<1x128xi1>
      %jit3A_1242 = arith.constant -2.000000e+00 : f32
      %broadcast_in_dim3A_1243 = vector.broadcast %jit3A_1242 : f32 to vector<1x128xf32>
      %select_n3A_1244 = arith.select %or3A_1241, %get3A_1228, %broadcast_in_dim3A_1243 : vector<1x128xi1>, vector<1x128xf32>
      %reduce_max3A_1245 = vector.shape_cast %select_n3A_1244 : vector<1x128xf32> to vector<1x1x128xf32>
      %reduce_max3A_1246 = arith.constant dense<0xFF800000> : vector<1xf32>
      %reduce_max3A_1247 = vector.multi_reduction <maximumf>, %reduce_max3A_1245, %reduce_max3A_1246 [1, 2] : vector<1x1x128xf32> to vector<1xf32>
      %reduce_max3A_1248 = vector.shape_cast %reduce_max3A_1247 : vector<1xf32> to vector<1x1x1xf32>
      %reduce_max3A_1249 = vector.extract %reduce_max3A_1248[0, 0, 0] : f32 from vector<1x1x1xf32>
      %broadcast_in_dim3A_1250 = vector.broadcast %reduce_max3A_1249 : f32 to vector<1x1xf32>
      %eq3A_1251 = vector.broadcast %broadcast_in_dim3A_1250 : vector<1x1xf32> to vector<1x128xf32>
      %eq3A_1252 = arith.cmpf oeq, %select_n3A_1244, %eq3A_1251 : vector<1x128xf32>
      %jit3A_1253 = arith.constant 1.000000e+09 : f32
      %broadcast_in_dim3A_1254 = vector.broadcast %jit3A_1253 : f32 to vector<1x128xf32>
      %select_n3A_1255 = arith.select %eq3A_1252, %convert_element_type3A_1233, %broadcast_in_dim3A_1254 : vector<1x128xi1>, vector<1x128xf32>
      %reduce_min3A_1256 = vector.shape_cast %select_n3A_1255 : vector<1x128xf32> to vector<1x1x128xf32>
      %reduce_min3A_1257 = arith.constant dense<0x7F800000> : vector<1xf32>
      %reduce_min3A_1258 = vector.multi_reduction <minimumf>, %reduce_min3A_1256, %reduce_min3A_1257 [1, 2] : vector<1x1x128xf32> to vector<1xf32>
      %reduce_min3A_1259 = vector.shape_cast %reduce_min3A_1258 : vector<1xf32> to vector<1x1x1xf32>
      %reduce_min3A_1260 = vector.extract %reduce_min3A_1259[0, 0, 0] : f32 from vector<1x1x1xf32>
      %broadcast_in_dim3A_1261 = vector.broadcast %reduce_min3A_1260 : f32 to vector<1x1xf32>
      %slice3A_1262 = vector.extract_strided_slice %get3A_94 {offsets = [12, 0, 0], sizes = [1, 8, 128], strides = [1, 1, 1]} : vector<16x8x128xf32> to vector<1x8x128xf32>
      %squeeze3A_1263 = vector.shape_cast %slice3A_1262 : vector<1x8x128xf32> to vector<8x128xf32>
      %eq3A_1264 = vector.broadcast %squeeze3A_1197 : vector<1x1xf32> to vector<8x128xf32>
      %eq3A_1265 = arith.cmpf oeq, %squeeze3A_1263, %eq3A_1264 : vector<8x128xf32>
      %slice3A_1266 = vector.extract_strided_slice %get3A_98 {offsets = [12, 0, 0], sizes = [1, 8, 128], strides = [1, 1, 1]} : vector<16x8x128xf32> to vector<1x8x128xf32>
      %squeeze3A_1267 = vector.shape_cast %slice3A_1266 : vector<1x8x128xf32> to vector<8x128xf32>
      %eq3A_1268 = vector.broadcast %squeeze3A_1195 : vector<1x1xf32> to vector<8x128xf32>
      %eq3A_1269 = arith.cmpf oeq, %squeeze3A_1267, %eq3A_1268 : vector<8x128xf32>
      %and3A_1270 = arith.andi %eq3A_1265, %eq3A_1269 : vector<8x128xi1>
      %slice3A_1271 = vector.extract_strided_slice %get3A_94 {offsets = [12, 0, 0], sizes = [1, 8, 128], strides = [1, 1, 1]} : vector<16x8x128xf32> to vector<1x8x128xf32>
      %squeeze3A_1272 = vector.shape_cast %slice3A_1271 : vector<1x8x128xf32> to vector<8x128xf32>
      %broadcast_in_dim3A_1273 = vector.shape_cast %broadcast_in_dim3A_1250 : vector<1x1xf32> to vector<1x1xf32>
      %broadcast_in_dim3A_1274 = vector.broadcast %broadcast_in_dim3A_1273 : vector<1x1xf32> to vector<8x128xf32>
      %select_n3A_1275 = arith.select %and3A_1270, %broadcast_in_dim3A_1274, %squeeze3A_1272 : vector<8x128xi1>, vector<8x128xf32>
      %broadcast_in_dim3A_1276 = vector.shape_cast %select_n3A_1275 : vector<8x128xf32> to vector<1x8x128xf32>
      %slice3A_1277 = vector.extract_strided_slice %get3A_98 {offsets = [12, 0, 0], sizes = [1, 8, 128], strides = [1, 1, 1]} : vector<16x8x128xf32> to vector<1x8x128xf32>
      %squeeze3A_1278 = vector.shape_cast %slice3A_1277 : vector<1x8x128xf32> to vector<8x128xf32>
      %broadcast_in_dim3A_1279 = vector.shape_cast %broadcast_in_dim3A_1261 : vector<1x1xf32> to vector<1x1xf32>
      %broadcast_in_dim3A_1280 = vector.broadcast %broadcast_in_dim3A_1279 : vector<1x1xf32> to vector<8x128xf32>
      %select_n3A_1281 = arith.select %and3A_1270, %broadcast_in_dim3A_1280, %squeeze3A_1278 : vector<8x128xi1>, vector<8x128xf32>
      %broadcast_in_dim3A_1282 = vector.shape_cast %select_n3A_1281 : vector<8x128xf32> to vector<1x8x128xf32>
      %slice3A_1283 = vector.extract_strided_slice %broadcast_in_dim3A_107 {offsets = [13, 0, 0], sizes = [1, 1, 1], strides = [1, 1, 1]} : vector<16x1x1xf32> to vector<1x1x1xf32>
      %squeeze3A_1284 = vector.shape_cast %slice3A_1283 : vector<1x1x1xf32> to vector<1x1xf32>
      %slice3A_1285 = vector.extract_strided_slice %broadcast_in_dim3A_100 {offsets = [13, 0, 0], sizes = [1, 1, 1], strides = [1, 1, 1]} : vector<16x1x1xf32> to vector<1x1x1xf32>
      %squeeze3A_1286 = vector.shape_cast %slice3A_1285 : vector<1x1x1xf32> to vector<1x1xf32>
      %squeeze3A_1287 = vector.extract %squeeze3A_1284[0, 0] : f32 from vector<1x1xf32>
      %convert_element_type3A_1288 = arith.fptosi %squeeze3A_1287 : f32 to i32
      %jit3A_1289 = arith.constant 91 : i32
      %div3A_1290 = arith.divsi %convert_element_type3A_1288, %jit3A_1289 : i32
      %sign3A_1291 = arith.constant 0 : i32
      %sign3A_1292 = arith.cmpi sgt, %convert_element_type3A_1288, %sign3A_1291 : i32
      %sign3A_1293 = arith.extui %sign3A_1292 : i1 to i32
      %sign3A_1294 = arith.constant 0 : i32
      %sign3A_1295 = arith.cmpi slt, %convert_element_type3A_1288, %sign3A_1294 : i32
      %sign3A_1296 = arith.extui %sign3A_1295 : i1 to i32
      %sign3A_1297 = arith.subi %sign3A_1293, %sign3A_1296 : i32
      %sign3A_1298 = arith.constant 0 : i32
      %sign3A_1299 = arith.cmpi sgt, %jit3A_1289, %sign3A_1298 : i32
      %sign3A_1300 = arith.extui %sign3A_1299 : i1 to i32
      %sign3A_1301 = arith.constant 0 : i32
      %sign3A_1302 = arith.cmpi slt, %jit3A_1289, %sign3A_1301 : i32
      %sign3A_1303 = arith.extui %sign3A_1302 : i1 to i32
      %sign3A_1304 = arith.subi %sign3A_1300, %sign3A_1303 : i32
      %ne3A_1305 = arith.cmpi ne, %sign3A_1297, %sign3A_1304 : i32
      %rem3A_1306 = arith.remsi %convert_element_type3A_1288, %jit3A_1289 : i32
      %ne3A_1307 = arith.constant 0 : i32
      %ne3A_1308 = arith.cmpi ne, %rem3A_1306, %ne3A_1307 : i32
      %and3A_1309 = arith.andi %ne3A_1305, %ne3A_1308 : i1
      %sub3A_1310 = arith.constant 1 : i32
      %sub3A_1311 = arith.subi %div3A_1290, %sub3A_1310 : i32
      %select_n3A_1312 = arith.select %and3A_1309, %sub3A_1311, %div3A_1290 : i32
      %get3A_1313 = arith.constant 13 : index
      %get3A_1314 = arith.index_cast %select_n3A_1312 : i32 to index
      %get3A_1315 = arith.constant 0 : index
      %get3A_1316 = vector.load %arg0[%get3A_1313, %get3A_1314, %get3A_1315] : memref<16x1024x128xf32, #tpu.memory_space<vmem>>, vector<1x1x128xf32>
      %get3A_1317 = vector.shape_cast %get3A_1316 : vector<1x1x128xf32> to vector<1x128xf32>
      %mul3A_1318 = arith.constant 91 : i32
      %mul3A_1319 = arith.muli %select_n3A_1312, %mul3A_1318 : i32
      %add3A_1320 = vector.broadcast %mul3A_1319 : i32 to vector<1x128xi32>
      %add3A_1321 = arith.addi %add3A_1320, %iota3A : vector<1x128xi32>
      %convert_element_type3A_1322 = arith.sitofp %add3A_1321 : vector<1x128xi32> to vector<1x128xf32>
      %lt3A_1323 = vector.broadcast %squeeze3A_1286 : vector<1x1xf32> to vector<1x128xf32>
      %lt3A_1324 = arith.cmpf olt, %get3A_1317, %lt3A_1323 : vector<1x128xf32>
      %eq3A_1325 = vector.broadcast %squeeze3A_1286 : vector<1x1xf32> to vector<1x128xf32>
      %eq3A_1326 = arith.cmpf oeq, %get3A_1317, %eq3A_1325 : vector<1x128xf32>
      %gt3A_1327 = vector.broadcast %squeeze3A_1284 : vector<1x1xf32> to vector<1x128xf32>
      %gt3A_1328 = arith.cmpf ogt, %convert_element_type3A_1322, %gt3A_1327 : vector<1x128xf32>
      %and3A_1329 = arith.andi %eq3A_1326, %gt3A_1328 : vector<1x128xi1>
      %or3A_1330 = arith.ori %lt3A_1324, %and3A_1329 : vector<1x128xi1>
      %jit3A_1331 = arith.constant -2.000000e+00 : f32
      %broadcast_in_dim3A_1332 = vector.broadcast %jit3A_1331 : f32 to vector<1x128xf32>
      %select_n3A_1333 = arith.select %or3A_1330, %get3A_1317, %broadcast_in_dim3A_1332 : vector<1x128xi1>, vector<1x128xf32>
      %reduce_max3A_1334 = vector.shape_cast %select_n3A_1333 : vector<1x128xf32> to vector<1x1x128xf32>
      %reduce_max3A_1335 = arith.constant dense<0xFF800000> : vector<1xf32>
      %reduce_max3A_1336 = vector.multi_reduction <maximumf>, %reduce_max3A_1334, %reduce_max3A_1335 [1, 2] : vector<1x1x128xf32> to vector<1xf32>
      %reduce_max3A_1337 = vector.shape_cast %reduce_max3A_1336 : vector<1xf32> to vector<1x1x1xf32>
      %reduce_max3A_1338 = vector.extract %reduce_max3A_1337[0, 0, 0] : f32 from vector<1x1x1xf32>
      %broadcast_in_dim3A_1339 = vector.broadcast %reduce_max3A_1338 : f32 to vector<1x1xf32>
      %eq3A_1340 = vector.broadcast %broadcast_in_dim3A_1339 : vector<1x1xf32> to vector<1x128xf32>
      %eq3A_1341 = arith.cmpf oeq, %select_n3A_1333, %eq3A_1340 : vector<1x128xf32>
      %jit3A_1342 = arith.constant 1.000000e+09 : f32
      %broadcast_in_dim3A_1343 = vector.broadcast %jit3A_1342 : f32 to vector<1x128xf32>
      %select_n3A_1344 = arith.select %eq3A_1341, %convert_element_type3A_1322, %broadcast_in_dim3A_1343 : vector<1x128xi1>, vector<1x128xf32>
      %reduce_min3A_1345 = vector.shape_cast %select_n3A_1344 : vector<1x128xf32> to vector<1x1x128xf32>
      %reduce_min3A_1346 = arith.constant dense<0x7F800000> : vector<1xf32>
      %reduce_min3A_1347 = vector.multi_reduction <minimumf>, %reduce_min3A_1345, %reduce_min3A_1346 [1, 2] : vector<1x1x128xf32> to vector<1xf32>
      %reduce_min3A_1348 = vector.shape_cast %reduce_min3A_1347 : vector<1xf32> to vector<1x1x1xf32>
      %reduce_min3A_1349 = vector.extract %reduce_min3A_1348[0, 0, 0] : f32 from vector<1x1x1xf32>
      %broadcast_in_dim3A_1350 = vector.broadcast %reduce_min3A_1349 : f32 to vector<1x1xf32>
      %slice3A_1351 = vector.extract_strided_slice %get3A_94 {offsets = [13, 0, 0], sizes = [1, 8, 128], strides = [1, 1, 1]} : vector<16x8x128xf32> to vector<1x8x128xf32>
      %squeeze3A_1352 = vector.shape_cast %slice3A_1351 : vector<1x8x128xf32> to vector<8x128xf32>
      %eq3A_1353 = vector.broadcast %squeeze3A_1286 : vector<1x1xf32> to vector<8x128xf32>
      %eq3A_1354 = arith.cmpf oeq, %squeeze3A_1352, %eq3A_1353 : vector<8x128xf32>
      %slice3A_1355 = vector.extract_strided_slice %get3A_98 {offsets = [13, 0, 0], sizes = [1, 8, 128], strides = [1, 1, 1]} : vector<16x8x128xf32> to vector<1x8x128xf32>
      %squeeze3A_1356 = vector.shape_cast %slice3A_1355 : vector<1x8x128xf32> to vector<8x128xf32>
      %eq3A_1357 = vector.broadcast %squeeze3A_1284 : vector<1x1xf32> to vector<8x128xf32>
      %eq3A_1358 = arith.cmpf oeq, %squeeze3A_1356, %eq3A_1357 : vector<8x128xf32>
      %and3A_1359 = arith.andi %eq3A_1354, %eq3A_1358 : vector<8x128xi1>
      %slice3A_1360 = vector.extract_strided_slice %get3A_94 {offsets = [13, 0, 0], sizes = [1, 8, 128], strides = [1, 1, 1]} : vector<16x8x128xf32> to vector<1x8x128xf32>
      %squeeze3A_1361 = vector.shape_cast %slice3A_1360 : vector<1x8x128xf32> to vector<8x128xf32>
      %broadcast_in_dim3A_1362 = vector.shape_cast %broadcast_in_dim3A_1339 : vector<1x1xf32> to vector<1x1xf32>
      %broadcast_in_dim3A_1363 = vector.broadcast %broadcast_in_dim3A_1362 : vector<1x1xf32> to vector<8x128xf32>
      %select_n3A_1364 = arith.select %and3A_1359, %broadcast_in_dim3A_1363, %squeeze3A_1361 : vector<8x128xi1>, vector<8x128xf32>
      %broadcast_in_dim3A_1365 = vector.shape_cast %select_n3A_1364 : vector<8x128xf32> to vector<1x8x128xf32>
      %slice3A_1366 = vector.extract_strided_slice %get3A_98 {offsets = [13, 0, 0], sizes = [1, 8, 128], strides = [1, 1, 1]} : vector<16x8x128xf32> to vector<1x8x128xf32>
      %squeeze3A_1367 = vector.shape_cast %slice3A_1366 : vector<1x8x128xf32> to vector<8x128xf32>
      %broadcast_in_dim3A_1368 = vector.shape_cast %broadcast_in_dim3A_1350 : vector<1x1xf32> to vector<1x1xf32>
      %broadcast_in_dim3A_1369 = vector.broadcast %broadcast_in_dim3A_1368 : vector<1x1xf32> to vector<8x128xf32>
      %select_n3A_1370 = arith.select %and3A_1359, %broadcast_in_dim3A_1369, %squeeze3A_1367 : vector<8x128xi1>, vector<8x128xf32>
      %broadcast_in_dim3A_1371 = vector.shape_cast %select_n3A_1370 : vector<8x128xf32> to vector<1x8x128xf32>
      %slice3A_1372 = vector.extract_strided_slice %broadcast_in_dim3A_107 {offsets = [14, 0, 0], sizes = [1, 1, 1], strides = [1, 1, 1]} : vector<16x1x1xf32> to vector<1x1x1xf32>
      %squeeze3A_1373 = vector.shape_cast %slice3A_1372 : vector<1x1x1xf32> to vector<1x1xf32>
      %slice3A_1374 = vector.extract_strided_slice %broadcast_in_dim3A_100 {offsets = [14, 0, 0], sizes = [1, 1, 1], strides = [1, 1, 1]} : vector<16x1x1xf32> to vector<1x1x1xf32>
      %squeeze3A_1375 = vector.shape_cast %slice3A_1374 : vector<1x1x1xf32> to vector<1x1xf32>
      %squeeze3A_1376 = vector.extract %squeeze3A_1373[0, 0] : f32 from vector<1x1xf32>
      %convert_element_type3A_1377 = arith.fptosi %squeeze3A_1376 : f32 to i32
      %jit3A_1378 = arith.constant 91 : i32
      %div3A_1379 = arith.divsi %convert_element_type3A_1377, %jit3A_1378 : i32
      %sign3A_1380 = arith.constant 0 : i32
      %sign3A_1381 = arith.cmpi sgt, %convert_element_type3A_1377, %sign3A_1380 : i32
      %sign3A_1382 = arith.extui %sign3A_1381 : i1 to i32
      %sign3A_1383 = arith.constant 0 : i32
      %sign3A_1384 = arith.cmpi slt, %convert_element_type3A_1377, %sign3A_1383 : i32
      %sign3A_1385 = arith.extui %sign3A_1384 : i1 to i32
      %sign3A_1386 = arith.subi %sign3A_1382, %sign3A_1385 : i32
      %sign3A_1387 = arith.constant 0 : i32
      %sign3A_1388 = arith.cmpi sgt, %jit3A_1378, %sign3A_1387 : i32
      %sign3A_1389 = arith.extui %sign3A_1388 : i1 to i32
      %sign3A_1390 = arith.constant 0 : i32
      %sign3A_1391 = arith.cmpi slt, %jit3A_1378, %sign3A_1390 : i32
      %sign3A_1392 = arith.extui %sign3A_1391 : i1 to i32
      %sign3A_1393 = arith.subi %sign3A_1389, %sign3A_1392 : i32
      %ne3A_1394 = arith.cmpi ne, %sign3A_1386, %sign3A_1393 : i32
      %rem3A_1395 = arith.remsi %convert_element_type3A_1377, %jit3A_1378 : i32
      %ne3A_1396 = arith.constant 0 : i32
      %ne3A_1397 = arith.cmpi ne, %rem3A_1395, %ne3A_1396 : i32
      %and3A_1398 = arith.andi %ne3A_1394, %ne3A_1397 : i1
      %sub3A_1399 = arith.constant 1 : i32
      %sub3A_1400 = arith.subi %div3A_1379, %sub3A_1399 : i32
      %select_n3A_1401 = arith.select %and3A_1398, %sub3A_1400, %div3A_1379 : i32
      %get3A_1402 = arith.constant 14 : index
      %get3A_1403 = arith.index_cast %select_n3A_1401 : i32 to index
      %get3A_1404 = arith.constant 0 : index
      %get3A_1405 = vector.load %arg0[%get3A_1402, %get3A_1403, %get3A_1404] : memref<16x1024x128xf32, #tpu.memory_space<vmem>>, vector<1x1x128xf32>
      %get3A_1406 = vector.shape_cast %get3A_1405 : vector<1x1x128xf32> to vector<1x128xf32>
      %mul3A_1407 = arith.constant 91 : i32
      %mul3A_1408 = arith.muli %select_n3A_1401, %mul3A_1407 : i32
      %add3A_1409 = vector.broadcast %mul3A_1408 : i32 to vector<1x128xi32>
      %add3A_1410 = arith.addi %add3A_1409, %iota3A : vector<1x128xi32>
      %convert_element_type3A_1411 = arith.sitofp %add3A_1410 : vector<1x128xi32> to vector<1x128xf32>
      %lt3A_1412 = vector.broadcast %squeeze3A_1375 : vector<1x1xf32> to vector<1x128xf32>
      %lt3A_1413 = arith.cmpf olt, %get3A_1406, %lt3A_1412 : vector<1x128xf32>
      %eq3A_1414 = vector.broadcast %squeeze3A_1375 : vector<1x1xf32> to vector<1x128xf32>
      %eq3A_1415 = arith.cmpf oeq, %get3A_1406, %eq3A_1414 : vector<1x128xf32>
      %gt3A_1416 = vector.broadcast %squeeze3A_1373 : vector<1x1xf32> to vector<1x128xf32>
      %gt3A_1417 = arith.cmpf ogt, %convert_element_type3A_1411, %gt3A_1416 : vector<1x128xf32>
      %and3A_1418 = arith.andi %eq3A_1415, %gt3A_1417 : vector<1x128xi1>
      %or3A_1419 = arith.ori %lt3A_1413, %and3A_1418 : vector<1x128xi1>
      %jit3A_1420 = arith.constant -2.000000e+00 : f32
      %broadcast_in_dim3A_1421 = vector.broadcast %jit3A_1420 : f32 to vector<1x128xf32>
      %select_n3A_1422 = arith.select %or3A_1419, %get3A_1406, %broadcast_in_dim3A_1421 : vector<1x128xi1>, vector<1x128xf32>
      %reduce_max3A_1423 = vector.shape_cast %select_n3A_1422 : vector<1x128xf32> to vector<1x1x128xf32>
      %reduce_max3A_1424 = arith.constant dense<0xFF800000> : vector<1xf32>
      %reduce_max3A_1425 = vector.multi_reduction <maximumf>, %reduce_max3A_1423, %reduce_max3A_1424 [1, 2] : vector<1x1x128xf32> to vector<1xf32>
      %reduce_max3A_1426 = vector.shape_cast %reduce_max3A_1425 : vector<1xf32> to vector<1x1x1xf32>
      %reduce_max3A_1427 = vector.extract %reduce_max3A_1426[0, 0, 0] : f32 from vector<1x1x1xf32>
      %broadcast_in_dim3A_1428 = vector.broadcast %reduce_max3A_1427 : f32 to vector<1x1xf32>
      %eq3A_1429 = vector.broadcast %broadcast_in_dim3A_1428 : vector<1x1xf32> to vector<1x128xf32>
      %eq3A_1430 = arith.cmpf oeq, %select_n3A_1422, %eq3A_1429 : vector<1x128xf32>
      %jit3A_1431 = arith.constant 1.000000e+09 : f32
      %broadcast_in_dim3A_1432 = vector.broadcast %jit3A_1431 : f32 to vector<1x128xf32>
      %select_n3A_1433 = arith.select %eq3A_1430, %convert_element_type3A_1411, %broadcast_in_dim3A_1432 : vector<1x128xi1>, vector<1x128xf32>
      %reduce_min3A_1434 = vector.shape_cast %select_n3A_1433 : vector<1x128xf32> to vector<1x1x128xf32>
      %reduce_min3A_1435 = arith.constant dense<0x7F800000> : vector<1xf32>
      %reduce_min3A_1436 = vector.multi_reduction <minimumf>, %reduce_min3A_1434, %reduce_min3A_1435 [1, 2] : vector<1x1x128xf32> to vector<1xf32>
      %reduce_min3A_1437 = vector.shape_cast %reduce_min3A_1436 : vector<1xf32> to vector<1x1x1xf32>
      %reduce_min3A_1438 = vector.extract %reduce_min3A_1437[0, 0, 0] : f32 from vector<1x1x1xf32>
      %broadcast_in_dim3A_1439 = vector.broadcast %reduce_min3A_1438 : f32 to vector<1x1xf32>
      %slice3A_1440 = vector.extract_strided_slice %get3A_94 {offsets = [14, 0, 0], sizes = [1, 8, 128], strides = [1, 1, 1]} : vector<16x8x128xf32> to vector<1x8x128xf32>
      %squeeze3A_1441 = vector.shape_cast %slice3A_1440 : vector<1x8x128xf32> to vector<8x128xf32>
      %eq3A_1442 = vector.broadcast %squeeze3A_1375 : vector<1x1xf32> to vector<8x128xf32>
      %eq3A_1443 = arith.cmpf oeq, %squeeze3A_1441, %eq3A_1442 : vector<8x128xf32>
      %slice3A_1444 = vector.extract_strided_slice %get3A_98 {offsets = [14, 0, 0], sizes = [1, 8, 128], strides = [1, 1, 1]} : vector<16x8x128xf32> to vector<1x8x128xf32>
      %squeeze3A_1445 = vector.shape_cast %slice3A_1444 : vector<1x8x128xf32> to vector<8x128xf32>
      %eq3A_1446 = vector.broadcast %squeeze3A_1373 : vector<1x1xf32> to vector<8x128xf32>
      %eq3A_1447 = arith.cmpf oeq, %squeeze3A_1445, %eq3A_1446 : vector<8x128xf32>
      %and3A_1448 = arith.andi %eq3A_1443, %eq3A_1447 : vector<8x128xi1>
      %slice3A_1449 = vector.extract_strided_slice %get3A_94 {offsets = [14, 0, 0], sizes = [1, 8, 128], strides = [1, 1, 1]} : vector<16x8x128xf32> to vector<1x8x128xf32>
      %squeeze3A_1450 = vector.shape_cast %slice3A_1449 : vector<1x8x128xf32> to vector<8x128xf32>
      %broadcast_in_dim3A_1451 = vector.shape_cast %broadcast_in_dim3A_1428 : vector<1x1xf32> to vector<1x1xf32>
      %broadcast_in_dim3A_1452 = vector.broadcast %broadcast_in_dim3A_1451 : vector<1x1xf32> to vector<8x128xf32>
      %select_n3A_1453 = arith.select %and3A_1448, %broadcast_in_dim3A_1452, %squeeze3A_1450 : vector<8x128xi1>, vector<8x128xf32>
      %broadcast_in_dim3A_1454 = vector.shape_cast %select_n3A_1453 : vector<8x128xf32> to vector<1x8x128xf32>
      %slice3A_1455 = vector.extract_strided_slice %get3A_98 {offsets = [14, 0, 0], sizes = [1, 8, 128], strides = [1, 1, 1]} : vector<16x8x128xf32> to vector<1x8x128xf32>
      %squeeze3A_1456 = vector.shape_cast %slice3A_1455 : vector<1x8x128xf32> to vector<8x128xf32>
      %broadcast_in_dim3A_1457 = vector.shape_cast %broadcast_in_dim3A_1439 : vector<1x1xf32> to vector<1x1xf32>
      %broadcast_in_dim3A_1458 = vector.broadcast %broadcast_in_dim3A_1457 : vector<1x1xf32> to vector<8x128xf32>
      %select_n3A_1459 = arith.select %and3A_1448, %broadcast_in_dim3A_1458, %squeeze3A_1456 : vector<8x128xi1>, vector<8x128xf32>
      %broadcast_in_dim3A_1460 = vector.shape_cast %select_n3A_1459 : vector<8x128xf32> to vector<1x8x128xf32>
      %slice3A_1461 = vector.extract_strided_slice %broadcast_in_dim3A_107 {offsets = [15, 0, 0], sizes = [1, 1, 1], strides = [1, 1, 1]} : vector<16x1x1xf32> to vector<1x1x1xf32>
      %squeeze3A_1462 = vector.shape_cast %slice3A_1461 : vector<1x1x1xf32> to vector<1x1xf32>
      %slice3A_1463 = vector.extract_strided_slice %broadcast_in_dim3A_100 {offsets = [15, 0, 0], sizes = [1, 1, 1], strides = [1, 1, 1]} : vector<16x1x1xf32> to vector<1x1x1xf32>
      %squeeze3A_1464 = vector.shape_cast %slice3A_1463 : vector<1x1x1xf32> to vector<1x1xf32>
      %squeeze3A_1465 = vector.extract %squeeze3A_1462[0, 0] : f32 from vector<1x1xf32>
      %convert_element_type3A_1466 = arith.fptosi %squeeze3A_1465 : f32 to i32
      %jit3A_1467 = arith.constant 91 : i32
      %div3A_1468 = arith.divsi %convert_element_type3A_1466, %jit3A_1467 : i32
      %sign3A_1469 = arith.constant 0 : i32
      %sign3A_1470 = arith.cmpi sgt, %convert_element_type3A_1466, %sign3A_1469 : i32
      %sign3A_1471 = arith.extui %sign3A_1470 : i1 to i32
      %sign3A_1472 = arith.constant 0 : i32
      %sign3A_1473 = arith.cmpi slt, %convert_element_type3A_1466, %sign3A_1472 : i32
      %sign3A_1474 = arith.extui %sign3A_1473 : i1 to i32
      %sign3A_1475 = arith.subi %sign3A_1471, %sign3A_1474 : i32
      %sign3A_1476 = arith.constant 0 : i32
      %sign3A_1477 = arith.cmpi sgt, %jit3A_1467, %sign3A_1476 : i32
      %sign3A_1478 = arith.extui %sign3A_1477 : i1 to i32
      %sign3A_1479 = arith.constant 0 : i32
      %sign3A_1480 = arith.cmpi slt, %jit3A_1467, %sign3A_1479 : i32
      %sign3A_1481 = arith.extui %sign3A_1480 : i1 to i32
      %sign3A_1482 = arith.subi %sign3A_1478, %sign3A_1481 : i32
      %ne3A_1483 = arith.cmpi ne, %sign3A_1475, %sign3A_1482 : i32
      %rem3A_1484 = arith.remsi %convert_element_type3A_1466, %jit3A_1467 : i32
      %ne3A_1485 = arith.constant 0 : i32
      %ne3A_1486 = arith.cmpi ne, %rem3A_1484, %ne3A_1485 : i32
      %and3A_1487 = arith.andi %ne3A_1483, %ne3A_1486 : i1
      %sub3A_1488 = arith.constant 1 : i32
      %sub3A_1489 = arith.subi %div3A_1468, %sub3A_1488 : i32
      %select_n3A_1490 = arith.select %and3A_1487, %sub3A_1489, %div3A_1468 : i32
      %get3A_1491 = arith.constant 15 : index
      %get3A_1492 = arith.index_cast %select_n3A_1490 : i32 to index
      %get3A_1493 = arith.constant 0 : index
      %get3A_1494 = vector.load %arg0[%get3A_1491, %get3A_1492, %get3A_1493] : memref<16x1024x128xf32, #tpu.memory_space<vmem>>, vector<1x1x128xf32>
      %get3A_1495 = vector.shape_cast %get3A_1494 : vector<1x1x128xf32> to vector<1x128xf32>
      %mul3A_1496 = arith.constant 91 : i32
      %mul3A_1497 = arith.muli %select_n3A_1490, %mul3A_1496 : i32
      %add3A_1498 = vector.broadcast %mul3A_1497 : i32 to vector<1x128xi32>
      %add3A_1499 = arith.addi %add3A_1498, %iota3A : vector<1x128xi32>
      %convert_element_type3A_1500 = arith.sitofp %add3A_1499 : vector<1x128xi32> to vector<1x128xf32>
      %lt3A_1501 = vector.broadcast %squeeze3A_1464 : vector<1x1xf32> to vector<1x128xf32>
      %lt3A_1502 = arith.cmpf olt, %get3A_1495, %lt3A_1501 : vector<1x128xf32>
      %eq3A_1503 = vector.broadcast %squeeze3A_1464 : vector<1x1xf32> to vector<1x128xf32>
      %eq3A_1504 = arith.cmpf oeq, %get3A_1495, %eq3A_1503 : vector<1x128xf32>
      %gt3A_1505 = vector.broadcast %squeeze3A_1462 : vector<1x1xf32> to vector<1x128xf32>
      %gt3A_1506 = arith.cmpf ogt, %convert_element_type3A_1500, %gt3A_1505 : vector<1x128xf32>
      %and3A_1507 = arith.andi %eq3A_1504, %gt3A_1506 : vector<1x128xi1>
      %or3A_1508 = arith.ori %lt3A_1502, %and3A_1507 : vector<1x128xi1>
      %jit3A_1509 = arith.constant -2.000000e+00 : f32
      %broadcast_in_dim3A_1510 = vector.broadcast %jit3A_1509 : f32 to vector<1x128xf32>
      %select_n3A_1511 = arith.select %or3A_1508, %get3A_1495, %broadcast_in_dim3A_1510 : vector<1x128xi1>, vector<1x128xf32>
      %reduce_max3A_1512 = vector.shape_cast %select_n3A_1511 : vector<1x128xf32> to vector<1x1x128xf32>
      %reduce_max3A_1513 = arith.constant dense<0xFF800000> : vector<1xf32>
      %reduce_max3A_1514 = vector.multi_reduction <maximumf>, %reduce_max3A_1512, %reduce_max3A_1513 [1, 2] : vector<1x1x128xf32> to vector<1xf32>
      %reduce_max3A_1515 = vector.shape_cast %reduce_max3A_1514 : vector<1xf32> to vector<1x1x1xf32>
      %reduce_max3A_1516 = vector.extract %reduce_max3A_1515[0, 0, 0] : f32 from vector<1x1x1xf32>
      %broadcast_in_dim3A_1517 = vector.broadcast %reduce_max3A_1516 : f32 to vector<1x1xf32>
      %eq3A_1518 = vector.broadcast %broadcast_in_dim3A_1517 : vector<1x1xf32> to vector<1x128xf32>
      %eq3A_1519 = arith.cmpf oeq, %select_n3A_1511, %eq3A_1518 : vector<1x128xf32>
      %jit3A_1520 = arith.constant 1.000000e+09 : f32
      %broadcast_in_dim3A_1521 = vector.broadcast %jit3A_1520 : f32 to vector<1x128xf32>
      %select_n3A_1522 = arith.select %eq3A_1519, %convert_element_type3A_1500, %broadcast_in_dim3A_1521 : vector<1x128xi1>, vector<1x128xf32>
      %reduce_min3A_1523 = vector.shape_cast %select_n3A_1522 : vector<1x128xf32> to vector<1x1x128xf32>
      %reduce_min3A_1524 = arith.constant dense<0x7F800000> : vector<1xf32>
      %reduce_min3A_1525 = vector.multi_reduction <minimumf>, %reduce_min3A_1523, %reduce_min3A_1524 [1, 2] : vector<1x1x128xf32> to vector<1xf32>
      %reduce_min3A_1526 = vector.shape_cast %reduce_min3A_1525 : vector<1xf32> to vector<1x1x1xf32>
      %reduce_min3A_1527 = vector.extract %reduce_min3A_1526[0, 0, 0] : f32 from vector<1x1x1xf32>
      %broadcast_in_dim3A_1528 = vector.broadcast %reduce_min3A_1527 : f32 to vector<1x1xf32>
      %slice3A_1529 = vector.extract_strided_slice %get3A_94 {offsets = [15, 0, 0], sizes = [1, 8, 128], strides = [1, 1, 1]} : vector<16x8x128xf32> to vector<1x8x128xf32>
      %squeeze3A_1530 = vector.shape_cast %slice3A_1529 : vector<1x8x128xf32> to vector<8x128xf32>
      %eq3A_1531 = vector.broadcast %squeeze3A_1464 : vector<1x1xf32> to vector<8x128xf32>
      %eq3A_1532 = arith.cmpf oeq, %squeeze3A_1530, %eq3A_1531 : vector<8x128xf32>
      %slice3A_1533 = vector.extract_strided_slice %get3A_98 {offsets = [15, 0, 0], sizes = [1, 8, 128], strides = [1, 1, 1]} : vector<16x8x128xf32> to vector<1x8x128xf32>
      %squeeze3A_1534 = vector.shape_cast %slice3A_1533 : vector<1x8x128xf32> to vector<8x128xf32>
      %eq3A_1535 = vector.broadcast %squeeze3A_1462 : vector<1x1xf32> to vector<8x128xf32>
      %eq3A_1536 = arith.cmpf oeq, %squeeze3A_1534, %eq3A_1535 : vector<8x128xf32>
      %and3A_1537 = arith.andi %eq3A_1532, %eq3A_1536 : vector<8x128xi1>
      %slice3A_1538 = vector.extract_strided_slice %get3A_94 {offsets = [15, 0, 0], sizes = [1, 8, 128], strides = [1, 1, 1]} : vector<16x8x128xf32> to vector<1x8x128xf32>
      %squeeze3A_1539 = vector.shape_cast %slice3A_1538 : vector<1x8x128xf32> to vector<8x128xf32>
      %broadcast_in_dim3A_1540 = vector.shape_cast %broadcast_in_dim3A_1517 : vector<1x1xf32> to vector<1x1xf32>
      %broadcast_in_dim3A_1541 = vector.broadcast %broadcast_in_dim3A_1540 : vector<1x1xf32> to vector<8x128xf32>
      %select_n3A_1542 = arith.select %and3A_1537, %broadcast_in_dim3A_1541, %squeeze3A_1539 : vector<8x128xi1>, vector<8x128xf32>
      %broadcast_in_dim3A_1543 = vector.shape_cast %select_n3A_1542 : vector<8x128xf32> to vector<1x8x128xf32>
      %slice3A_1544 = vector.extract_strided_slice %get3A_98 {offsets = [15, 0, 0], sizes = [1, 8, 128], strides = [1, 1, 1]} : vector<16x8x128xf32> to vector<1x8x128xf32>
      %squeeze3A_1545 = vector.shape_cast %slice3A_1544 : vector<1x8x128xf32> to vector<8x128xf32>
      %broadcast_in_dim3A_1546 = vector.shape_cast %broadcast_in_dim3A_1528 : vector<1x1xf32> to vector<1x1xf32>
      %broadcast_in_dim3A_1547 = vector.broadcast %broadcast_in_dim3A_1546 : vector<1x1xf32> to vector<8x128xf32>
      %select_n3A_1548 = arith.select %and3A_1537, %broadcast_in_dim3A_1547, %squeeze3A_1545 : vector<8x128xi1>, vector<8x128xf32>
      %broadcast_in_dim3A_1549 = vector.shape_cast %select_n3A_1548 : vector<8x128xf32> to vector<1x8x128xf32>
      %concatenate3A = tpu.concatenate %broadcast_in_dim3A_208, %broadcast_in_dim3A_297, %broadcast_in_dim3A_386, %broadcast_in_dim3A_475, %broadcast_in_dim3A_564, %broadcast_in_dim3A_653, %broadcast_in_dim3A_742, %broadcast_in_dim3A_831, %broadcast_in_dim3A_920, %broadcast_in_dim3A_1009, %broadcast_in_dim3A_1098, %broadcast_in_dim3A_1187, %broadcast_in_dim3A_1276, %broadcast_in_dim3A_1365, %broadcast_in_dim3A_1454, %broadcast_in_dim3A_1543 in 0 : vector<1x8x128xf32>, vector<1x8x128xf32>, vector<1x8x128xf32>, vector<1x8x128xf32>, vector<1x8x128xf32>, vector<1x8x128xf32>, vector<1x8x128xf32>, vector<1x8x128xf32>, vector<1x8x128xf32>, vector<1x8x128xf32>, vector<1x8x128xf32>, vector<1x8x128xf32>, vector<1x8x128xf32>, vector<1x8x128xf32>, vector<1x8x128xf32>, vector<1x8x128xf32> -> vector<16x8x128xf32>
      %swap3A_1550 = arith.constant 0 : index
      %swap3A_1551 = arith.constant 0 : index
      %swap3A_1552 = arith.constant 0 : index
      %swap3A_1553 = vector.load %arg6[%swap3A_1550, %swap3A_1551, %swap3A_1552] : memref<16x8x128xf32, #tpu.memory_space<vmem>>, vector<16x8x128xf32>
      tpu.vector_store %arg6[%swap3A_1550, %swap3A_1551, %swap3A_1552], %concatenate3A {strides = array<i32>} : memref<16x8x128xf32, #tpu.memory_space<vmem>>, vector<16x8x128xf32>,
      %concatenate3A_1554 = tpu.concatenate %broadcast_in_dim3A_214, %broadcast_in_dim3A_303, %broadcast_in_dim3A_392, %broadcast_in_dim3A_481, %broadcast_in_dim3A_570, %broadcast_in_dim3A_659, %broadcast_in_dim3A_748, %broadcast_in_dim3A_837, %broadcast_in_dim3A_926, %broadcast_in_dim3A_1015, %broadcast_in_dim3A_1104, %broadcast_in_dim3A_1193, %broadcast_in_dim3A_1282, %broadcast_in_dim3A_1371, %broadcast_in_dim3A_1460, %broadcast_in_dim3A_1549 in 0 : vector<1x8x128xf32>, vector<1x8x128xf32>, vector<1x8x128xf32>, vector<1x8x128xf32>, vector<1x8x128xf32>, vector<1x8x128xf32>, vector<1x8x128xf32>, vector<1x8x128xf32>, vector<1x8x128xf32>, vector<1x8x128xf32>, vector<1x8x128xf32>, vector<1x8x128xf32>, vector<1x8x128xf32>, vector<1x8x128xf32>, vector<1x8x128xf32>, vector<1x8x128xf32> -> vector<16x8x128xf32>
      %swap3A_1555 = arith.constant 0 : index
      %swap3A_1556 = arith.constant 0 : index
      %swap3A_1557 = arith.constant 0 : index
      %swap3A_1558 = vector.load %arg7[%swap3A_1555, %swap3A_1556, %swap3A_1557] : memref<16x8x128xf32, #tpu.memory_space<vmem>>, vector<16x8x128xf32>
      tpu.vector_store %arg7[%swap3A_1555, %swap3A_1556, %swap3A_1557], %concatenate3A_1554 {strides = array<i32>} : memref<16x8x128xf32, #tpu.memory_space<vmem>>, vector<16x8x128xf32>,
    }
    %scan3A_37 = arith.constant 44 : i32
    %get3A_38 = arith.constant 0 : index
    %get3A_39 = arith.constant 0 : index
    %get3A_40 = vector.load %arg4[%get3A_38, %get3A_39] : memref<16x384xf32, #tpu.memory_space<vmem>>, vector<16x384xf32>
    %convert_element_type3A = arith.fptosi %get3A_40 : vector<16x384xf32> to vector<16x384xi32>
    %jit3A = arith.constant 91 : i32
    %eq3A = arith.constant 0 : i32
    %eq3A_41 = arith.cmpi eq, %jit3A, %eq3A : i32
    %jit3A_42 = arith.constant 1 : i32
    %select_n3A = arith.select %eq3A_41, %jit3A_42, %jit3A : i32
    %rem3A = vector.broadcast %select_n3A : i32 to vector<16x384xi32>
    %rem3A_43 = arith.remsi %convert_element_type3A, %rem3A : vector<16x384xi32>
    %ne3A = arith.constant 0 : i32
    %ne3A_44 = vector.broadcast %ne3A : i32 to vector<16x384xi32>
    %ne3A_45 = arith.cmpi ne, %rem3A_43, %ne3A_44 : vector<16x384xi32>
    %lt3A = arith.constant 0 : i32
    %lt3A_46 = vector.broadcast %lt3A : i32 to vector<16x384xi32>
    %lt3A_47 = arith.cmpi slt, %rem3A_43, %lt3A_46 : vector<16x384xi32>
    %lt3A_48 = arith.constant 0 : i32
    %lt3A_49 = arith.cmpi slt, %select_n3A, %lt3A_48 : i32
    %ne3A_50 = vector.broadcast %lt3A_49 : i1 to vector<16x384xi1>
    %ne3A_51 = vector.broadcast %ne3A_50 : vector<16x384xi1> to vector<16x384xi1>
    %ne3A_52 = arith.xori %lt3A_47, %ne3A_51 : vector<16x384xi1>
    %and3A = arith.andi %ne3A_52, %ne3A_45 : vector<16x384xi1>
    %add3A = vector.broadcast %select_n3A : i32 to vector<16x384xi32>
    %add3A_53 = arith.addi %rem3A_43, %add3A : vector<16x384xi32>
    %select_n3A_54 = arith.select %and3A, %add3A_53, %rem3A_43 : vector<16x384xi1>, vector<16x384xi32>
    %convert_element_type3A_55 = arith.sitofp %select_n3A_54 : vector<16x384xi32> to vector<16x384xf32>
    %swap3A_56 = arith.constant 0 : index
    %swap3A_57 = arith.constant 0 : index
    %swap3A_58 = vector.load %arg4[%swap3A_56, %swap3A_57] : memref<16x384xf32, #tpu.memory_space<vmem>>, vector<16x384xf32>
    tpu.vector_store %arg4[%swap3A_56, %swap3A_57], %convert_element_type3A_55 {strides = array<i32>} : memref<16x384xf32, #tpu.memory_space<vmem>>, vector<16x384xf32>,
    %jit3A_59 = arith.constant 91 : i32
    %div3A = vector.broadcast %jit3A_59 : i32 to vector<16x384xi32>
    %div3A_60 = arith.divsi %convert_element_type3A, %div3A : vector<16x384xi32>
    %sign3A = arith.constant 0 : i32
    %sign3A_61 = vector.broadcast %sign3A : i32 to vector<16x384xi32>
    %sign3A_62 = arith.cmpi sgt, %convert_element_type3A, %sign3A_61 : vector<16x384xi32>
    %sign3A_63 = arith.extui %sign3A_62 : vector<16x384xi1> to vector<16x384xi32>
    %sign3A_64 = arith.constant 0 : i32
    %sign3A_65 = vector.broadcast %sign3A_64 : i32 to vector<16x384xi32>
    %sign3A_66 = arith.cmpi slt, %convert_element_type3A, %sign3A_65 : vector<16x384xi32>
    %sign3A_67 = arith.extui %sign3A_66 : vector<16x384xi1> to vector<16x384xi32>
    %sign3A_68 = arith.subi %sign3A_63, %sign3A_67 : vector<16x384xi32>
    %sign3A_69 = arith.constant 0 : i32
    %sign3A_70 = arith.cmpi sgt, %jit3A_59, %sign3A_69 : i32
    %sign3A_71 = arith.extui %sign3A_70 : i1 to i32
    %sign3A_72 = arith.constant 0 : i32
    %sign3A_73 = arith.cmpi slt, %jit3A_59, %sign3A_72 : i32
    %sign3A_74 = arith.extui %sign3A_73 : i1 to i32
    %sign3A_75 = arith.subi %sign3A_71, %sign3A_74 : i32
    %ne3A_76 = vector.broadcast %sign3A_75 : i32 to vector<16x384xi32>
    %ne3A_77 = arith.cmpi ne, %sign3A_68, %ne3A_76 : vector<16x384xi32>
    %rem3A_78 = vector.broadcast %jit3A_59 : i32 to vector<16x384xi32>
    %rem3A_79 = arith.remsi %convert_element_type3A, %rem3A_78 : vector<16x384xi32>
    %ne3A_80 = arith.constant 0 : i32
    %ne3A_81 = vector.broadcast %ne3A_80 : i32 to vector<16x384xi32>
    %ne3A_82 = arith.cmpi ne, %rem3A_79, %ne3A_81 : vector<16x384xi32>
    %and3A_83 = arith.andi %ne3A_77, %ne3A_82 : vector<16x384xi1>
    %sub3A = arith.constant 1 : i32
    %sub3A_84 = vector.broadcast %sub3A : i32 to vector<16x384xi32>
    %sub3A_85 = arith.subi %div3A_60, %sub3A_84 : vector<16x384xi32>
    %select_n3A_86 = arith.select %and3A_83, %sub3A_85, %div3A_60 : vector<16x384xi1>, vector<16x384xi32>
    %swap3A_87 = arith.constant 0 : index
    %swap3A_88 = arith.constant 0 : index
    %swap3A_89 = vector.load %arg5[%swap3A_87, %swap3A_88] : memref<16x384xi32, #tpu.memory_space<vmem>>, vector<16x384xi32>
    tpu.vector_store %arg5[%swap3A_87, %swap3A_88], %select_n3A_86 {strides = array<i32>} : memref<16x384xi32, #tpu.memory_space<vmem>>, vector<16x384xi32>,
    return
  }
}

</mosaic_0001>

<sc_bundles>
// kernel: kernel.5.cloned.1.call-start
scs
__scs_entry_jumppad:
0x0: {  	(pc) =	sbr.rel $0x88, $3  }
0x1: {  	(tag) =	ssettag $0x0;
	lr =	simm.s32 $0x1  }
0x2: {  	[smem:$0x3F9D] =	sst lr;
	_ =	strace $0xD0000000  }
0x3: {  	_ = 	snop  }
0x4: {  	_ = 	snop  }
0x5: {  	_ = 	snop  }
0x6: {  	_ = 	snop  }
0x7: {  	_ = 	snop  }
__scs_overlays_trampoline_lowered:
0x8: {  	[smem:$0x3FAC] =	sst s0  }
0x9: {  	[smem:$0x3FAD] =	sst s1  }
0xa: {  	[smem:$0x3FAE] =	sst s2  }
0xb: {  	[smem:$0x3FAF] =	sst s3  }
0xc: {  	[smem:$0x3FB0] =	sst s4  }
0xd: {  	[smem:$0x3FB1] =	sst s5  }
0xe: {  	[smem:$0x3FB2] =	sst s6  }
0xf: {  	[smem:$0x3FB3] =	sst s7  }
0x10: {  	[smem:$0x3FB4] =	sst s8  }
0x11: {  	[smem:$0x3FB5] =	sst s9;
	s0 =	simm.s32 @!p0 $0x0  }
0x12: {  	s1 =	sld [smem:$0x3F9B];
	s0 =	simm.s32 @p0 $0x1  }
0x13: {  	[smem:$0x3FB6] =	sst s0;
	s0 =	simm.s32 @!p1 $0x0  }
0x14: {  	s2 =	sld [smem:$0x3F9A];
	s0 =	simm.s32 @p1 $0x1  }
0x15: {  	[smem:$0x3FB7] =	sst s0;
	s0 =	simm.s32 @!p2 $0x0  }
0x16: {  	s3 =	sld [smem:$0x3FDB];
	s0 =	simm.s32 @p2 $0x1  }
0x17: {  	s4 =	simm.s32 $0x1BF5;
	[smem:$0x3FB9] =	sst s0  }
0x18: {  	s0 =	sld [smem:$0x3F9C];
	_ =	swait.ge [sflag:s4], $0x0  }
0x19: {  	s7 =	sld [smem:$0x3F9D]  }
0x1a: {  	s8 =	sadd.s32 $0xFFFFE003, lr  }
0x1b: {  	s9 =	sadd.s32 $0xFFFFFEF7, lr;
	s5 =	simm.s32 $0xFFFFFFFF;
	p2 =	slt.u32 s8, $0xFFFFF086  }
0x1c: {  	p1 =	slt.u32 s9, $0xF7A;
	s5 =	simm.s32 @!p2 $0x0  }
0x1d: {  	s5 =	simm.s32 @p1 $0x1;
	p0 =	seq.s32 s7, s2  }
0x1e: {  	s7 =	smul.u32 @!p0 $0xF7A, s2;
	p2 =	seq.s32 @!p0 s5, $0x0  }
0x1f: {  	s9 =	smul.u32 $0xF7A, s1;
	s8 =	simm.s32 @!p0 $0x1BF5;
	p2 =	por !p2, p0  }
0x20: {  	[sflag:s8] =	ssyncset.s32 @!p0 $0xFFFFF086;
	s6 =	sadd.s32 @!p0 s3, s7;
	s7 =	simm.s32 @!p0 $0x108  }
0x21: {  	s3 =	sadd.s32 s3, s9;
	s6 =	sadd.s32 @!p0 $0x88, s6;
	s7 =	simm.s32 @p2 $0x1082  }
0x22: {  	[simem:s7], [sflag:s8] =	dma.local @!p0 [hbm:s6], $0xF7A  }
0x23: {  	s9 =	sor.u32 $0xD0000000, s2;
	s6 =	simm.s32 $0x108;
	_ =	swait.ge @!p0 [sflag:s8], $0x0  }
0x24: {  	s3 =	sadd.s32 $0x88, s3;
	s6 =	simm.s32 @!p1 $0x1082;
	[sflag:s4] =	ssyncset.s32 $0xFFFFF086  }
0x25: {  	[simem:s6], [sflag:s4] =	dma.local [hbm:s3], $0xF7A  }
0x26: {  	[smem:$0x3F9D] =	sst s1;
	(tag) =	ssettag s2;
	_ =	strace s9  }
0x27: {  	s1 =	sld [smem:$0x3FAD]  }
0x28: {  	s2 =	sld [smem:$0x3FAE]  }
0x29: {  	s4 =	sld [smem:$0x3FB0]  }
0x2a: {  	p0 =	seq.s32 s5, $0x0;
	s5 =	sld [smem:$0x3FB1]  }
0x2b: {  	s6 =	sld [smem:$0x3FB2]  }
0x2c: {  	s7 =	sld [smem:$0x3FB3]  }
0x2d: {  	s3 =	simm.s32 $0x108;
	s8 =	sld [smem:$0x3FB4]  }
0x2e: {  	s3 =	simm.s32 @!p0 $0x1082;
	s9 =	sld [smem:$0x3FB5]  }
0x2f: {  	lr =	sadd.s32 s0, s3;
	s0 =	sld [smem:$0x3FAC]  }
0x30: {  	s3 =	sld [smem:$0x3FAF]  }
0x31: {  	[smem:$0x3FB8] =	sst s10  }
0x32: {  	s10 =	sld [smem:$0x3FB6];
	_ =	sdelay $0x3  }
0x33: {  	p0 =	seq.s32 s10, $0x1;
	s10 =	sld [smem:$0x3FB8];
	_ =	sdelay $0x3  }
0x34: {  	[smem:$0x3FB8] =	sst s10  }
0x35: {  	s10 =	sld [smem:$0x3FB7];
	_ =	sdelay $0x3  }
0x36: {  	p1 =	seq.s32 s10, $0x1;
	s10 =	sld [smem:$0x3FB8];
	_ =	sdelay $0x3  }
0x37: {  	[smem:$0x3FB8] =	sst s10  }
0x38: {  	s10 =	sld [smem:$0x3FB9]  }
0x39: {  	_ = 	snop;
	(pc) =	sbr.ind lr, $3  }
0x3a: {  	_ = 	snop  }
0x3b: {  	_ = 	snop  }
0x3c: {  	p2 =	seq.s32 s10, $0x1;
	s10 =	sld [smem:$0x3FB8]  }
0x3d: {  	_ =	shalt  }
0x3e: {  	_ =	shalt  }
0x3f: {  	_ =	shalt  }
0x40: {  	_ =	shalt  }
0x41: {  	_ =	shalt  }
0x42: {  	_ =	shalt  }
0x43: {  	_ =	shalt  }
0x44: {  	_ =	shalt  }
0x45: {  	_ =	shalt  }
0x46: {  	_ =	shalt  }
0x47: {  	_ =	shalt  }
0x48: {  	_ =	shalt  }
0x49: {  	_ =	shalt  }
0x4a: {  	_ =	shalt  }
0x4b: {  	_ =	shalt  }
0x4c: {  	_ =	shalt  }
0x4d: {  	_ =	shalt  }
0x4e: {  	_ =	shalt  }
0x4f: {  	_ =	shalt  }
0x50: {  	_ =	shalt  }
0x51: {  	_ =	shalt  }
0x52: {  	_ =	shalt  }
0x53: {  	_ =	shalt  }
0x54: {  	_ =	shalt  }
0x55: {  	_ =	shalt  }
0x56: {  	_ =	shalt  }
0x57: {  	_ =	shalt  }
0x58: {  	_ =	shalt  }
0x59: {  	_ =	shalt  }
0x5a: {  	_ =	shalt  }
0x5b: {  	_ =	shalt  }
0x5c: {  	_ =	shalt  }
0x5d: {  	_ =	shalt  }
0x5e: {  	_ =	shalt  }
0x5f: {  	_ =	shalt  }
0x60: {  	_ =	shalt  }
0x61: {  	_ =	shalt  }
0x62: {  	_ =	shalt  }
0x63: {  	_ =	shalt  }
0x64: {  	_ =	shalt  }
0x65: {  	_ =	shalt  }
0x66: {  	_ =	shalt  }
0x67: {  	_ =	shalt  }
0x68: {  	_ =	shalt  }
0x69: {  	_ =	shalt  }
0x6a: {  	_ =	shalt  }
0x6b: {  	_ =	shalt  }
0x6c: {  	_ =	shalt  }
0x6d: {  	_ =	shalt  }
0x6e: {  	_ =	shalt  }
0x6f: {  	_ =	shalt  }
0x70: {  	_ =	shalt  }
0x71: {  	_ =	shalt  }
0x72: {  	_ =	shalt  }
0x73: {  	_ =	shalt  }
0x74: {  	_ =	shalt  }
0x75: {  	_ =	shalt  }
0x76: {  	_ =	shalt  }
0x77: {  	_ =	shalt  }
0x78: {  	_ =	shalt  }
0x79: {  	_ =	shalt  }
0x7a: {  	_ =	shalt  }
0x7b: {  	_ =	shalt  }
0x7c: {  	_ =	shalt  }
0x7d: {  	_ =	shalt  }
0x7e: {  	_ =	shalt  }
0x7f: {  	_ =	shalt  }
0x80: {  	_ =	shalt  }
0x81: {  	_ =	shalt  }
0x82: {  	_ =	shalt  }
0x83: {  	_ =	shalt  }
0x84: {  	_ =	shalt  }
0x85: {  	_ =	shalt  }
0x86: {  	_ =	shalt  }
0x87: {  	_ =	shalt  }
.Lfunc_end0:
.L_simem_size_0:
called_computation_lowered:
.L_overlay_start_0:
0x88: {  	s2 =	sld [smem:$0x3FD9]  }
0x89: {  	s3 =	sld [smem:$0x3FFE];
	_ =	sdelay $0x1  }
0x8a: {  	s1 =	srdreg.scid  }
0x8b: {  	s0 =	sand.u32 $0x1, s1  }
0x8c: {  	s14 =	sshll.u32 s0, $0xA;
	s2 =	sadd.s32 s3, s2  }
0x8d: {  	s2 =	sadd.s32 s2, s14  }
0x8e: {  	[smem:$0x3FC4] =	sst s2  }
0x8f: {  	_ = 	snop  }
0x90: {  	s2 =	sld [smem:$0x3FD0];
	_ =	sdelay $0x2  }
0x91: {  	s15 =	simm.s32 $0xA;
	s4 =	simm.s32 $0x10  }
0x92: {  	[smem:s4], [sflag:s15] =	dma.local [hbm:s2], $0x1  }
0x93: {  	_ =	swait.eq [sflag:s15], $0x1  }
0x94: {  	[sflag:s15] =	ssyncset.done $0x0  }
0x95: {  	[sflag:s15] =	ssyncadd.s32 $0xFFFFFFFF  }
0x96: {  	s16 =	sld [smem:$0x12];
	(tm) =	ssettm $0x1  }
0x97: {  	s17 =	sld [smem:$0x3FFB];
	_ =	sdelay $0x3  }
0x98: {  	_ =	strace s17  }
0x99: {  	s3 =	sld [smem:$0x3FFC];
	_ =	sdelay $0x3  }
0x9a: {  	_ =	strace s3  }
0x9b: {  	s3 =	sld [smem:$0x3FFD];
	_ =	sdelay $0x3  }
0x9c: {  	_ =	strace s3  }
0x9d: {  	_ =	strace $0x8FFFFFFF  }
0x9e: {  	s18 =	sld [smem:$0x3FDB];
	_ =	sdelay $0x1  }
0x9f: {  	s19 =	simm.s32 $_scs_section_size  }
0xa0: {  	s5 =	simm.s32 $_size__tile_overlayer_lowered;
	s6 =	simm.s32 $_tile_overlayer_lowered  }
0xa1: {  	s22 =	simm.s32 $0x1BFF;
	s21 =	sshll.u32 s6, $0x1;
	s3 =	sadd.s32 s19, s18  }
0xa2: {  	s7 =	simm.s32 $0x0;
	s20 =	sshll.u32 s5, $0x1;
	s5 =	sadd.s32 s21, s3  }
0xa3: {  	[timem:s7], [sflag:s22] =	dma.local [hbm:s5], s20  }
0xa4: {  	_ =	swait.ge [sflag:s22], s20  }
0xa5: {  	s4 =	ssub.s32 $0x0, s20;
	[sflag:s22] =	ssyncset.done $0x0  }
0xa6: {  	[sflag:s22] =	ssyncadd.s32 s4;
	_ =	sdelay $0x1  }
0xa7: {  	s23 =	simm.s32 $0x1B8B  }
0xa8: {  	_ =	swait.ge [sflag:s23], $0x1  }
0xa9: {  	[sflag:s23] =	ssyncset.done $0x0  }
0xaa: {  	s25 =	simm.s32 $0x1B8E;
	s24 =	sld [smem:$0x3FFE];
	[sflag:s23] =	ssyncadd.s32 $0xFFFFFFFF  }
0xab: {  	s26 =	simm.s32 $execute0_lowered;
	[smem:$0x3FD2] =	sst s25  }
0xac: {  	s5 =	sshll.u32 s26, $0x1;
	_ =	strace $0x80000046;
	[dreg:$0x1] =	wrdreg $0xFFFFFFFF  }
0xad: {  	s28 =	simm.s32 $_size_execute0_lowered;
	s3 =	sadd.s32 s3, s5;
	[dreg:$0x0] =	wrdreg $0x0  }
0xae: {  	s5 =	sshll.u32 s28, $0x1;
	[dreg:$0x2] =	wrdreg s3  }
0xaf: {  	[dreg:$0x3] =	wrdreg s5  }
0xb0: {  	[dreg:$0x4] =	wrdreg $0xC0  }
0xb1: {  	_ =	task [dreg:s7], $0x5FFFF  }
0xb2: {  	[dreg:$0x1] =	wrdreg $0xFFFFFFFF  }
0xb3: {  	[dreg:$0x0] =	wrdreg $0x60  }
0xb4: {  	[dreg:$0x2] =	wrdreg s24  }
0xb5: {  	[dreg:$0x3] =	wrdreg s16  }
0xb6: {  	[dreg:$0x4] =	wrdreg $0x9  }
0xb7: {  	_ =	task.clear_ibuf [dreg:s7], $0x5FFFF;
	_ =	strace $0x90000046  }
0xb8: {  	s29 =	simm.s32 $0x9;
	_ =	strace $0x80000048  }
0xb9: {  	_ =	swait.ge [sflag:s29], $0x1  }
0xba: {  	[sflag:s29] =	ssyncadd.s32 $0xFFFFFFFF  }
0xbb: {  	_ =	strace $0x90000048  }
0xbc: {  	_ =	sfence  }
0xbd: {  	s30 =	sld [smem:$0x0];
	_ =	sdelay $0x2  }
0xbe: {  	s31 =	sshll.u32 s1, $0xD;
	s1 =	sshrl.u32 s1, $0x2  }
0xbf: {  	s3 =	sand.u32 $0x4000, s31;
	s1 =	sadd.s32 s1, s30  }
0xc0: {  	s0 =	sor.u32 s3, s0;
	s1 =	sshll.u32 s1, $0x11  }
0xc1: {  	s0 =	sor.u32 s1, s0  }
0xc2: {  	s0 =	sadd.s32 $0x8F2B, s0  }
0xc3: {  	[sflag:s0] =	ssyncadd.remote.s32 $0x1  }
0xc4: {  	_ =	sfence.sel $0xFFFF  }
0xc5: {  	[dreg:$0x0] =	wrdreg $0xFFFFFFFF;
	(pc) =	sbr.abs _section_cstart, $3  }
0xc6: {  	[dreg:$0x1] =	wrdreg $0xFFFFFFFF  }
0xc7: {  	_ =	task.clear_ibuf [dreg:s7], $0x2FFFF;
	_ =	strace $0x9FFFFFFF  }
0xc8: {  	(tm) =	ssettm $0x7FFFFFFF  }
0xc9: {  	_ =	shalt  }
tec
execute0_lowered:
.L_overlay_start_1:
0x0: {  	(tag) =	ssettag $0x1  }
0x1: {  	s0 =	stileid.u32;
	v0 =	vlaneseq.u32  }
0x2: {  	s1 =	sshll.u32 s0, $0x1;
	v0 =	vmul.u32 $0x4, v0;
	s28 =	sshllo.u32 s0, $0x1  }
0x3: {  	v1 =	vmov s1;
	v2 =	vmov s28  }
0x4: {  	v1 =	vbroadcast v1, $0x0;
	v3 =	vor.u32 $0x1, v0;
	v4 =	vor.u32 $0x2, v0  }
0x5: {  	v5 =	vor.u32 $0x3, v0;
	v6 =	vor.u32 $0x40, v0;
	v7 =	vor.u32 $0x41, v0  }
0x6: {  	v8 =	vor.u32 $0x42, v0;
	v9 =	vor.u32 $0x43, v0;
	v10 =	vor.u32 $0x80, v0  }
0x7: {  	v11 =	vor.u32 $0x81, v0;
	v12 =	vor.u32 $0x82, v0;
	v13 =	vor.u32 $0x83, v0  }
0x8: {  	v14 =	vor.u32 $0xC0, v0;
	v15 =	vor.u32 $0xC1, v0;
	v16 =	vor.u32 $0xC2, v0  }
0x9: {  	v17 =	vor.u32 $0xC3, v0;
	v18 =	vor.u32 $0x100, v0;
	v19 =	vor.u32 $0x101, v0  }
0xa: {  	s3 =	rddreg [dreg:$0x0];
	v20 =	vor.u32 $0x102, v0;
	v21 =	vor.u32 $0x103, v0;
	v22 =	vor.u32 $0x140, v0  }
0xb: {  	s29 =	srdreg.scid;
	s6 =	rddreg [dreg:$0x1];
	s2 =	simm.s32 $0x0;
	v23 =	vor.u32 $0x141, v0;
	v24 =	vor.u32 $0x142, v0;
	v25 =	vor.u32 $0x143, v0  }
0xc: {  	s10 =	simm.s32 $0xF80;
	s4 =	sand.u32 $0x1, s29;
	s5 =	smul.u32 $0x180, s0;
	v26 =	vor.u32 $0x180, v0;
	v27 =	vor.u32 $0x181, v0;
	v28 =	vor.u32 $0x182, v0  }
0xd: {  	s11 =	simm.s32 $0x1000;
	[smem:$0x7FF] =	sst s2;
	s7 =	smul.u32 $0xC0, s4;
	v29 =	vor.u32 $0x183, v0;
	v30 =	vor.u32 $0x1C0, v0;
	v31 =	vor.u32 $0x1C1, v0  }
0xe: {  	s8 =	smul.u32 $0x1C2, s0;
	s1 =	rddreg [dreg:$0x2];
	s4 =	ssub.s32 $0x2, s4;
	v32 =	vor.u32 $0x1C2, v0;
	v33 =	vor.u32 $0x1C3, v0;
	v34 =	vor.u32 $0x200, v0  }
0xf: {  	_ =	strace $0x80000047;
	s9 =	sshrl.u32 s4, $0x1;
	v35 =	vor.u32 $0x201, v0;
	v36 =	vor.u32 $0x202, v0;
	v37 =	vor.u32 $0x203, v0;
	s7 =	sadd.s32 s7, s5  }
0x10: {  	s30 =	sadd.s32 s8, s3;
	v38 =	vor.u32 $0x240, v0;
	v39 =	vor.u32 $0x241, v0;
	v40 =	vor.u32 $0x242, v0;
	s9 =	ssub.s32 s4, s9;
	s31 =	sshrl.u32 s7, $0x3  }
0x11: {  	v41 =	vor.u32 $0x243, v0;
	v42 =	vor.u32 $0x280, v0;
	v43 =	vor.u32 $0x281, v0;
	s4 =	sadd.s32 $0xE00, s30;
	s7 =	sshrl.u32 s7, $0x1;
	s8 =	sadd.s32 s31, s3  }
0x12: {  	v44 =	vor.u32 $0x282, v0;
	v45 =	vor.u32 $0x283, v0;
	v46 =	vor.u32 $0x2C0, v0;
	s3 =	sadd.s32 $0x2C00, s3;
	s6 =	sadd.s32 s6, s7;
	s7 =	smax.u32 s9, $0x1  }
0x13: {  	v47 =	vor.u32 $0x2C1, v0;
	v48 =	vor.u32 $0x2C2, v0;
	v49 =	vor.u32 $0x2C3, v0;
	s9 =	simm.s32 $0xE80;
	s5 =	sadd.s32 $0xA00, s8;
	s8 =	simm.s32 $0x1  }
.LBB2_1:
0x14: {  	[tilespmem:s2], [sflag:$0x1] =	stream.linear.gather [hbm4b:s4+s2], $0xE10, $0x38;
	[tilespmem:$0x1300] =	vst v63  }
0x15: {  	_ =	swait.ge [sflag:s8], $0xE10  }
0x16: {  	[sflag:s8] =	ssyncset.done $0x0  }
0x17: {  	[sflag:s8] =	ssyncadd.s32 $0xFFFFF1F0  }
0x18: {  	[tilespmem:s9], [sflag:$0x1] =	stream.linear.gather [hbm4b:s5+s2], $0xC0, $0x38;
	[tilespmem:$0x1300] =	vst v63  }
0x19: {  	_ =	swait.ge [sflag:s8], $0xC0  }
0x1a: {  	[sflag:s8] =	ssyncset.done $0x0  }
0x1b: {  	[sflag:s8] =	ssyncadd.s32 $0xFFFFFF40  }
0x1c: {  	[tilespmem:s10], [sflag:$0x1] =	stream.linear.gather [hbm4b:s3+s2], $0x80, $0x38;
	[tilespmem:$0x1300] =	vst v63  }
0x1d: {  	_ =	swait.ge [sflag:s8], $0x80  }
0x1e: {  	[sflag:s8] =	ssyncset.done $0x0  }
0x1f: {  	[sflag:s8] =	ssyncadd.s32 $0xFFFFFF80  }
0x20: {  	v50 =	vld [tilespmem:$0xE80];
	_ =	sdelay $0x4  }
0x21: {  	v50 =	vshll.u32 v50, $0x2  }
0x22: {  	v51 =	vor.u32 $0x2, v50  }
0x23: {  	v52 =	vor.u32 $0x3, v50;
	_ =	sdelay $0x1  }
0x24: {  	v53 =	vld.idx.msk [tilespmem:v1+s10+$0x0], $0xffff;
	v54 =	vor.u32 $0x1, v50  }
0x25: {  	v55 =	vld.idx.msk [tilespmem:v2+s10+$0x0], $0xffff  }
0x26: {  	v51 =	vld.idx.msk [tilespmem:v51+s2+$0x0], $0xffff  }
0x27: {  	v52 =	vld.idx.msk [tilespmem:v52+s2+$0x0], $0xffff  }
0x28: {  	v56 =	vld.idx.msk [tilespmem:v50+s2+$0x0], $0xffff  }
0x29: {  	v54 =	vld.idx.msk [tilespmem:v54+s2+$0x0], $0xffff;
	_ =	sdelay $0x1  }
0x2a: {  	v57 =	vmul.f32 $5.000000000e-01, v51  }
0x2b: {  	v52 =	vmul.f32 $5.000000000e-01, v52  }
0x2c: {  	v51 =	vcvt.s32.f32 v55;
	v62 =	vsub.f32 v56, v57  }
0x2d: {  	v50 =	vcvt.s32.f32 v53;
	v63 =	vsub.f32 v54, v52  }
0x2e: {  	v56 =	vadd.f32 v57, v56;
	v55 =	vmul.f32 v51, v62  }
0x2f: {  	v52 =	vadd.f32 v52, v54;
	v53 =	vmul.f32 v50, v63  }
0x30: {  	v57 =	vmul.f32 v51, v56;
	[tilespmem:v0+s11+$0x0] =	vst.idx.msk $0xffff, v55  }
0x31: {  	v52 =	vmul.f32 v50, v52;
	[tilespmem:v3+s11+$0x0] =	vst.idx.msk $0xffff, v53  }
0x32: {  	[tilespmem:v4+s11+$0x0] =	vst.idx.msk $0xffff, v57  }
0x33: {  	[tilespmem:v5+s11+$0x0] =	vst.idx.msk $0xffff, v52  }
0x34: {  	v52 =	vld [tilespmem:$0xE90];
	_ =	sdelay $0x4  }
0x35: {  	v52 =	vshll.u32 v52, $0x2  }
0x36: {  	v58 =	vor.u32 $0x2, v52  }
0x37: {  	v59 =	vor.u32 $0x3, v52;
	_ =	sdelay $0x1  }
0x38: {  	v60 =	vor.u32 $0x1, v52;
	_ =	sdelay $0x1  }
0x39: {  	v53 =	vld.idx.msk [tilespmem:v58+s2+$0x0], $0xffff  }
0x3a: {  	v54 =	vld.idx.msk [tilespmem:v59+s2+$0x0], $0xffff  }
0x3b: {  	v52 =	vld.idx.msk [tilespmem:v52+s2+$0x0], $0xffff  }
0x3c: {  	v55 =	vld.idx.msk [tilespmem:v60+s2+$0x0], $0xffff;
	_ =	sdelay $0x1  }
0x3d: {  	v53 =	vmul.f32 $5.000000000e-01, v53  }
0x3e: {  	v54 =	vmul.f32 $5.000000000e-01, v54  }
0x3f: {  	v61 =	vsub.f32 v52, v53  }
0x40: {  	v62 =	vsub.f32 v55, v54  }
0x41: {  	v52 =	vadd.f32 v53, v52;
	v56 =	vmul.f32 v51, v61  }
0x42: {  	v54 =	vadd.f32 v54, v55;
	v63 =	vmul.f32 v50, v62  }
0x43: {  	v52 =	vmul.f32 v51, v52;
	[tilespmem:v6+s11+$0x0] =	vst.idx.msk $0xffff, v56  }
0x44: {  	v57 =	vmul.f32 v50, v54;
	[tilespmem:v7+s11+$0x0] =	vst.idx.msk $0xffff, v63  }
0x45: {  	[tilespmem:v8+s11+$0x0] =	vst.idx.msk $0xffff, v52  }
0x46: {  	[tilespmem:v9+s11+$0x0] =	vst.idx.msk $0xffff, v57  }
0x47: {  	v52 =	vld [tilespmem:$0xEA0];
	_ =	sdelay $0x4  }
0x48: {  	v52 =	vshll.u32 v52, $0x2  }
0x49: {  	v58 =	vor.u32 $0x2, v52  }
0x4a: {  	v59 =	vor.u32 $0x3, v52;
	_ =	sdelay $0x1  }
0x4b: {  	v60 =	vor.u32 $0x1, v52;
	_ =	sdelay $0x1  }
0x4c: {  	v53 =	vld.idx.msk [tilespmem:v58+s2+$0x0], $0xffff  }
0x4d: {  	v54 =	vld.idx.msk [tilespmem:v59+s2+$0x0], $0xffff  }
0x4e: {  	v52 =	vld.idx.msk [tilespmem:v52+s2+$0x0], $0xffff  }
0x4f: {  	v55 =	vld.idx.msk [tilespmem:v60+s2+$0x0], $0xffff;
	_ =	sdelay $0x1  }
0x50: {  	v53 =	vmul.f32 $5.000000000e-01, v53  }
0x51: {  	v54 =	vmul.f32 $5.000000000e-01, v54  }
0x52: {  	v61 =	vsub.f32 v52, v53  }
0x53: {  	v62 =	vsub.f32 v55, v54  }
0x54: {  	v52 =	vadd.f32 v53, v52;
	v56 =	vmul.f32 v51, v61  }
0x55: {  	v54 =	vadd.f32 v54, v55;
	v63 =	vmul.f32 v50, v62  }
0x56: {  	v52 =	vmul.f32 v51, v52;
	[tilespmem:v10+s11+$0x0] =	vst.idx.msk $0xffff, v56  }
0x57: {  	v57 =	vmul.f32 v50, v54;
	[tilespmem:v11+s11+$0x0] =	vst.idx.msk $0xffff, v63  }
0x58: {  	[tilespmem:v12+s11+$0x0] =	vst.idx.msk $0xffff, v52  }
0x59: {  	[tilespmem:v13+s11+$0x0] =	vst.idx.msk $0xffff, v57  }
0x5a: {  	v52 =	vld [tilespmem:$0xEB0];
	_ =	sdelay $0x4  }
0x5b: {  	v52 =	vshll.u32 v52, $0x2  }
0x5c: {  	v58 =	vor.u32 $0x2, v52  }
0x5d: {  	v59 =	vor.u32 $0x3, v52;
	_ =	sdelay $0x1  }
0x5e: {  	v60 =	vor.u32 $0x1, v52;
	_ =	sdelay $0x1  }
0x5f: {  	v53 =	vld.idx.msk [tilespmem:v58+s2+$0x0], $0xffff  }
0x60: {  	v54 =	vld.idx.msk [tilespmem:v59+s2+$0x0], $0xffff  }
0x61: {  	v52 =	vld.idx.msk [tilespmem:v52+s2+$0x0], $0xffff  }
0x62: {  	v55 =	vld.idx.msk [tilespmem:v60+s2+$0x0], $0xffff;
	_ =	sdelay $0x1  }
0x63: {  	v53 =	vmul.f32 $5.000000000e-01, v53  }
0x64: {  	v54 =	vmul.f32 $5.000000000e-01, v54  }
0x65: {  	v61 =	vsub.f32 v52, v53  }
0x66: {  	v62 =	vsub.f32 v55, v54  }
0x67: {  	v52 =	vadd.f32 v53, v52;
	v56 =	vmul.f32 v51, v61  }
0x68: {  	v54 =	vadd.f32 v54, v55;
	v63 =	vmul.f32 v50, v62  }
0x69: {  	v52 =	vmul.f32 v51, v52;
	[tilespmem:v14+s11+$0x0] =	vst.idx.msk $0xffff, v56  }
0x6a: {  	v57 =	vmul.f32 v50, v54;
	[tilespmem:v15+s11+$0x0] =	vst.idx.msk $0xffff, v63  }
0x6b: {  	[tilespmem:v16+s11+$0x0] =	vst.idx.msk $0xffff, v52  }
0x6c: {  	[tilespmem:v17+s11+$0x0] =	vst.idx.msk $0xffff, v57  }
0x6d: {  	v52 =	vld [tilespmem:$0xEC0];
	_ =	sdelay $0x4  }
0x6e: {  	v52 =	vshll.u32 v52, $0x2  }
0x6f: {  	v58 =	vor.u32 $0x2, v52  }
0x70: {  	v59 =	vor.u32 $0x3, v52;
	_ =	sdelay $0x1  }
0x71: {  	v60 =	vor.u32 $0x1, v52;
	_ =	sdelay $0x1  }
0x72: {  	v53 =	vld.idx.msk [tilespmem:v58+s2+$0x0], $0xffff  }
0x73: {  	v54 =	vld.idx.msk [tilespmem:v59+s2+$0x0], $0xffff  }
0x74: {  	v52 =	vld.idx.msk [tilespmem:v52+s2+$0x0], $0xffff  }
0x75: {  	v55 =	vld.idx.msk [tilespmem:v60+s2+$0x0], $0xffff;
	_ =	sdelay $0x1  }
0x76: {  	v53 =	vmul.f32 $5.000000000e-01, v53  }
0x77: {  	v54 =	vmul.f32 $5.000000000e-01, v54  }
0x78: {  	v61 =	vsub.f32 v52, v53  }
0x79: {  	v62 =	vsub.f32 v55, v54  }
0x7a: {  	v52 =	vadd.f32 v53, v52;
	v56 =	vmul.f32 v51, v61  }
0x7b: {  	v54 =	vadd.f32 v54, v55;
	v63 =	vmul.f32 v50, v62  }
0x7c: {  	v52 =	vmul.f32 v51, v52;
	[tilespmem:v18+s11+$0x0] =	vst.idx.msk $0xffff, v56  }
0x7d: {  	v57 =	vmul.f32 v50, v54;
	[tilespmem:v19+s11+$0x0] =	vst.idx.msk $0xffff, v63  }
0x7e: {  	[tilespmem:v20+s11+$0x0] =	vst.idx.msk $0xffff, v52  }
0x7f: {  	[tilespmem:v21+s11+$0x0] =	vst.idx.msk $0xffff, v57  }
0x80: {  	v52 =	vld [tilespmem:$0xED0];
	_ =	sdelay $0x4  }
0x81: {  	v52 =	vshll.u32 v52, $0x2  }
0x82: {  	v58 =	vor.u32 $0x2, v52  }
0x83: {  	v59 =	vor.u32 $0x3, v52;
	_ =	sdelay $0x1  }
0x84: {  	v60 =	vor.u32 $0x1, v52;
	_ =	sdelay $0x1  }
0x85: {  	v53 =	vld.idx.msk [tilespmem:v58+s2+$0x0], $0xffff  }
0x86: {  	v54 =	vld.idx.msk [tilespmem:v59+s2+$0x0], $0xffff  }
0x87: {  	v52 =	vld.idx.msk [tilespmem:v52+s2+$0x0], $0xffff  }
0x88: {  	v55 =	vld.idx.msk [tilespmem:v60+s2+$0x0], $0xffff;
	_ =	sdelay $0x1  }
0x89: {  	v53 =	vmul.f32 $5.000000000e-01, v53  }
0x8a: {  	v54 =	vmul.f32 $5.000000000e-01, v54  }
0x8b: {  	v61 =	vsub.f32 v52, v53  }
0x8c: {  	v62 =	vsub.f32 v55, v54  }
0x8d: {  	v52 =	vadd.f32 v53, v52;
	v56 =	vmul.f32 v51, v61  }
0x8e: {  	v54 =	vadd.f32 v54, v55;
	v63 =	vmul.f32 v50, v62  }
0x8f: {  	v52 =	vmul.f32 v51, v52;
	[tilespmem:v22+s11+$0x0] =	vst.idx.msk $0xffff, v56  }
0x90: {  	v57 =	vmul.f32 v50, v54;
	[tilespmem:v23+s11+$0x0] =	vst.idx.msk $0xffff, v63  }
0x91: {  	[tilespmem:v24+s11+$0x0] =	vst.idx.msk $0xffff, v52  }
0x92: {  	[tilespmem:v25+s11+$0x0] =	vst.idx.msk $0xffff, v57  }
0x93: {  	v52 =	vld [tilespmem:$0xEE0];
	_ =	sdelay $0x4  }
0x94: {  	v52 =	vshll.u32 v52, $0x2  }
0x95: {  	v58 =	vor.u32 $0x2, v52  }
0x96: {  	v59 =	vor.u32 $0x3, v52;
	_ =	sdelay $0x1  }
0x97: {  	v60 =	vor.u32 $0x1, v52;
	_ =	sdelay $0x1  }
0x98: {  	v53 =	vld.idx.msk [tilespmem:v58+s2+$0x0], $0xffff  }
0x99: {  	v54 =	vld.idx.msk [tilespmem:v59+s2+$0x0], $0xffff  }
0x9a: {  	v52 =	vld.idx.msk [tilespmem:v52+s2+$0x0], $0xffff  }
0x9b: {  	v55 =	vld.idx.msk [tilespmem:v60+s2+$0x0], $0xffff;
	_ =	sdelay $0x1  }
0x9c: {  	v53 =	vmul.f32 $5.000000000e-01, v53  }
0x9d: {  	v54 =	vmul.f32 $5.000000000e-01, v54  }
0x9e: {  	v61 =	vsub.f32 v52, v53  }
0x9f: {  	v62 =	vsub.f32 v55, v54  }
0xa0: {  	v52 =	vadd.f32 v53, v52;
	v56 =	vmul.f32 v51, v61  }
0xa1: {  	v54 =	vadd.f32 v54, v55;
	v63 =	vmul.f32 v50, v62  }
0xa2: {  	v52 =	vmul.f32 v51, v52;
	[tilespmem:v26+s11+$0x0] =	vst.idx.msk $0xffff, v56  }
0xa3: {  	v57 =	vmul.f32 v50, v54;
	[tilespmem:v27+s11+$0x0] =	vst.idx.msk $0xffff, v63  }
0xa4: {  	[tilespmem:v28+s11+$0x0] =	vst.idx.msk $0xffff, v52  }
0xa5: {  	[tilespmem:v29+s11+$0x0] =	vst.idx.msk $0xffff, v57  }
0xa6: {  	v52 =	vld [tilespmem:$0xEF0];
	_ =	sdelay $0x4  }
0xa7: {  	v52 =	vshll.u32 v52, $0x2  }
0xa8: {  	v58 =	vor.u32 $0x2, v52  }
0xa9: {  	v59 =	vor.u32 $0x3, v52;
	_ =	sdelay $0x1  }
0xaa: {  	v60 =	vor.u32 $0x1, v52;
	_ =	sdelay $0x1  }
0xab: {  	v53 =	vld.idx.msk [tilespmem:v58+s2+$0x0], $0xffff  }
0xac: {  	v54 =	vld.idx.msk [tilespmem:v59+s2+$0x0], $0xffff  }
0xad: {  	v52 =	vld.idx.msk [tilespmem:v52+s2+$0x0], $0xffff  }
0xae: {  	v55 =	vld.idx.msk [tilespmem:v60+s2+$0x0], $0xffff;
	_ =	sdelay $0x1  }
0xaf: {  	v53 =	vmul.f32 $5.000000000e-01, v53  }
0xb0: {  	v54 =	vmul.f32 $5.000000000e-01, v54  }
0xb1: {  	v61 =	vsub.f32 v52, v53  }
0xb2: {  	v62 =	vsub.f32 v55, v54  }
0xb3: {  	v52 =	vadd.f32 v53, v52;
	v56 =	vmul.f32 v51, v61  }
0xb4: {  	v54 =	vadd.f32 v54, v55;
	v63 =	vmul.f32 v50, v62  }
0xb5: {  	v52 =	vmul.f32 v51, v52;
	[tilespmem:v30+s11+$0x0] =	vst.idx.msk $0xffff, v56  }
0xb6: {  	v57 =	vmul.f32 v50, v54;
	[tilespmem:v31+s11+$0x0] =	vst.idx.msk $0xffff, v63  }
0xb7: {  	[tilespmem:v32+s11+$0x0] =	vst.idx.msk $0xffff, v52  }
0xb8: {  	[tilespmem:v33+s11+$0x0] =	vst.idx.msk $0xffff, v57  }
0xb9: {  	v52 =	vld [tilespmem:$0xF00];
	_ =	sdelay $0x4  }
0xba: {  	v52 =	vshll.u32 v52, $0x2  }
0xbb: {  	v58 =	vor.u32 $0x2, v52  }
0xbc: {  	v59 =	vor.u32 $0x3, v52;
	_ =	sdelay $0x1  }
0xbd: {  	v60 =	vor.u32 $0x1, v52;
	_ =	sdelay $0x1  }
0xbe: {  	v53 =	vld.idx.msk [tilespmem:v58+s2+$0x0], $0xffff  }
0xbf: {  	v54 =	vld.idx.msk [tilespmem:v59+s2+$0x0], $0xffff  }
0xc0: {  	v52 =	vld.idx.msk [tilespmem:v52+s2+$0x0], $0xffff  }
0xc1: {  	v55 =	vld.idx.msk [tilespmem:v60+s2+$0x0], $0xffff;
	_ =	sdelay $0x1  }
0xc2: {  	v53 =	vmul.f32 $5.000000000e-01, v53  }
0xc3: {  	v54 =	vmul.f32 $5.000000000e-01, v54  }
0xc4: {  	v61 =	vsub.f32 v52, v53  }
0xc5: {  	v62 =	vsub.f32 v55, v54  }
0xc6: {  	v52 =	vadd.f32 v53, v52;
	v56 =	vmul.f32 v51, v61  }
0xc7: {  	v54 =	vadd.f32 v54, v55;
	v63 =	vmul.f32 v50, v62  }
0xc8: {  	v52 =	vmul.f32 v51, v52;
	[tilespmem:v34+s11+$0x0] =	vst.idx.msk $0xffff, v56  }
0xc9: {  	v57 =	vmul.f32 v50, v54;
	[tilespmem:v35+s11+$0x0] =	vst.idx.msk $0xffff, v63  }
0xca: {  	[tilespmem:v36+s11+$0x0] =	vst.idx.msk $0xffff, v52  }
0xcb: {  	[tilespmem:v37+s11+$0x0] =	vst.idx.msk $0xffff, v57  }
0xcc: {  	v52 =	vld [tilespmem:$0xF10];
	_ =	sdelay $0x4  }
0xcd: {  	v52 =	vshll.u32 v52, $0x2  }
0xce: {  	v58 =	vor.u32 $0x2, v52  }
0xcf: {  	v59 =	vor.u32 $0x3, v52;
	_ =	sdelay $0x1  }
0xd0: {  	v60 =	vor.u32 $0x1, v52;
	_ =	sdelay $0x1  }
0xd1: {  	v53 =	vld.idx.msk [tilespmem:v58+s2+$0x0], $0xffff  }
0xd2: {  	v54 =	vld.idx.msk [tilespmem:v59+s2+$0x0], $0xffff  }
0xd3: {  	v52 =	vld.idx.msk [tilespmem:v52+s2+$0x0], $0xffff  }
0xd4: {  	v55 =	vld.idx.msk [tilespmem:v60+s2+$0x0], $0xffff;
	_ =	sdelay $0x1  }
0xd5: {  	v53 =	vmul.f32 $5.000000000e-01, v53  }
0xd6: {  	v54 =	vmul.f32 $5.000000000e-01, v54  }
0xd7: {  	v61 =	vsub.f32 v52, v53  }
0xd8: {  	v62 =	vsub.f32 v55, v54  }
0xd9: {  	v52 =	vadd.f32 v53, v52;
	v56 =	vmul.f32 v51, v61  }
0xda: {  	v54 =	vadd.f32 v54, v55;
	v63 =	vmul.f32 v50, v62  }
0xdb: {  	v52 =	vmul.f32 v51, v52;
	[tilespmem:v38+s11+$0x0] =	vst.idx.msk $0xffff, v56  }
0xdc: {  	v57 =	vmul.f32 v50, v54;
	[tilespmem:v39+s11+$0x0] =	vst.idx.msk $0xffff, v63  }
0xdd: {  	[tilespmem:v40+s11+$0x0] =	vst.idx.msk $0xffff, v52  }
0xde: {  	[tilespmem:v41+s11+$0x0] =	vst.idx.msk $0xffff, v57  }
0xdf: {  	v52 =	vld [tilespmem:$0xF20];
	_ =	sdelay $0x4  }
0xe0: {  	v52 =	vshll.u32 v52, $0x2  }
0xe1: {  	v58 =	vor.u32 $0x2, v52  }
0xe2: {  	v59 =	vor.u32 $0x3, v52;
	_ =	sdelay $0x1  }
0xe3: {  	v60 =	vor.u32 $0x1, v52;
	_ =	sdelay $0x1  }
0xe4: {  	v53 =	vld.idx.msk [tilespmem:v58+s2+$0x0], $0xffff  }
0xe5: {  	v54 =	vld.idx.msk [tilespmem:v59+s2+$0x0], $0xffff  }
0xe6: {  	v52 =	vld.idx.msk [tilespmem:v52+s2+$0x0], $0xffff  }
0xe7: {  	v55 =	vld.idx.msk [tilespmem:v60+s2+$0x0], $0xffff;
	_ =	sdelay $0x1  }
0xe8: {  	v53 =	vmul.f32 $5.000000000e-01, v53  }
0xe9: {  	v54 =	vmul.f32 $5.000000000e-01, v54  }
0xea: {  	v61 =	vsub.f32 v52, v53  }
0xeb: {  	v62 =	vsub.f32 v55, v54  }
0xec: {  	v52 =	vadd.f32 v53, v52;
	v56 =	vmul.f32 v51, v61  }
0xed: {  	v54 =	vadd.f32 v54, v55;
	v63 =	vmul.f32 v50, v62  }
0xee: {  	v52 =	vmul.f32 v51, v52;
	[tilespmem:v42+s11+$0x0] =	vst.idx.msk $0xffff, v56  }
0xef: {  	v56 =	vmul.f32 v50, v54;
	[tilespmem:v43+s11+$0x0] =	vst.idx.msk $0xffff, v63  }
0xf0: {  	[tilespmem:v44+s11+$0x0] =	vst.idx.msk $0xffff, v52  }
0xf1: {  	[tilespmem:v45+s11+$0x0] =	vst.idx.msk $0xffff, v56  }
0xf2: {  	v52 =	vld [tilespmem:$0xF30];
	_ =	sdelay $0x4  }
0xf3: {  	v52 =	vshll.u32 v52, $0x2  }
0xf4: {  	v57 =	vor.u32 $0x2, v52  }
0xf5: {  	v58 =	vor.u32 $0x3, v52;
	_ =	sdelay $0x1  }
0xf6: {  	v59 =	vor.u32 $0x1, v52;
	_ =	sdelay $0x1  }
0xf7: {  	v53 =	vld.idx.msk [tilespmem:v57+s2+$0x0], $0xffff  }
0xf8: {  	v54 =	vld.idx.msk [tilespmem:v58+s2+$0x0], $0xffff  }
0xf9: {  	v52 =	vld.idx.msk [tilespmem:v52+s2+$0x0], $0xffff  }
0xfa: {  	v55 =	vld.idx.msk [tilespmem:v59+s2+$0x0], $0xffff;
	_ =	sdelay $0x1  }
0xfb: {  	v53 =	vmul.f32 $5.000000000e-01, v53  }
0xfc: {  	v54 =	vmul.f32 $5.000000000e-01, v54  }
0xfd: {  	v60 =	vsub.f32 v52, v53  }
0xfe: {  	v61 =	vsub.f32 v55, v54  }
0xff: {  	v52 =	vadd.f32 v53, v52;
	v62 =	vmul.f32 v51, v60  }
0x100: {  	v54 =	vadd.f32 v54, v55;
	v63 =	vmul.f32 v50, v61  }
0x101: {  	v51 =	vmul.f32 v51, v52;
	[tilespmem:v46+s11+$0x0] =	vst.idx.msk $0xffff, v62  }
0x102: {  	v50 =	vmul.f32 v50, v54;
	[tilespmem:v47+s11+$0x0] =	vst.idx.msk $0xffff, v63  }
0x103: {  	p0 =	sne.s32 s7, $0x1;
	[tilespmem:v48+s11+$0x0] =	vst.idx.msk $0xffff, v51  }
.Ltmp0:
0x104: {  	[tilespmem:v49+s11+$0x0] =	vst.idx.msk $0xffff, v50;
	(pc) =	sbr.rel @p0 .LBB2_1-.Ltmp0, $4  }
0x105: {  	[hbm4b:s6+s2] =	stream.linear.scatter [tilespmem:s11], [sflag:$0x1], $0x300, $0x38;
	[tilespmem:$0x1300] =	vst v63  }
0x106: {  	_ =	swait.ge [sflag:s8], $0x300  }
0x107: {  	[sflag:s8] =	ssyncset.done $0x0  }
0x108: {  	s7 =	sadd.s32 $0xFFFFFFFF, s7;
	[sflag:s8] =	ssyncadd.s32 $0xFFFFFD00  }
0x109: {  	_ =	sfence.sel $0x180000  }
0x10a: {  	[bflag:$0x0] =	sbarrier.arrive $0xFFFF  }
0x10b: {  	p0 =	sne.s32 s0, $0x0;
	_ =	strace $0x90000047  }
0x10c: {  	s0 =	sadd.s32 @!p0 $0x100000, s1;
	[bflag:$0x2] =	sbarrier.arrive $0xFFFF  }
0x10d: {  	[sflag:s0] =	ssyncadd.tile.s32 @!p0 $0x1;
	_ =	shalt  }
.Lfunc_end2:
_tile_overlayer_lowered:
.L_overlay_start_2:
0x10e: {  	(tag) =	ssettag $0x2  }
0x10f: {  	s0 =	rddreg [dreg:$0x0];
	s2 =	stileid.u32  }
0x110: {  	s1 =	rddreg [dreg:$0x1];
	p0 =	sne.s32 s2, $0x0  }
0x111: {  	s3 =	rddreg [dreg:$0x2];
	[bflag:$0x3] =	sbarrier.arrive $0xFFFF;
	s2 =	simm.s32 @!p0 $0x1C01  }
0x112: {  	[timem:s3], [sflag:s2] =	dma.local @!p0 [hbm:s0], s1  }
0x113: {  	s0 =	simm.s32 @!p0 $0x1  }
0x114: {  	_ =	swait.ge @!p0 [sflag:s0], s1  }
0x115: {  	s1 =	ssub.s32 @!p0 $0x0, s1;
	[sflag:s0] =	ssyncset.done @!p0 $0x0  }
0x116: {  	[sflag:s0] =	ssyncadd.s32 @!p0 s1  }
0x117: {  	[bflag:$0x3] =	sbarrier.arrive $0xFFFF  }
0x118: {  	_ =	shalt  }

</sc_bundles>
